<compile_context>
chip_gen: v7x
topology: tpu7x:2x2x1
jax: 0.10.2.dev20260603
libtpu: 0.0.44.dev20260713+nightly
codegen_flags: <defaults>
</compile_context>

<pallas_src>
import functools
import math

import jax
import jax.numpy as jnp
from jax import lax
from jax.experimental import pallas as pl
from jax.experimental.pallas import tpu as pltpu
from jax.experimental.pallas import tpu_sc as plsc

D_MODEL = 64
SCALE = math.sqrt(D_MODEL)
NUM_CORES = 2
NUM_SUBCORES = 16
NUM_WORKERS = NUM_CORES * NUM_SUBCORES
LANES = 16
RBLK = 128
NBUF = 4
IBUF = 2 * NBUF


@functools.partial(jax.jit, static_argnums=(2, 3))
def _sc_embed(xq, lut, R, C):
    nrb = R // RBLK
    n_blocks = C * nrb
    t_per_w = n_blocks // NUM_WORKERS
    mesh = plsc.VectorSubcoreMesh(core_axis_name="c", subcore_axis_name="s")

    @functools.partial(
        pl.kernel,
        mesh=mesh,
        out_type=jax.ShapeDtypeStruct(
            (C, D_MODEL // 8, R // RBLK, 8, RBLK), jnp.float32),
        scratch_types=(
            [pltpu.VMEM((RBLK,), jnp.int32)] * IBUF
            + [pltpu.VMEM((RBLK, D_MODEL), jnp.float32)] * NBUF
            + [pltpu.VMEM((8, 8, RBLK), jnp.float32)] * NBUF
            + [pltpu.SemaphoreType.DMA] * (IBUF + 2 * NBUF)
        ),
        compiler_params=pltpu.CompilerParams(
            use_tc_tiling_on_sc=False, needs_layout_passes=False
        ),
    )
    def k(xq_hbm, lut_hbm, out_hbm, *bufs):
        idxs = bufs[:IBUF]
        gats = bufs[IBUF:IBUF + NBUF]
        outs = bufs[IBUF + NBUF:IBUF + 2 * NBUF]
        isems = bufs[IBUF + 2 * NBUF:2 * IBUF + 2 * NBUF]
        gsems = bufs[2 * IBUF + 2 * NBUF:2 * IBUF + 3 * NBUF]
        osems = bufs[2 * IBUF + 3 * NBUF:]

        wid = lax.axis_index("s") * NUM_CORES + lax.axis_index("c")
        base = wid * t_per_w
        iota = lax.iota(jnp.int32, LANES)
        scale = jnp.float32(SCALE)

        def jrb(t):
            bid = base + t
            return lax.shift_right_logical(bid, 5), lax.bitwise_and(bid, nrb - 1)

        def icopy(t, ib):
            j, rb = jrb(t)
            return pltpu.make_async_copy(
                xq_hbm.at[lax.shift_right_logical(j, 3), rb,
                          lax.bitwise_and(j, 7)],
                idxs[ib], isems[ib])

        def gcopy(t, b, ib):
            return pltpu.make_async_copy(
                lut_hbm.at[idxs[ib]], gats[b], gsems[b])

        def ocopy(t, b):
            j, rb = jrb(t)
            return pltpu.make_async_copy(
                outs[b], out_hbm.at[j, :, rb], osems[b])

        for t in range(IBUF):
            icopy(t, t).start()
        for t in range(NBUF):
            icopy(t, t).wait()
            gcopy(t, t, t).start()

        @pl.loop(0, t_per_w, step=IBUF)
        def _(g):
            for u in range(IBUF):
                t = g + u
                b = u % NBUF
                gcopy(t, b, u).wait()

                @pl.when(t + IBUF < t_per_w)
                def _():
                    icopy(t + IBUF, u).start()

                @pl.when(t >= NBUF)
                def _():
                    ocopy(t - NBUF, b).wait()

                @pl.loop(0, RBLK // LANES)
                def _(rg):
                    r0 = rg * LANES

                    @plsc.parallel_loop(0, LANES, unroll=4)
                    def _(s):
                        rvec = r0 + lax.bitwise_and(iota + s, LANES - 1)
                        for dg in range(D_MODEL // LANES):
                            dvec = dg * LANES + iota
                            v = plsc.load_gather(gats[b], [rvec, dvec])
                            plsc.store_scatter(
                                outs[b],
                                [lax.shift_right_logical(dvec, 3),
                                 lax.bitwise_and(dvec, 7), rvec],
                                v * scale)

                ocopy(t, b).start()

                @pl.when(t + NBUF < t_per_w)
                def _():
                    icopy(t + NBUF, (u + NBUF) % IBUF).wait()
                    gcopy(t + NBUF, b, (u + NBUF) % IBUF).start()

        for u in range(NBUF):
            ocopy(t_per_w - NBUF + u, u % NBUF).wait()

    return k(xq, lut)


def kernel(x, lut):
    R, C = x.shape
    xq = jnp.transpose(
        jnp.transpose(x.astype(jnp.int32)).reshape(C // 8, 8, R // RBLK, RBLK),
        (0, 2, 1, 3))
    out5 = _sc_embed(xq, lut, R, C)
    return jnp.transpose(out5, (2, 4, 0, 1, 3)).reshape(R, C, D_MODEL)

# --- scband reference (transcript-rebuilt; emitter-appended) ---
"""Pipeline reference for scband-embeddings-10007273799737 (READ-ONLY COPY).

The authoritative reference and input builder live on the scoring server;
editing this copy changes nothing except your own understanding.
"""

import jax, jax.numpy as jnp
import numpy as np
import math

D_MODEL = 64
VOCAB = 1000000

def setup_inputs(seed: int = 0) -> dict:
    key = jax.random.key(seed)
    k1, k2 = jax.random.split(key)
    x = jax.random.randint(k1, (4096, 200), 0, VOCAB, dtype=jnp.int64 if jax.config.jax_enable_x64 else jnp.int32)
    lut = jax.random.normal(k2, (VOCAB, D_MODEL), dtype=jnp.float32)
    return {"x": x, "lut": lut}

def reference(x, lut):
    # Embedding lookup followed by scaling by sqrt(d_model)
    emb = jnp.take(lut, x, axis=0)
    return emb * math.sqrt(D_MODEL)

if __name__ == "__main__":
    import jax
    _d = setup_inputs()
    print(jax.jit(kernel)(*tuple(_d.values())))

</pallas_src>

<mosaic_0001>
#map = affine_map<(d0, d1) -> (0, 0, 0, 0)>
#map1 = affine_map<(d0, d1) -> (0, 0)>
#map2 = affine_map<(d0, d1) -> (0, 0, 0, 0, 0)>
module attributes {stable_mosaic.version = 14 : i64} {
  func.func @k(%arg0: i32, %arg1: i32, %arg2: memref<25x32x8x128xi32, #tpu.memory_space<hbm>>, %arg3: memref<1000000x64xf32, #tpu.memory_space<hbm>>, %arg4: memref<200x8x32x8x128xf32, #tpu.memory_space<hbm>>, %arg5: memref<128xi32, #tpu.memory_space<vmem>>, %arg6: memref<128xi32, #tpu.memory_space<vmem>>, %arg7: memref<128xi32, #tpu.memory_space<vmem>>, %arg8: memref<128xi32, #tpu.memory_space<vmem>>, %arg9: memref<128xi32, #tpu.memory_space<vmem>>, %arg10: memref<128xi32, #tpu.memory_space<vmem>>, %arg11: memref<128xi32, #tpu.memory_space<vmem>>, %arg12: memref<128xi32, #tpu.memory_space<vmem>>, %arg13: memref<128x64xf32, #tpu.memory_space<vmem>>, %arg14: memref<128x64xf32, #tpu.memory_space<vmem>>, %arg15: memref<128x64xf32, #tpu.memory_space<vmem>>, %arg16: memref<128x64xf32, #tpu.memory_space<vmem>>, %arg17: memref<8x8x128xf32, #tpu.memory_space<vmem>>, %arg18: memref<8x8x128xf32, #tpu.memory_space<vmem>>, %arg19: memref<8x8x128xf32, #tpu.memory_space<vmem>>, %arg20: memref<8x8x128xf32, #tpu.memory_space<vmem>>, %arg21: memref<!tpu.dma_semaphore, #tpu.memory_space<semaphore_mem>>, %arg22: memref<!tpu.dma_semaphore, #tpu.memory_space<semaphore_mem>>, %arg23: memref<!tpu.dma_semaphore, #tpu.memory_space<semaphore_mem>>, %arg24: memref<!tpu.dma_semaphore, #tpu.memory_space<semaphore_mem>>, %arg25: memref<!tpu.dma_semaphore, #tpu.memory_space<semaphore_mem>>, %arg26: memref<!tpu.dma_semaphore, #tpu.memory_space<semaphore_mem>>, %arg27: memref<!tpu.dma_semaphore, #tpu.memory_space<semaphore_mem>>, %arg28: memref<!tpu.dma_semaphore, #tpu.memory_space<semaphore_mem>>, %arg29: memref<!tpu.dma_semaphore, #tpu.memory_space<semaphore_mem>>, %arg30: memref<!tpu.dma_semaphore, #tpu.memory_space<semaphore_mem>>, %arg31: memref<!tpu.dma_semaphore, #tpu.memory_space<semaphore_mem>>, %arg32: memref<!tpu.dma_semaphore, #tpu.memory_space<semaphore_mem>>, %arg33: memref<!tpu.dma_semaphore, #tpu.memory_space<semaphore_mem>>, %arg34: memref<!tpu.dma_semaphore, #tpu.memory_space<semaphore_mem>>, %arg35: memref<!tpu.dma_semaphore, #tpu.memory_space<semaphore_mem>>, %arg36: memref<!tpu.dma_semaphore, #tpu.memory_space<semaphore_mem>>) attributes {dimension_semantics = [#tpu.dimension_semantics<core_parallel>, #tpu.dimension_semantics<subcore_parallel>], iteration_bounds = array<i64: 2, 16>, scalar_prefetch = 0 : i64, scratch_operands = 32 : i64, tpu.core_type = #tpu.core_type<sc_vector_subcore>, window_params = [{transform_indices = #map}, {transform_indices = #map1}, {transform_indices = #map2}]} {
    %mul3A = arith.constant 2 : i32
    %mul3A_0 = arith.muli %arg1, %mul3A : i32
    %add3A = arith.addi %mul3A_0, %arg0 : i32
    %mul3A_1 = arith.constant 200 : i32
    %mul3A_2 = arith.muli %add3A, %mul3A_1 : i32
    %iota3A = tpu.iota {dimensions = array<i32: 0>} : vector<16xi32>
    %add3A_3 = arith.constant 0 : i32
    %add3A_4 = arith.addi %mul3A_2, %add3A_3 : i32
    %shift_right_logical3A = arith.constant 5 : i32
    %shift_right_logical3A_5 = arith.shrui %add3A_4, %shift_right_logical3A : i32
    %and3A = arith.constant 31 : i32
    %and3A_6 = arith.andi %add3A_4, %and3A : i32
    %shift_right_logical3A_7 = arith.constant 3 : i32
    %shift_right_logical3A_8 = arith.shrui %shift_right_logical3A_5, %shift_right_logical3A_7 : i32
    %and3A_9 = arith.constant 7 : i32
    %and3A_10 = arith.andi %shift_right_logical3A_5, %and3A_9 : i32
    %dma_start3A = arith.constant 0 : i32
    %dma_start3A_11 = tpu.memref_slice %arg2[%shift_right_logical3A_8, %and3A_6, %and3A_10, %dma_start3A] : memref<25x32x8x128xi32, #tpu.memory_space<hbm>> -> memref<1x1x1x128xi32, #tpu.memory_space<hbm>>
    %dma_start3A_12 = tpu.memref_squeeze %dma_start3A_11 : memref<1x1x1x128xi32, #tpu.memory_space<hbm>> -> memref<128xi32, #tpu.memory_space<hbm>>
    %dma_start3A_13 = arith.constant 0 : i32
    %dma_start3A_14 = tpu.memref_slice %arg2[%shift_right_logical3A_8, %and3A_6, %and3A_10, %dma_start3A_13] : memref<25x32x8x128xi32, #tpu.memory_space<hbm>> -> memref<1x1x1x128xi32, #tpu.memory_space<hbm>>
    %dma_start3A_15 = tpu.memref_squeeze %dma_start3A_14 : memref<1x1x1x128xi32, #tpu.memory_space<hbm>> -> memref<128xi32, #tpu.memory_space<hbm>>
    tpu.enqueue_dma source(%dma_start3A_15 : memref<128xi32, #tpu.memory_space<hbm>>) target(%arg5 : memref<128xi32, #tpu.memory_space<vmem>>) target_semaphore(%arg21 : memref<!tpu.dma_semaphore, #tpu.memory_space<semaphore_mem>>)
    %add3A_16 = arith.constant 1 : i32
    %add3A_17 = arith.addi %mul3A_2, %add3A_16 : i32
    %shift_right_logical3A_18 = arith.constant 5 : i32
    %shift_right_logical3A_19 = arith.shrui %add3A_17, %shift_right_logical3A_18 : i32
    %and3A_20 = arith.constant 31 : i32
    %and3A_21 = arith.andi %add3A_17, %and3A_20 : i32
    %shift_right_logical3A_22 = arith.constant 3 : i32
    %shift_right_logical3A_23 = arith.shrui %shift_right_logical3A_19, %shift_right_logical3A_22 : i32
    %and3A_24 = arith.constant 7 : i32
    %and3A_25 = arith.andi %shift_right_logical3A_19, %and3A_24 : i32
    %dma_start3A_26 = arith.constant 0 : i32
    %dma_start3A_27 = tpu.memref_slice %arg2[%shift_right_logical3A_23, %and3A_21, %and3A_25, %dma_start3A_26] : memref<25x32x8x128xi32, #tpu.memory_space<hbm>> -> memref<1x1x1x128xi32, #tpu.memory_space<hbm>>
    %dma_start3A_28 = tpu.memref_squeeze %dma_start3A_27 : memref<1x1x1x128xi32, #tpu.memory_space<hbm>> -> memref<128xi32, #tpu.memory_space<hbm>>
    %dma_start3A_29 = arith.constant 0 : i32
    %dma_start3A_30 = tpu.memref_slice %arg2[%shift_right_logical3A_23, %and3A_21, %and3A_25, %dma_start3A_29] : memref<25x32x8x128xi32, #tpu.memory_space<hbm>> -> memref<1x1x1x128xi32, #tpu.memory_space<hbm>>
    %dma_start3A_31 = tpu.memref_squeeze %dma_start3A_30 : memref<1x1x1x128xi32, #tpu.memory_space<hbm>> -> memref<128xi32, #tpu.memory_space<hbm>>
    tpu.enqueue_dma source(%dma_start3A_31 : memref<128xi32, #tpu.memory_space<hbm>>) target(%arg6 : memref<128xi32, #tpu.memory_space<vmem>>) target_semaphore(%arg22 : memref<!tpu.dma_semaphore, #tpu.memory_space<semaphore_mem>>)
    %add3A_32 = arith.constant 2 : i32
    %add3A_33 = arith.addi %mul3A_2, %add3A_32 : i32
    %shift_right_logical3A_34 = arith.constant 5 : i32
    %shift_right_logical3A_35 = arith.shrui %add3A_33, %shift_right_logical3A_34 : i32
    %and3A_36 = arith.constant 31 : i32
    %and3A_37 = arith.andi %add3A_33, %and3A_36 : i32
    %shift_right_logical3A_38 = arith.constant 3 : i32
    %shift_right_logical3A_39 = arith.shrui %shift_right_logical3A_35, %shift_right_logical3A_38 : i32
    %and3A_40 = arith.constant 7 : i32
    %and3A_41 = arith.andi %shift_right_logical3A_35, %and3A_40 : i32
    %dma_start3A_42 = arith.constant 0 : i32
    %dma_start3A_43 = tpu.memref_slice %arg2[%shift_right_logical3A_39, %and3A_37, %and3A_41, %dma_start3A_42] : memref<25x32x8x128xi32, #tpu.memory_space<hbm>> -> memref<1x1x1x128xi32, #tpu.memory_space<hbm>>
    %dma_start3A_44 = tpu.memref_squeeze %dma_start3A_43 : memref<1x1x1x128xi32, #tpu.memory_space<hbm>> -> memref<128xi32, #tpu.memory_space<hbm>>
    %dma_start3A_45 = arith.constant 0 : i32
    %dma_start3A_46 = tpu.memref_slice %arg2[%shift_right_logical3A_39, %and3A_37, %and3A_41, %dma_start3A_45] : memref<25x32x8x128xi32, #tpu.memory_space<hbm>> -> memref<1x1x1x128xi32, #tpu.memory_space<hbm>>
    %dma_start3A_47 = tpu.memref_squeeze %dma_start3A_46 : memref<1x1x1x128xi32, #tpu.memory_space<hbm>> -> memref<128xi32, #tpu.memory_space<hbm>>
    tpu.enqueue_dma source(%dma_start3A_47 : memref<128xi32, #tpu.memory_space<hbm>>) target(%arg7 : memref<128xi32, #tpu.memory_space<vmem>>) target_semaphore(%arg23 : memref<!tpu.dma_semaphore, #tpu.memory_space<semaphore_mem>>)
    %add3A_48 = arith.constant 3 : i32
    %add3A_49 = arith.addi %mul3A_2, %add3A_48 : i32
    %shift_right_logical3A_50 = arith.constant 5 : i32
    %shift_right_logical3A_51 = arith.shrui %add3A_49, %shift_right_logical3A_50 : i32
    %and3A_52 = arith.constant 31 : i32
    %and3A_53 = arith.andi %add3A_49, %and3A_52 : i32
    %shift_right_logical3A_54 = arith.constant 3 : i32
    %shift_right_logical3A_55 = arith.shrui %shift_right_logical3A_51, %shift_right_logical3A_54 : i32
    %and3A_56 = arith.constant 7 : i32
    %and3A_57 = arith.andi %shift_right_logical3A_51, %and3A_56 : i32
    %dma_start3A_58 = arith.constant 0 : i32
    %dma_start3A_59 = tpu.memref_slice %arg2[%shift_right_logical3A_55, %and3A_53, %and3A_57, %dma_start3A_58] : memref<25x32x8x128xi32, #tpu.memory_space<hbm>> -> memref<1x1x1x128xi32, #tpu.memory_space<hbm>>
    %dma_start3A_60 = tpu.memref_squeeze %dma_start3A_59 : memref<1x1x1x128xi32, #tpu.memory_space<hbm>> -> memref<128xi32, #tpu.memory_space<hbm>>
    %dma_start3A_61 = arith.constant 0 : i32
    %dma_start3A_62 = tpu.memref_slice %arg2[%shift_right_logical3A_55, %and3A_53, %and3A_57, %dma_start3A_61] : memref<25x32x8x128xi32, #tpu.memory_space<hbm>> -> memref<1x1x1x128xi32, #tpu.memory_space<hbm>>
    %dma_start3A_63 = tpu.memref_squeeze %dma_start3A_62 : memref<1x1x1x128xi32, #tpu.memory_space<hbm>> -> memref<128xi32, #tpu.memory_space<hbm>>
    tpu.enqueue_dma source(%dma_start3A_63 : memref<128xi32, #tpu.memory_space<hbm>>) target(%arg8 : memref<128xi32, #tpu.memory_space<vmem>>) target_semaphore(%arg24 : memref<!tpu.dma_semaphore, #tpu.memory_space<semaphore_mem>>)
    %add3A_64 = arith.constant 4 : i32
    %add3A_65 = arith.addi %mul3A_2, %add3A_64 : i32
    %shift_right_logical3A_66 = arith.constant 5 : i32
    %shift_right_logical3A_67 = arith.shrui %add3A_65, %shift_right_logical3A_66 : i32
    %and3A_68 = arith.constant 31 : i32
    %and3A_69 = arith.andi %add3A_65, %and3A_68 : i32
    %shift_right_logical3A_70 = arith.constant 3 : i32
    %shift_right_logical3A_71 = arith.shrui %shift_right_logical3A_67, %shift_right_logical3A_70 : i32
    %and3A_72 = arith.constant 7 : i32
    %and3A_73 = arith.andi %shift_right_logical3A_67, %and3A_72 : i32
    %dma_start3A_74 = arith.constant 0 : i32
    %dma_start3A_75 = tpu.memref_slice %arg2[%shift_right_logical3A_71, %and3A_69, %and3A_73, %dma_start3A_74] : memref<25x32x8x128xi32, #tpu.memory_space<hbm>> -> memref<1x1x1x128xi32, #tpu.memory_space<hbm>>
    %dma_start3A_76 = tpu.memref_squeeze %dma_start3A_75 : memref<1x1x1x128xi32, #tpu.memory_space<hbm>> -> memref<128xi32, #tpu.memory_space<hbm>>
    %dma_start3A_77 = arith.constant 0 : i32
    %dma_start3A_78 = tpu.memref_slice %arg2[%shift_right_logical3A_71, %and3A_69, %and3A_73, %dma_start3A_77] : memref<25x32x8x128xi32, #tpu.memory_space<hbm>> -> memref<1x1x1x128xi32, #tpu.memory_space<hbm>>
    %dma_start3A_79 = tpu.memref_squeeze %dma_start3A_78 : memref<1x1x1x128xi32, #tpu.memory_space<hbm>> -> memref<128xi32, #tpu.memory_space<hbm>>
    tpu.enqueue_dma source(%dma_start3A_79 : memref<128xi32, #tpu.memory_space<hbm>>) target(%arg9 : memref<128xi32, #tpu.memory_space<vmem>>) target_semaphore(%arg25 : memref<!tpu.dma_semaphore, #tpu.memory_space<semaphore_mem>>)
    %add3A_80 = arith.constant 5 : i32
    %add3A_81 = arith.addi %mul3A_2, %add3A_80 : i32
    %shift_right_logical3A_82 = arith.constant 5 : i32
    %shift_right_logical3A_83 = arith.shrui %add3A_81, %shift_right_logical3A_82 : i32
    %and3A_84 = arith.constant 31 : i32
    %and3A_85 = arith.andi %add3A_81, %and3A_84 : i32
    %shift_right_logical3A_86 = arith.constant 3 : i32
    %shift_right_logical3A_87 = arith.shrui %shift_right_logical3A_83, %shift_right_logical3A_86 : i32
    %and3A_88 = arith.constant 7 : i32
    %and3A_89 = arith.andi %shift_right_logical3A_83, %and3A_88 : i32
    %dma_start3A_90 = arith.constant 0 : i32
    %dma_start3A_91 = tpu.memref_slice %arg2[%shift_right_logical3A_87, %and3A_85, %and3A_89, %dma_start3A_90] : memref<25x32x8x128xi32, #tpu.memory_space<hbm>> -> memref<1x1x1x128xi32, #tpu.memory_space<hbm>>
    %dma_start3A_92 = tpu.memref_squeeze %dma_start3A_91 : memref<1x1x1x128xi32, #tpu.memory_space<hbm>> -> memref<128xi32, #tpu.memory_space<hbm>>
    %dma_start3A_93 = arith.constant 0 : i32
    %dma_start3A_94 = tpu.memref_slice %arg2[%shift_right_logical3A_87, %and3A_85, %and3A_89, %dma_start3A_93] : memref<25x32x8x128xi32, #tpu.memory_space<hbm>> -> memref<1x1x1x128xi32, #tpu.memory_space<hbm>>
    %dma_start3A_95 = tpu.memref_squeeze %dma_start3A_94 : memref<1x1x1x128xi32, #tpu.memory_space<hbm>> -> memref<128xi32, #tpu.memory_space<hbm>>
    tpu.enqueue_dma source(%dma_start3A_95 : memref<128xi32, #tpu.memory_space<hbm>>) target(%arg10 : memref<128xi32, #tpu.memory_space<vmem>>) target_semaphore(%arg26 : memref<!tpu.dma_semaphore, #tpu.memory_space<semaphore_mem>>)
    %add3A_96 = arith.constant 6 : i32
    %add3A_97 = arith.addi %mul3A_2, %add3A_96 : i32
    %shift_right_logical3A_98 = arith.constant 5 : i32
    %shift_right_logical3A_99 = arith.shrui %add3A_97, %shift_right_logical3A_98 : i32
    %and3A_100 = arith.constant 31 : i32
    %and3A_101 = arith.andi %add3A_97, %and3A_100 : i32
    %shift_right_logical3A_102 = arith.constant 3 : i32
    %shift_right_logical3A_103 = arith.shrui %shift_right_logical3A_99, %shift_right_logical3A_102 : i32
    %and3A_104 = arith.constant 7 : i32
    %and3A_105 = arith.andi %shift_right_logical3A_99, %and3A_104 : i32
    %dma_start3A_106 = arith.constant 0 : i32
    %dma_start3A_107 = tpu.memref_slice %arg2[%shift_right_logical3A_103, %and3A_101, %and3A_105, %dma_start3A_106] : memref<25x32x8x128xi32, #tpu.memory_space<hbm>> -> memref<1x1x1x128xi32, #tpu.memory_space<hbm>>
    %dma_start3A_108 = tpu.memref_squeeze %dma_start3A_107 : memref<1x1x1x128xi32, #tpu.memory_space<hbm>> -> memref<128xi32, #tpu.memory_space<hbm>>
    %dma_start3A_109 = arith.constant 0 : i32
    %dma_start3A_110 = tpu.memref_slice %arg2[%shift_right_logical3A_103, %and3A_101, %and3A_105, %dma_start3A_109] : memref<25x32x8x128xi32, #tpu.memory_space<hbm>> -> memref<1x1x1x128xi32, #tpu.memory_space<hbm>>
    %dma_start3A_111 = tpu.memref_squeeze %dma_start3A_110 : memref<1x1x1x128xi32, #tpu.memory_space<hbm>> -> memref<128xi32, #tpu.memory_space<hbm>>
    tpu.enqueue_dma source(%dma_start3A_111 : memref<128xi32, #tpu.memory_space<hbm>>) target(%arg11 : memref<128xi32, #tpu.memory_space<vmem>>) target_semaphore(%arg27 : memref<!tpu.dma_semaphore, #tpu.memory_space<semaphore_mem>>)
    %add3A_112 = arith.constant 7 : i32
    %add3A_113 = arith.addi %mul3A_2, %add3A_112 : i32
    %shift_right_logical3A_114 = arith.constant 5 : i32
    %shift_right_logical3A_115 = arith.shrui %add3A_113, %shift_right_logical3A_114 : i32
    %and3A_116 = arith.constant 31 : i32
    %and3A_117 = arith.andi %add3A_113, %and3A_116 : i32
    %shift_right_logical3A_118 = arith.constant 3 : i32
    %shift_right_logical3A_119 = arith.shrui %shift_right_logical3A_115, %shift_right_logical3A_118 : i32
    %and3A_120 = arith.constant 7 : i32
    %and3A_121 = arith.andi %shift_right_logical3A_115, %and3A_120 : i32
    %dma_start3A_122 = arith.constant 0 : i32
    %dma_start3A_123 = tpu.memref_slice %arg2[%shift_right_logical3A_119, %and3A_117, %and3A_121, %dma_start3A_122] : memref<25x32x8x128xi32, #tpu.memory_space<hbm>> -> memref<1x1x1x128xi32, #tpu.memory_space<hbm>>
    %dma_start3A_124 = tpu.memref_squeeze %dma_start3A_123 : memref<1x1x1x128xi32, #tpu.memory_space<hbm>> -> memref<128xi32, #tpu.memory_space<hbm>>
    %dma_start3A_125 = arith.constant 0 : i32
    %dma_start3A_126 = tpu.memref_slice %arg2[%shift_right_logical3A_119, %and3A_117, %and3A_121, %dma_start3A_125] : memref<25x32x8x128xi32, #tpu.memory_space<hbm>> -> memref<1x1x1x128xi32, #tpu.memory_space<hbm>>
    %dma_start3A_127 = tpu.memref_squeeze %dma_start3A_126 : memref<1x1x1x128xi32, #tpu.memory_space<hbm>> -> memref<128xi32, #tpu.memory_space<hbm>>
    tpu.enqueue_dma source(%dma_start3A_127 : memref<128xi32, #tpu.memory_space<hbm>>) target(%arg12 : memref<128xi32, #tpu.memory_space<vmem>>) target_semaphore(%arg28 : memref<!tpu.dma_semaphore, #tpu.memory_space<semaphore_mem>>)
    %add3A_128 = arith.constant 0 : i32
    %add3A_129 = arith.addi %mul3A_2, %add3A_128 : i32
    %shift_right_logical3A_130 = arith.constant 5 : i32
    %shift_right_logical3A_131 = arith.shrui %add3A_129, %shift_right_logical3A_130 : i32
    %and3A_132 = arith.constant 31 : i32
    %and3A_133 = arith.andi %add3A_129, %and3A_132 : i32
    %shift_right_logical3A_134 = arith.constant 3 : i32
    %shift_right_logical3A_135 = arith.shrui %shift_right_logical3A_131, %shift_right_logical3A_134 : i32
    %and3A_136 = arith.constant 7 : i32
    %and3A_137 = arith.andi %shift_right_logical3A_131, %and3A_136 : i32
    %dma_wait3A = arith.constant 0 : i32
    %dma_wait3A_138 = tpu.memref_slice %arg2[%shift_right_logical3A_135, %and3A_133, %and3A_137, %dma_wait3A] : memref<25x32x8x128xi32, #tpu.memory_space<hbm>> -> memref<1x1x1x128xi32, #tpu.memory_space<hbm>>
    %dma_wait3A_139 = tpu.memref_squeeze %dma_wait3A_138 : memref<1x1x1x128xi32, #tpu.memory_space<hbm>> -> memref<128xi32, #tpu.memory_space<hbm>>
    %dma_wait3A_140 = arith.constant 0 : i32
    %dma_wait3A_141 = tpu.memref_slice %arg2[%shift_right_logical3A_135, %and3A_133, %and3A_137, %dma_wait3A_140] : memref<25x32x8x128xi32, #tpu.memory_space<hbm>> -> memref<1x1x1x128xi32, #tpu.memory_space<hbm>>
    %dma_wait3A_142 = tpu.memref_squeeze %dma_wait3A_141 : memref<1x1x1x128xi32, #tpu.memory_space<hbm>> -> memref<128xi32, #tpu.memory_space<hbm>>
    tpu.wait_dma2 semaphore(%arg21 : memref<!tpu.dma_semaphore, #tpu.memory_space<semaphore_mem>>) src(%dma_wait3A_142 : memref<128xi32, #tpu.memory_space<hbm>>) dst(%arg5 : memref<128xi32, #tpu.memory_space<vmem>>)
    %dma_start3A_143 = arith.constant 0 : i32
    %dma_start3A_144 = arith.constant 0 : i32
    %dma_start3A_145 = tpu.memref_slice %arg3[%dma_start3A_143, %dma_start3A_144] : memref<1000000x64xf32, #tpu.memory_space<hbm>> -> memref<1000000x64xf32, #tpu.memory_space<hbm>>
    tpu.enqueue_indirect_dma source(%dma_start3A_145 : memref<1000000x64xf32, #tpu.memory_space<hbm>>) target(%arg13 : memref<128x64xf32, #tpu.memory_space<vmem>>) offsets(%arg5 : memref<128xi32, #tpu.memory_space<vmem>>) semaphore(%arg29 : memref<!tpu.dma_semaphore, #tpu.memory_space<semaphore_mem>>)
    %add3A_146 = arith.constant 1 : i32
    %add3A_147 = arith.addi %mul3A_2, %add3A_146 : i32
    %shift_right_logical3A_148 = arith.constant 5 : i32
    %shift_right_logical3A_149 = arith.shrui %add3A_147, %shift_right_logical3A_148 : i32
    %and3A_150 = arith.constant 31 : i32
    %and3A_151 = arith.andi %add3A_147, %and3A_150 : i32
    %shift_right_logical3A_152 = arith.constant 3 : i32
    %shift_right_logical3A_153 = arith.shrui %shift_right_logical3A_149, %shift_right_logical3A_152 : i32
    %and3A_154 = arith.constant 7 : i32
    %and3A_155 = arith.andi %shift_right_logical3A_149, %and3A_154 : i32
    %dma_wait3A_156 = arith.constant 0 : i32
    %dma_wait3A_157 = tpu.memref_slice %arg2[%shift_right_logical3A_153, %and3A_151, %and3A_155, %dma_wait3A_156] : memref<25x32x8x128xi32, #tpu.memory_space<hbm>> -> memref<1x1x1x128xi32, #tpu.memory_space<hbm>>
    %dma_wait3A_158 = tpu.memref_squeeze %dma_wait3A_157 : memref<1x1x1x128xi32, #tpu.memory_space<hbm>> -> memref<128xi32, #tpu.memory_space<hbm>>
    %dma_wait3A_159 = arith.constant 0 : i32
    %dma_wait3A_160 = tpu.memref_slice %arg2[%shift_right_logical3A_153, %and3A_151, %and3A_155, %dma_wait3A_159] : memref<25x32x8x128xi32, #tpu.memory_space<hbm>> -> memref<1x1x1x128xi32, #tpu.memory_space<hbm>>
    %dma_wait3A_161 = tpu.memref_squeeze %dma_wait3A_160 : memref<1x1x1x128xi32, #tpu.memory_space<hbm>> -> memref<128xi32, #tpu.memory_space<hbm>>
    tpu.wait_dma2 semaphore(%arg22 : memref<!tpu.dma_semaphore, #tpu.memory_space<semaphore_mem>>) src(%dma_wait3A_161 : memref<128xi32, #tpu.memory_space<hbm>>) dst(%arg6 : memref<128xi32, #tpu.memory_space<vmem>>)
    %dma_start3A_162 = arith.constant 0 : i32
    %dma_start3A_163 = arith.constant 0 : i32
    %dma_start3A_164 = tpu.memref_slice %arg3[%dma_start3A_162, %dma_start3A_163] : memref<1000000x64xf32, #tpu.memory_space<hbm>> -> memref<1000000x64xf32, #tpu.memory_space<hbm>>
    tpu.enqueue_indirect_dma source(%dma_start3A_164 : memref<1000000x64xf32, #tpu.memory_space<hbm>>) target(%arg14 : memref<128x64xf32, #tpu.memory_space<vmem>>) offsets(%arg6 : memref<128xi32, #tpu.memory_space<vmem>>) semaphore(%arg30 : memref<!tpu.dma_semaphore, #tpu.memory_space<semaphore_mem>>)
    %add3A_165 = arith.constant 2 : i32
    %add3A_166 = arith.addi %mul3A_2, %add3A_165 : i32
    %shift_right_logical3A_167 = arith.constant 5 : i32
    %shift_right_logical3A_168 = arith.shrui %add3A_166, %shift_right_logical3A_167 : i32
    %and3A_169 = arith.constant 31 : i32
    %and3A_170 = arith.andi %add3A_166, %and3A_169 : i32
    %shift_right_logical3A_171 = arith.constant 3 : i32
    %shift_right_logical3A_172 = arith.shrui %shift_right_logical3A_168, %shift_right_logical3A_171 : i32
    %and3A_173 = arith.constant 7 : i32
    %and3A_174 = arith.andi %shift_right_logical3A_168, %and3A_173 : i32
    %dma_wait3A_175 = arith.constant 0 : i32
    %dma_wait3A_176 = tpu.memref_slice %arg2[%shift_right_logical3A_172, %and3A_170, %and3A_174, %dma_wait3A_175] : memref<25x32x8x128xi32, #tpu.memory_space<hbm>> -> memref<1x1x1x128xi32, #tpu.memory_space<hbm>>
    %dma_wait3A_177 = tpu.memref_squeeze %dma_wait3A_176 : memref<1x1x1x128xi32, #tpu.memory_space<hbm>> -> memref<128xi32, #tpu.memory_space<hbm>>
    %dma_wait3A_178 = arith.constant 0 : i32
    %dma_wait3A_179 = tpu.memref_slice %arg2[%shift_right_logical3A_172, %and3A_170, %and3A_174, %dma_wait3A_178] : memref<25x32x8x128xi32, #tpu.memory_space<hbm>> -> memref<1x1x1x128xi32, #tpu.memory_space<hbm>>
    %dma_wait3A_180 = tpu.memref_squeeze %dma_wait3A_179 : memref<1x1x1x128xi32, #tpu.memory_space<hbm>> -> memref<128xi32, #tpu.memory_space<hbm>>
    tpu.wait_dma2 semaphore(%arg23 : memref<!tpu.dma_semaphore, #tpu.memory_space<semaphore_mem>>) src(%dma_wait3A_180 : memref<128xi32, #tpu.memory_space<hbm>>) dst(%arg7 : memref<128xi32, #tpu.memory_space<vmem>>)
    %dma_start3A_181 = arith.constant 0 : i32
    %dma_start3A_182 = arith.constant 0 : i32
    %dma_start3A_183 = tpu.memref_slice %arg3[%dma_start3A_181, %dma_start3A_182] : memref<1000000x64xf32, #tpu.memory_space<hbm>> -> memref<1000000x64xf32, #tpu.memory_space<hbm>>
    tpu.enqueue_indirect_dma source(%dma_start3A_183 : memref<1000000x64xf32, #tpu.memory_space<hbm>>) target(%arg15 : memref<128x64xf32, #tpu.memory_space<vmem>>) offsets(%arg7 : memref<128xi32, #tpu.memory_space<vmem>>) semaphore(%arg31 : memref<!tpu.dma_semaphore, #tpu.memory_space<semaphore_mem>>)
    %add3A_184 = arith.constant 3 : i32
    %add3A_185 = arith.addi %mul3A_2, %add3A_184 : i32
    %shift_right_logical3A_186 = arith.constant 5 : i32
    %shift_right_logical3A_187 = arith.shrui %add3A_185, %shift_right_logical3A_186 : i32
    %and3A_188 = arith.constant 31 : i32
    %and3A_189 = arith.andi %add3A_185, %and3A_188 : i32
    %shift_right_logical3A_190 = arith.constant 3 : i32
    %shift_right_logical3A_191 = arith.shrui %shift_right_logical3A_187, %shift_right_logical3A_190 : i32
    %and3A_192 = arith.constant 7 : i32
    %and3A_193 = arith.andi %shift_right_logical3A_187, %and3A_192 : i32
    %dma_wait3A_194 = arith.constant 0 : i32
    %dma_wait3A_195 = tpu.memref_slice %arg2[%shift_right_logical3A_191, %and3A_189, %and3A_193, %dma_wait3A_194] : memref<25x32x8x128xi32, #tpu.memory_space<hbm>> -> memref<1x1x1x128xi32, #tpu.memory_space<hbm>>
    %dma_wait3A_196 = tpu.memref_squeeze %dma_wait3A_195 : memref<1x1x1x128xi32, #tpu.memory_space<hbm>> -> memref<128xi32, #tpu.memory_space<hbm>>
    %dma_wait3A_197 = arith.constant 0 : i32
    %dma_wait3A_198 = tpu.memref_slice %arg2[%shift_right_logical3A_191, %and3A_189, %and3A_193, %dma_wait3A_197] : memref<25x32x8x128xi32, #tpu.memory_space<hbm>> -> memref<1x1x1x128xi32, #tpu.memory_space<hbm>>
    %dma_wait3A_199 = tpu.memref_squeeze %dma_wait3A_198 : memref<1x1x1x128xi32, #tpu.memory_space<hbm>> -> memref<128xi32, #tpu.memory_space<hbm>>
    tpu.wait_dma2 semaphore(%arg24 : memref<!tpu.dma_semaphore, #tpu.memory_space<semaphore_mem>>) src(%dma_wait3A_199 : memref<128xi32, #tpu.memory_space<hbm>>) dst(%arg8 : memref<128xi32, #tpu.memory_space<vmem>>)
    %dma_start3A_200 = arith.constant 0 : i32
    %dma_start3A_201 = arith.constant 0 : i32
    %dma_start3A_202 = tpu.memref_slice %arg3[%dma_start3A_200, %dma_start3A_201] : memref<1000000x64xf32, #tpu.memory_space<hbm>> -> memref<1000000x64xf32, #tpu.memory_space<hbm>>
    tpu.enqueue_indirect_dma source(%dma_start3A_202 : memref<1000000x64xf32, #tpu.memory_space<hbm>>) target(%arg16 : memref<128x64xf32, #tpu.memory_space<vmem>>) offsets(%arg8 : memref<128xi32, #tpu.memory_space<vmem>>) semaphore(%arg32 : memref<!tpu.dma_semaphore, #tpu.memory_space<semaphore_mem>>)
    %scan3A = arith.constant 8.000000e+00 : f32
    %scan3A_203 = arith.constant 0 : i32
    %scan3A_204 = arith.constant 25 : i32
    %scan3A_205 = arith.addi %scan3A_203, %scan3A_204 : i32
    %scan3A_206 = arith.constant 1 : i32
    scf.for %scan3A_272 = %scan3A_203 to %scan3A_205 step %scan3A_206  : i32 {
      %mul3A_273 = arith.constant 8 : i32
      %mul3A_274 = arith.muli %scan3A_272, %mul3A_273 : i32
      %add3A_275 = arith.constant 0 : i32
      %add3A_276 = arith.addi %add3A_275, %mul3A_274 : i32
      %add3A_277 = arith.constant 0 : i32
      %add3A_278 = arith.addi %add3A_276, %add3A_277 : i32
      %dma_wait3A_279 = arith.constant 0 : i32
      %dma_wait3A_280 = arith.constant 0 : i32
      %dma_wait3A_281 = tpu.memref_slice %arg3[%dma_wait3A_279, %dma_wait3A_280] : memref<1000000x64xf32, #tpu.memory_space<hbm>> -> memref<1000000x64xf32, #tpu.memory_space<hbm>>
      tpu.wait_indirect_dma semaphore(%arg29 : memref<!tpu.dma_semaphore, #tpu.memory_space<semaphore_mem>>) src(%dma_wait3A_281 : memref<1000000x64xf32, #tpu.memory_space<hbm>>) dst(%arg13 : memref<128x64xf32, #tpu.memory_space<vmem>>)
      %add3A_282 = arith.constant 8 : i32
      %add3A_283 = arith.addi %add3A_278, %add3A_282 : i32
      %lt3A = arith.constant 200 : i32
      %lt3A_284 = arith.cmpi slt, %add3A_283, %lt3A : i32
      %convert_element_type3A = arith.extui %lt3A_284 : i1 to i32
      %cond3A = arith.constant 0 : i32
      %cond3A_285 = arith.cmpi ne, %convert_element_type3A, %cond3A : i32
      scf.if %cond3A_285 {
        %add3A_625 = arith.constant 8 : i32
        %add3A_626 = arith.addi %add3A_278, %add3A_625 : i32
        %add3A_627 = arith.addi %mul3A_2, %add3A_626 : i32
        %shift_right_logical3A_628 = arith.constant 5 : i32
        %shift_right_logical3A_629 = arith.shrui %add3A_627, %shift_right_logical3A_628 : i32
        %and3A_630 = arith.constant 31 : i32
        %and3A_631 = arith.andi %add3A_627, %and3A_630 : i32
        %shift_right_logical3A_632 = arith.constant 3 : i32
        %shift_right_logical3A_633 = arith.shrui %shift_right_logical3A_629, %shift_right_logical3A_632 : i32
        %and3A_634 = arith.constant 7 : i32
        %and3A_635 = arith.andi %shift_right_logical3A_629, %and3A_634 : i32
        %dma_start3A_636 = arith.constant 0 : i32
        %dma_start3A_637 = tpu.memref_slice %arg2[%shift_right_logical3A_633, %and3A_631, %and3A_635, %dma_start3A_636] : memref<25x32x8x128xi32, #tpu.memory_space<hbm>> -> memref<1x1x1x128xi32, #tpu.memory_space<hbm>>
        %dma_start3A_638 = tpu.memref_squeeze %dma_start3A_637 : memref<1x1x1x128xi32, #tpu.memory_space<hbm>> -> memref<128xi32, #tpu.memory_space<hbm>>
        %dma_start3A_639 = arith.constant 0 : i32
        %dma_start3A_640 = tpu.memref_slice %arg2[%shift_right_logical3A_633, %and3A_631, %and3A_635, %dma_start3A_639] : memref<25x32x8x128xi32, #tpu.memory_space<hbm>> -> memref<1x1x1x128xi32, #tpu.memory_space<hbm>>
        %dma_start3A_641 = tpu.memref_squeeze %dma_start3A_640 : memref<1x1x1x128xi32, #tpu.memory_space<hbm>> -> memref<128xi32, #tpu.memory_space<hbm>>
        tpu.enqueue_dma source(%dma_start3A_641 : memref<128xi32, #tpu.memory_space<hbm>>) target(%arg5 : memref<128xi32, #tpu.memory_space<vmem>>) target_semaphore(%arg21 : memref<!tpu.dma_semaphore, #tpu.memory_space<semaphore_mem>>)
      } else {
      }
      %ge3A = arith.constant 4 : i32
      %ge3A_286 = arith.cmpi sge, %add3A_278, %ge3A : i32
      %convert_element_type3A_287 = arith.extui %ge3A_286 : i1 to i32
      %cond3A_288 = arith.constant 0 : i32
      %cond3A_289 = arith.cmpi ne, %convert_element_type3A_287, %cond3A_288 : i32
      scf.if %cond3A_289 {
        %sub3A = arith.constant 4 : i32
        %sub3A_625 = arith.subi %add3A_278, %sub3A : i32
        %add3A_626 = arith.addi %mul3A_2, %sub3A_625 : i32
        %shift_right_logical3A_627 = arith.constant 5 : i32
        %shift_right_logical3A_628 = arith.shrui %add3A_626, %shift_right_logical3A_627 : i32
        %and3A_629 = arith.constant 31 : i32
        %and3A_630 = arith.andi %add3A_626, %and3A_629 : i32
        %dma_wait3A_631 = arith.constant 0 : i32
        %dma_wait3A_632 = arith.constant 0 : i32
        %dma_wait3A_633 = arith.constant 0 : i32
        %dma_wait3A_634 = tpu.memref_slice %arg4[%shift_right_logical3A_628, %dma_wait3A_631, %and3A_630, %dma_wait3A_632, %dma_wait3A_633] : memref<200x8x32x8x128xf32, #tpu.memory_space<hbm>> -> memref<1x8x1x8x128xf32, #tpu.memory_space<hbm>>
        %dma_wait3A_635 = tpu.memref_squeeze %dma_wait3A_634 : memref<1x8x1x8x128xf32, #tpu.memory_space<hbm>> -> memref<8x8x128xf32, #tpu.memory_space<hbm>>
        %dma_wait3A_636 = arith.constant 0 : i32
        %dma_wait3A_637 = arith.constant 0 : i32
        %dma_wait3A_638 = arith.constant 0 : i32
        %dma_wait3A_639 = tpu.memref_slice %arg4[%shift_right_logical3A_628, %dma_wait3A_636, %and3A_630, %dma_wait3A_637, %dma_wait3A_638] : memref<200x8x32x8x128xf32, #tpu.memory_space<hbm>> -> memref<1x8x1x8x128xf32, #tpu.memory_space<hbm>>
        %dma_wait3A_640 = tpu.memref_squeeze %dma_wait3A_639 : memref<1x8x1x8x128xf32, #tpu.memory_space<hbm>> -> memref<8x8x128xf32, #tpu.memory_space<hbm>>
        tpu.wait_dma2 semaphore(%arg33 : memref<!tpu.dma_semaphore, #tpu.memory_space<semaphore_mem>>) src(%arg17 : memref<8x8x128xf32, #tpu.memory_space<vmem>>) dst(%dma_wait3A_640 : memref<8x8x128xf32, #tpu.memory_space<hbm>>)
      } else {
      }
      %scan3A_290 = arith.constant 0 : i32
      %scan3A_291 = arith.constant 8 : i32
      %scan3A_292 = arith.addi %scan3A_290, %scan3A_291 : i32
      %scan3A_293 = arith.constant 1 : i32
      scf.for %scan3A_625 = %scan3A_290 to %scan3A_292 step %scan3A_293  : i32 {
        %mul3A_626 = arith.constant 1 : i32
        %mul3A_627 = arith.muli %scan3A_625, %mul3A_626 : i32
        %add3A_628 = arith.constant 0 : i32
        %add3A_629 = arith.addi %add3A_628, %mul3A_627 : i32
        %mul3A_630 = arith.constant 16 : i32
        %mul3A_631 = arith.muli %add3A_629, %mul3A_630 : i32
        %parallel_loop3A = arith.constant 0 : i32
        %parallel_loop3A_632 = arith.constant 16 : i32
        %parallel_loop3A_633 = arith.constant 1 : i32
        scf.for %parallel_loop3A_634 = %parallel_loop3A to %parallel_loop3A_632 step %parallel_loop3A_633  : i32 {
          %parallel_loop3A_635 = vector.broadcast %parallel_loop3A_634 : i32 to vector<16xi32>
          %parallel_loop3A_636 = arith.addi %iota3A, %parallel_loop3A_635 : vector<16xi32>
          %parallel_loop3A_637 = arith.constant 15 : i32
          %parallel_loop3A_638 = vector.broadcast %parallel_loop3A_637 : i32 to vector<16xi32>
          %parallel_loop3A_639 = arith.andi %parallel_loop3A_636, %parallel_loop3A_638 : vector<16xi32>
          %parallel_loop3A_640 = vector.broadcast %mul3A_631 : i32 to vector<16xi32>
          %parallel_loop3A_641 = arith.addi %parallel_loop3A_640, %parallel_loop3A_639 : vector<16xi32>
          %parallel_loop3A_642 = arith.constant 0 : i32
          %parallel_loop3A_643 = vector.broadcast %parallel_loop3A_642 : i32 to vector<16xi32>
          %parallel_loop3A_644 = arith.addi %parallel_loop3A_643, %iota3A : vector<16xi32>
          %parallel_loop3A_645 = tpu.vector_load_idx %arg13[%parallel_loop3A_641, %parallel_loop3A_644] : memref<128x64xf32, #tpu.memory_space<vmem>>[vector<16xi32>, vector<16xi32>], vector<16xf32>,
          %parallel_loop3A_646 = arith.constant 3 : i32
          %parallel_loop3A_647 = vector.broadcast %parallel_loop3A_646 : i32 to vector<16xi32>
          %parallel_loop3A_648 = arith.shrui %parallel_loop3A_644, %parallel_loop3A_647 : vector<16xi32>
          %parallel_loop3A_649 = arith.constant 7 : i32
          %parallel_loop3A_650 = vector.broadcast %parallel_loop3A_649 : i32 to vector<16xi32>
          %parallel_loop3A_651 = arith.andi %parallel_loop3A_644, %parallel_loop3A_650 : vector<16xi32>
          %parallel_loop3A_652 = vector.broadcast %scan3A : f32 to vector<16xf32>
          %parallel_loop3A_653 = arith.mulf %parallel_loop3A_645, %parallel_loop3A_652 : vector<16xf32>
          tpu.vector_store_idx %arg17[%parallel_loop3A_648, %parallel_loop3A_651, %parallel_loop3A_641], %parallel_loop3A_653 : memref<8x8x128xf32, #tpu.memory_space<vmem>>[vector<16xi32>, vector<16xi32>, vector<16xi32>], vector<16xf32>,
          %parallel_loop3A_654 = arith.constant 16 : i32
          %parallel_loop3A_655 = vector.broadcast %parallel_loop3A_654 : i32 to vector<16xi32>
          %parallel_loop3A_656 = arith.addi %parallel_loop3A_655, %iota3A : vector<16xi32>
          %parallel_loop3A_657 = tpu.vector_load_idx %arg13[%parallel_loop3A_641, %parallel_loop3A_656] : memref<128x64xf32, #tpu.memory_space<vmem>>[vector<16xi32>, vector<16xi32>], vector<16xf32>,
          %parallel_loop3A_658 = arith.constant 3 : i32
          %parallel_loop3A_659 = vector.broadcast %parallel_loop3A_658 : i32 to vector<16xi32>
          %parallel_loop3A_660 = arith.shrui %parallel_loop3A_656, %parallel_loop3A_659 : vector<16xi32>
          %parallel_loop3A_661 = arith.constant 7 : i32
          %parallel_loop3A_662 = vector.broadcast %parallel_loop3A_661 : i32 to vector<16xi32>
          %parallel_loop3A_663 = arith.andi %parallel_loop3A_656, %parallel_loop3A_662 : vector<16xi32>
          %parallel_loop3A_664 = vector.broadcast %scan3A : f32 to vector<16xf32>
          %parallel_loop3A_665 = arith.mulf %parallel_loop3A_657, %parallel_loop3A_664 : vector<16xf32>
          tpu.vector_store_idx %arg17[%parallel_loop3A_660, %parallel_loop3A_663, %parallel_loop3A_641], %parallel_loop3A_665 : memref<8x8x128xf32, #tpu.memory_space<vmem>>[vector<16xi32>, vector<16xi32>, vector<16xi32>], vector<16xf32>,
          %parallel_loop3A_666 = arith.constant 32 : i32
          %parallel_loop3A_667 = vector.broadcast %parallel_loop3A_666 : i32 to vector<16xi32>
          %parallel_loop3A_668 = arith.addi %parallel_loop3A_667, %iota3A : vector<16xi32>
          %parallel_loop3A_669 = tpu.vector_load_idx %arg13[%parallel_loop3A_641, %parallel_loop3A_668] : memref<128x64xf32, #tpu.memory_space<vmem>>[vector<16xi32>, vector<16xi32>], vector<16xf32>,
          %parallel_loop3A_670 = arith.constant 3 : i32
          %parallel_loop3A_671 = vector.broadcast %parallel_loop3A_670 : i32 to vector<16xi32>
          %parallel_loop3A_672 = arith.shrui %parallel_loop3A_668, %parallel_loop3A_671 : vector<16xi32>
          %parallel_loop3A_673 = arith.constant 7 : i32
          %parallel_loop3A_674 = vector.broadcast %parallel_loop3A_673 : i32 to vector<16xi32>
          %parallel_loop3A_675 = arith.andi %parallel_loop3A_668, %parallel_loop3A_674 : vector<16xi32>
          %parallel_loop3A_676 = vector.broadcast %scan3A : f32 to vector<16xf32>
          %parallel_loop3A_677 = arith.mulf %parallel_loop3A_669, %parallel_loop3A_676 : vector<16xf32>
          tpu.vector_store_idx %arg17[%parallel_loop3A_672, %parallel_loop3A_675, %parallel_loop3A_641], %parallel_loop3A_677 : memref<8x8x128xf32, #tpu.memory_space<vmem>>[vector<16xi32>, vector<16xi32>, vector<16xi32>], vector<16xf32>,
          %parallel_loop3A_678 = arith.constant 48 : i32
          %parallel_loop3A_679 = vector.broadcast %parallel_loop3A_678 : i32 to vector<16xi32>
          %parallel_loop3A_680 = arith.addi %parallel_loop3A_679, %iota3A : vector<16xi32>
          %parallel_loop3A_681 = tpu.vector_load_idx %arg13[%parallel_loop3A_641, %parallel_loop3A_680] : memref<128x64xf32, #tpu.memory_space<vmem>>[vector<16xi32>, vector<16xi32>], vector<16xf32>,
          %parallel_loop3A_682 = arith.constant 3 : i32
          %parallel_loop3A_683 = vector.broadcast %parallel_loop3A_682 : i32 to vector<16xi32>
          %parallel_loop3A_684 = arith.shrui %parallel_loop3A_680, %parallel_loop3A_683 : vector<16xi32>
          %parallel_loop3A_685 = arith.constant 7 : i32
          %parallel_loop3A_686 = vector.broadcast %parallel_loop3A_685 : i32 to vector<16xi32>
          %parallel_loop3A_687 = arith.andi %parallel_loop3A_680, %parallel_loop3A_686 : vector<16xi32>
          %parallel_loop3A_688 = vector.broadcast %scan3A : f32 to vector<16xf32>
          %parallel_loop3A_689 = arith.mulf %parallel_loop3A_681, %parallel_loop3A_688 : vector<16xf32>
          tpu.vector_store_idx %arg17[%parallel_loop3A_684, %parallel_loop3A_687, %parallel_loop3A_641], %parallel_loop3A_689 : memref<8x8x128xf32, #tpu.memory_space<vmem>>[vector<16xi32>, vector<16xi32>, vector<16xi32>], vector<16xf32>,
        } {sc.loop_unroll_factor = 4 : i64, sc.parallel_access}
      }
      %scan3A_294 = arith.constant 8 : i32
      %add3A_295 = arith.addi %mul3A_2, %add3A_278 : i32
      %shift_right_logical3A_296 = arith.constant 5 : i32
      %shift_right_logical3A_297 = arith.shrui %add3A_295, %shift_right_logical3A_296 : i32
      %and3A_298 = arith.constant 31 : i32
      %and3A_299 = arith.andi %add3A_295, %and3A_298 : i32
      %dma_start3A_300 = arith.constant 0 : i32
      %dma_start3A_301 = arith.constant 0 : i32
      %dma_start3A_302 = arith.constant 0 : i32
      %dma_start3A_303 = tpu.memref_slice %arg4[%shift_right_logical3A_297, %dma_start3A_300, %and3A_299, %dma_start3A_301, %dma_start3A_302] : memref<200x8x32x8x128xf32, #tpu.memory_space<hbm>> -> memref<1x8x1x8x128xf32, #tpu.memory_space<hbm>>
      %dma_start3A_304 = tpu.memref_squeeze %dma_start3A_303 : memref<1x8x1x8x128xf32, #tpu.memory_space<hbm>> -> memref<8x8x128xf32, #tpu.memory_space<hbm>>
      %dma_start3A_305 = arith.constant 0 : i32
      %dma_start3A_306 = arith.constant 0 : i32
      %dma_start3A_307 = arith.constant 0 : i32
      %dma_start3A_308 = tpu.memref_slice %arg4[%shift_right_logical3A_297, %dma_start3A_305, %and3A_299, %dma_start3A_306, %dma_start3A_307] : memref<200x8x32x8x128xf32, #tpu.memory_space<hbm>> -> memref<1x8x1x8x128xf32, #tpu.memory_space<hbm>>
      %dma_start3A_309 = tpu.memref_squeeze %dma_start3A_308 : memref<1x8x1x8x128xf32, #tpu.memory_space<hbm>> -> memref<8x8x128xf32, #tpu.memory_space<hbm>>
      tpu.enqueue_dma source(%arg17 : memref<8x8x128xf32, #tpu.memory_space<vmem>>) target(%dma_start3A_309 : memref<8x8x128xf32, #tpu.memory_space<hbm>>) target_semaphore(%arg33 : memref<!tpu.dma_semaphore, #tpu.memory_space<semaphore_mem>>)
      %add3A_310 = arith.constant 4 : i32
      %add3A_311 = arith.addi %add3A_278, %add3A_310 : i32
      %lt3A_312 = arith.constant 200 : i32
      %lt3A_313 = arith.cmpi slt, %add3A_311, %lt3A_312 : i32
      %convert_element_type3A_314 = arith.extui %lt3A_313 : i1 to i32
      %cond3A_315 = arith.constant 0 : i32
      %cond3A_316 = arith.cmpi ne, %convert_element_type3A_314, %cond3A_315 : i32
      scf.if %cond3A_316 {
        %add3A_625 = arith.constant 4 : i32
        %add3A_626 = arith.addi %add3A_278, %add3A_625 : i32
        %add3A_627 = arith.addi %mul3A_2, %add3A_626 : i32
        %shift_right_logical3A_628 = arith.constant 5 : i32
        %shift_right_logical3A_629 = arith.shrui %add3A_627, %shift_right_logical3A_628 : i32
        %and3A_630 = arith.constant 31 : i32
        %and3A_631 = arith.andi %add3A_627, %and3A_630 : i32
        %shift_right_logical3A_632 = arith.constant 3 : i32
        %shift_right_logical3A_633 = arith.shrui %shift_right_logical3A_629, %shift_right_logical3A_632 : i32
        %and3A_634 = arith.constant 7 : i32
        %and3A_635 = arith.andi %shift_right_logical3A_629, %and3A_634 : i32
        %dma_wait3A_636 = arith.constant 0 : i32
        %dma_wait3A_637 = tpu.memref_slice %arg2[%shift_right_logical3A_633, %and3A_631, %and3A_635, %dma_wait3A_636] : memref<25x32x8x128xi32, #tpu.memory_space<hbm>> -> memref<1x1x1x128xi32, #tpu.memory_space<hbm>>
        %dma_wait3A_638 = tpu.memref_squeeze %dma_wait3A_637 : memref<1x1x1x128xi32, #tpu.memory_space<hbm>> -> memref<128xi32, #tpu.memory_space<hbm>>
        %dma_wait3A_639 = arith.constant 0 : i32
        %dma_wait3A_640 = tpu.memref_slice %arg2[%shift_right_logical3A_633, %and3A_631, %and3A_635, %dma_wait3A_639] : memref<25x32x8x128xi32, #tpu.memory_space<hbm>> -> memref<1x1x1x128xi32, #tpu.memory_space<hbm>>
        %dma_wait3A_641 = tpu.memref_squeeze %dma_wait3A_640 : memref<1x1x1x128xi32, #tpu.memory_space<hbm>> -> memref<128xi32, #tpu.memory_space<hbm>>
        tpu.wait_dma2 semaphore(%arg25 : memref<!tpu.dma_semaphore, #tpu.memory_space<semaphore_mem>>) src(%dma_wait3A_641 : memref<128xi32, #tpu.memory_space<hbm>>) dst(%arg9 : memref<128xi32, #tpu.memory_space<vmem>>)
        %add3A_642 = arith.constant 4 : i32
        %add3A_643 = arith.addi %add3A_278, %add3A_642 : i32
        %dma_start3A_644 = arith.constant 0 : i32
        %dma_start3A_645 = arith.constant 0 : i32
        %dma_start3A_646 = tpu.memref_slice %arg3[%dma_start3A_644, %dma_start3A_645] : memref<1000000x64xf32, #tpu.memory_space<hbm>> -> memref<1000000x64xf32, #tpu.memory_space<hbm>>
        tpu.enqueue_indirect_dma source(%dma_start3A_646 : memref<1000000x64xf32, #tpu.memory_space<hbm>>) target(%arg13 : memref<128x64xf32, #tpu.memory_space<vmem>>) offsets(%arg9 : memref<128xi32, #tpu.memory_space<vmem>>) semaphore(%arg29 : memref<!tpu.dma_semaphore, #tpu.memory_space<semaphore_mem>>)
      } else {
      }
      %add3A_317 = arith.constant 1 : i32
      %add3A_318 = arith.addi %add3A_276, %add3A_317 : i32
      %dma_wait3A_319 = arith.constant 0 : i32
      %dma_wait3A_320 = arith.constant 0 : i32
      %dma_wait3A_321 = tpu.memref_slice %arg3[%dma_wait3A_319, %dma_wait3A_320] : memref<1000000x64xf32, #tpu.memory_space<hbm>> -> memref<1000000x64xf32, #tpu.memory_space<hbm>>
      tpu.wait_indirect_dma semaphore(%arg30 : memref<!tpu.dma_semaphore, #tpu.memory_space<semaphore_mem>>) src(%dma_wait3A_321 : memref<1000000x64xf32, #tpu.memory_space<hbm>>) dst(%arg14 : memref<128x64xf32, #tpu.memory_space<vmem>>)
      %add3A_322 = arith.constant 8 : i32
      %add3A_323 = arith.addi %add3A_318, %add3A_322 : i32
      %lt3A_324 = arith.constant 200 : i32
      %lt3A_325 = arith.cmpi slt, %add3A_323, %lt3A_324 : i32
      %convert_element_type3A_326 = arith.extui %lt3A_325 : i1 to i32
      %cond3A_327 = arith.constant 0 : i32
      %cond3A_328 = arith.cmpi ne, %convert_element_type3A_326, %cond3A_327 : i32
      scf.if %cond3A_328 {
        %add3A_625 = arith.constant 8 : i32
        %add3A_626 = arith.addi %add3A_318, %add3A_625 : i32
        %add3A_627 = arith.addi %mul3A_2, %add3A_626 : i32
        %shift_right_logical3A_628 = arith.constant 5 : i32
        %shift_right_logical3A_629 = arith.shrui %add3A_627, %shift_right_logical3A_628 : i32
        %and3A_630 = arith.constant 31 : i32
        %and3A_631 = arith.andi %add3A_627, %and3A_630 : i32
        %shift_right_logical3A_632 = arith.constant 3 : i32
        %shift_right_logical3A_633 = arith.shrui %shift_right_logical3A_629, %shift_right_logical3A_632 : i32
        %and3A_634 = arith.constant 7 : i32
        %and3A_635 = arith.andi %shift_right_logical3A_629, %and3A_634 : i32
        %dma_start3A_636 = arith.constant 0 : i32
        %dma_start3A_637 = tpu.memref_slice %arg2[%shift_right_logical3A_633, %and3A_631, %and3A_635, %dma_start3A_636] : memref<25x32x8x128xi32, #tpu.memory_space<hbm>> -> memref<1x1x1x128xi32, #tpu.memory_space<hbm>>
        %dma_start3A_638 = tpu.memref_squeeze %dma_start3A_637 : memref<1x1x1x128xi32, #tpu.memory_space<hbm>> -> memref<128xi32, #tpu.memory_space<hbm>>
        %dma_start3A_639 = arith.constant 0 : i32
        %dma_start3A_640 = tpu.memref_slice %arg2[%shift_right_logical3A_633, %and3A_631, %and3A_635, %dma_start3A_639] : memref<25x32x8x128xi32, #tpu.memory_space<hbm>> -> memref<1x1x1x128xi32, #tpu.memory_space<hbm>>
        %dma_start3A_641 = tpu.memref_squeeze %dma_start3A_640 : memref<1x1x1x128xi32, #tpu.memory_space<hbm>> -> memref<128xi32, #tpu.memory_space<hbm>>
        tpu.enqueue_dma source(%dma_start3A_641 : memref<128xi32, #tpu.memory_space<hbm>>) target(%arg6 : memref<128xi32, #tpu.memory_space<vmem>>) target_semaphore(%arg22 : memref<!tpu.dma_semaphore, #tpu.memory_space<semaphore_mem>>)
      } else {
      }
      %ge3A_329 = arith.constant 4 : i32
      %ge3A_330 = arith.cmpi sge, %add3A_318, %ge3A_329 : i32
      %convert_element_type3A_331 = arith.extui %ge3A_330 : i1 to i32
      %cond3A_332 = arith.constant 0 : i32
      %cond3A_333 = arith.cmpi ne, %convert_element_type3A_331, %cond3A_332 : i32
      scf.if %cond3A_333 {
        %sub3A = arith.constant 4 : i32
        %sub3A_625 = arith.subi %add3A_318, %sub3A : i32
        %add3A_626 = arith.addi %mul3A_2, %sub3A_625 : i32
        %shift_right_logical3A_627 = arith.constant 5 : i32
        %shift_right_logical3A_628 = arith.shrui %add3A_626, %shift_right_logical3A_627 : i32
        %and3A_629 = arith.constant 31 : i32
        %and3A_630 = arith.andi %add3A_626, %and3A_629 : i32
        %dma_wait3A_631 = arith.constant 0 : i32
        %dma_wait3A_632 = arith.constant 0 : i32
        %dma_wait3A_633 = arith.constant 0 : i32
        %dma_wait3A_634 = tpu.memref_slice %arg4[%shift_right_logical3A_628, %dma_wait3A_631, %and3A_630, %dma_wait3A_632, %dma_wait3A_633] : memref<200x8x32x8x128xf32, #tpu.memory_space<hbm>> -> memref<1x8x1x8x128xf32, #tpu.memory_space<hbm>>
        %dma_wait3A_635 = tpu.memref_squeeze %dma_wait3A_634 : memref<1x8x1x8x128xf32, #tpu.memory_space<hbm>> -> memref<8x8x128xf32, #tpu.memory_space<hbm>>
        %dma_wait3A_636 = arith.constant 0 : i32
        %dma_wait3A_637 = arith.constant 0 : i32
        %dma_wait3A_638 = arith.constant 0 : i32
        %dma_wait3A_639 = tpu.memref_slice %arg4[%shift_right_logical3A_628, %dma_wait3A_636, %and3A_630, %dma_wait3A_637, %dma_wait3A_638] : memref<200x8x32x8x128xf32, #tpu.memory_space<hbm>> -> memref<1x8x1x8x128xf32, #tpu.memory_space<hbm>>
        %dma_wait3A_640 = tpu.memref_squeeze %dma_wait3A_639 : memref<1x8x1x8x128xf32, #tpu.memory_space<hbm>> -> memref<8x8x128xf32, #tpu.memory_space<hbm>>
        tpu.wait_dma2 semaphore(%arg34 : memref<!tpu.dma_semaphore, #tpu.memory_space<semaphore_mem>>) src(%arg18 : memref<8x8x128xf32, #tpu.memory_space<vmem>>) dst(%dma_wait3A_640 : memref<8x8x128xf32, #tpu.memory_space<hbm>>)
      } else {
      }
      %scan3A_334 = arith.constant 0 : i32
      %scan3A_335 = arith.constant 8 : i32
      %scan3A_336 = arith.addi %scan3A_334, %scan3A_335 : i32
      %scan3A_337 = arith.constant 1 : i32
      scf.for %scan3A_625 = %scan3A_334 to %scan3A_336 step %scan3A_337  : i32 {
        %mul3A_626 = arith.constant 1 : i32
        %mul3A_627 = arith.muli %scan3A_625, %mul3A_626 : i32
        %add3A_628 = arith.constant 0 : i32
        %add3A_629 = arith.addi %add3A_628, %mul3A_627 : i32
        %mul3A_630 = arith.constant 16 : i32
        %mul3A_631 = arith.muli %add3A_629, %mul3A_630 : i32
        %parallel_loop3A = arith.constant 0 : i32
        %parallel_loop3A_632 = arith.constant 16 : i32
        %parallel_loop3A_633 = arith.constant 1 : i32
        scf.for %parallel_loop3A_634 = %parallel_loop3A to %parallel_loop3A_632 step %parallel_loop3A_633  : i32 {
          %parallel_loop3A_635 = vector.broadcast %parallel_loop3A_634 : i32 to vector<16xi32>
          %parallel_loop3A_636 = arith.addi %iota3A, %parallel_loop3A_635 : vector<16xi32>
          %parallel_loop3A_637 = arith.constant 15 : i32
          %parallel_loop3A_638 = vector.broadcast %parallel_loop3A_637 : i32 to vector<16xi32>
          %parallel_loop3A_639 = arith.andi %parallel_loop3A_636, %parallel_loop3A_638 : vector<16xi32>
          %parallel_loop3A_640 = vector.broadcast %mul3A_631 : i32 to vector<16xi32>
          %parallel_loop3A_641 = arith.addi %parallel_loop3A_640, %parallel_loop3A_639 : vector<16xi32>
          %parallel_loop3A_642 = arith.constant 0 : i32
          %parallel_loop3A_643 = vector.broadcast %parallel_loop3A_642 : i32 to vector<16xi32>
          %parallel_loop3A_644 = arith.addi %parallel_loop3A_643, %iota3A : vector<16xi32>
          %parallel_loop3A_645 = tpu.vector_load_idx %arg14[%parallel_loop3A_641, %parallel_loop3A_644] : memref<128x64xf32, #tpu.memory_space<vmem>>[vector<16xi32>, vector<16xi32>], vector<16xf32>,
          %parallel_loop3A_646 = arith.constant 3 : i32
          %parallel_loop3A_647 = vector.broadcast %parallel_loop3A_646 : i32 to vector<16xi32>
          %parallel_loop3A_648 = arith.shrui %parallel_loop3A_644, %parallel_loop3A_647 : vector<16xi32>
          %parallel_loop3A_649 = arith.constant 7 : i32
          %parallel_loop3A_650 = vector.broadcast %parallel_loop3A_649 : i32 to vector<16xi32>
          %parallel_loop3A_651 = arith.andi %parallel_loop3A_644, %parallel_loop3A_650 : vector<16xi32>
          %parallel_loop3A_652 = vector.broadcast %scan3A : f32 to vector<16xf32>
          %parallel_loop3A_653 = arith.mulf %parallel_loop3A_645, %parallel_loop3A_652 : vector<16xf32>
          tpu.vector_store_idx %arg18[%parallel_loop3A_648, %parallel_loop3A_651, %parallel_loop3A_641], %parallel_loop3A_653 : memref<8x8x128xf32, #tpu.memory_space<vmem>>[vector<16xi32>, vector<16xi32>, vector<16xi32>], vector<16xf32>,
          %parallel_loop3A_654 = arith.constant 16 : i32
          %parallel_loop3A_655 = vector.broadcast %parallel_loop3A_654 : i32 to vector<16xi32>
          %parallel_loop3A_656 = arith.addi %parallel_loop3A_655, %iota3A : vector<16xi32>
          %parallel_loop3A_657 = tpu.vector_load_idx %arg14[%parallel_loop3A_641, %parallel_loop3A_656] : memref<128x64xf32, #tpu.memory_space<vmem>>[vector<16xi32>, vector<16xi32>], vector<16xf32>,
          %parallel_loop3A_658 = arith.constant 3 : i32
          %parallel_loop3A_659 = vector.broadcast %parallel_loop3A_658 : i32 to vector<16xi32>
          %parallel_loop3A_660 = arith.shrui %parallel_loop3A_656, %parallel_loop3A_659 : vector<16xi32>
          %parallel_loop3A_661 = arith.constant 7 : i32
          %parallel_loop3A_662 = vector.broadcast %parallel_loop3A_661 : i32 to vector<16xi32>
          %parallel_loop3A_663 = arith.andi %parallel_loop3A_656, %parallel_loop3A_662 : vector<16xi32>
          %parallel_loop3A_664 = vector.broadcast %scan3A : f32 to vector<16xf32>
          %parallel_loop3A_665 = arith.mulf %parallel_loop3A_657, %parallel_loop3A_664 : vector<16xf32>
          tpu.vector_store_idx %arg18[%parallel_loop3A_660, %parallel_loop3A_663, %parallel_loop3A_641], %parallel_loop3A_665 : memref<8x8x128xf32, #tpu.memory_space<vmem>>[vector<16xi32>, vector<16xi32>, vector<16xi32>], vector<16xf32>,
          %parallel_loop3A_666 = arith.constant 32 : i32
          %parallel_loop3A_667 = vector.broadcast %parallel_loop3A_666 : i32 to vector<16xi32>
          %parallel_loop3A_668 = arith.addi %parallel_loop3A_667, %iota3A : vector<16xi32>
          %parallel_loop3A_669 = tpu.vector_load_idx %arg14[%parallel_loop3A_641, %parallel_loop3A_668] : memref<128x64xf32, #tpu.memory_space<vmem>>[vector<16xi32>, vector<16xi32>], vector<16xf32>,
          %parallel_loop3A_670 = arith.constant 3 : i32
          %parallel_loop3A_671 = vector.broadcast %parallel_loop3A_670 : i32 to vector<16xi32>
          %parallel_loop3A_672 = arith.shrui %parallel_loop3A_668, %parallel_loop3A_671 : vector<16xi32>
          %parallel_loop3A_673 = arith.constant 7 : i32
          %parallel_loop3A_674 = vector.broadcast %parallel_loop3A_673 : i32 to vector<16xi32>
          %parallel_loop3A_675 = arith.andi %parallel_loop3A_668, %parallel_loop3A_674 : vector<16xi32>
          %parallel_loop3A_676 = vector.broadcast %scan3A : f32 to vector<16xf32>
          %parallel_loop3A_677 = arith.mulf %parallel_loop3A_669, %parallel_loop3A_676 : vector<16xf32>
          tpu.vector_store_idx %arg18[%parallel_loop3A_672, %parallel_loop3A_675, %parallel_loop3A_641], %parallel_loop3A_677 : memref<8x8x128xf32, #tpu.memory_space<vmem>>[vector<16xi32>, vector<16xi32>, vector<16xi32>], vector<16xf32>,
          %parallel_loop3A_678 = arith.constant 48 : i32
          %parallel_loop3A_679 = vector.broadcast %parallel_loop3A_678 : i32 to vector<16xi32>
          %parallel_loop3A_680 = arith.addi %parallel_loop3A_679, %iota3A : vector<16xi32>
          %parallel_loop3A_681 = tpu.vector_load_idx %arg14[%parallel_loop3A_641, %parallel_loop3A_680] : memref<128x64xf32, #tpu.memory_space<vmem>>[vector<16xi32>, vector<16xi32>], vector<16xf32>,
          %parallel_loop3A_682 = arith.constant 3 : i32
          %parallel_loop3A_683 = vector.broadcast %parallel_loop3A_682 : i32 to vector<16xi32>
          %parallel_loop3A_684 = arith.shrui %parallel_loop3A_680, %parallel_loop3A_683 : vector<16xi32>
          %parallel_loop3A_685 = arith.constant 7 : i32
          %parallel_loop3A_686 = vector.broadcast %parallel_loop3A_685 : i32 to vector<16xi32>
          %parallel_loop3A_687 = arith.andi %parallel_loop3A_680, %parallel_loop3A_686 : vector<16xi32>
          %parallel_loop3A_688 = vector.broadcast %scan3A : f32 to vector<16xf32>
          %parallel_loop3A_689 = arith.mulf %parallel_loop3A_681, %parallel_loop3A_688 : vector<16xf32>
          tpu.vector_store_idx %arg18[%parallel_loop3A_684, %parallel_loop3A_687, %parallel_loop3A_641], %parallel_loop3A_689 : memref<8x8x128xf32, #tpu.memory_space<vmem>>[vector<16xi32>, vector<16xi32>, vector<16xi32>], vector<16xf32>,
        } {sc.loop_unroll_factor = 4 : i64, sc.parallel_access}
      }
      %scan3A_338 = arith.constant 8 : i32
      %add3A_339 = arith.addi %mul3A_2, %add3A_318 : i32
      %shift_right_logical3A_340 = arith.constant 5 : i32
      %shift_right_logical3A_341 = arith.shrui %add3A_339, %shift_right_logical3A_340 : i32
      %and3A_342 = arith.constant 31 : i32
      %and3A_343 = arith.andi %add3A_339, %and3A_342 : i32
      %dma_start3A_344 = arith.constant 0 : i32
      %dma_start3A_345 = arith.constant 0 : i32
      %dma_start3A_346 = arith.constant 0 : i32
      %dma_start3A_347 = tpu.memref_slice %arg4[%shift_right_logical3A_341, %dma_start3A_344, %and3A_343, %dma_start3A_345, %dma_start3A_346] : memref<200x8x32x8x128xf32, #tpu.memory_space<hbm>> -> memref<1x8x1x8x128xf32, #tpu.memory_space<hbm>>
      %dma_start3A_348 = tpu.memref_squeeze %dma_start3A_347 : memref<1x8x1x8x128xf32, #tpu.memory_space<hbm>> -> memref<8x8x128xf32, #tpu.memory_space<hbm>>
      %dma_start3A_349 = arith.constant 0 : i32
      %dma_start3A_350 = arith.constant 0 : i32
      %dma_start3A_351 = arith.constant 0 : i32
      %dma_start3A_352 = tpu.memref_slice %arg4[%shift_right_logical3A_341, %dma_start3A_349, %and3A_343, %dma_start3A_350, %dma_start3A_351] : memref<200x8x32x8x128xf32, #tpu.memory_space<hbm>> -> memref<1x8x1x8x128xf32, #tpu.memory_space<hbm>>
      %dma_start3A_353 = tpu.memref_squeeze %dma_start3A_352 : memref<1x8x1x8x128xf32, #tpu.memory_space<hbm>> -> memref<8x8x128xf32, #tpu.memory_space<hbm>>
      tpu.enqueue_dma source(%arg18 : memref<8x8x128xf32, #tpu.memory_space<vmem>>) target(%dma_start3A_353 : memref<8x8x128xf32, #tpu.memory_space<hbm>>) target_semaphore(%arg34 : memref<!tpu.dma_semaphore, #tpu.memory_space<semaphore_mem>>)
      %add3A_354 = arith.constant 4 : i32
      %add3A_355 = arith.addi %add3A_318, %add3A_354 : i32
      %lt3A_356 = arith.constant 200 : i32
      %lt3A_357 = arith.cmpi slt, %add3A_355, %lt3A_356 : i32
      %convert_element_type3A_358 = arith.extui %lt3A_357 : i1 to i32
      %cond3A_359 = arith.constant 0 : i32
      %cond3A_360 = arith.cmpi ne, %convert_element_type3A_358, %cond3A_359 : i32
      scf.if %cond3A_360 {
        %add3A_625 = arith.constant 4 : i32
        %add3A_626 = arith.addi %add3A_318, %add3A_625 : i32
        %add3A_627 = arith.addi %mul3A_2, %add3A_626 : i32
        %shift_right_logical3A_628 = arith.constant 5 : i32
        %shift_right_logical3A_629 = arith.shrui %add3A_627, %shift_right_logical3A_628 : i32
        %and3A_630 = arith.constant 31 : i32
        %and3A_631 = arith.andi %add3A_627, %and3A_630 : i32
        %shift_right_logical3A_632 = arith.constant 3 : i32
        %shift_right_logical3A_633 = arith.shrui %shift_right_logical3A_629, %shift_right_logical3A_632 : i32
        %and3A_634 = arith.constant 7 : i32
        %and3A_635 = arith.andi %shift_right_logical3A_629, %and3A_634 : i32
        %dma_wait3A_636 = arith.constant 0 : i32
        %dma_wait3A_637 = tpu.memref_slice %arg2[%shift_right_logical3A_633, %and3A_631, %and3A_635, %dma_wait3A_636] : memref<25x32x8x128xi32, #tpu.memory_space<hbm>> -> memref<1x1x1x128xi32, #tpu.memory_space<hbm>>
        %dma_wait3A_638 = tpu.memref_squeeze %dma_wait3A_637 : memref<1x1x1x128xi32, #tpu.memory_space<hbm>> -> memref<128xi32, #tpu.memory_space<hbm>>
        %dma_wait3A_639 = arith.constant 0 : i32
        %dma_wait3A_640 = tpu.memref_slice %arg2[%shift_right_logical3A_633, %and3A_631, %and3A_635, %dma_wait3A_639] : memref<25x32x8x128xi32, #tpu.memory_space<hbm>> -> memref<1x1x1x128xi32, #tpu.memory_space<hbm>>
        %dma_wait3A_641 = tpu.memref_squeeze %dma_wait3A_640 : memref<1x1x1x128xi32, #tpu.memory_space<hbm>> -> memref<128xi32, #tpu.memory_space<hbm>>
        tpu.wait_dma2 semaphore(%arg26 : memref<!tpu.dma_semaphore, #tpu.memory_space<semaphore_mem>>) src(%dma_wait3A_641 : memref<128xi32, #tpu.memory_space<hbm>>) dst(%arg10 : memref<128xi32, #tpu.memory_space<vmem>>)
        %add3A_642 = arith.constant 4 : i32
        %add3A_643 = arith.addi %add3A_318, %add3A_642 : i32
        %dma_start3A_644 = arith.constant 0 : i32
        %dma_start3A_645 = arith.constant 0 : i32
        %dma_start3A_646 = tpu.memref_slice %arg3[%dma_start3A_644, %dma_start3A_645] : memref<1000000x64xf32, #tpu.memory_space<hbm>> -> memref<1000000x64xf32, #tpu.memory_space<hbm>>
        tpu.enqueue_indirect_dma source(%dma_start3A_646 : memref<1000000x64xf32, #tpu.memory_space<hbm>>) target(%arg14 : memref<128x64xf32, #tpu.memory_space<vmem>>) offsets(%arg10 : memref<128xi32, #tpu.memory_space<vmem>>) semaphore(%arg30 : memref<!tpu.dma_semaphore, #tpu.memory_space<semaphore_mem>>)
      } else {
      }
      %add3A_361 = arith.constant 2 : i32
      %add3A_362 = arith.addi %add3A_276, %add3A_361 : i32
      %dma_wait3A_363 = arith.constant 0 : i32
      %dma_wait3A_364 = arith.constant 0 : i32
      %dma_wait3A_365 = tpu.memref_slice %arg3[%dma_wait3A_363, %dma_wait3A_364] : memref<1000000x64xf32, #tpu.memory_space<hbm>> -> memref<1000000x64xf32, #tpu.memory_space<hbm>>
      tpu.wait_indirect_dma semaphore(%arg31 : memref<!tpu.dma_semaphore, #tpu.memory_space<semaphore_mem>>) src(%dma_wait3A_365 : memref<1000000x64xf32, #tpu.memory_space<hbm>>) dst(%arg15 : memref<128x64xf32, #tpu.memory_space<vmem>>)
      %add3A_366 = arith.constant 8 : i32
      %add3A_367 = arith.addi %add3A_362, %add3A_366 : i32
      %lt3A_368 = arith.constant 200 : i32
      %lt3A_369 = arith.cmpi slt, %add3A_367, %lt3A_368 : i32
      %convert_element_type3A_370 = arith.extui %lt3A_369 : i1 to i32
      %cond3A_371 = arith.constant 0 : i32
      %cond3A_372 = arith.cmpi ne, %convert_element_type3A_370, %cond3A_371 : i32
      scf.if %cond3A_372 {
        %add3A_625 = arith.constant 8 : i32
        %add3A_626 = arith.addi %add3A_362, %add3A_625 : i32
        %add3A_627 = arith.addi %mul3A_2, %add3A_626 : i32
        %shift_right_logical3A_628 = arith.constant 5 : i32
        %shift_right_logical3A_629 = arith.shrui %add3A_627, %shift_right_logical3A_628 : i32
        %and3A_630 = arith.constant 31 : i32
        %and3A_631 = arith.andi %add3A_627, %and3A_630 : i32
        %shift_right_logical3A_632 = arith.constant 3 : i32
        %shift_right_logical3A_633 = arith.shrui %shift_right_logical3A_629, %shift_right_logical3A_632 : i32
        %and3A_634 = arith.constant 7 : i32
        %and3A_635 = arith.andi %shift_right_logical3A_629, %and3A_634 : i32
        %dma_start3A_636 = arith.constant 0 : i32
        %dma_start3A_637 = tpu.memref_slice %arg2[%shift_right_logical3A_633, %and3A_631, %and3A_635, %dma_start3A_636] : memref<25x32x8x128xi32, #tpu.memory_space<hbm>> -> memref<1x1x1x128xi32, #tpu.memory_space<hbm>>
        %dma_start3A_638 = tpu.memref_squeeze %dma_start3A_637 : memref<1x1x1x128xi32, #tpu.memory_space<hbm>> -> memref<128xi32, #tpu.memory_space<hbm>>
        %dma_start3A_639 = arith.constant 0 : i32
        %dma_start3A_640 = tpu.memref_slice %arg2[%shift_right_logical3A_633, %and3A_631, %and3A_635, %dma_start3A_639] : memref<25x32x8x128xi32, #tpu.memory_space<hbm>> -> memref<1x1x1x128xi32, #tpu.memory_space<hbm>>
        %dma_start3A_641 = tpu.memref_squeeze %dma_start3A_640 : memref<1x1x1x128xi32, #tpu.memory_space<hbm>> -> memref<128xi32, #tpu.memory_space<hbm>>
        tpu.enqueue_dma source(%dma_start3A_641 : memref<128xi32, #tpu.memory_space<hbm>>) target(%arg7 : memref<128xi32, #tpu.memory_space<vmem>>) target_semaphore(%arg23 : memref<!tpu.dma_semaphore, #tpu.memory_space<semaphore_mem>>)
      } else {
      }
      %ge3A_373 = arith.constant 4 : i32
      %ge3A_374 = arith.cmpi sge, %add3A_362, %ge3A_373 : i32
      %convert_element_type3A_375 = arith.extui %ge3A_374 : i1 to i32
      %cond3A_376 = arith.constant 0 : i32
      %cond3A_377 = arith.cmpi ne, %convert_element_type3A_375, %cond3A_376 : i32
      scf.if %cond3A_377 {
        %sub3A = arith.constant 4 : i32
        %sub3A_625 = arith.subi %add3A_362, %sub3A : i32
        %add3A_626 = arith.addi %mul3A_2, %sub3A_625 : i32
        %shift_right_logical3A_627 = arith.constant 5 : i32
        %shift_right_logical3A_628 = arith.shrui %add3A_626, %shift_right_logical3A_627 : i32
        %and3A_629 = arith.constant 31 : i32
        %and3A_630 = arith.andi %add3A_626, %and3A_629 : i32
        %dma_wait3A_631 = arith.constant 0 : i32
        %dma_wait3A_632 = arith.constant 0 : i32
        %dma_wait3A_633 = arith.constant 0 : i32
        %dma_wait3A_634 = tpu.memref_slice %arg4[%shift_right_logical3A_628, %dma_wait3A_631, %and3A_630, %dma_wait3A_632, %dma_wait3A_633] : memref<200x8x32x8x128xf32, #tpu.memory_space<hbm>> -> memref<1x8x1x8x128xf32, #tpu.memory_space<hbm>>
        %dma_wait3A_635 = tpu.memref_squeeze %dma_wait3A_634 : memref<1x8x1x8x128xf32, #tpu.memory_space<hbm>> -> memref<8x8x128xf32, #tpu.memory_space<hbm>>
        %dma_wait3A_636 = arith.constant 0 : i32
        %dma_wait3A_637 = arith.constant 0 : i32
        %dma_wait3A_638 = arith.constant 0 : i32
        %dma_wait3A_639 = tpu.memref_slice %arg4[%shift_right_logical3A_628, %dma_wait3A_636, %and3A_630, %dma_wait3A_637, %dma_wait3A_638] : memref<200x8x32x8x128xf32, #tpu.memory_space<hbm>> -> memref<1x8x1x8x128xf32, #tpu.memory_space<hbm>>
        %dma_wait3A_640 = tpu.memref_squeeze %dma_wait3A_639 : memref<1x8x1x8x128xf32, #tpu.memory_space<hbm>> -> memref<8x8x128xf32, #tpu.memory_space<hbm>>
        tpu.wait_dma2 semaphore(%arg35 : memref<!tpu.dma_semaphore, #tpu.memory_space<semaphore_mem>>) src(%arg19 : memref<8x8x128xf32, #tpu.memory_space<vmem>>) dst(%dma_wait3A_640 : memref<8x8x128xf32, #tpu.memory_space<hbm>>)
      } else {
      }
      %scan3A_378 = arith.constant 0 : i32
      %scan3A_379 = arith.constant 8 : i32
      %scan3A_380 = arith.addi %scan3A_378, %scan3A_379 : i32
      %scan3A_381 = arith.constant 1 : i32
      scf.for %scan3A_625 = %scan3A_378 to %scan3A_380 step %scan3A_381  : i32 {
        %mul3A_626 = arith.constant 1 : i32
        %mul3A_627 = arith.muli %scan3A_625, %mul3A_626 : i32
        %add3A_628 = arith.constant 0 : i32
        %add3A_629 = arith.addi %add3A_628, %mul3A_627 : i32
        %mul3A_630 = arith.constant 16 : i32
        %mul3A_631 = arith.muli %add3A_629, %mul3A_630 : i32
        %parallel_loop3A = arith.constant 0 : i32
        %parallel_loop3A_632 = arith.constant 16 : i32
        %parallel_loop3A_633 = arith.constant 1 : i32
        scf.for %parallel_loop3A_634 = %parallel_loop3A to %parallel_loop3A_632 step %parallel_loop3A_633  : i32 {
          %parallel_loop3A_635 = vector.broadcast %parallel_loop3A_634 : i32 to vector<16xi32>
          %parallel_loop3A_636 = arith.addi %iota3A, %parallel_loop3A_635 : vector<16xi32>
          %parallel_loop3A_637 = arith.constant 15 : i32
          %parallel_loop3A_638 = vector.broadcast %parallel_loop3A_637 : i32 to vector<16xi32>
          %parallel_loop3A_639 = arith.andi %parallel_loop3A_636, %parallel_loop3A_638 : vector<16xi32>
          %parallel_loop3A_640 = vector.broadcast %mul3A_631 : i32 to vector<16xi32>
          %parallel_loop3A_641 = arith.addi %parallel_loop3A_640, %parallel_loop3A_639 : vector<16xi32>
          %parallel_loop3A_642 = arith.constant 0 : i32
          %parallel_loop3A_643 = vector.broadcast %parallel_loop3A_642 : i32 to vector<16xi32>
          %parallel_loop3A_644 = arith.addi %parallel_loop3A_643, %iota3A : vector<16xi32>
          %parallel_loop3A_645 = tpu.vector_load_idx %arg15[%parallel_loop3A_641, %parallel_loop3A_644] : memref<128x64xf32, #tpu.memory_space<vmem>>[vector<16xi32>, vector<16xi32>], vector<16xf32>,
          %parallel_loop3A_646 = arith.constant 3 : i32
          %parallel_loop3A_647 = vector.broadcast %parallel_loop3A_646 : i32 to vector<16xi32>
          %parallel_loop3A_648 = arith.shrui %parallel_loop3A_644, %parallel_loop3A_647 : vector<16xi32>
          %parallel_loop3A_649 = arith.constant 7 : i32
          %parallel_loop3A_650 = vector.broadcast %parallel_loop3A_649 : i32 to vector<16xi32>
          %parallel_loop3A_651 = arith.andi %parallel_loop3A_644, %parallel_loop3A_650 : vector<16xi32>
          %parallel_loop3A_652 = vector.broadcast %scan3A : f32 to vector<16xf32>
          %parallel_loop3A_653 = arith.mulf %parallel_loop3A_645, %parallel_loop3A_652 : vector<16xf32>
          tpu.vector_store_idx %arg19[%parallel_loop3A_648, %parallel_loop3A_651, %parallel_loop3A_641], %parallel_loop3A_653 : memref<8x8x128xf32, #tpu.memory_space<vmem>>[vector<16xi32>, vector<16xi32>, vector<16xi32>], vector<16xf32>,
          %parallel_loop3A_654 = arith.constant 16 : i32
          %parallel_loop3A_655 = vector.broadcast %parallel_loop3A_654 : i32 to vector<16xi32>
          %parallel_loop3A_656 = arith.addi %parallel_loop3A_655, %iota3A : vector<16xi32>
          %parallel_loop3A_657 = tpu.vector_load_idx %arg15[%parallel_loop3A_641, %parallel_loop3A_656] : memref<128x64xf32, #tpu.memory_space<vmem>>[vector<16xi32>, vector<16xi32>], vector<16xf32>,
          %parallel_loop3A_658 = arith.constant 3 : i32
          %parallel_loop3A_659 = vector.broadcast %parallel_loop3A_658 : i32 to vector<16xi32>
          %parallel_loop3A_660 = arith.shrui %parallel_loop3A_656, %parallel_loop3A_659 : vector<16xi32>
          %parallel_loop3A_661 = arith.constant 7 : i32
          %parallel_loop3A_662 = vector.broadcast %parallel_loop3A_661 : i32 to vector<16xi32>
          %parallel_loop3A_663 = arith.andi %parallel_loop3A_656, %parallel_loop3A_662 : vector<16xi32>
          %parallel_loop3A_664 = vector.broadcast %scan3A : f32 to vector<16xf32>
          %parallel_loop3A_665 = arith.mulf %parallel_loop3A_657, %parallel_loop3A_664 : vector<16xf32>
          tpu.vector_store_idx %arg19[%parallel_loop3A_660, %parallel_loop3A_663, %parallel_loop3A_641], %parallel_loop3A_665 : memref<8x8x128xf32, #tpu.memory_space<vmem>>[vector<16xi32>, vector<16xi32>, vector<16xi32>], vector<16xf32>,
          %parallel_loop3A_666 = arith.constant 32 : i32
          %parallel_loop3A_667 = vector.broadcast %parallel_loop3A_666 : i32 to vector<16xi32>
          %parallel_loop3A_668 = arith.addi %parallel_loop3A_667, %iota3A : vector<16xi32>
          %parallel_loop3A_669 = tpu.vector_load_idx %arg15[%parallel_loop3A_641, %parallel_loop3A_668] : memref<128x64xf32, #tpu.memory_space<vmem>>[vector<16xi32>, vector<16xi32>], vector<16xf32>,
          %parallel_loop3A_670 = arith.constant 3 : i32
          %parallel_loop3A_671 = vector.broadcast %parallel_loop3A_670 : i32 to vector<16xi32>
          %parallel_loop3A_672 = arith.shrui %parallel_loop3A_668, %parallel_loop3A_671 : vector<16xi32>
          %parallel_loop3A_673 = arith.constant 7 : i32
          %parallel_loop3A_674 = vector.broadcast %parallel_loop3A_673 : i32 to vector<16xi32>
          %parallel_loop3A_675 = arith.andi %parallel_loop3A_668, %parallel_loop3A_674 : vector<16xi32>
          %parallel_loop3A_676 = vector.broadcast %scan3A : f32 to vector<16xf32>
          %parallel_loop3A_677 = arith.mulf %parallel_loop3A_669, %parallel_loop3A_676 : vector<16xf32>
          tpu.vector_store_idx %arg19[%parallel_loop3A_672, %parallel_loop3A_675, %parallel_loop3A_641], %parallel_loop3A_677 : memref<8x8x128xf32, #tpu.memory_space<vmem>>[vector<16xi32>, vector<16xi32>, vector<16xi32>], vector<16xf32>,
          %parallel_loop3A_678 = arith.constant 48 : i32
          %parallel_loop3A_679 = vector.broadcast %parallel_loop3A_678 : i32 to vector<16xi32>
          %parallel_loop3A_680 = arith.addi %parallel_loop3A_679, %iota3A : vector<16xi32>
          %parallel_loop3A_681 = tpu.vector_load_idx %arg15[%parallel_loop3A_641, %parallel_loop3A_680] : memref<128x64xf32, #tpu.memory_space<vmem>>[vector<16xi32>, vector<16xi32>], vector<16xf32>,
          %parallel_loop3A_682 = arith.constant 3 : i32
          %parallel_loop3A_683 = vector.broadcast %parallel_loop3A_682 : i32 to vector<16xi32>
          %parallel_loop3A_684 = arith.shrui %parallel_loop3A_680, %parallel_loop3A_683 : vector<16xi32>
          %parallel_loop3A_685 = arith.constant 7 : i32
          %parallel_loop3A_686 = vector.broadcast %parallel_loop3A_685 : i32 to vector<16xi32>
          %parallel_loop3A_687 = arith.andi %parallel_loop3A_680, %parallel_loop3A_686 : vector<16xi32>
          %parallel_loop3A_688 = vector.broadcast %scan3A : f32 to vector<16xf32>
          %parallel_loop3A_689 = arith.mulf %parallel_loop3A_681, %parallel_loop3A_688 : vector<16xf32>
          tpu.vector_store_idx %arg19[%parallel_loop3A_684, %parallel_loop3A_687, %parallel_loop3A_641], %parallel_loop3A_689 : memref<8x8x128xf32, #tpu.memory_space<vmem>>[vector<16xi32>, vector<16xi32>, vector<16xi32>], vector<16xf32>,
        } {sc.loop_unroll_factor = 4 : i64, sc.parallel_access}
      }
      %scan3A_382 = arith.constant 8 : i32
      %add3A_383 = arith.addi %mul3A_2, %add3A_362 : i32
      %shift_right_logical3A_384 = arith.constant 5 : i32
      %shift_right_logical3A_385 = arith.shrui %add3A_383, %shift_right_logical3A_384 : i32
      %and3A_386 = arith.constant 31 : i32
      %and3A_387 = arith.andi %add3A_383, %and3A_386 : i32
      %dma_start3A_388 = arith.constant 0 : i32
      %dma_start3A_389 = arith.constant 0 : i32
      %dma_start3A_390 = arith.constant 0 : i32
      %dma_start3A_391 = tpu.memref_slice %arg4[%shift_right_logical3A_385, %dma_start3A_388, %and3A_387, %dma_start3A_389, %dma_start3A_390] : memref<200x8x32x8x128xf32, #tpu.memory_space<hbm>> -> memref<1x8x1x8x128xf32, #tpu.memory_space<hbm>>
      %dma_start3A_392 = tpu.memref_squeeze %dma_start3A_391 : memref<1x8x1x8x128xf32, #tpu.memory_space<hbm>> -> memref<8x8x128xf32, #tpu.memory_space<hbm>>
      %dma_start3A_393 = arith.constant 0 : i32
      %dma_start3A_394 = arith.constant 0 : i32
      %dma_start3A_395 = arith.constant 0 : i32
      %dma_start3A_396 = tpu.memref_slice %arg4[%shift_right_logical3A_385, %dma_start3A_393, %and3A_387, %dma_start3A_394, %dma_start3A_395] : memref<200x8x32x8x128xf32, #tpu.memory_space<hbm>> -> memref<1x8x1x8x128xf32, #tpu.memory_space<hbm>>
      %dma_start3A_397 = tpu.memref_squeeze %dma_start3A_396 : memref<1x8x1x8x128xf32, #tpu.memory_space<hbm>> -> memref<8x8x128xf32, #tpu.memory_space<hbm>>
      tpu.enqueue_dma source(%arg19 : memref<8x8x128xf32, #tpu.memory_space<vmem>>) target(%dma_start3A_397 : memref<8x8x128xf32, #tpu.memory_space<hbm>>) target_semaphore(%arg35 : memref<!tpu.dma_semaphore, #tpu.memory_space<semaphore_mem>>)
      %add3A_398 = arith.constant 4 : i32
      %add3A_399 = arith.addi %add3A_362, %add3A_398 : i32
      %lt3A_400 = arith.constant 200 : i32
      %lt3A_401 = arith.cmpi slt, %add3A_399, %lt3A_400 : i32
      %convert_element_type3A_402 = arith.extui %lt3A_401 : i1 to i32
      %cond3A_403 = arith.constant 0 : i32
      %cond3A_404 = arith.cmpi ne, %convert_element_type3A_402, %cond3A_403 : i32
      scf.if %cond3A_404 {
        %add3A_625 = arith.constant 4 : i32
        %add3A_626 = arith.addi %add3A_362, %add3A_625 : i32
        %add3A_627 = arith.addi %mul3A_2, %add3A_626 : i32
        %shift_right_logical3A_628 = arith.constant 5 : i32
        %shift_right_logical3A_629 = arith.shrui %add3A_627, %shift_right_logical3A_628 : i32
        %and3A_630 = arith.constant 31 : i32
        %and3A_631 = arith.andi %add3A_627, %and3A_630 : i32
        %shift_right_logical3A_632 = arith.constant 3 : i32
        %shift_right_logical3A_633 = arith.shrui %shift_right_logical3A_629, %shift_right_logical3A_632 : i32
        %and3A_634 = arith.constant 7 : i32
        %and3A_635 = arith.andi %shift_right_logical3A_629, %and3A_634 : i32
        %dma_wait3A_636 = arith.constant 0 : i32
        %dma_wait3A_637 = tpu.memref_slice %arg2[%shift_right_logical3A_633, %and3A_631, %and3A_635, %dma_wait3A_636] : memref<25x32x8x128xi32, #tpu.memory_space<hbm>> -> memref<1x1x1x128xi32, #tpu.memory_space<hbm>>
        %dma_wait3A_638 = tpu.memref_squeeze %dma_wait3A_637 : memref<1x1x1x128xi32, #tpu.memory_space<hbm>> -> memref<128xi32, #tpu.memory_space<hbm>>
        %dma_wait3A_639 = arith.constant 0 : i32
        %dma_wait3A_640 = tpu.memref_slice %arg2[%shift_right_logical3A_633, %and3A_631, %and3A_635, %dma_wait3A_639] : memref<25x32x8x128xi32, #tpu.memory_space<hbm>> -> memref<1x1x1x128xi32, #tpu.memory_space<hbm>>
        %dma_wait3A_641 = tpu.memref_squeeze %dma_wait3A_640 : memref<1x1x1x128xi32, #tpu.memory_space<hbm>> -> memref<128xi32, #tpu.memory_space<hbm>>
        tpu.wait_dma2 semaphore(%arg27 : memref<!tpu.dma_semaphore, #tpu.memory_space<semaphore_mem>>) src(%dma_wait3A_641 : memref<128xi32, #tpu.memory_space<hbm>>) dst(%arg11 : memref<128xi32, #tpu.memory_space<vmem>>)
        %add3A_642 = arith.constant 4 : i32
        %add3A_643 = arith.addi %add3A_362, %add3A_642 : i32
        %dma_start3A_644 = arith.constant 0 : i32
        %dma_start3A_645 = arith.constant 0 : i32
        %dma_start3A_646 = tpu.memref_slice %arg3[%dma_start3A_644, %dma_start3A_645] : memref<1000000x64xf32, #tpu.memory_space<hbm>> -> memref<1000000x64xf32, #tpu.memory_space<hbm>>
        tpu.enqueue_indirect_dma source(%dma_start3A_646 : memref<1000000x64xf32, #tpu.memory_space<hbm>>) target(%arg15 : memref<128x64xf32, #tpu.memory_space<vmem>>) offsets(%arg11 : memref<128xi32, #tpu.memory_space<vmem>>) semaphore(%arg31 : memref<!tpu.dma_semaphore, #tpu.memory_space<semaphore_mem>>)
      } else {
      }
      %add3A_405 = arith.constant 3 : i32
      %add3A_406 = arith.addi %add3A_276, %add3A_405 : i32
      %dma_wait3A_407 = arith.constant 0 : i32
      %dma_wait3A_408 = arith.constant 0 : i32
      %dma_wait3A_409 = tpu.memref_slice %arg3[%dma_wait3A_407, %dma_wait3A_408] : memref<1000000x64xf32, #tpu.memory_space<hbm>> -> memref<1000000x64xf32, #tpu.memory_space<hbm>>
      tpu.wait_indirect_dma semaphore(%arg32 : memref<!tpu.dma_semaphore, #tpu.memory_space<semaphore_mem>>) src(%dma_wait3A_409 : memref<1000000x64xf32, #tpu.memory_space<hbm>>) dst(%arg16 : memref<128x64xf32, #tpu.memory_space<vmem>>)
      %add3A_410 = arith.constant 8 : i32
      %add3A_411 = arith.addi %add3A_406, %add3A_410 : i32
      %lt3A_412 = arith.constant 200 : i32
      %lt3A_413 = arith.cmpi slt, %add3A_411, %lt3A_412 : i32
      %convert_element_type3A_414 = arith.extui %lt3A_413 : i1 to i32
      %cond3A_415 = arith.constant 0 : i32
      %cond3A_416 = arith.cmpi ne, %convert_element_type3A_414, %cond3A_415 : i32
      scf.if %cond3A_416 {
        %add3A_625 = arith.constant 8 : i32
        %add3A_626 = arith.addi %add3A_406, %add3A_625 : i32
        %add3A_627 = arith.addi %mul3A_2, %add3A_626 : i32
        %shift_right_logical3A_628 = arith.constant 5 : i32
        %shift_right_logical3A_629 = arith.shrui %add3A_627, %shift_right_logical3A_628 : i32
        %and3A_630 = arith.constant 31 : i32
        %and3A_631 = arith.andi %add3A_627, %and3A_630 : i32
        %shift_right_logical3A_632 = arith.constant 3 : i32
        %shift_right_logical3A_633 = arith.shrui %shift_right_logical3A_629, %shift_right_logical3A_632 : i32
        %and3A_634 = arith.constant 7 : i32
        %and3A_635 = arith.andi %shift_right_logical3A_629, %and3A_634 : i32
        %dma_start3A_636 = arith.constant 0 : i32
        %dma_start3A_637 = tpu.memref_slice %arg2[%shift_right_logical3A_633, %and3A_631, %and3A_635, %dma_start3A_636] : memref<25x32x8x128xi32, #tpu.memory_space<hbm>> -> memref<1x1x1x128xi32, #tpu.memory_space<hbm>>
        %dma_start3A_638 = tpu.memref_squeeze %dma_start3A_637 : memref<1x1x1x128xi32, #tpu.memory_space<hbm>> -> memref<128xi32, #tpu.memory_space<hbm>>
        %dma_start3A_639 = arith.constant 0 : i32
        %dma_start3A_640 = tpu.memref_slice %arg2[%shift_right_logical3A_633, %and3A_631, %and3A_635, %dma_start3A_639] : memref<25x32x8x128xi32, #tpu.memory_space<hbm>> -> memref<1x1x1x128xi32, #tpu.memory_space<hbm>>
        %dma_start3A_641 = tpu.memref_squeeze %dma_start3A_640 : memref<1x1x1x128xi32, #tpu.memory_space<hbm>> -> memref<128xi32, #tpu.memory_space<hbm>>
        tpu.enqueue_dma source(%dma_start3A_641 : memref<128xi32, #tpu.memory_space<hbm>>) target(%arg8 : memref<128xi32, #tpu.memory_space<vmem>>) target_semaphore(%arg24 : memref<!tpu.dma_semaphore, #tpu.memory_space<semaphore_mem>>)
      } else {
      }
      %ge3A_417 = arith.constant 4 : i32
      %ge3A_418 = arith.cmpi sge, %add3A_406, %ge3A_417 : i32
      %convert_element_type3A_419 = arith.extui %ge3A_418 : i1 to i32
      %cond3A_420 = arith.constant 0 : i32
      %cond3A_421 = arith.cmpi ne, %convert_element_type3A_419, %cond3A_420 : i32
      scf.if %cond3A_421 {
        %sub3A = arith.constant 4 : i32
        %sub3A_625 = arith.subi %add3A_406, %sub3A : i32
        %add3A_626 = arith.addi %mul3A_2, %sub3A_625 : i32
        %shift_right_logical3A_627 = arith.constant 5 : i32
        %shift_right_logical3A_628 = arith.shrui %add3A_626, %shift_right_logical3A_627 : i32
        %and3A_629 = arith.constant 31 : i32
        %and3A_630 = arith.andi %add3A_626, %and3A_629 : i32
        %dma_wait3A_631 = arith.constant 0 : i32
        %dma_wait3A_632 = arith.constant 0 : i32
        %dma_wait3A_633 = arith.constant 0 : i32
        %dma_wait3A_634 = tpu.memref_slice %arg4[%shift_right_logical3A_628, %dma_wait3A_631, %and3A_630, %dma_wait3A_632, %dma_wait3A_633] : memref<200x8x32x8x128xf32, #tpu.memory_space<hbm>> -> memref<1x8x1x8x128xf32, #tpu.memory_space<hbm>>
        %dma_wait3A_635 = tpu.memref_squeeze %dma_wait3A_634 : memref<1x8x1x8x128xf32, #tpu.memory_space<hbm>> -> memref<8x8x128xf32, #tpu.memory_space<hbm>>
        %dma_wait3A_636 = arith.constant 0 : i32
        %dma_wait3A_637 = arith.constant 0 : i32
        %dma_wait3A_638 = arith.constant 0 : i32
        %dma_wait3A_639 = tpu.memref_slice %arg4[%shift_right_logical3A_628, %dma_wait3A_636, %and3A_630, %dma_wait3A_637, %dma_wait3A_638] : memref<200x8x32x8x128xf32, #tpu.memory_space<hbm>> -> memref<1x8x1x8x128xf32, #tpu.memory_space<hbm>>
        %dma_wait3A_640 = tpu.memref_squeeze %dma_wait3A_639 : memref<1x8x1x8x128xf32, #tpu.memory_space<hbm>> -> memref<8x8x128xf32, #tpu.memory_space<hbm>>
        tpu.wait_dma2 semaphore(%arg36 : memref<!tpu.dma_semaphore, #tpu.memory_space<semaphore_mem>>) src(%arg20 : memref<8x8x128xf32, #tpu.memory_space<vmem>>) dst(%dma_wait3A_640 : memref<8x8x128xf32, #tpu.memory_space<hbm>>)
      } else {
      }
      %scan3A_422 = arith.constant 0 : i32
      %scan3A_423 = arith.constant 8 : i32
      %scan3A_424 = arith.addi %scan3A_422, %scan3A_423 : i32
      %scan3A_425 = arith.constant 1 : i32
      scf.for %scan3A_625 = %scan3A_422 to %scan3A_424 step %scan3A_425  : i32 {
        %mul3A_626 = arith.constant 1 : i32
        %mul3A_627 = arith.muli %scan3A_625, %mul3A_626 : i32
        %add3A_628 = arith.constant 0 : i32
        %add3A_629 = arith.addi %add3A_628, %mul3A_627 : i32
        %mul3A_630 = arith.constant 16 : i32
        %mul3A_631 = arith.muli %add3A_629, %mul3A_630 : i32
        %parallel_loop3A = arith.constant 0 : i32
        %parallel_loop3A_632 = arith.constant 16 : i32
        %parallel_loop3A_633 = arith.constant 1 : i32
        scf.for %parallel_loop3A_634 = %parallel_loop3A to %parallel_loop3A_632 step %parallel_loop3A_633  : i32 {
          %parallel_loop3A_635 = vector.broadcast %parallel_loop3A_634 : i32 to vector<16xi32>
          %parallel_loop3A_636 = arith.addi %iota3A, %parallel_loop3A_635 : vector<16xi32>
          %parallel_loop3A_637 = arith.constant 15 : i32
          %parallel_loop3A_638 = vector.broadcast %parallel_loop3A_637 : i32 to vector<16xi32>
          %parallel_loop3A_639 = arith.andi %parallel_loop3A_636, %parallel_loop3A_638 : vector<16xi32>
          %parallel_loop3A_640 = vector.broadcast %mul3A_631 : i32 to vector<16xi32>
          %parallel_loop3A_641 = arith.addi %parallel_loop3A_640, %parallel_loop3A_639 : vector<16xi32>
          %parallel_loop3A_642 = arith.constant 0 : i32
          %parallel_loop3A_643 = vector.broadcast %parallel_loop3A_642 : i32 to vector<16xi32>
          %parallel_loop3A_644 = arith.addi %parallel_loop3A_643, %iota3A : vector<16xi32>
          %parallel_loop3A_645 = tpu.vector_load_idx %arg16[%parallel_loop3A_641, %parallel_loop3A_644] : memref<128x64xf32, #tpu.memory_space<vmem>>[vector<16xi32>, vector<16xi32>], vector<16xf32>,
          %parallel_loop3A_646 = arith.constant 3 : i32
          %parallel_loop3A_647 = vector.broadcast %parallel_loop3A_646 : i32 to vector<16xi32>
          %parallel_loop3A_648 = arith.shrui %parallel_loop3A_644, %parallel_loop3A_647 : vector<16xi32>
          %parallel_loop3A_649 = arith.constant 7 : i32
          %parallel_loop3A_650 = vector.broadcast %parallel_loop3A_649 : i32 to vector<16xi32>
          %parallel_loop3A_651 = arith.andi %parallel_loop3A_644, %parallel_loop3A_650 : vector<16xi32>
          %parallel_loop3A_652 = vector.broadcast %scan3A : f32 to vector<16xf32>
          %parallel_loop3A_653 = arith.mulf %parallel_loop3A_645, %parallel_loop3A_652 : vector<16xf32>
          tpu.vector_store_idx %arg20[%parallel_loop3A_648, %parallel_loop3A_651, %parallel_loop3A_641], %parallel_loop3A_653 : memref<8x8x128xf32, #tpu.memory_space<vmem>>[vector<16xi32>, vector<16xi32>, vector<16xi32>], vector<16xf32>,
          %parallel_loop3A_654 = arith.constant 16 : i32
          %parallel_loop3A_655 = vector.broadcast %parallel_loop3A_654 : i32 to vector<16xi32>
          %parallel_loop3A_656 = arith.addi %parallel_loop3A_655, %iota3A : vector<16xi32>
          %parallel_loop3A_657 = tpu.vector_load_idx %arg16[%parallel_loop3A_641, %parallel_loop3A_656] : memref<128x64xf32, #tpu.memory_space<vmem>>[vector<16xi32>, vector<16xi32>], vector<16xf32>,
          %parallel_loop3A_658 = arith.constant 3 : i32
          %parallel_loop3A_659 = vector.broadcast %parallel_loop3A_658 : i32 to vector<16xi32>
          %parallel_loop3A_660 = arith.shrui %parallel_loop3A_656, %parallel_loop3A_659 : vector<16xi32>
          %parallel_loop3A_661 = arith.constant 7 : i32
          %parallel_loop3A_662 = vector.broadcast %parallel_loop3A_661 : i32 to vector<16xi32>
          %parallel_loop3A_663 = arith.andi %parallel_loop3A_656, %parallel_loop3A_662 : vector<16xi32>
          %parallel_loop3A_664 = vector.broadcast %scan3A : f32 to vector<16xf32>
          %parallel_loop3A_665 = arith.mulf %parallel_loop3A_657, %parallel_loop3A_664 : vector<16xf32>
          tpu.vector_store_idx %arg20[%parallel_loop3A_660, %parallel_loop3A_663, %parallel_loop3A_641], %parallel_loop3A_665 : memref<8x8x128xf32, #tpu.memory_space<vmem>>[vector<16xi32>, vector<16xi32>, vector<16xi32>], vector<16xf32>,
          %parallel_loop3A_666 = arith.constant 32 : i32
          %parallel_loop3A_667 = vector.broadcast %parallel_loop3A_666 : i32 to vector<16xi32>
          %parallel_loop3A_668 = arith.addi %parallel_loop3A_667, %iota3A : vector<16xi32>
          %parallel_loop3A_669 = tpu.vector_load_idx %arg16[%parallel_loop3A_641, %parallel_loop3A_668] : memref<128x64xf32, #tpu.memory_space<vmem>>[vector<16xi32>, vector<16xi32>], vector<16xf32>,
          %parallel_loop3A_670 = arith.constant 3 : i32
          %parallel_loop3A_671 = vector.broadcast %parallel_loop3A_670 : i32 to vector<16xi32>
          %parallel_loop3A_672 = arith.shrui %parallel_loop3A_668, %parallel_loop3A_671 : vector<16xi32>
          %parallel_loop3A_673 = arith.constant 7 : i32
          %parallel_loop3A_674 = vector.broadcast %parallel_loop3A_673 : i32 to vector<16xi32>
          %parallel_loop3A_675 = arith.andi %parallel_loop3A_668, %parallel_loop3A_674 : vector<16xi32>
          %parallel_loop3A_676 = vector.broadcast %scan3A : f32 to vector<16xf32>
          %parallel_loop3A_677 = arith.mulf %parallel_loop3A_669, %parallel_loop3A_676 : vector<16xf32>
          tpu.vector_store_idx %arg20[%parallel_loop3A_672, %parallel_loop3A_675, %parallel_loop3A_641], %parallel_loop3A_677 : memref<8x8x128xf32, #tpu.memory_space<vmem>>[vector<16xi32>, vector<16xi32>, vector<16xi32>], vector<16xf32>,
          %parallel_loop3A_678 = arith.constant 48 : i32
          %parallel_loop3A_679 = vector.broadcast %parallel_loop3A_678 : i32 to vector<16xi32>
          %parallel_loop3A_680 = arith.addi %parallel_loop3A_679, %iota3A : vector<16xi32>
          %parallel_loop3A_681 = tpu.vector_load_idx %arg16[%parallel_loop3A_641, %parallel_loop3A_680] : memref<128x64xf32, #tpu.memory_space<vmem>>[vector<16xi32>, vector<16xi32>], vector<16xf32>,
          %parallel_loop3A_682 = arith.constant 3 : i32
          %parallel_loop3A_683 = vector.broadcast %parallel_loop3A_682 : i32 to vector<16xi32>
          %parallel_loop3A_684 = arith.shrui %parallel_loop3A_680, %parallel_loop3A_683 : vector<16xi32>
          %parallel_loop3A_685 = arith.constant 7 : i32
          %parallel_loop3A_686 = vector.broadcast %parallel_loop3A_685 : i32 to vector<16xi32>
          %parallel_loop3A_687 = arith.andi %parallel_loop3A_680, %parallel_loop3A_686 : vector<16xi32>
          %parallel_loop3A_688 = vector.broadcast %scan3A : f32 to vector<16xf32>
          %parallel_loop3A_689 = arith.mulf %parallel_loop3A_681, %parallel_loop3A_688 : vector<16xf32>
          tpu.vector_store_idx %arg20[%parallel_loop3A_684, %parallel_loop3A_687, %parallel_loop3A_641], %parallel_loop3A_689 : memref<8x8x128xf32, #tpu.memory_space<vmem>>[vector<16xi32>, vector<16xi32>, vector<16xi32>], vector<16xf32>,
        } {sc.loop_unroll_factor = 4 : i64, sc.parallel_access}
      }
      %scan3A_426 = arith.constant 8 : i32
      %add3A_427 = arith.addi %mul3A_2, %add3A_406 : i32
      %shift_right_logical3A_428 = arith.constant 5 : i32
      %shift_right_logical3A_429 = arith.shrui %add3A_427, %shift_right_logical3A_428 : i32
      %and3A_430 = arith.constant 31 : i32
      %and3A_431 = arith.andi %add3A_427, %and3A_430 : i32
      %dma_start3A_432 = arith.constant 0 : i32
      %dma_start3A_433 = arith.constant 0 : i32
      %dma_start3A_434 = arith.constant 0 : i32
      %dma_start3A_435 = tpu.memref_slice %arg4[%shift_right_logical3A_429, %dma_start3A_432, %and3A_431, %dma_start3A_433, %dma_start3A_434] : memref<200x8x32x8x128xf32, #tpu.memory_space<hbm>> -> memref<1x8x1x8x128xf32, #tpu.memory_space<hbm>>
      %dma_start3A_436 = tpu.memref_squeeze %dma_start3A_435 : memref<1x8x1x8x128xf32, #tpu.memory_space<hbm>> -> memref<8x8x128xf32, #tpu.memory_space<hbm>>
      %dma_start3A_437 = arith.constant 0 : i32
      %dma_start3A_438 = arith.constant 0 : i32
      %dma_start3A_439 = arith.constant 0 : i32
      %dma_start3A_440 = tpu.memref_slice %arg4[%shift_right_logical3A_429, %dma_start3A_437, %and3A_431, %dma_start3A_438, %dma_start3A_439] : memref<200x8x32x8x128xf32, #tpu.memory_space<hbm>> -> memref<1x8x1x8x128xf32, #tpu.memory_space<hbm>>
      %dma_start3A_441 = tpu.memref_squeeze %dma_start3A_440 : memref<1x8x1x8x128xf32, #tpu.memory_space<hbm>> -> memref<8x8x128xf32, #tpu.memory_space<hbm>>
      tpu.enqueue_dma source(%arg20 : memref<8x8x128xf32, #tpu.memory_space<vmem>>) target(%dma_start3A_441 : memref<8x8x128xf32, #tpu.memory_space<hbm>>) target_semaphore(%arg36 : memref<!tpu.dma_semaphore, #tpu.memory_space<semaphore_mem>>)
      %add3A_442 = arith.constant 4 : i32
      %add3A_443 = arith.addi %add3A_406, %add3A_442 : i32
      %lt3A_444 = arith.constant 200 : i32
      %lt3A_445 = arith.cmpi slt, %add3A_443, %lt3A_444 : i32
      %convert_element_type3A_446 = arith.extui %lt3A_445 : i1 to i32
      %cond3A_447 = arith.constant 0 : i32
      %cond3A_448 = arith.cmpi ne, %convert_element_type3A_446, %cond3A_447 : i32
      scf.if %cond3A_448 {
        %add3A_625 = arith.constant 4 : i32
        %add3A_626 = arith.addi %add3A_406, %add3A_625 : i32
        %add3A_627 = arith.addi %mul3A_2, %add3A_626 : i32
        %shift_right_logical3A_628 = arith.constant 5 : i32
        %shift_right_logical3A_629 = arith.shrui %add3A_627, %shift_right_logical3A_628 : i32
        %and3A_630 = arith.constant 31 : i32
        %and3A_631 = arith.andi %add3A_627, %and3A_630 : i32
        %shift_right_logical3A_632 = arith.constant 3 : i32
        %shift_right_logical3A_633 = arith.shrui %shift_right_logical3A_629, %shift_right_logical3A_632 : i32
        %and3A_634 = arith.constant 7 : i32
        %and3A_635 = arith.andi %shift_right_logical3A_629, %and3A_634 : i32
        %dma_wait3A_636 = arith.constant 0 : i32
        %dma_wait3A_637 = tpu.memref_slice %arg2[%shift_right_logical3A_633, %and3A_631, %and3A_635, %dma_wait3A_636] : memref<25x32x8x128xi32, #tpu.memory_space<hbm>> -> memref<1x1x1x128xi32, #tpu.memory_space<hbm>>
        %dma_wait3A_638 = tpu.memref_squeeze %dma_wait3A_637 : memref<1x1x1x128xi32, #tpu.memory_space<hbm>> -> memref<128xi32, #tpu.memory_space<hbm>>
        %dma_wait3A_639 = arith.constant 0 : i32
        %dma_wait3A_640 = tpu.memref_slice %arg2[%shift_right_logical3A_633, %and3A_631, %and3A_635, %dma_wait3A_639] : memref<25x32x8x128xi32, #tpu.memory_space<hbm>> -> memref<1x1x1x128xi32, #tpu.memory_space<hbm>>
        %dma_wait3A_641 = tpu.memref_squeeze %dma_wait3A_640 : memref<1x1x1x128xi32, #tpu.memory_space<hbm>> -> memref<128xi32, #tpu.memory_space<hbm>>
        tpu.wait_dma2 semaphore(%arg28 : memref<!tpu.dma_semaphore, #tpu.memory_space<semaphore_mem>>) src(%dma_wait3A_641 : memref<128xi32, #tpu.memory_space<hbm>>) dst(%arg12 : memref<128xi32, #tpu.memory_space<vmem>>)
        %add3A_642 = arith.constant 4 : i32
        %add3A_643 = arith.addi %add3A_406, %add3A_642 : i32
        %dma_start3A_644 = arith.constant 0 : i32
        %dma_start3A_645 = arith.constant 0 : i32
        %dma_start3A_646 = tpu.memref_slice %arg3[%dma_start3A_644, %dma_start3A_645] : memref<1000000x64xf32, #tpu.memory_space<hbm>> -> memref<1000000x64xf32, #tpu.memory_space<hbm>>
        tpu.enqueue_indirect_dma source(%dma_start3A_646 : memref<1000000x64xf32, #tpu.memory_space<hbm>>) target(%arg16 : memref<128x64xf32, #tpu.memory_space<vmem>>) offsets(%arg12 : memref<128xi32, #tpu.memory_space<vmem>>) semaphore(%arg32 : memref<!tpu.dma_semaphore, #tpu.memory_space<semaphore_mem>>)
      } else {
      }
      %add3A_449 = arith.constant 4 : i32
      %add3A_450 = arith.addi %add3A_276, %add3A_449 : i32
      %dma_wait3A_451 = arith.constant 0 : i32
      %dma_wait3A_452 = arith.constant 0 : i32
      %dma_wait3A_453 = tpu.memref_slice %arg3[%dma_wait3A_451, %dma_wait3A_452] : memref<1000000x64xf32, #tpu.memory_space<hbm>> -> memref<1000000x64xf32, #tpu.memory_space<hbm>>
      tpu.wait_indirect_dma semaphore(%arg29 : memref<!tpu.dma_semaphore, #tpu.memory_space<semaphore_mem>>) src(%dma_wait3A_453 : memref<1000000x64xf32, #tpu.memory_space<hbm>>) dst(%arg13 : memref<128x64xf32, #tpu.memory_space<vmem>>)
      %add3A_454 = arith.constant 8 : i32
      %add3A_455 = arith.addi %add3A_450, %add3A_454 : i32
      %lt3A_456 = arith.constant 200 : i32
      %lt3A_457 = arith.cmpi slt, %add3A_455, %lt3A_456 : i32
      %convert_element_type3A_458 = arith.extui %lt3A_457 : i1 to i32
      %cond3A_459 = arith.constant 0 : i32
      %cond3A_460 = arith.cmpi ne, %convert_element_type3A_458, %cond3A_459 : i32
      scf.if %cond3A_460 {
        %add3A_625 = arith.constant 8 : i32
        %add3A_626 = arith.addi %add3A_450, %add3A_625 : i32
        %add3A_627 = arith.addi %mul3A_2, %add3A_626 : i32
        %shift_right_logical3A_628 = arith.constant 5 : i32
        %shift_right_logical3A_629 = arith.shrui %add3A_627, %shift_right_logical3A_628 : i32
        %and3A_630 = arith.constant 31 : i32
        %and3A_631 = arith.andi %add3A_627, %and3A_630 : i32
        %shift_right_logical3A_632 = arith.constant 3 : i32
        %shift_right_logical3A_633 = arith.shrui %shift_right_logical3A_629, %shift_right_logical3A_632 : i32
        %and3A_634 = arith.constant 7 : i32
        %and3A_635 = arith.andi %shift_right_logical3A_629, %and3A_634 : i32
        %dma_start3A_636 = arith.constant 0 : i32
        %dma_start3A_637 = tpu.memref_slice %arg2[%shift_right_logical3A_633, %and3A_631, %and3A_635, %dma_start3A_636] : memref<25x32x8x128xi32, #tpu.memory_space<hbm>> -> memref<1x1x1x128xi32, #tpu.memory_space<hbm>>
        %dma_start3A_638 = tpu.memref_squeeze %dma_start3A_637 : memref<1x1x1x128xi32, #tpu.memory_space<hbm>> -> memref<128xi32, #tpu.memory_space<hbm>>
        %dma_start3A_639 = arith.constant 0 : i32
        %dma_start3A_640 = tpu.memref_slice %arg2[%shift_right_logical3A_633, %and3A_631, %and3A_635, %dma_start3A_639] : memref<25x32x8x128xi32, #tpu.memory_space<hbm>> -> memref<1x1x1x128xi32, #tpu.memory_space<hbm>>
        %dma_start3A_641 = tpu.memref_squeeze %dma_start3A_640 : memref<1x1x1x128xi32, #tpu.memory_space<hbm>> -> memref<128xi32, #tpu.memory_space<hbm>>
        tpu.enqueue_dma source(%dma_start3A_641 : memref<128xi32, #tpu.memory_space<hbm>>) target(%arg9 : memref<128xi32, #tpu.memory_space<vmem>>) target_semaphore(%arg25 : memref<!tpu.dma_semaphore, #tpu.memory_space<semaphore_mem>>)
      } else {
      }
      %ge3A_461 = arith.constant 4 : i32
      %ge3A_462 = arith.cmpi sge, %add3A_450, %ge3A_461 : i32
      %convert_element_type3A_463 = arith.extui %ge3A_462 : i1 to i32
      %cond3A_464 = arith.constant 0 : i32
      %cond3A_465 = arith.cmpi ne, %convert_element_type3A_463, %cond3A_464 : i32
      scf.if %cond3A_465 {
        %sub3A = arith.constant 4 : i32
        %sub3A_625 = arith.subi %add3A_450, %sub3A : i32
        %add3A_626 = arith.addi %mul3A_2, %sub3A_625 : i32
        %shift_right_logical3A_627 = arith.constant 5 : i32
        %shift_right_logical3A_628 = arith.shrui %add3A_626, %shift_right_logical3A_627 : i32
        %and3A_629 = arith.constant 31 : i32
        %and3A_630 = arith.andi %add3A_626, %and3A_629 : i32
        %dma_wait3A_631 = arith.constant 0 : i32
        %dma_wait3A_632 = arith.constant 0 : i32
        %dma_wait3A_633 = arith.constant 0 : i32
        %dma_wait3A_634 = tpu.memref_slice %arg4[%shift_right_logical3A_628, %dma_wait3A_631, %and3A_630, %dma_wait3A_632, %dma_wait3A_633] : memref<200x8x32x8x128xf32, #tpu.memory_space<hbm>> -> memref<1x8x1x8x128xf32, #tpu.memory_space<hbm>>
        %dma_wait3A_635 = tpu.memref_squeeze %dma_wait3A_634 : memref<1x8x1x8x128xf32, #tpu.memory_space<hbm>> -> memref<8x8x128xf32, #tpu.memory_space<hbm>>
        %dma_wait3A_636 = arith.constant 0 : i32
        %dma_wait3A_637 = arith.constant 0 : i32
        %dma_wait3A_638 = arith.constant 0 : i32
        %dma_wait3A_639 = tpu.memref_slice %arg4[%shift_right_logical3A_628, %dma_wait3A_636, %and3A_630, %dma_wait3A_637, %dma_wait3A_638] : memref<200x8x32x8x128xf32, #tpu.memory_space<hbm>> -> memref<1x8x1x8x128xf32, #tpu.memory_space<hbm>>
        %dma_wait3A_640 = tpu.memref_squeeze %dma_wait3A_639 : memref<1x8x1x8x128xf32, #tpu.memory_space<hbm>> -> memref<8x8x128xf32, #tpu.memory_space<hbm>>
        tpu.wait_dma2 semaphore(%arg33 : memref<!tpu.dma_semaphore, #tpu.memory_space<semaphore_mem>>) src(%arg17 : memref<8x8x128xf32, #tpu.memory_space<vmem>>) dst(%dma_wait3A_640 : memref<8x8x128xf32, #tpu.memory_space<hbm>>)
      } else {
      }
      %scan3A_466 = arith.constant 0 : i32
      %scan3A_467 = arith.constant 8 : i32
      %scan3A_468 = arith.addi %scan3A_466, %scan3A_467 : i32
      %scan3A_469 = arith.constant 1 : i32
      scf.for %scan3A_625 = %scan3A_466 to %scan3A_468 step %scan3A_469  : i32 {
        %mul3A_626 = arith.constant 1 : i32
        %mul3A_627 = arith.muli %scan3A_625, %mul3A_626 : i32
        %add3A_628 = arith.constant 0 : i32
        %add3A_629 = arith.addi %add3A_628, %mul3A_627 : i32
        %mul3A_630 = arith.constant 16 : i32
        %mul3A_631 = arith.muli %add3A_629, %mul3A_630 : i32
        %parallel_loop3A = arith.constant 0 : i32
        %parallel_loop3A_632 = arith.constant 16 : i32
        %parallel_loop3A_633 = arith.constant 1 : i32
        scf.for %parallel_loop3A_634 = %parallel_loop3A to %parallel_loop3A_632 step %parallel_loop3A_633  : i32 {
          %parallel_loop3A_635 = vector.broadcast %parallel_loop3A_634 : i32 to vector<16xi32>
          %parallel_loop3A_636 = arith.addi %iota3A, %parallel_loop3A_635 : vector<16xi32>
          %parallel_loop3A_637 = arith.constant 15 : i32
          %parallel_loop3A_638 = vector.broadcast %parallel_loop3A_637 : i32 to vector<16xi32>
          %parallel_loop3A_639 = arith.andi %parallel_loop3A_636, %parallel_loop3A_638 : vector<16xi32>
          %parallel_loop3A_640 = vector.broadcast %mul3A_631 : i32 to vector<16xi32>
          %parallel_loop3A_641 = arith.addi %parallel_loop3A_640, %parallel_loop3A_639 : vector<16xi32>
          %parallel_loop3A_642 = arith.constant 0 : i32
          %parallel_loop3A_643 = vector.broadcast %parallel_loop3A_642 : i32 to vector<16xi32>
          %parallel_loop3A_644 = arith.addi %parallel_loop3A_643, %iota3A : vector<16xi32>
          %parallel_loop3A_645 = tpu.vector_load_idx %arg13[%parallel_loop3A_641, %parallel_loop3A_644] : memref<128x64xf32, #tpu.memory_space<vmem>>[vector<16xi32>, vector<16xi32>], vector<16xf32>,
          %parallel_loop3A_646 = arith.constant 3 : i32
          %parallel_loop3A_647 = vector.broadcast %parallel_loop3A_646 : i32 to vector<16xi32>
          %parallel_loop3A_648 = arith.shrui %parallel_loop3A_644, %parallel_loop3A_647 : vector<16xi32>
          %parallel_loop3A_649 = arith.constant 7 : i32
          %parallel_loop3A_650 = vector.broadcast %parallel_loop3A_649 : i32 to vector<16xi32>
          %parallel_loop3A_651 = arith.andi %parallel_loop3A_644, %parallel_loop3A_650 : vector<16xi32>
          %parallel_loop3A_652 = vector.broadcast %scan3A : f32 to vector<16xf32>
          %parallel_loop3A_653 = arith.mulf %parallel_loop3A_645, %parallel_loop3A_652 : vector<16xf32>
          tpu.vector_store_idx %arg17[%parallel_loop3A_648, %parallel_loop3A_651, %parallel_loop3A_641], %parallel_loop3A_653 : memref<8x8x128xf32, #tpu.memory_space<vmem>>[vector<16xi32>, vector<16xi32>, vector<16xi32>], vector<16xf32>,
          %parallel_loop3A_654 = arith.constant 16 : i32
          %parallel_loop3A_655 = vector.broadcast %parallel_loop3A_654 : i32 to vector<16xi32>
          %parallel_loop3A_656 = arith.addi %parallel_loop3A_655, %iota3A : vector<16xi32>
          %parallel_loop3A_657 = tpu.vector_load_idx %arg13[%parallel_loop3A_641, %parallel_loop3A_656] : memref<128x64xf32, #tpu.memory_space<vmem>>[vector<16xi32>, vector<16xi32>], vector<16xf32>,
          %parallel_loop3A_658 = arith.constant 3 : i32
          %parallel_loop3A_659 = vector.broadcast %parallel_loop3A_658 : i32 to vector<16xi32>
          %parallel_loop3A_660 = arith.shrui %parallel_loop3A_656, %parallel_loop3A_659 : vector<16xi32>
          %parallel_loop3A_661 = arith.constant 7 : i32
          %parallel_loop3A_662 = vector.broadcast %parallel_loop3A_661 : i32 to vector<16xi32>
          %parallel_loop3A_663 = arith.andi %parallel_loop3A_656, %parallel_loop3A_662 : vector<16xi32>
          %parallel_loop3A_664 = vector.broadcast %scan3A : f32 to vector<16xf32>
          %parallel_loop3A_665 = arith.mulf %parallel_loop3A_657, %parallel_loop3A_664 : vector<16xf32>
          tpu.vector_store_idx %arg17[%parallel_loop3A_660, %parallel_loop3A_663, %parallel_loop3A_641], %parallel_loop3A_665 : memref<8x8x128xf32, #tpu.memory_space<vmem>>[vector<16xi32>, vector<16xi32>, vector<16xi32>], vector<16xf32>,
          %parallel_loop3A_666 = arith.constant 32 : i32
          %parallel_loop3A_667 = vector.broadcast %parallel_loop3A_666 : i32 to vector<16xi32>
          %parallel_loop3A_668 = arith.addi %parallel_loop3A_667, %iota3A : vector<16xi32>
          %parallel_loop3A_669 = tpu.vector_load_idx %arg13[%parallel_loop3A_641, %parallel_loop3A_668] : memref<128x64xf32, #tpu.memory_space<vmem>>[vector<16xi32>, vector<16xi32>], vector<16xf32>,
          %parallel_loop3A_670 = arith.constant 3 : i32
          %parallel_loop3A_671 = vector.broadcast %parallel_loop3A_670 : i32 to vector<16xi32>
          %parallel_loop3A_672 = arith.shrui %parallel_loop3A_668, %parallel_loop3A_671 : vector<16xi32>
          %parallel_loop3A_673 = arith.constant 7 : i32
          %parallel_loop3A_674 = vector.broadcast %parallel_loop3A_673 : i32 to vector<16xi32>
          %parallel_loop3A_675 = arith.andi %parallel_loop3A_668, %parallel_loop3A_674 : vector<16xi32>
          %parallel_loop3A_676 = vector.broadcast %scan3A : f32 to vector<16xf32>
          %parallel_loop3A_677 = arith.mulf %parallel_loop3A_669, %parallel_loop3A_676 : vector<16xf32>
          tpu.vector_store_idx %arg17[%parallel_loop3A_672, %parallel_loop3A_675, %parallel_loop3A_641], %parallel_loop3A_677 : memref<8x8x128xf32, #tpu.memory_space<vmem>>[vector<16xi32>, vector<16xi32>, vector<16xi32>], vector<16xf32>,
          %parallel_loop3A_678 = arith.constant 48 : i32
          %parallel_loop3A_679 = vector.broadcast %parallel_loop3A_678 : i32 to vector<16xi32>
          %parallel_loop3A_680 = arith.addi %parallel_loop3A_679, %iota3A : vector<16xi32>
          %parallel_loop3A_681 = tpu.vector_load_idx %arg13[%parallel_loop3A_641, %parallel_loop3A_680] : memref<128x64xf32, #tpu.memory_space<vmem>>[vector<16xi32>, vector<16xi32>], vector<16xf32>,
          %parallel_loop3A_682 = arith.constant 3 : i32
          %parallel_loop3A_683 = vector.broadcast %parallel_loop3A_682 : i32 to vector<16xi32>
          %parallel_loop3A_684 = arith.shrui %parallel_loop3A_680, %parallel_loop3A_683 : vector<16xi32>
          %parallel_loop3A_685 = arith.constant 7 : i32
          %parallel_loop3A_686 = vector.broadcast %parallel_loop3A_685 : i32 to vector<16xi32>
          %parallel_loop3A_687 = arith.andi %parallel_loop3A_680, %parallel_loop3A_686 : vector<16xi32>
          %parallel_loop3A_688 = vector.broadcast %scan3A : f32 to vector<16xf32>
          %parallel_loop3A_689 = arith.mulf %parallel_loop3A_681, %parallel_loop3A_688 : vector<16xf32>
          tpu.vector_store_idx %arg17[%parallel_loop3A_684, %parallel_loop3A_687, %parallel_loop3A_641], %parallel_loop3A_689 : memref<8x8x128xf32, #tpu.memory_space<vmem>>[vector<16xi32>, vector<16xi32>, vector<16xi32>], vector<16xf32>,
        } {sc.loop_unroll_factor = 4 : i64, sc.parallel_access}
      }
      %scan3A_470 = arith.constant 8 : i32
      %add3A_471 = arith.addi %mul3A_2, %add3A_450 : i32
      %shift_right_logical3A_472 = arith.constant 5 : i32
      %shift_right_logical3A_473 = arith.shrui %add3A_471, %shift_right_logical3A_472 : i32
      %and3A_474 = arith.constant 31 : i32
      %and3A_475 = arith.andi %add3A_471, %and3A_474 : i32
      %dma_start3A_476 = arith.constant 0 : i32
      %dma_start3A_477 = arith.constant 0 : i32
      %dma_start3A_478 = arith.constant 0 : i32
      %dma_start3A_479 = tpu.memref_slice %arg4[%shift_right_logical3A_473, %dma_start3A_476, %and3A_475, %dma_start3A_477, %dma_start3A_478] : memref<200x8x32x8x128xf32, #tpu.memory_space<hbm>> -> memref<1x8x1x8x128xf32, #tpu.memory_space<hbm>>
      %dma_start3A_480 = tpu.memref_squeeze %dma_start3A_479 : memref<1x8x1x8x128xf32, #tpu.memory_space<hbm>> -> memref<8x8x128xf32, #tpu.memory_space<hbm>>
      %dma_start3A_481 = arith.constant 0 : i32
      %dma_start3A_482 = arith.constant 0 : i32
      %dma_start3A_483 = arith.constant 0 : i32
      %dma_start3A_484 = tpu.memref_slice %arg4[%shift_right_logical3A_473, %dma_start3A_481, %and3A_475, %dma_start3A_482, %dma_start3A_483] : memref<200x8x32x8x128xf32, #tpu.memory_space<hbm>> -> memref<1x8x1x8x128xf32, #tpu.memory_space<hbm>>
      %dma_start3A_485 = tpu.memref_squeeze %dma_start3A_484 : memref<1x8x1x8x128xf32, #tpu.memory_space<hbm>> -> memref<8x8x128xf32, #tpu.memory_space<hbm>>
      tpu.enqueue_dma source(%arg17 : memref<8x8x128xf32, #tpu.memory_space<vmem>>) target(%dma_start3A_485 : memref<8x8x128xf32, #tpu.memory_space<hbm>>) target_semaphore(%arg33 : memref<!tpu.dma_semaphore, #tpu.memory_space<semaphore_mem>>)
      %add3A_486 = arith.constant 4 : i32
      %add3A_487 = arith.addi %add3A_450, %add3A_486 : i32
      %lt3A_488 = arith.constant 200 : i32
      %lt3A_489 = arith.cmpi slt, %add3A_487, %lt3A_488 : i32
      %convert_element_type3A_490 = arith.extui %lt3A_489 : i1 to i32
      %cond3A_491 = arith.constant 0 : i32
      %cond3A_492 = arith.cmpi ne, %convert_element_type3A_490, %cond3A_491 : i32
      scf.if %cond3A_492 {
        %add3A_625 = arith.constant 4 : i32
        %add3A_626 = arith.addi %add3A_450, %add3A_625 : i32
        %add3A_627 = arith.addi %mul3A_2, %add3A_626 : i32
        %shift_right_logical3A_628 = arith.constant 5 : i32
        %shift_right_logical3A_629 = arith.shrui %add3A_627, %shift_right_logical3A_628 : i32
        %and3A_630 = arith.constant 31 : i32
        %and3A_631 = arith.andi %add3A_627, %and3A_630 : i32
        %shift_right_logical3A_632 = arith.constant 3 : i32
        %shift_right_logical3A_633 = arith.shrui %shift_right_logical3A_629, %shift_right_logical3A_632 : i32
        %and3A_634 = arith.constant 7 : i32
        %and3A_635 = arith.andi %shift_right_logical3A_629, %and3A_634 : i32
        %dma_wait3A_636 = arith.constant 0 : i32
        %dma_wait3A_637 = tpu.memref_slice %arg2[%shift_right_logical3A_633, %and3A_631, %and3A_635, %dma_wait3A_636] : memref<25x32x8x128xi32, #tpu.memory_space<hbm>> -> memref<1x1x1x128xi32, #tpu.memory_space<hbm>>
        %dma_wait3A_638 = tpu.memref_squeeze %dma_wait3A_637 : memref<1x1x1x128xi32, #tpu.memory_space<hbm>> -> memref<128xi32, #tpu.memory_space<hbm>>
        %dma_wait3A_639 = arith.constant 0 : i32
        %dma_wait3A_640 = tpu.memref_slice %arg2[%shift_right_logical3A_633, %and3A_631, %and3A_635, %dma_wait3A_639] : memref<25x32x8x128xi32, #tpu.memory_space<hbm>> -> memref<1x1x1x128xi32, #tpu.memory_space<hbm>>
        %dma_wait3A_641 = tpu.memref_squeeze %dma_wait3A_640 : memref<1x1x1x128xi32, #tpu.memory_space<hbm>> -> memref<128xi32, #tpu.memory_space<hbm>>
        tpu.wait_dma2 semaphore(%arg21 : memref<!tpu.dma_semaphore, #tpu.memory_space<semaphore_mem>>) src(%dma_wait3A_641 : memref<128xi32, #tpu.memory_space<hbm>>) dst(%arg5 : memref<128xi32, #tpu.memory_space<vmem>>)
        %add3A_642 = arith.constant 4 : i32
        %add3A_643 = arith.addi %add3A_450, %add3A_642 : i32
        %dma_start3A_644 = arith.constant 0 : i32
        %dma_start3A_645 = arith.constant 0 : i32
        %dma_start3A_646 = tpu.memref_slice %arg3[%dma_start3A_644, %dma_start3A_645] : memref<1000000x64xf32, #tpu.memory_space<hbm>> -> memref<1000000x64xf32, #tpu.memory_space<hbm>>
        tpu.enqueue_indirect_dma source(%dma_start3A_646 : memref<1000000x64xf32, #tpu.memory_space<hbm>>) target(%arg13 : memref<128x64xf32, #tpu.memory_space<vmem>>) offsets(%arg5 : memref<128xi32, #tpu.memory_space<vmem>>) semaphore(%arg29 : memref<!tpu.dma_semaphore, #tpu.memory_space<semaphore_mem>>)
      } else {
      }
      %add3A_493 = arith.constant 5 : i32
      %add3A_494 = arith.addi %add3A_276, %add3A_493 : i32
      %dma_wait3A_495 = arith.constant 0 : i32
      %dma_wait3A_496 = arith.constant 0 : i32
      %dma_wait3A_497 = tpu.memref_slice %arg3[%dma_wait3A_495, %dma_wait3A_496] : memref<1000000x64xf32, #tpu.memory_space<hbm>> -> memref<1000000x64xf32, #tpu.memory_space<hbm>>
      tpu.wait_indirect_dma semaphore(%arg30 : memref<!tpu.dma_semaphore, #tpu.memory_space<semaphore_mem>>) src(%dma_wait3A_497 : memref<1000000x64xf32, #tpu.memory_space<hbm>>) dst(%arg14 : memref<128x64xf32, #tpu.memory_space<vmem>>)
      %add3A_498 = arith.constant 8 : i32
      %add3A_499 = arith.addi %add3A_494, %add3A_498 : i32
      %lt3A_500 = arith.constant 200 : i32
      %lt3A_501 = arith.cmpi slt, %add3A_499, %lt3A_500 : i32
      %convert_element_type3A_502 = arith.extui %lt3A_501 : i1 to i32
      %cond3A_503 = arith.constant 0 : i32
      %cond3A_504 = arith.cmpi ne, %convert_element_type3A_502, %cond3A_503 : i32
      scf.if %cond3A_504 {
        %add3A_625 = arith.constant 8 : i32
        %add3A_626 = arith.addi %add3A_494, %add3A_625 : i32
        %add3A_627 = arith.addi %mul3A_2, %add3A_626 : i32
        %shift_right_logical3A_628 = arith.constant 5 : i32
        %shift_right_logical3A_629 = arith.shrui %add3A_627, %shift_right_logical3A_628 : i32
        %and3A_630 = arith.constant 31 : i32
        %and3A_631 = arith.andi %add3A_627, %and3A_630 : i32
        %shift_right_logical3A_632 = arith.constant 3 : i32
        %shift_right_logical3A_633 = arith.shrui %shift_right_logical3A_629, %shift_right_logical3A_632 : i32
        %and3A_634 = arith.constant 7 : i32
        %and3A_635 = arith.andi %shift_right_logical3A_629, %and3A_634 : i32
        %dma_start3A_636 = arith.constant 0 : i32
        %dma_start3A_637 = tpu.memref_slice %arg2[%shift_right_logical3A_633, %and3A_631, %and3A_635, %dma_start3A_636] : memref<25x32x8x128xi32, #tpu.memory_space<hbm>> -> memref<1x1x1x128xi32, #tpu.memory_space<hbm>>
        %dma_start3A_638 = tpu.memref_squeeze %dma_start3A_637 : memref<1x1x1x128xi32, #tpu.memory_space<hbm>> -> memref<128xi32, #tpu.memory_space<hbm>>
        %dma_start3A_639 = arith.constant 0 : i32
        %dma_start3A_640 = tpu.memref_slice %arg2[%shift_right_logical3A_633, %and3A_631, %and3A_635, %dma_start3A_639] : memref<25x32x8x128xi32, #tpu.memory_space<hbm>> -> memref<1x1x1x128xi32, #tpu.memory_space<hbm>>
        %dma_start3A_641 = tpu.memref_squeeze %dma_start3A_640 : memref<1x1x1x128xi32, #tpu.memory_space<hbm>> -> memref<128xi32, #tpu.memory_space<hbm>>
        tpu.enqueue_dma source(%dma_start3A_641 : memref<128xi32, #tpu.memory_space<hbm>>) target(%arg10 : memref<128xi32, #tpu.memory_space<vmem>>) target_semaphore(%arg26 : memref<!tpu.dma_semaphore, #tpu.memory_space<semaphore_mem>>)
      } else {
      }
      %ge3A_505 = arith.constant 4 : i32
      %ge3A_506 = arith.cmpi sge, %add3A_494, %ge3A_505 : i32
      %convert_element_type3A_507 = arith.extui %ge3A_506 : i1 to i32
      %cond3A_508 = arith.constant 0 : i32
      %cond3A_509 = arith.cmpi ne, %convert_element_type3A_507, %cond3A_508 : i32
      scf.if %cond3A_509 {
        %sub3A = arith.constant 4 : i32
        %sub3A_625 = arith.subi %add3A_494, %sub3A : i32
        %add3A_626 = arith.addi %mul3A_2, %sub3A_625 : i32
        %shift_right_logical3A_627 = arith.constant 5 : i32
        %shift_right_logical3A_628 = arith.shrui %add3A_626, %shift_right_logical3A_627 : i32
        %and3A_629 = arith.constant 31 : i32
        %and3A_630 = arith.andi %add3A_626, %and3A_629 : i32
        %dma_wait3A_631 = arith.constant 0 : i32
        %dma_wait3A_632 = arith.constant 0 : i32
        %dma_wait3A_633 = arith.constant 0 : i32
        %dma_wait3A_634 = tpu.memref_slice %arg4[%shift_right_logical3A_628, %dma_wait3A_631, %and3A_630, %dma_wait3A_632, %dma_wait3A_633] : memref<200x8x32x8x128xf32, #tpu.memory_space<hbm>> -> memref<1x8x1x8x128xf32, #tpu.memory_space<hbm>>
        %dma_wait3A_635 = tpu.memref_squeeze %dma_wait3A_634 : memref<1x8x1x8x128xf32, #tpu.memory_space<hbm>> -> memref<8x8x128xf32, #tpu.memory_space<hbm>>
        %dma_wait3A_636 = arith.constant 0 : i32
        %dma_wait3A_637 = arith.constant 0 : i32
        %dma_wait3A_638 = arith.constant 0 : i32
        %dma_wait3A_639 = tpu.memref_slice %arg4[%shift_right_logical3A_628, %dma_wait3A_636, %and3A_630, %dma_wait3A_637, %dma_wait3A_638] : memref<200x8x32x8x128xf32, #tpu.memory_space<hbm>> -> memref<1x8x1x8x128xf32, #tpu.memory_space<hbm>>
        %dma_wait3A_640 = tpu.memref_squeeze %dma_wait3A_639 : memref<1x8x1x8x128xf32, #tpu.memory_space<hbm>> -> memref<8x8x128xf32, #tpu.memory_space<hbm>>
        tpu.wait_dma2 semaphore(%arg34 : memref<!tpu.dma_semaphore, #tpu.memory_space<semaphore_mem>>) src(%arg18 : memref<8x8x128xf32, #tpu.memory_space<vmem>>) dst(%dma_wait3A_640 : memref<8x8x128xf32, #tpu.memory_space<hbm>>)
      } else {
      }
      %scan3A_510 = arith.constant 0 : i32
      %scan3A_511 = arith.constant 8 : i32
      %scan3A_512 = arith.addi %scan3A_510, %scan3A_511 : i32
      %scan3A_513 = arith.constant 1 : i32
      scf.for %scan3A_625 = %scan3A_510 to %scan3A_512 step %scan3A_513  : i32 {
        %mul3A_626 = arith.constant 1 : i32
        %mul3A_627 = arith.muli %scan3A_625, %mul3A_626 : i32
        %add3A_628 = arith.constant 0 : i32
        %add3A_629 = arith.addi %add3A_628, %mul3A_627 : i32
        %mul3A_630 = arith.constant 16 : i32
        %mul3A_631 = arith.muli %add3A_629, %mul3A_630 : i32
        %parallel_loop3A = arith.constant 0 : i32
        %parallel_loop3A_632 = arith.constant 16 : i32
        %parallel_loop3A_633 = arith.constant 1 : i32
        scf.for %parallel_loop3A_634 = %parallel_loop3A to %parallel_loop3A_632 step %parallel_loop3A_633  : i32 {
          %parallel_loop3A_635 = vector.broadcast %parallel_loop3A_634 : i32 to vector<16xi32>
          %parallel_loop3A_636 = arith.addi %iota3A, %parallel_loop3A_635 : vector<16xi32>
          %parallel_loop3A_637 = arith.constant 15 : i32
          %parallel_loop3A_638 = vector.broadcast %parallel_loop3A_637 : i32 to vector<16xi32>
          %parallel_loop3A_639 = arith.andi %parallel_loop3A_636, %parallel_loop3A_638 : vector<16xi32>
          %parallel_loop3A_640 = vector.broadcast %mul3A_631 : i32 to vector<16xi32>
          %parallel_loop3A_641 = arith.addi %parallel_loop3A_640, %parallel_loop3A_639 : vector<16xi32>
          %parallel_loop3A_642 = arith.constant 0 : i32
          %parallel_loop3A_643 = vector.broadcast %parallel_loop3A_642 : i32 to vector<16xi32>
          %parallel_loop3A_644 = arith.addi %parallel_loop3A_643, %iota3A : vector<16xi32>
          %parallel_loop3A_645 = tpu.vector_load_idx %arg14[%parallel_loop3A_641, %parallel_loop3A_644] : memref<128x64xf32, #tpu.memory_space<vmem>>[vector<16xi32>, vector<16xi32>], vector<16xf32>,
          %parallel_loop3A_646 = arith.constant 3 : i32
          %parallel_loop3A_647 = vector.broadcast %parallel_loop3A_646 : i32 to vector<16xi32>
          %parallel_loop3A_648 = arith.shrui %parallel_loop3A_644, %parallel_loop3A_647 : vector<16xi32>
          %parallel_loop3A_649 = arith.constant 7 : i32
          %parallel_loop3A_650 = vector.broadcast %parallel_loop3A_649 : i32 to vector<16xi32>
          %parallel_loop3A_651 = arith.andi %parallel_loop3A_644, %parallel_loop3A_650 : vector<16xi32>
          %parallel_loop3A_652 = vector.broadcast %scan3A : f32 to vector<16xf32>
          %parallel_loop3A_653 = arith.mulf %parallel_loop3A_645, %parallel_loop3A_652 : vector<16xf32>
          tpu.vector_store_idx %arg18[%parallel_loop3A_648, %parallel_loop3A_651, %parallel_loop3A_641], %parallel_loop3A_653 : memref<8x8x128xf32, #tpu.memory_space<vmem>>[vector<16xi32>, vector<16xi32>, vector<16xi32>], vector<16xf32>,
          %parallel_loop3A_654 = arith.constant 16 : i32
          %parallel_loop3A_655 = vector.broadcast %parallel_loop3A_654 : i32 to vector<16xi32>
          %parallel_loop3A_656 = arith.addi %parallel_loop3A_655, %iota3A : vector<16xi32>
          %parallel_loop3A_657 = tpu.vector_load_idx %arg14[%parallel_loop3A_641, %parallel_loop3A_656] : memref<128x64xf32, #tpu.memory_space<vmem>>[vector<16xi32>, vector<16xi32>], vector<16xf32>,
          %parallel_loop3A_658 = arith.constant 3 : i32
          %parallel_loop3A_659 = vector.broadcast %parallel_loop3A_658 : i32 to vector<16xi32>
          %parallel_loop3A_660 = arith.shrui %parallel_loop3A_656, %parallel_loop3A_659 : vector<16xi32>
          %parallel_loop3A_661 = arith.constant 7 : i32
          %parallel_loop3A_662 = vector.broadcast %parallel_loop3A_661 : i32 to vector<16xi32>
          %parallel_loop3A_663 = arith.andi %parallel_loop3A_656, %parallel_loop3A_662 : vector<16xi32>
          %parallel_loop3A_664 = vector.broadcast %scan3A : f32 to vector<16xf32>
          %parallel_loop3A_665 = arith.mulf %parallel_loop3A_657, %parallel_loop3A_664 : vector<16xf32>
          tpu.vector_store_idx %arg18[%parallel_loop3A_660, %parallel_loop3A_663, %parallel_loop3A_641], %parallel_loop3A_665 : memref<8x8x128xf32, #tpu.memory_space<vmem>>[vector<16xi32>, vector<16xi32>, vector<16xi32>], vector<16xf32>,
          %parallel_loop3A_666 = arith.constant 32 : i32
          %parallel_loop3A_667 = vector.broadcast %parallel_loop3A_666 : i32 to vector<16xi32>
          %parallel_loop3A_668 = arith.addi %parallel_loop3A_667, %iota3A : vector<16xi32>
          %parallel_loop3A_669 = tpu.vector_load_idx %arg14[%parallel_loop3A_641, %parallel_loop3A_668] : memref<128x64xf32, #tpu.memory_space<vmem>>[vector<16xi32>, vector<16xi32>], vector<16xf32>,
          %parallel_loop3A_670 = arith.constant 3 : i32
          %parallel_loop3A_671 = vector.broadcast %parallel_loop3A_670 : i32 to vector<16xi32>
          %parallel_loop3A_672 = arith.shrui %parallel_loop3A_668, %parallel_loop3A_671 : vector<16xi32>
          %parallel_loop3A_673 = arith.constant 7 : i32
          %parallel_loop3A_674 = vector.broadcast %parallel_loop3A_673 : i32 to vector<16xi32>
          %parallel_loop3A_675 = arith.andi %parallel_loop3A_668, %parallel_loop3A_674 : vector<16xi32>
          %parallel_loop3A_676 = vector.broadcast %scan3A : f32 to vector<16xf32>
          %parallel_loop3A_677 = arith.mulf %parallel_loop3A_669, %parallel_loop3A_676 : vector<16xf32>
          tpu.vector_store_idx %arg18[%parallel_loop3A_672, %parallel_loop3A_675, %parallel_loop3A_641], %parallel_loop3A_677 : memref<8x8x128xf32, #tpu.memory_space<vmem>>[vector<16xi32>, vector<16xi32>, vector<16xi32>], vector<16xf32>,
          %parallel_loop3A_678 = arith.constant 48 : i32
          %parallel_loop3A_679 = vector.broadcast %parallel_loop3A_678 : i32 to vector<16xi32>
          %parallel_loop3A_680 = arith.addi %parallel_loop3A_679, %iota3A : vector<16xi32>
          %parallel_loop3A_681 = tpu.vector_load_idx %arg14[%parallel_loop3A_641, %parallel_loop3A_680] : memref<128x64xf32, #tpu.memory_space<vmem>>[vector<16xi32>, vector<16xi32>], vector<16xf32>,
          %parallel_loop3A_682 = arith.constant 3 : i32
          %parallel_loop3A_683 = vector.broadcast %parallel_loop3A_682 : i32 to vector<16xi32>
          %parallel_loop3A_684 = arith.shrui %parallel_loop3A_680, %parallel_loop3A_683 : vector<16xi32>
          %parallel_loop3A_685 = arith.constant 7 : i32
          %parallel_loop3A_686 = vector.broadcast %parallel_loop3A_685 : i32 to vector<16xi32>
          %parallel_loop3A_687 = arith.andi %parallel_loop3A_680, %parallel_loop3A_686 : vector<16xi32>
          %parallel_loop3A_688 = vector.broadcast %scan3A : f32 to vector<16xf32>
          %parallel_loop3A_689 = arith.mulf %parallel_loop3A_681, %parallel_loop3A_688 : vector<16xf32>
          tpu.vector_store_idx %arg18[%parallel_loop3A_684, %parallel_loop3A_687, %parallel_loop3A_641], %parallel_loop3A_689 : memref<8x8x128xf32, #tpu.memory_space<vmem>>[vector<16xi32>, vector<16xi32>, vector<16xi32>], vector<16xf32>,
        } {sc.loop_unroll_factor = 4 : i64, sc.parallel_access}
      }
      %scan3A_514 = arith.constant 8 : i32
      %add3A_515 = arith.addi %mul3A_2, %add3A_494 : i32
      %shift_right_logical3A_516 = arith.constant 5 : i32
      %shift_right_logical3A_517 = arith.shrui %add3A_515, %shift_right_logical3A_516 : i32
      %and3A_518 = arith.constant 31 : i32
      %and3A_519 = arith.andi %add3A_515, %and3A_518 : i32
      %dma_start3A_520 = arith.constant 0 : i32
      %dma_start3A_521 = arith.constant 0 : i32
      %dma_start3A_522 = arith.constant 0 : i32
      %dma_start3A_523 = tpu.memref_slice %arg4[%shift_right_logical3A_517, %dma_start3A_520, %and3A_519, %dma_start3A_521, %dma_start3A_522] : memref<200x8x32x8x128xf32, #tpu.memory_space<hbm>> -> memref<1x8x1x8x128xf32, #tpu.memory_space<hbm>>
      %dma_start3A_524 = tpu.memref_squeeze %dma_start3A_523 : memref<1x8x1x8x128xf32, #tpu.memory_space<hbm>> -> memref<8x8x128xf32, #tpu.memory_space<hbm>>
      %dma_start3A_525 = arith.constant 0 : i32
      %dma_start3A_526 = arith.constant 0 : i32
      %dma_start3A_527 = arith.constant 0 : i32
      %dma_start3A_528 = tpu.memref_slice %arg4[%shift_right_logical3A_517, %dma_start3A_525, %and3A_519, %dma_start3A_526, %dma_start3A_527] : memref<200x8x32x8x128xf32, #tpu.memory_space<hbm>> -> memref<1x8x1x8x128xf32, #tpu.memory_space<hbm>>
      %dma_start3A_529 = tpu.memref_squeeze %dma_start3A_528 : memref<1x8x1x8x128xf32, #tpu.memory_space<hbm>> -> memref<8x8x128xf32, #tpu.memory_space<hbm>>
      tpu.enqueue_dma source(%arg18 : memref<8x8x128xf32, #tpu.memory_space<vmem>>) target(%dma_start3A_529 : memref<8x8x128xf32, #tpu.memory_space<hbm>>) target_semaphore(%arg34 : memref<!tpu.dma_semaphore, #tpu.memory_space<semaphore_mem>>)
      %add3A_530 = arith.constant 4 : i32
      %add3A_531 = arith.addi %add3A_494, %add3A_530 : i32
      %lt3A_532 = arith.constant 200 : i32
      %lt3A_533 = arith.cmpi slt, %add3A_531, %lt3A_532 : i32
      %convert_element_type3A_534 = arith.extui %lt3A_533 : i1 to i32
      %cond3A_535 = arith.constant 0 : i32
      %cond3A_536 = arith.cmpi ne, %convert_element_type3A_534, %cond3A_535 : i32
      scf.if %cond3A_536 {
        %add3A_625 = arith.constant 4 : i32
        %add3A_626 = arith.addi %add3A_494, %add3A_625 : i32
        %add3A_627 = arith.addi %mul3A_2, %add3A_626 : i32
        %shift_right_logical3A_628 = arith.constant 5 : i32
        %shift_right_logical3A_629 = arith.shrui %add3A_627, %shift_right_logical3A_628 : i32
        %and3A_630 = arith.constant 31 : i32
        %and3A_631 = arith.andi %add3A_627, %and3A_630 : i32
        %shift_right_logical3A_632 = arith.constant 3 : i32
        %shift_right_logical3A_633 = arith.shrui %shift_right_logical3A_629, %shift_right_logical3A_632 : i32
        %and3A_634 = arith.constant 7 : i32
        %and3A_635 = arith.andi %shift_right_logical3A_629, %and3A_634 : i32
        %dma_wait3A_636 = arith.constant 0 : i32
        %dma_wait3A_637 = tpu.memref_slice %arg2[%shift_right_logical3A_633, %and3A_631, %and3A_635, %dma_wait3A_636] : memref<25x32x8x128xi32, #tpu.memory_space<hbm>> -> memref<1x1x1x128xi32, #tpu.memory_space<hbm>>
        %dma_wait3A_638 = tpu.memref_squeeze %dma_wait3A_637 : memref<1x1x1x128xi32, #tpu.memory_space<hbm>> -> memref<128xi32, #tpu.memory_space<hbm>>
        %dma_wait3A_639 = arith.constant 0 : i32
        %dma_wait3A_640 = tpu.memref_slice %arg2[%shift_right_logical3A_633, %and3A_631, %and3A_635, %dma_wait3A_639] : memref<25x32x8x128xi32, #tpu.memory_space<hbm>> -> memref<1x1x1x128xi32, #tpu.memory_space<hbm>>
        %dma_wait3A_641 = tpu.memref_squeeze %dma_wait3A_640 : memref<1x1x1x128xi32, #tpu.memory_space<hbm>> -> memref<128xi32, #tpu.memory_space<hbm>>
        tpu.wait_dma2 semaphore(%arg22 : memref<!tpu.dma_semaphore, #tpu.memory_space<semaphore_mem>>) src(%dma_wait3A_641 : memref<128xi32, #tpu.memory_space<hbm>>) dst(%arg6 : memref<128xi32, #tpu.memory_space<vmem>>)
        %add3A_642 = arith.constant 4 : i32
        %add3A_643 = arith.addi %add3A_494, %add3A_642 : i32
        %dma_start3A_644 = arith.constant 0 : i32
        %dma_start3A_645 = arith.constant 0 : i32
        %dma_start3A_646 = tpu.memref_slice %arg3[%dma_start3A_644, %dma_start3A_645] : memref<1000000x64xf32, #tpu.memory_space<hbm>> -> memref<1000000x64xf32, #tpu.memory_space<hbm>>
        tpu.enqueue_indirect_dma source(%dma_start3A_646 : memref<1000000x64xf32, #tpu.memory_space<hbm>>) target(%arg14 : memref<128x64xf32, #tpu.memory_space<vmem>>) offsets(%arg6 : memref<128xi32, #tpu.memory_space<vmem>>) semaphore(%arg30 : memref<!tpu.dma_semaphore, #tpu.memory_space<semaphore_mem>>)
      } else {
      }
      %add3A_537 = arith.constant 6 : i32
      %add3A_538 = arith.addi %add3A_276, %add3A_537 : i32
      %dma_wait3A_539 = arith.constant 0 : i32
      %dma_wait3A_540 = arith.constant 0 : i32
      %dma_wait3A_541 = tpu.memref_slice %arg3[%dma_wait3A_539, %dma_wait3A_540] : memref<1000000x64xf32, #tpu.memory_space<hbm>> -> memref<1000000x64xf32, #tpu.memory_space<hbm>>
      tpu.wait_indirect_dma semaphore(%arg31 : memref<!tpu.dma_semaphore, #tpu.memory_space<semaphore_mem>>) src(%dma_wait3A_541 : memref<1000000x64xf32, #tpu.memory_space<hbm>>) dst(%arg15 : memref<128x64xf32, #tpu.memory_space<vmem>>)
      %add3A_542 = arith.constant 8 : i32
      %add3A_543 = arith.addi %add3A_538, %add3A_542 : i32
      %lt3A_544 = arith.constant 200 : i32
      %lt3A_545 = arith.cmpi slt, %add3A_543, %lt3A_544 : i32
      %convert_element_type3A_546 = arith.extui %lt3A_545 : i1 to i32
      %cond3A_547 = arith.constant 0 : i32
      %cond3A_548 = arith.cmpi ne, %convert_element_type3A_546, %cond3A_547 : i32
      scf.if %cond3A_548 {
        %add3A_625 = arith.constant 8 : i32
        %add3A_626 = arith.addi %add3A_538, %add3A_625 : i32
        %add3A_627 = arith.addi %mul3A_2, %add3A_626 : i32
        %shift_right_logical3A_628 = arith.constant 5 : i32
        %shift_right_logical3A_629 = arith.shrui %add3A_627, %shift_right_logical3A_628 : i32
        %and3A_630 = arith.constant 31 : i32
        %and3A_631 = arith.andi %add3A_627, %and3A_630 : i32
        %shift_right_logical3A_632 = arith.constant 3 : i32
        %shift_right_logical3A_633 = arith.shrui %shift_right_logical3A_629, %shift_right_logical3A_632 : i32
        %and3A_634 = arith.constant 7 : i32
        %and3A_635 = arith.andi %shift_right_logical3A_629, %and3A_634 : i32
        %dma_start3A_636 = arith.constant 0 : i32
        %dma_start3A_637 = tpu.memref_slice %arg2[%shift_right_logical3A_633, %and3A_631, %and3A_635, %dma_start3A_636] : memref<25x32x8x128xi32, #tpu.memory_space<hbm>> -> memref<1x1x1x128xi32, #tpu.memory_space<hbm>>
        %dma_start3A_638 = tpu.memref_squeeze %dma_start3A_637 : memref<1x1x1x128xi32, #tpu.memory_space<hbm>> -> memref<128xi32, #tpu.memory_space<hbm>>
        %dma_start3A_639 = arith.constant 0 : i32
        %dma_start3A_640 = tpu.memref_slice %arg2[%shift_right_logical3A_633, %and3A_631, %and3A_635, %dma_start3A_639] : memref<25x32x8x128xi32, #tpu.memory_space<hbm>> -> memref<1x1x1x128xi32, #tpu.memory_space<hbm>>
        %dma_start3A_641 = tpu.memref_squeeze %dma_start3A_640 : memref<1x1x1x128xi32, #tpu.memory_space<hbm>> -> memref<128xi32, #tpu.memory_space<hbm>>
        tpu.enqueue_dma source(%dma_start3A_641 : memref<128xi32, #tpu.memory_space<hbm>>) target(%arg11 : memref<128xi32, #tpu.memory_space<vmem>>) target_semaphore(%arg27 : memref<!tpu.dma_semaphore, #tpu.memory_space<semaphore_mem>>)
      } else {
      }
      %ge3A_549 = arith.constant 4 : i32
      %ge3A_550 = arith.cmpi sge, %add3A_538, %ge3A_549 : i32
      %convert_element_type3A_551 = arith.extui %ge3A_550 : i1 to i32
      %cond3A_552 = arith.constant 0 : i32
      %cond3A_553 = arith.cmpi ne, %convert_element_type3A_551, %cond3A_552 : i32
      scf.if %cond3A_553 {
        %sub3A = arith.constant 4 : i32
        %sub3A_625 = arith.subi %add3A_538, %sub3A : i32
        %add3A_626 = arith.addi %mul3A_2, %sub3A_625 : i32
        %shift_right_logical3A_627 = arith.constant 5 : i32
        %shift_right_logical3A_628 = arith.shrui %add3A_626, %shift_right_logical3A_627 : i32
        %and3A_629 = arith.constant 31 : i32
        %and3A_630 = arith.andi %add3A_626, %and3A_629 : i32
        %dma_wait3A_631 = arith.constant 0 : i32
        %dma_wait3A_632 = arith.constant 0 : i32
        %dma_wait3A_633 = arith.constant 0 : i32
        %dma_wait3A_634 = tpu.memref_slice %arg4[%shift_right_logical3A_628, %dma_wait3A_631, %and3A_630, %dma_wait3A_632, %dma_wait3A_633] : memref<200x8x32x8x128xf32, #tpu.memory_space<hbm>> -> memref<1x8x1x8x128xf32, #tpu.memory_space<hbm>>
        %dma_wait3A_635 = tpu.memref_squeeze %dma_wait3A_634 : memref<1x8x1x8x128xf32, #tpu.memory_space<hbm>> -> memref<8x8x128xf32, #tpu.memory_space<hbm>>
        %dma_wait3A_636 = arith.constant 0 : i32
        %dma_wait3A_637 = arith.constant 0 : i32
        %dma_wait3A_638 = arith.constant 0 : i32
        %dma_wait3A_639 = tpu.memref_slice %arg4[%shift_right_logical3A_628, %dma_wait3A_636, %and3A_630, %dma_wait3A_637, %dma_wait3A_638] : memref<200x8x32x8x128xf32, #tpu.memory_space<hbm>> -> memref<1x8x1x8x128xf32, #tpu.memory_space<hbm>>
        %dma_wait3A_640 = tpu.memref_squeeze %dma_wait3A_639 : memref<1x8x1x8x128xf32, #tpu.memory_space<hbm>> -> memref<8x8x128xf32, #tpu.memory_space<hbm>>
        tpu.wait_dma2 semaphore(%arg35 : memref<!tpu.dma_semaphore, #tpu.memory_space<semaphore_mem>>) src(%arg19 : memref<8x8x128xf32, #tpu.memory_space<vmem>>) dst(%dma_wait3A_640 : memref<8x8x128xf32, #tpu.memory_space<hbm>>)
      } else {
      }
      %scan3A_554 = arith.constant 0 : i32
      %scan3A_555 = arith.constant 8 : i32
      %scan3A_556 = arith.addi %scan3A_554, %scan3A_555 : i32
      %scan3A_557 = arith.constant 1 : i32
      scf.for %scan3A_625 = %scan3A_554 to %scan3A_556 step %scan3A_557  : i32 {
        %mul3A_626 = arith.constant 1 : i32
        %mul3A_627 = arith.muli %scan3A_625, %mul3A_626 : i32
        %add3A_628 = arith.constant 0 : i32
        %add3A_629 = arith.addi %add3A_628, %mul3A_627 : i32
        %mul3A_630 = arith.constant 16 : i32
        %mul3A_631 = arith.muli %add3A_629, %mul3A_630 : i32
        %parallel_loop3A = arith.constant 0 : i32
        %parallel_loop3A_632 = arith.constant 16 : i32
        %parallel_loop3A_633 = arith.constant 1 : i32
        scf.for %parallel_loop3A_634 = %parallel_loop3A to %parallel_loop3A_632 step %parallel_loop3A_633  : i32 {
          %parallel_loop3A_635 = vector.broadcast %parallel_loop3A_634 : i32 to vector<16xi32>
          %parallel_loop3A_636 = arith.addi %iota3A, %parallel_loop3A_635 : vector<16xi32>
          %parallel_loop3A_637 = arith.constant 15 : i32
          %parallel_loop3A_638 = vector.broadcast %parallel_loop3A_637 : i32 to vector<16xi32>
          %parallel_loop3A_639 = arith.andi %parallel_loop3A_636, %parallel_loop3A_638 : vector<16xi32>
          %parallel_loop3A_640 = vector.broadcast %mul3A_631 : i32 to vector<16xi32>
          %parallel_loop3A_641 = arith.addi %parallel_loop3A_640, %parallel_loop3A_639 : vector<16xi32>
          %parallel_loop3A_642 = arith.constant 0 : i32
          %parallel_loop3A_643 = vector.broadcast %parallel_loop3A_642 : i32 to vector<16xi32>
          %parallel_loop3A_644 = arith.addi %parallel_loop3A_643, %iota3A : vector<16xi32>
          %parallel_loop3A_645 = tpu.vector_load_idx %arg15[%parallel_loop3A_641, %parallel_loop3A_644] : memref<128x64xf32, #tpu.memory_space<vmem>>[vector<16xi32>, vector<16xi32>], vector<16xf32>,
          %parallel_loop3A_646 = arith.constant 3 : i32
          %parallel_loop3A_647 = vector.broadcast %parallel_loop3A_646 : i32 to vector<16xi32>
          %parallel_loop3A_648 = arith.shrui %parallel_loop3A_644, %parallel_loop3A_647 : vector<16xi32>
          %parallel_loop3A_649 = arith.constant 7 : i32
          %parallel_loop3A_650 = vector.broadcast %parallel_loop3A_649 : i32 to vector<16xi32>
          %parallel_loop3A_651 = arith.andi %parallel_loop3A_644, %parallel_loop3A_650 : vector<16xi32>
          %parallel_loop3A_652 = vector.broadcast %scan3A : f32 to vector<16xf32>
          %parallel_loop3A_653 = arith.mulf %parallel_loop3A_645, %parallel_loop3A_652 : vector<16xf32>
          tpu.vector_store_idx %arg19[%parallel_loop3A_648, %parallel_loop3A_651, %parallel_loop3A_641], %parallel_loop3A_653 : memref<8x8x128xf32, #tpu.memory_space<vmem>>[vector<16xi32>, vector<16xi32>, vector<16xi32>], vector<16xf32>,
          %parallel_loop3A_654 = arith.constant 16 : i32
          %parallel_loop3A_655 = vector.broadcast %parallel_loop3A_654 : i32 to vector<16xi32>
          %parallel_loop3A_656 = arith.addi %parallel_loop3A_655, %iota3A : vector<16xi32>
          %parallel_loop3A_657 = tpu.vector_load_idx %arg15[%parallel_loop3A_641, %parallel_loop3A_656] : memref<128x64xf32, #tpu.memory_space<vmem>>[vector<16xi32>, vector<16xi32>], vector<16xf32>,
          %parallel_loop3A_658 = arith.constant 3 : i32
          %parallel_loop3A_659 = vector.broadcast %parallel_loop3A_658 : i32 to vector<16xi32>
          %parallel_loop3A_660 = arith.shrui %parallel_loop3A_656, %parallel_loop3A_659 : vector<16xi32>
          %parallel_loop3A_661 = arith.constant 7 : i32
          %parallel_loop3A_662 = vector.broadcast %parallel_loop3A_661 : i32 to vector<16xi32>
          %parallel_loop3A_663 = arith.andi %parallel_loop3A_656, %parallel_loop3A_662 : vector<16xi32>
          %parallel_loop3A_664 = vector.broadcast %scan3A : f32 to vector<16xf32>
          %parallel_loop3A_665 = arith.mulf %parallel_loop3A_657, %parallel_loop3A_664 : vector<16xf32>
          tpu.vector_store_idx %arg19[%parallel_loop3A_660, %parallel_loop3A_663, %parallel_loop3A_641], %parallel_loop3A_665 : memref<8x8x128xf32, #tpu.memory_space<vmem>>[vector<16xi32>, vector<16xi32>, vector<16xi32>], vector<16xf32>,
          %parallel_loop3A_666 = arith.constant 32 : i32
          %parallel_loop3A_667 = vector.broadcast %parallel_loop3A_666 : i32 to vector<16xi32>
          %parallel_loop3A_668 = arith.addi %parallel_loop3A_667, %iota3A : vector<16xi32>
          %parallel_loop3A_669 = tpu.vector_load_idx %arg15[%parallel_loop3A_641, %parallel_loop3A_668] : memref<128x64xf32, #tpu.memory_space<vmem>>[vector<16xi32>, vector<16xi32>], vector<16xf32>,
          %parallel_loop3A_670 = arith.constant 3 : i32
          %parallel_loop3A_671 = vector.broadcast %parallel_loop3A_670 : i32 to vector<16xi32>
          %parallel_loop3A_672 = arith.shrui %parallel_loop3A_668, %parallel_loop3A_671 : vector<16xi32>
          %parallel_loop3A_673 = arith.constant 7 : i32
          %parallel_loop3A_674 = vector.broadcast %parallel_loop3A_673 : i32 to vector<16xi32>
          %parallel_loop3A_675 = arith.andi %parallel_loop3A_668, %parallel_loop3A_674 : vector<16xi32>
          %parallel_loop3A_676 = vector.broadcast %scan3A : f32 to vector<16xf32>
          %parallel_loop3A_677 = arith.mulf %parallel_loop3A_669, %parallel_loop3A_676 : vector<16xf32>
          tpu.vector_store_idx %arg19[%parallel_loop3A_672, %parallel_loop3A_675, %parallel_loop3A_641], %parallel_loop3A_677 : memref<8x8x128xf32, #tpu.memory_space<vmem>>[vector<16xi32>, vector<16xi32>, vector<16xi32>], vector<16xf32>,
          %parallel_loop3A_678 = arith.constant 48 : i32
          %parallel_loop3A_679 = vector.broadcast %parallel_loop3A_678 : i32 to vector<16xi32>
          %parallel_loop3A_680 = arith.addi %parallel_loop3A_679, %iota3A : vector<16xi32>
          %parallel_loop3A_681 = tpu.vector_load_idx %arg15[%parallel_loop3A_641, %parallel_loop3A_680] : memref<128x64xf32, #tpu.memory_space<vmem>>[vector<16xi32>, vector<16xi32>], vector<16xf32>,
          %parallel_loop3A_682 = arith.constant 3 : i32
          %parallel_loop3A_683 = vector.broadcast %parallel_loop3A_682 : i32 to vector<16xi32>
          %parallel_loop3A_684 = arith.shrui %parallel_loop3A_680, %parallel_loop3A_683 : vector<16xi32>
          %parallel_loop3A_685 = arith.constant 7 : i32
          %parallel_loop3A_686 = vector.broadcast %parallel_loop3A_685 : i32 to vector<16xi32>
          %parallel_loop3A_687 = arith.andi %parallel_loop3A_680, %parallel_loop3A_686 : vector<16xi32>
          %parallel_loop3A_688 = vector.broadcast %scan3A : f32 to vector<16xf32>
          %parallel_loop3A_689 = arith.mulf %parallel_loop3A_681, %parallel_loop3A_688 : vector<16xf32>
          tpu.vector_store_idx %arg19[%parallel_loop3A_684, %parallel_loop3A_687, %parallel_loop3A_641], %parallel_loop3A_689 : memref<8x8x128xf32, #tpu.memory_space<vmem>>[vector<16xi32>, vector<16xi32>, vector<16xi32>], vector<16xf32>,
        } {sc.loop_unroll_factor = 4 : i64, sc.parallel_access}
      }
      %scan3A_558 = arith.constant 8 : i32
      %add3A_559 = arith.addi %mul3A_2, %add3A_538 : i32
      %shift_right_logical3A_560 = arith.constant 5 : i32
      %shift_right_logical3A_561 = arith.shrui %add3A_559, %shift_right_logical3A_560 : i32
      %and3A_562 = arith.constant 31 : i32
      %and3A_563 = arith.andi %add3A_559, %and3A_562 : i32
      %dma_start3A_564 = arith.constant 0 : i32
      %dma_start3A_565 = arith.constant 0 : i32
      %dma_start3A_566 = arith.constant 0 : i32
      %dma_start3A_567 = tpu.memref_slice %arg4[%shift_right_logical3A_561, %dma_start3A_564, %and3A_563, %dma_start3A_565, %dma_start3A_566] : memref<200x8x32x8x128xf32, #tpu.memory_space<hbm>> -> memref<1x8x1x8x128xf32, #tpu.memory_space<hbm>>
      %dma_start3A_568 = tpu.memref_squeeze %dma_start3A_567 : memref<1x8x1x8x128xf32, #tpu.memory_space<hbm>> -> memref<8x8x128xf32, #tpu.memory_space<hbm>>
      %dma_start3A_569 = arith.constant 0 : i32
      %dma_start3A_570 = arith.constant 0 : i32
      %dma_start3A_571 = arith.constant 0 : i32
      %dma_start3A_572 = tpu.memref_slice %arg4[%shift_right_logical3A_561, %dma_start3A_569, %and3A_563, %dma_start3A_570, %dma_start3A_571] : memref<200x8x32x8x128xf32, #tpu.memory_space<hbm>> -> memref<1x8x1x8x128xf32, #tpu.memory_space<hbm>>
      %dma_start3A_573 = tpu.memref_squeeze %dma_start3A_572 : memref<1x8x1x8x128xf32, #tpu.memory_space<hbm>> -> memref<8x8x128xf32, #tpu.memory_space<hbm>>
      tpu.enqueue_dma source(%arg19 : memref<8x8x128xf32, #tpu.memory_space<vmem>>) target(%dma_start3A_573 : memref<8x8x128xf32, #tpu.memory_space<hbm>>) target_semaphore(%arg35 : memref<!tpu.dma_semaphore, #tpu.memory_space<semaphore_mem>>)
      %add3A_574 = arith.constant 4 : i32
      %add3A_575 = arith.addi %add3A_538, %add3A_574 : i32
      %lt3A_576 = arith.constant 200 : i32
      %lt3A_577 = arith.cmpi slt, %add3A_575, %lt3A_576 : i32
      %convert_element_type3A_578 = arith.extui %lt3A_577 : i1 to i32
      %cond3A_579 = arith.constant 0 : i32
      %cond3A_580 = arith.cmpi ne, %convert_element_type3A_578, %cond3A_579 : i32
      scf.if %cond3A_580 {
        %add3A_625 = arith.constant 4 : i32
        %add3A_626 = arith.addi %add3A_538, %add3A_625 : i32
        %add3A_627 = arith.addi %mul3A_2, %add3A_626 : i32
        %shift_right_logical3A_628 = arith.constant 5 : i32
        %shift_right_logical3A_629 = arith.shrui %add3A_627, %shift_right_logical3A_628 : i32
        %and3A_630 = arith.constant 31 : i32
        %and3A_631 = arith.andi %add3A_627, %and3A_630 : i32
        %shift_right_logical3A_632 = arith.constant 3 : i32
        %shift_right_logical3A_633 = arith.shrui %shift_right_logical3A_629, %shift_right_logical3A_632 : i32
        %and3A_634 = arith.constant 7 : i32
        %and3A_635 = arith.andi %shift_right_logical3A_629, %and3A_634 : i32
        %dma_wait3A_636 = arith.constant 0 : i32
        %dma_wait3A_637 = tpu.memref_slice %arg2[%shift_right_logical3A_633, %and3A_631, %and3A_635, %dma_wait3A_636] : memref<25x32x8x128xi32, #tpu.memory_space<hbm>> -> memref<1x1x1x128xi32, #tpu.memory_space<hbm>>
        %dma_wait3A_638 = tpu.memref_squeeze %dma_wait3A_637 : memref<1x1x1x128xi32, #tpu.memory_space<hbm>> -> memref<128xi32, #tpu.memory_space<hbm>>
        %dma_wait3A_639 = arith.constant 0 : i32
        %dma_wait3A_640 = tpu.memref_slice %arg2[%shift_right_logical3A_633, %and3A_631, %and3A_635, %dma_wait3A_639] : memref<25x32x8x128xi32, #tpu.memory_space<hbm>> -> memref<1x1x1x128xi32, #tpu.memory_space<hbm>>
        %dma_wait3A_641 = tpu.memref_squeeze %dma_wait3A_640 : memref<1x1x1x128xi32, #tpu.memory_space<hbm>> -> memref<128xi32, #tpu.memory_space<hbm>>
        tpu.wait_dma2 semaphore(%arg23 : memref<!tpu.dma_semaphore, #tpu.memory_space<semaphore_mem>>) src(%dma_wait3A_641 : memref<128xi32, #tpu.memory_space<hbm>>) dst(%arg7 : memref<128xi32, #tpu.memory_space<vmem>>)
        %add3A_642 = arith.constant 4 : i32
        %add3A_643 = arith.addi %add3A_538, %add3A_642 : i32
        %dma_start3A_644 = arith.constant 0 : i32
        %dma_start3A_645 = arith.constant 0 : i32
        %dma_start3A_646 = tpu.memref_slice %arg3[%dma_start3A_644, %dma_start3A_645] : memref<1000000x64xf32, #tpu.memory_space<hbm>> -> memref<1000000x64xf32, #tpu.memory_space<hbm>>
        tpu.enqueue_indirect_dma source(%dma_start3A_646 : memref<1000000x64xf32, #tpu.memory_space<hbm>>) target(%arg15 : memref<128x64xf32, #tpu.memory_space<vmem>>) offsets(%arg7 : memref<128xi32, #tpu.memory_space<vmem>>) semaphore(%arg31 : memref<!tpu.dma_semaphore, #tpu.memory_space<semaphore_mem>>)
      } else {
      }
      %add3A_581 = arith.constant 7 : i32
      %add3A_582 = arith.addi %add3A_276, %add3A_581 : i32
      %dma_wait3A_583 = arith.constant 0 : i32
      %dma_wait3A_584 = arith.constant 0 : i32
      %dma_wait3A_585 = tpu.memref_slice %arg3[%dma_wait3A_583, %dma_wait3A_584] : memref<1000000x64xf32, #tpu.memory_space<hbm>> -> memref<1000000x64xf32, #tpu.memory_space<hbm>>
      tpu.wait_indirect_dma semaphore(%arg32 : memref<!tpu.dma_semaphore, #tpu.memory_space<semaphore_mem>>) src(%dma_wait3A_585 : memref<1000000x64xf32, #tpu.memory_space<hbm>>) dst(%arg16 : memref<128x64xf32, #tpu.memory_space<vmem>>)
      %add3A_586 = arith.constant 8 : i32
      %add3A_587 = arith.addi %add3A_582, %add3A_586 : i32
      %lt3A_588 = arith.constant 200 : i32
      %lt3A_589 = arith.cmpi slt, %add3A_587, %lt3A_588 : i32
      %convert_element_type3A_590 = arith.extui %lt3A_589 : i1 to i32
      %cond3A_591 = arith.constant 0 : i32
      %cond3A_592 = arith.cmpi ne, %convert_element_type3A_590, %cond3A_591 : i32
      scf.if %cond3A_592 {
        %add3A_625 = arith.constant 8 : i32
        %add3A_626 = arith.addi %add3A_582, %add3A_625 : i32
        %add3A_627 = arith.addi %mul3A_2, %add3A_626 : i32
        %shift_right_logical3A_628 = arith.constant 5 : i32
        %shift_right_logical3A_629 = arith.shrui %add3A_627, %shift_right_logical3A_628 : i32
        %and3A_630 = arith.constant 31 : i32
        %and3A_631 = arith.andi %add3A_627, %and3A_630 : i32
        %shift_right_logical3A_632 = arith.constant 3 : i32
        %shift_right_logical3A_633 = arith.shrui %shift_right_logical3A_629, %shift_right_logical3A_632 : i32
        %and3A_634 = arith.constant 7 : i32
        %and3A_635 = arith.andi %shift_right_logical3A_629, %and3A_634 : i32
        %dma_start3A_636 = arith.constant 0 : i32
        %dma_start3A_637 = tpu.memref_slice %arg2[%shift_right_logical3A_633, %and3A_631, %and3A_635, %dma_start3A_636] : memref<25x32x8x128xi32, #tpu.memory_space<hbm>> -> memref<1x1x1x128xi32, #tpu.memory_space<hbm>>
        %dma_start3A_638 = tpu.memref_squeeze %dma_start3A_637 : memref<1x1x1x128xi32, #tpu.memory_space<hbm>> -> memref<128xi32, #tpu.memory_space<hbm>>
        %dma_start3A_639 = arith.constant 0 : i32
        %dma_start3A_640 = tpu.memref_slice %arg2[%shift_right_logical3A_633, %and3A_631, %and3A_635, %dma_start3A_639] : memref<25x32x8x128xi32, #tpu.memory_space<hbm>> -> memref<1x1x1x128xi32, #tpu.memory_space<hbm>>
        %dma_start3A_641 = tpu.memref_squeeze %dma_start3A_640 : memref<1x1x1x128xi32, #tpu.memory_space<hbm>> -> memref<128xi32, #tpu.memory_space<hbm>>
        tpu.enqueue_dma source(%dma_start3A_641 : memref<128xi32, #tpu.memory_space<hbm>>) target(%arg12 : memref<128xi32, #tpu.memory_space<vmem>>) target_semaphore(%arg28 : memref<!tpu.dma_semaphore, #tpu.memory_space<semaphore_mem>>)
      } else {
      }
      %ge3A_593 = arith.constant 4 : i32
      %ge3A_594 = arith.cmpi sge, %add3A_582, %ge3A_593 : i32
      %convert_element_type3A_595 = arith.extui %ge3A_594 : i1 to i32
      %cond3A_596 = arith.constant 0 : i32
      %cond3A_597 = arith.cmpi ne, %convert_element_type3A_595, %cond3A_596 : i32
      scf.if %cond3A_597 {
        %sub3A = arith.constant 4 : i32
        %sub3A_625 = arith.subi %add3A_582, %sub3A : i32
        %add3A_626 = arith.addi %mul3A_2, %sub3A_625 : i32
        %shift_right_logical3A_627 = arith.constant 5 : i32
        %shift_right_logical3A_628 = arith.shrui %add3A_626, %shift_right_logical3A_627 : i32
        %and3A_629 = arith.constant 31 : i32
        %and3A_630 = arith.andi %add3A_626, %and3A_629 : i32
        %dma_wait3A_631 = arith.constant 0 : i32
        %dma_wait3A_632 = arith.constant 0 : i32
        %dma_wait3A_633 = arith.constant 0 : i32
        %dma_wait3A_634 = tpu.memref_slice %arg4[%shift_right_logical3A_628, %dma_wait3A_631, %and3A_630, %dma_wait3A_632, %dma_wait3A_633] : memref<200x8x32x8x128xf32, #tpu.memory_space<hbm>> -> memref<1x8x1x8x128xf32, #tpu.memory_space<hbm>>
        %dma_wait3A_635 = tpu.memref_squeeze %dma_wait3A_634 : memref<1x8x1x8x128xf32, #tpu.memory_space<hbm>> -> memref<8x8x128xf32, #tpu.memory_space<hbm>>
        %dma_wait3A_636 = arith.constant 0 : i32
        %dma_wait3A_637 = arith.constant 0 : i32
        %dma_wait3A_638 = arith.constant 0 : i32
        %dma_wait3A_639 = tpu.memref_slice %arg4[%shift_right_logical3A_628, %dma_wait3A_636, %and3A_630, %dma_wait3A_637, %dma_wait3A_638] : memref<200x8x32x8x128xf32, #tpu.memory_space<hbm>> -> memref<1x8x1x8x128xf32, #tpu.memory_space<hbm>>
        %dma_wait3A_640 = tpu.memref_squeeze %dma_wait3A_639 : memref<1x8x1x8x128xf32, #tpu.memory_space<hbm>> -> memref<8x8x128xf32, #tpu.memory_space<hbm>>
        tpu.wait_dma2 semaphore(%arg36 : memref<!tpu.dma_semaphore, #tpu.memory_space<semaphore_mem>>) src(%arg20 : memref<8x8x128xf32, #tpu.memory_space<vmem>>) dst(%dma_wait3A_640 : memref<8x8x128xf32, #tpu.memory_space<hbm>>)
      } else {
      }
      %scan3A_598 = arith.constant 0 : i32
      %scan3A_599 = arith.constant 8 : i32
      %scan3A_600 = arith.addi %scan3A_598, %scan3A_599 : i32
      %scan3A_601 = arith.constant 1 : i32
      scf.for %scan3A_625 = %scan3A_598 to %scan3A_600 step %scan3A_601  : i32 {
        %mul3A_626 = arith.constant 1 : i32
        %mul3A_627 = arith.muli %scan3A_625, %mul3A_626 : i32
        %add3A_628 = arith.constant 0 : i32
        %add3A_629 = arith.addi %add3A_628, %mul3A_627 : i32
        %mul3A_630 = arith.constant 16 : i32
        %mul3A_631 = arith.muli %add3A_629, %mul3A_630 : i32
        %parallel_loop3A = arith.constant 0 : i32
        %parallel_loop3A_632 = arith.constant 16 : i32
        %parallel_loop3A_633 = arith.constant 1 : i32
        scf.for %parallel_loop3A_634 = %parallel_loop3A to %parallel_loop3A_632 step %parallel_loop3A_633  : i32 {
          %parallel_loop3A_635 = vector.broadcast %parallel_loop3A_634 : i32 to vector<16xi32>
          %parallel_loop3A_636 = arith.addi %iota3A, %parallel_loop3A_635 : vector<16xi32>
          %parallel_loop3A_637 = arith.constant 15 : i32
          %parallel_loop3A_638 = vector.broadcast %parallel_loop3A_637 : i32 to vector<16xi32>
          %parallel_loop3A_639 = arith.andi %parallel_loop3A_636, %parallel_loop3A_638 : vector<16xi32>
          %parallel_loop3A_640 = vector.broadcast %mul3A_631 : i32 to vector<16xi32>
          %parallel_loop3A_641 = arith.addi %parallel_loop3A_640, %parallel_loop3A_639 : vector<16xi32>
          %parallel_loop3A_642 = arith.constant 0 : i32
          %parallel_loop3A_643 = vector.broadcast %parallel_loop3A_642 : i32 to vector<16xi32>
          %parallel_loop3A_644 = arith.addi %parallel_loop3A_643, %iota3A : vector<16xi32>
          %parallel_loop3A_645 = tpu.vector_load_idx %arg16[%parallel_loop3A_641, %parallel_loop3A_644] : memref<128x64xf32, #tpu.memory_space<vmem>>[vector<16xi32>, vector<16xi32>], vector<16xf32>,
          %parallel_loop3A_646 = arith.constant 3 : i32
          %parallel_loop3A_647 = vector.broadcast %parallel_loop3A_646 : i32 to vector<16xi32>
          %parallel_loop3A_648 = arith.shrui %parallel_loop3A_644, %parallel_loop3A_647 : vector<16xi32>
          %parallel_loop3A_649 = arith.constant 7 : i32
          %parallel_loop3A_650 = vector.broadcast %parallel_loop3A_649 : i32 to vector<16xi32>
          %parallel_loop3A_651 = arith.andi %parallel_loop3A_644, %parallel_loop3A_650 : vector<16xi32>
          %parallel_loop3A_652 = vector.broadcast %scan3A : f32 to vector<16xf32>
          %parallel_loop3A_653 = arith.mulf %parallel_loop3A_645, %parallel_loop3A_652 : vector<16xf32>
          tpu.vector_store_idx %arg20[%parallel_loop3A_648, %parallel_loop3A_651, %parallel_loop3A_641], %parallel_loop3A_653 : memref<8x8x128xf32, #tpu.memory_space<vmem>>[vector<16xi32>, vector<16xi32>, vector<16xi32>], vector<16xf32>,
          %parallel_loop3A_654 = arith.constant 16 : i32
          %parallel_loop3A_655 = vector.broadcast %parallel_loop3A_654 : i32 to vector<16xi32>
          %parallel_loop3A_656 = arith.addi %parallel_loop3A_655, %iota3A : vector<16xi32>
          %parallel_loop3A_657 = tpu.vector_load_idx %arg16[%parallel_loop3A_641, %parallel_loop3A_656] : memref<128x64xf32, #tpu.memory_space<vmem>>[vector<16xi32>, vector<16xi32>], vector<16xf32>,
          %parallel_loop3A_658 = arith.constant 3 : i32
          %parallel_loop3A_659 = vector.broadcast %parallel_loop3A_658 : i32 to vector<16xi32>
          %parallel_loop3A_660 = arith.shrui %parallel_loop3A_656, %parallel_loop3A_659 : vector<16xi32>
          %parallel_loop3A_661 = arith.constant 7 : i32
          %parallel_loop3A_662 = vector.broadcast %parallel_loop3A_661 : i32 to vector<16xi32>
          %parallel_loop3A_663 = arith.andi %parallel_loop3A_656, %parallel_loop3A_662 : vector<16xi32>
          %parallel_loop3A_664 = vector.broadcast %scan3A : f32 to vector<16xf32>
          %parallel_loop3A_665 = arith.mulf %parallel_loop3A_657, %parallel_loop3A_664 : vector<16xf32>
          tpu.vector_store_idx %arg20[%parallel_loop3A_660, %parallel_loop3A_663, %parallel_loop3A_641], %parallel_loop3A_665 : memref<8x8x128xf32, #tpu.memory_space<vmem>>[vector<16xi32>, vector<16xi32>, vector<16xi32>], vector<16xf32>,
          %parallel_loop3A_666 = arith.constant 32 : i32
          %parallel_loop3A_667 = vector.broadcast %parallel_loop3A_666 : i32 to vector<16xi32>
          %parallel_loop3A_668 = arith.addi %parallel_loop3A_667, %iota3A : vector<16xi32>
          %parallel_loop3A_669 = tpu.vector_load_idx %arg16[%parallel_loop3A_641, %parallel_loop3A_668] : memref<128x64xf32, #tpu.memory_space<vmem>>[vector<16xi32>, vector<16xi32>], vector<16xf32>,
          %parallel_loop3A_670 = arith.constant 3 : i32
          %parallel_loop3A_671 = vector.broadcast %parallel_loop3A_670 : i32 to vector<16xi32>
          %parallel_loop3A_672 = arith.shrui %parallel_loop3A_668, %parallel_loop3A_671 : vector<16xi32>
          %parallel_loop3A_673 = arith.constant 7 : i32
          %parallel_loop3A_674 = vector.broadcast %parallel_loop3A_673 : i32 to vector<16xi32>
          %parallel_loop3A_675 = arith.andi %parallel_loop3A_668, %parallel_loop3A_674 : vector<16xi32>
          %parallel_loop3A_676 = vector.broadcast %scan3A : f32 to vector<16xf32>
          %parallel_loop3A_677 = arith.mulf %parallel_loop3A_669, %parallel_loop3A_676 : vector<16xf32>
          tpu.vector_store_idx %arg20[%parallel_loop3A_672, %parallel_loop3A_675, %parallel_loop3A_641], %parallel_loop3A_677 : memref<8x8x128xf32, #tpu.memory_space<vmem>>[vector<16xi32>, vector<16xi32>, vector<16xi32>], vector<16xf32>,
          %parallel_loop3A_678 = arith.constant 48 : i32
          %parallel_loop3A_679 = vector.broadcast %parallel_loop3A_678 : i32 to vector<16xi32>
          %parallel_loop3A_680 = arith.addi %parallel_loop3A_679, %iota3A : vector<16xi32>
          %parallel_loop3A_681 = tpu.vector_load_idx %arg16[%parallel_loop3A_641, %parallel_loop3A_680] : memref<128x64xf32, #tpu.memory_space<vmem>>[vector<16xi32>, vector<16xi32>], vector<16xf32>,
          %parallel_loop3A_682 = arith.constant 3 : i32
          %parallel_loop3A_683 = vector.broadcast %parallel_loop3A_682 : i32 to vector<16xi32>
          %parallel_loop3A_684 = arith.shrui %parallel_loop3A_680, %parallel_loop3A_683 : vector<16xi32>
          %parallel_loop3A_685 = arith.constant 7 : i32
          %parallel_loop3A_686 = vector.broadcast %parallel_loop3A_685 : i32 to vector<16xi32>
          %parallel_loop3A_687 = arith.andi %parallel_loop3A_680, %parallel_loop3A_686 : vector<16xi32>
          %parallel_loop3A_688 = vector.broadcast %scan3A : f32 to vector<16xf32>
          %parallel_loop3A_689 = arith.mulf %parallel_loop3A_681, %parallel_loop3A_688 : vector<16xf32>
          tpu.vector_store_idx %arg20[%parallel_loop3A_684, %parallel_loop3A_687, %parallel_loop3A_641], %parallel_loop3A_689 : memref<8x8x128xf32, #tpu.memory_space<vmem>>[vector<16xi32>, vector<16xi32>, vector<16xi32>], vector<16xf32>,
        } {sc.loop_unroll_factor = 4 : i64, sc.parallel_access}
      }
      %scan3A_602 = arith.constant 8 : i32
      %add3A_603 = arith.addi %mul3A_2, %add3A_582 : i32
      %shift_right_logical3A_604 = arith.constant 5 : i32
      %shift_right_logical3A_605 = arith.shrui %add3A_603, %shift_right_logical3A_604 : i32
      %and3A_606 = arith.constant 31 : i32
      %and3A_607 = arith.andi %add3A_603, %and3A_606 : i32
      %dma_start3A_608 = arith.constant 0 : i32
      %dma_start3A_609 = arith.constant 0 : i32
      %dma_start3A_610 = arith.constant 0 : i32
      %dma_start3A_611 = tpu.memref_slice %arg4[%shift_right_logical3A_605, %dma_start3A_608, %and3A_607, %dma_start3A_609, %dma_start3A_610] : memref<200x8x32x8x128xf32, #tpu.memory_space<hbm>> -> memref<1x8x1x8x128xf32, #tpu.memory_space<hbm>>
      %dma_start3A_612 = tpu.memref_squeeze %dma_start3A_611 : memref<1x8x1x8x128xf32, #tpu.memory_space<hbm>> -> memref<8x8x128xf32, #tpu.memory_space<hbm>>
      %dma_start3A_613 = arith.constant 0 : i32
      %dma_start3A_614 = arith.constant 0 : i32
      %dma_start3A_615 = arith.constant 0 : i32
      %dma_start3A_616 = tpu.memref_slice %arg4[%shift_right_logical3A_605, %dma_start3A_613, %and3A_607, %dma_start3A_614, %dma_start3A_615] : memref<200x8x32x8x128xf32, #tpu.memory_space<hbm>> -> memref<1x8x1x8x128xf32, #tpu.memory_space<hbm>>
      %dma_start3A_617 = tpu.memref_squeeze %dma_start3A_616 : memref<1x8x1x8x128xf32, #tpu.memory_space<hbm>> -> memref<8x8x128xf32, #tpu.memory_space<hbm>>
      tpu.enqueue_dma source(%arg20 : memref<8x8x128xf32, #tpu.memory_space<vmem>>) target(%dma_start3A_617 : memref<8x8x128xf32, #tpu.memory_space<hbm>>) target_semaphore(%arg36 : memref<!tpu.dma_semaphore, #tpu.memory_space<semaphore_mem>>)
      %add3A_618 = arith.constant 4 : i32
      %add3A_619 = arith.addi %add3A_582, %add3A_618 : i32
      %lt3A_620 = arith.constant 200 : i32
      %lt3A_621 = arith.cmpi slt, %add3A_619, %lt3A_620 : i32
      %convert_element_type3A_622 = arith.extui %lt3A_621 : i1 to i32
      %cond3A_623 = arith.constant 0 : i32
      %cond3A_624 = arith.cmpi ne, %convert_element_type3A_622, %cond3A_623 : i32
      scf.if %cond3A_624 {
        %add3A_625 = arith.constant 4 : i32
        %add3A_626 = arith.addi %add3A_582, %add3A_625 : i32
        %add3A_627 = arith.addi %mul3A_2, %add3A_626 : i32
        %shift_right_logical3A_628 = arith.constant 5 : i32
        %shift_right_logical3A_629 = arith.shrui %add3A_627, %shift_right_logical3A_628 : i32
        %and3A_630 = arith.constant 31 : i32
        %and3A_631 = arith.andi %add3A_627, %and3A_630 : i32
        %shift_right_logical3A_632 = arith.constant 3 : i32
        %shift_right_logical3A_633 = arith.shrui %shift_right_logical3A_629, %shift_right_logical3A_632 : i32
        %and3A_634 = arith.constant 7 : i32
        %and3A_635 = arith.andi %shift_right_logical3A_629, %and3A_634 : i32
        %dma_wait3A_636 = arith.constant 0 : i32
        %dma_wait3A_637 = tpu.memref_slice %arg2[%shift_right_logical3A_633, %and3A_631, %and3A_635, %dma_wait3A_636] : memref<25x32x8x128xi32, #tpu.memory_space<hbm>> -> memref<1x1x1x128xi32, #tpu.memory_space<hbm>>
        %dma_wait3A_638 = tpu.memref_squeeze %dma_wait3A_637 : memref<1x1x1x128xi32, #tpu.memory_space<hbm>> -> memref<128xi32, #tpu.memory_space<hbm>>
        %dma_wait3A_639 = arith.constant 0 : i32
        %dma_wait3A_640 = tpu.memref_slice %arg2[%shift_right_logical3A_633, %and3A_631, %and3A_635, %dma_wait3A_639] : memref<25x32x8x128xi32, #tpu.memory_space<hbm>> -> memref<1x1x1x128xi32, #tpu.memory_space<hbm>>
        %dma_wait3A_641 = tpu.memref_squeeze %dma_wait3A_640 : memref<1x1x1x128xi32, #tpu.memory_space<hbm>> -> memref<128xi32, #tpu.memory_space<hbm>>
        tpu.wait_dma2 semaphore(%arg24 : memref<!tpu.dma_semaphore, #tpu.memory_space<semaphore_mem>>) src(%dma_wait3A_641 : memref<128xi32, #tpu.memory_space<hbm>>) dst(%arg8 : memref<128xi32, #tpu.memory_space<vmem>>)
        %add3A_642 = arith.constant 4 : i32
        %add3A_643 = arith.addi %add3A_582, %add3A_642 : i32
        %dma_start3A_644 = arith.constant 0 : i32
        %dma_start3A_645 = arith.constant 0 : i32
        %dma_start3A_646 = tpu.memref_slice %arg3[%dma_start3A_644, %dma_start3A_645] : memref<1000000x64xf32, #tpu.memory_space<hbm>> -> memref<1000000x64xf32, #tpu.memory_space<hbm>>
        tpu.enqueue_indirect_dma source(%dma_start3A_646 : memref<1000000x64xf32, #tpu.memory_space<hbm>>) target(%arg16 : memref<128x64xf32, #tpu.memory_space<vmem>>) offsets(%arg8 : memref<128xi32, #tpu.memory_space<vmem>>) semaphore(%arg32 : memref<!tpu.dma_semaphore, #tpu.memory_space<semaphore_mem>>)
      } else {
      }
    }
    %scan3A_207 = arith.constant 25 : i32
    %add3A_208 = arith.constant 196 : i32
    %add3A_209 = arith.addi %mul3A_2, %add3A_208 : i32
    %shift_right_logical3A_210 = arith.constant 5 : i32
    %shift_right_logical3A_211 = arith.shrui %add3A_209, %shift_right_logical3A_210 : i32
    %and3A_212 = arith.constant 31 : i32
    %and3A_213 = arith.andi %add3A_209, %and3A_212 : i32
    %dma_wait3A_214 = arith.constant 0 : i32
    %dma_wait3A_215 = arith.constant 0 : i32
    %dma_wait3A_216 = arith.constant 0 : i32
    %dma_wait3A_217 = tpu.memref_slice %arg4[%shift_right_logical3A_211, %dma_wait3A_214, %and3A_213, %dma_wait3A_215, %dma_wait3A_216] : memref<200x8x32x8x128xf32, #tpu.memory_space<hbm>> -> memref<1x8x1x8x128xf32, #tpu.memory_space<hbm>>
    %dma_wait3A_218 = tpu.memref_squeeze %dma_wait3A_217 : memref<1x8x1x8x128xf32, #tpu.memory_space<hbm>> -> memref<8x8x128xf32, #tpu.memory_space<hbm>>
    %dma_wait3A_219 = arith.constant 0 : i32
    %dma_wait3A_220 = arith.constant 0 : i32
    %dma_wait3A_221 = arith.constant 0 : i32
    %dma_wait3A_222 = tpu.memref_slice %arg4[%shift_right_logical3A_211, %dma_wait3A_219, %and3A_213, %dma_wait3A_220, %dma_wait3A_221] : memref<200x8x32x8x128xf32, #tpu.memory_space<hbm>> -> memref<1x8x1x8x128xf32, #tpu.memory_space<hbm>>
    %dma_wait3A_223 = tpu.memref_squeeze %dma_wait3A_222 : memref<1x8x1x8x128xf32, #tpu.memory_space<hbm>> -> memref<8x8x128xf32, #tpu.memory_space<hbm>>
    tpu.wait_dma2 semaphore(%arg33 : memref<!tpu.dma_semaphore, #tpu.memory_space<semaphore_mem>>) src(%arg17 : memref<8x8x128xf32, #tpu.memory_space<vmem>>) dst(%dma_wait3A_223 : memref<8x8x128xf32, #tpu.memory_space<hbm>>)
    %add3A_224 = arith.constant 197 : i32
    %add3A_225 = arith.addi %mul3A_2, %add3A_224 : i32
    %shift_right_logical3A_226 = arith.constant 5 : i32
    %shift_right_logical3A_227 = arith.shrui %add3A_225, %shift_right_logical3A_226 : i32
    %and3A_228 = arith.constant 31 : i32
    %and3A_229 = arith.andi %add3A_225, %and3A_228 : i32
    %dma_wait3A_230 = arith.constant 0 : i32
    %dma_wait3A_231 = arith.constant 0 : i32
    %dma_wait3A_232 = arith.constant 0 : i32
    %dma_wait3A_233 = tpu.memref_slice %arg4[%shift_right_logical3A_227, %dma_wait3A_230, %and3A_229, %dma_wait3A_231, %dma_wait3A_232] : memref<200x8x32x8x128xf32, #tpu.memory_space<hbm>> -> memref<1x8x1x8x128xf32, #tpu.memory_space<hbm>>
    %dma_wait3A_234 = tpu.memref_squeeze %dma_wait3A_233 : memref<1x8x1x8x128xf32, #tpu.memory_space<hbm>> -> memref<8x8x128xf32, #tpu.memory_space<hbm>>
    %dma_wait3A_235 = arith.constant 0 : i32
    %dma_wait3A_236 = arith.constant 0 : i32
    %dma_wait3A_237 = arith.constant 0 : i32
    %dma_wait3A_238 = tpu.memref_slice %arg4[%shift_right_logical3A_227, %dma_wait3A_235, %and3A_229, %dma_wait3A_236, %dma_wait3A_237] : memref<200x8x32x8x128xf32, #tpu.memory_space<hbm>> -> memref<1x8x1x8x128xf32, #tpu.memory_space<hbm>>
    %dma_wait3A_239 = tpu.memref_squeeze %dma_wait3A_238 : memref<1x8x1x8x128xf32, #tpu.memory_space<hbm>> -> memref<8x8x128xf32, #tpu.memory_space<hbm>>
    tpu.wait_dma2 semaphore(%arg34 : memref<!tpu.dma_semaphore, #tpu.memory_space<semaphore_mem>>) src(%arg18 : memref<8x8x128xf32, #tpu.memory_space<vmem>>) dst(%dma_wait3A_239 : memref<8x8x128xf32, #tpu.memory_space<hbm>>)
    %add3A_240 = arith.constant 198 : i32
    %add3A_241 = arith.addi %mul3A_2, %add3A_240 : i32
    %shift_right_logical3A_242 = arith.constant 5 : i32
    %shift_right_logical3A_243 = arith.shrui %add3A_241, %shift_right_logical3A_242 : i32
    %and3A_244 = arith.constant 31 : i32
    %and3A_245 = arith.andi %add3A_241, %and3A_244 : i32
    %dma_wait3A_246 = arith.constant 0 : i32
    %dma_wait3A_247 = arith.constant 0 : i32
    %dma_wait3A_248 = arith.constant 0 : i32
    %dma_wait3A_249 = tpu.memref_slice %arg4[%shift_right_logical3A_243, %dma_wait3A_246, %and3A_245, %dma_wait3A_247, %dma_wait3A_248] : memref<200x8x32x8x128xf32, #tpu.memory_space<hbm>> -> memref<1x8x1x8x128xf32, #tpu.memory_space<hbm>>
    %dma_wait3A_250 = tpu.memref_squeeze %dma_wait3A_249 : memref<1x8x1x8x128xf32, #tpu.memory_space<hbm>> -> memref<8x8x128xf32, #tpu.memory_space<hbm>>
    %dma_wait3A_251 = arith.constant 0 : i32
    %dma_wait3A_252 = arith.constant 0 : i32
    %dma_wait3A_253 = arith.constant 0 : i32
    %dma_wait3A_254 = tpu.memref_slice %arg4[%shift_right_logical3A_243, %dma_wait3A_251, %and3A_245, %dma_wait3A_252, %dma_wait3A_253] : memref<200x8x32x8x128xf32, #tpu.memory_space<hbm>> -> memref<1x8x1x8x128xf32, #tpu.memory_space<hbm>>
    %dma_wait3A_255 = tpu.memref_squeeze %dma_wait3A_254 : memref<1x8x1x8x128xf32, #tpu.memory_space<hbm>> -> memref<8x8x128xf32, #tpu.memory_space<hbm>>
    tpu.wait_dma2 semaphore(%arg35 : memref<!tpu.dma_semaphore, #tpu.memory_space<semaphore_mem>>) src(%arg19 : memref<8x8x128xf32, #tpu.memory_space<vmem>>) dst(%dma_wait3A_255 : memref<8x8x128xf32, #tpu.memory_space<hbm>>)
    %add3A_256 = arith.constant 199 : i32
    %add3A_257 = arith.addi %mul3A_2, %add3A_256 : i32
    %shift_right_logical3A_258 = arith.constant 5 : i32
    %shift_right_logical3A_259 = arith.shrui %add3A_257, %shift_right_logical3A_258 : i32
    %and3A_260 = arith.constant 31 : i32
    %and3A_261 = arith.andi %add3A_257, %and3A_260 : i32
    %dma_wait3A_262 = arith.constant 0 : i32
    %dma_wait3A_263 = arith.constant 0 : i32
    %dma_wait3A_264 = arith.constant 0 : i32
    %dma_wait3A_265 = tpu.memref_slice %arg4[%shift_right_logical3A_259, %dma_wait3A_262, %and3A_261, %dma_wait3A_263, %dma_wait3A_264] : memref<200x8x32x8x128xf32, #tpu.memory_space<hbm>> -> memref<1x8x1x8x128xf32, #tpu.memory_space<hbm>>
    %dma_wait3A_266 = tpu.memref_squeeze %dma_wait3A_265 : memref<1x8x1x8x128xf32, #tpu.memory_space<hbm>> -> memref<8x8x128xf32, #tpu.memory_space<hbm>>
    %dma_wait3A_267 = arith.constant 0 : i32
    %dma_wait3A_268 = arith.constant 0 : i32
    %dma_wait3A_269 = arith.constant 0 : i32
    %dma_wait3A_270 = tpu.memref_slice %arg4[%shift_right_logical3A_259, %dma_wait3A_267, %and3A_261, %dma_wait3A_268, %dma_wait3A_269] : memref<200x8x32x8x128xf32, #tpu.memory_space<hbm>> -> memref<1x8x1x8x128xf32, #tpu.memory_space<hbm>>
    %dma_wait3A_271 = tpu.memref_squeeze %dma_wait3A_270 : memref<1x8x1x8x128xf32, #tpu.memory_space<hbm>> -> memref<8x8x128xf32, #tpu.memory_space<hbm>>
    tpu.wait_dma2 semaphore(%arg36 : memref<!tpu.dma_semaphore, #tpu.memory_space<semaphore_mem>>) src(%arg20 : memref<8x8x128xf32, #tpu.memory_space<vmem>>) dst(%dma_wait3A_271 : memref<8x8x128xf32, #tpu.memory_space<hbm>>)
    return
  }
}

</mosaic_0001>

<sc_bundles>
// kernel: _sc_embed.3.cloned.1.call-start
scs
__scs_entry_jumppad:
0x0: {  	(pc) =	sbr.rel $0x88, $3  }
0x1: {  	(tag) =	ssettag $0x0;
	lr =	simm.s32 $0x1  }
0x2: {  	[smem:$0x3F9F] =	sst lr;
	_ =	strace $0xD0000000  }
0x3: {  	_ = 	snop  }
0x4: {  	_ = 	snop  }
0x5: {  	_ = 	snop  }
0x6: {  	_ = 	snop  }
0x7: {  	_ = 	snop  }
__scs_overlays_trampoline_lowered:
0x8: {  	[smem:$0x3FAE] =	sst s0  }
0x9: {  	[smem:$0x3FAF] =	sst s1  }
0xa: {  	[smem:$0x3FB0] =	sst s2  }
0xb: {  	[smem:$0x3FB1] =	sst s3  }
0xc: {  	[smem:$0x3FB2] =	sst s4  }
0xd: {  	[smem:$0x3FB3] =	sst s5  }
0xe: {  	[smem:$0x3FB4] =	sst s6  }
0xf: {  	[smem:$0x3FB5] =	sst s7  }
0x10: {  	[smem:$0x3FB6] =	sst s8  }
0x11: {  	[smem:$0x3FB7] =	sst s9;
	s0 =	simm.s32 @!p0 $0x0  }
0x12: {  	s1 =	sld [smem:$0x3F9D];
	s0 =	simm.s32 @p0 $0x1  }
0x13: {  	[smem:$0x3FB8] =	sst s0;
	s0 =	simm.s32 @!p1 $0x0  }
0x14: {  	s2 =	sld [smem:$0x3F9C];
	s0 =	simm.s32 @p1 $0x1  }
0x15: {  	[smem:$0x3FB9] =	sst s0;
	s0 =	simm.s32 @!p2 $0x0  }
0x16: {  	s3 =	sld [smem:$0x3FDB];
	s0 =	simm.s32 @p2 $0x1  }
0x17: {  	s4 =	simm.s32 $0x1BF5;
	[smem:$0x3FBB] =	sst s0  }
0x18: {  	s0 =	sld [smem:$0x3F9E];
	_ =	swait.ge [sflag:s4], $0x0  }
0x19: {  	s7 =	sld [smem:$0x3F9F]  }
0x1a: {  	s8 =	sadd.s32 $0xFFFFE003, lr  }
0x1b: {  	s9 =	sadd.s32 $0xFFFFFEF7, lr;
	s5 =	simm.s32 $0xFFFFFFFF;
	p2 =	slt.u32 s8, $0xFFFFF086  }
0x1c: {  	p1 =	slt.u32 s9, $0xF7A;
	s5 =	simm.s32 @!p2 $0x0  }
0x1d: {  	s5 =	simm.s32 @p1 $0x1;
	p0 =	seq.s32 s7, s2  }
0x1e: {  	s7 =	smul.u32 @!p0 $0xF7A, s2;
	p2 =	seq.s32 @!p0 s5, $0x0  }
0x1f: {  	s9 =	smul.u32 $0xF7A, s1;
	s8 =	simm.s32 @!p0 $0x1BF5;
	p2 =	por !p2, p0  }
0x20: {  	[sflag:s8] =	ssyncset.s32 @!p0 $0xFFFFF086;
	s6 =	sadd.s32 @!p0 s3, s7;
	s7 =	simm.s32 @!p0 $0x108  }
0x21: {  	s3 =	sadd.s32 s3, s9;
	s6 =	sadd.s32 @!p0 $0x88, s6;
	s7 =	simm.s32 @p2 $0x1082  }
0x22: {  	[simem:s7], [sflag:s8] =	dma.local @!p0 [hbm:s6], $0xF7A  }
0x23: {  	s9 =	sor.u32 $0xD0000000, s2;
	s6 =	simm.s32 $0x108;
	_ =	swait.ge @!p0 [sflag:s8], $0x0  }
0x24: {  	s3 =	sadd.s32 $0x88, s3;
	s6 =	simm.s32 @!p1 $0x1082;
	[sflag:s4] =	ssyncset.s32 $0xFFFFF086  }
0x25: {  	[simem:s6], [sflag:s4] =	dma.local [hbm:s3], $0xF7A  }
0x26: {  	[smem:$0x3F9F] =	sst s1;
	(tag) =	ssettag s2;
	_ =	strace s9  }
0x27: {  	s1 =	sld [smem:$0x3FAF]  }
0x28: {  	s2 =	sld [smem:$0x3FB0]  }
0x29: {  	s4 =	sld [smem:$0x3FB2]  }
0x2a: {  	p0 =	seq.s32 s5, $0x0;
	s5 =	sld [smem:$0x3FB3]  }
0x2b: {  	s6 =	sld [smem:$0x3FB4]  }
0x2c: {  	s7 =	sld [smem:$0x3FB5]  }
0x2d: {  	s3 =	simm.s32 $0x108;
	s8 =	sld [smem:$0x3FB6]  }
0x2e: {  	s3 =	simm.s32 @!p0 $0x1082;
	s9 =	sld [smem:$0x3FB7]  }
0x2f: {  	lr =	sadd.s32 s0, s3;
	s0 =	sld [smem:$0x3FAE]  }
0x30: {  	s3 =	sld [smem:$0x3FB1]  }
0x31: {  	[smem:$0x3FBA] =	sst s10  }
0x32: {  	s10 =	sld [smem:$0x3FB8];
	_ =	sdelay $0x3  }
0x33: {  	p0 =	seq.s32 s10, $0x1;
	s10 =	sld [smem:$0x3FBA];
	_ =	sdelay $0x3  }
0x34: {  	[smem:$0x3FBA] =	sst s10  }
0x35: {  	s10 =	sld [smem:$0x3FB9];
	_ =	sdelay $0x3  }
0x36: {  	p1 =	seq.s32 s10, $0x1;
	s10 =	sld [smem:$0x3FBA];
	_ =	sdelay $0x3  }
0x37: {  	[smem:$0x3FBA] =	sst s10  }
0x38: {  	s10 =	sld [smem:$0x3FBB]  }
0x39: {  	_ = 	snop;
	(pc) =	sbr.ind lr, $3  }
0x3a: {  	_ = 	snop  }
0x3b: {  	_ = 	snop  }
0x3c: {  	p2 =	seq.s32 s10, $0x1;
	s10 =	sld [smem:$0x3FBA]  }
0x3d: {  	_ =	shalt  }
0x3e: {  	_ =	shalt  }
0x3f: {  	_ =	shalt  }
0x40: {  	_ =	shalt  }
0x41: {  	_ =	shalt  }
0x42: {  	_ =	shalt  }
0x43: {  	_ =	shalt  }
0x44: {  	_ =	shalt  }
0x45: {  	_ =	shalt  }
0x46: {  	_ =	shalt  }
0x47: {  	_ =	shalt  }
0x48: {  	_ =	shalt  }
0x49: {  	_ =	shalt  }
0x4a: {  	_ =	shalt  }
0x4b: {  	_ =	shalt  }
0x4c: {  	_ =	shalt  }
0x4d: {  	_ =	shalt  }
0x4e: {  	_ =	shalt  }
0x4f: {  	_ =	shalt  }
0x50: {  	_ =	shalt  }
0x51: {  	_ =	shalt  }
0x52: {  	_ =	shalt  }
0x53: {  	_ =	shalt  }
0x54: {  	_ =	shalt  }
0x55: {  	_ =	shalt  }
0x56: {  	_ =	shalt  }
0x57: {  	_ =	shalt  }
0x58: {  	_ =	shalt  }
0x59: {  	_ =	shalt  }
0x5a: {  	_ =	shalt  }
0x5b: {  	_ =	shalt  }
0x5c: {  	_ =	shalt  }
0x5d: {  	_ =	shalt  }
0x5e: {  	_ =	shalt  }
0x5f: {  	_ =	shalt  }
0x60: {  	_ =	shalt  }
0x61: {  	_ =	shalt  }
0x62: {  	_ =	shalt  }
0x63: {  	_ =	shalt  }
0x64: {  	_ =	shalt  }
0x65: {  	_ =	shalt  }
0x66: {  	_ =	shalt  }
0x67: {  	_ =	shalt  }
0x68: {  	_ =	shalt  }
0x69: {  	_ =	shalt  }
0x6a: {  	_ =	shalt  }
0x6b: {  	_ =	shalt  }
0x6c: {  	_ =	shalt  }
0x6d: {  	_ =	shalt  }
0x6e: {  	_ =	shalt  }
0x6f: {  	_ =	shalt  }
0x70: {  	_ =	shalt  }
0x71: {  	_ =	shalt  }
0x72: {  	_ =	shalt  }
0x73: {  	_ =	shalt  }
0x74: {  	_ =	shalt  }
0x75: {  	_ =	shalt  }
0x76: {  	_ =	shalt  }
0x77: {  	_ =	shalt  }
0x78: {  	_ =	shalt  }
0x79: {  	_ =	shalt  }
0x7a: {  	_ =	shalt  }
0x7b: {  	_ =	shalt  }
0x7c: {  	_ =	shalt  }
0x7d: {  	_ =	shalt  }
0x7e: {  	_ =	shalt  }
0x7f: {  	_ =	shalt  }
0x80: {  	_ =	shalt  }
0x81: {  	_ =	shalt  }
0x82: {  	_ =	shalt  }
0x83: {  	_ =	shalt  }
0x84: {  	_ =	shalt  }
0x85: {  	_ =	shalt  }
0x86: {  	_ =	shalt  }
0x87: {  	_ =	shalt  }
.Lfunc_end0:
.L_simem_size_0:
called_computation_lowered:
.L_overlay_start_0:
0x88: {  	s2 =	sld [smem:$0x3FD9]  }
0x89: {  	s3 =	sld [smem:$0x3FFE];
	_ =	sdelay $0x1  }
0x8a: {  	s1 =	srdreg.scid  }
0x8b: {  	s0 =	sand.u32 $0x1, s1  }
0x8c: {  	s17 =	sshll.u32 s0, $0xA;
	s2 =	sadd.s32 s3, s2  }
0x8d: {  	s2 =	sadd.s32 s2, s17  }
0x8e: {  	[smem:$0x3FC6] =	sst s2  }
0x8f: {  	_ = 	snop  }
0x90: {  	s2 =	sld [smem:$0x3FC9]  }
0x91: {  	s18 =	sld [smem:$0x3FD0];
	(tm) =	ssettm $0x1  }
0x92: {  	s4 =	sld [smem:$0x3FFB];
	_ =	sdelay $0x3  }
0x93: {  	_ =	strace s4  }
0x94: {  	s4 =	sld [smem:$0x3FFC];
	_ =	sdelay $0x3  }
0x95: {  	_ =	strace s4  }
0x96: {  	s4 =	sld [smem:$0x3FFD];
	_ =	sdelay $0x3  }
0x97: {  	_ =	strace s4  }
0x98: {  	_ =	strace $0x8FFFFFFF  }
0x99: {  	s19 =	sld [smem:$0x3FDB];
	_ =	sdelay $0x1  }
0x9a: {  	s5 =	simm.s32 $_scs_section_size  }
0x9b: {  	s6 =	simm.s32 $_size__tile_overlayer_lowered;
	s7 =	simm.s32 $_tile_overlayer_lowered  }
0x9c: {  	s22 =	simm.s32 $0x1BFF;
	s21 =	sshll.u32 s7, $0x1;
	s4 =	sadd.s32 s5, s19  }
0x9d: {  	s8 =	simm.s32 $0x0;
	s20 =	sshll.u32 s6, $0x1;
	s6 =	sadd.s32 s21, s4  }
0x9e: {  	[timem:s8], [sflag:s22] =	dma.local [hbm:s6], s20  }
0x9f: {  	_ =	swait.ge [sflag:s22], s20  }
0xa0: {  	s5 =	ssub.s32 $0x0, s20;
	[sflag:s22] =	ssyncset.done $0x0  }
0xa1: {  	[sflag:s22] =	ssyncadd.s32 s5;
	_ =	sdelay $0x1  }
0xa2: {  	s23 =	simm.s32 $0x1B8B  }
0xa3: {  	_ =	swait.ge [sflag:s23], $0x1  }
0xa4: {  	[sflag:s23] =	ssyncset.done $0x0  }
0xa5: {  	s25 =	simm.s32 $0x1B8E;
	s24 =	sld [smem:$0x3FFE];
	[sflag:s23] =	ssyncadd.s32 $0xFFFFFFFF  }
0xa6: {  	s26 =	simm.s32 $execute0_lowered;
	[smem:$0x3FD2] =	sst s25  }
0xa7: {  	s6 =	sshll.u32 s26, $0x1;
	_ =	strace $0x80000046;
	[dreg:$0x1] =	wrdreg $0xFFFFFFFF  }
0xa8: {  	s28 =	simm.s32 $_size_execute0_lowered;
	s4 =	sadd.s32 s4, s6;
	[dreg:$0x0] =	wrdreg $0x0  }
0xa9: {  	s6 =	sshll.u32 s28, $0x1;
	[dreg:$0x2] =	wrdreg s4  }
0xaa: {  	[dreg:$0x3] =	wrdreg s6  }
0xab: {  	[dreg:$0x4] =	wrdreg $0xC0  }
0xac: {  	_ =	task [dreg:s8], $0x5FFFF  }
0xad: {  	[dreg:$0x1] =	wrdreg $0xFFFFFFFF  }
0xae: {  	[dreg:$0x0] =	wrdreg $0x60  }
0xaf: {  	[dreg:$0x2] =	wrdreg s2  }
0xb0: {  	[dreg:$0x3] =	wrdreg s24  }
0xb1: {  	[dreg:$0x4] =	wrdreg s18  }
0xb2: {  	[dreg:$0x5] =	wrdreg $0x9  }
0xb3: {  	_ =	task.clear_ibuf [dreg:s8], $0x6FFFF;
	_ =	strace $0x90000046  }
0xb4: {  	s29 =	simm.s32 $0x9;
	_ =	strace $0x80000048  }
0xb5: {  	_ =	swait.ge [sflag:s29], $0x1  }
0xb6: {  	[sflag:s29] =	ssyncadd.s32 $0xFFFFFFFF  }
0xb7: {  	_ =	strace $0x90000048  }
0xb8: {  	_ =	sfence  }
0xb9: {  	s30 =	sld [smem:$0x0];
	_ =	sdelay $0x2  }
0xba: {  	s31 =	sshll.u32 s1, $0xD;
	s1 =	sshrl.u32 s1, $0x2  }
0xbb: {  	s3 =	sand.u32 $0x4000, s31;
	s1 =	sadd.s32 s1, s30  }
0xbc: {  	s0 =	sor.u32 s3, s0;
	s1 =	sshll.u32 s1, $0x11  }
0xbd: {  	s0 =	sor.u32 s1, s0  }
0xbe: {  	s0 =	sadd.s32 $0x8F2B, s0  }
0xbf: {  	[sflag:s0] =	ssyncadd.remote.s32 $0x1  }
0xc0: {  	_ =	sfence.sel $0xFFFF  }
0xc1: {  	[dreg:$0x0] =	wrdreg $0xFFFFFFFF;
	(pc) =	sbr.abs _section_cstart, $3  }
0xc2: {  	[dreg:$0x1] =	wrdreg $0xFFFFFFFF  }
0xc3: {  	_ =	task.clear_ibuf [dreg:s8], $0x2FFFF;
	_ =	strace $0x9FFFFFFF  }
0xc4: {  	(tm) =	ssettm $0x7FFFFFFF  }
0xc5: {  	_ =	shalt  }
tec
execute0_lowered:
.L_overlay_start_1:
0x0: {  	(tag) =	ssettag $0x1  }
0x1: {  	s0 =	srdreg.scid;
	s4 =	rddreg [dreg:$0x1]  }
0x2: {  	s1 =	stileid.u32;
	s3 =	rddreg [dreg:$0x2]  }
0x3: {  	s8 =	simm.s32 $0x0;
	s0 =	sand.u32 $0x1, s0;
	s2 =	sshll.u32 s1, $0x1  }
0x4: {  	s10 =	simm.s32 $0x4400;
	s12 =	simm.s32 $0x6400;
	s2 =	sor.u32 s0, s2  }
0x5: {  	s1 =	rddreg [dreg:$0x0];
	s0 =	ssub.s32 $0x2, s0;
	s7 =	smul.u32 $0x320, s2  }
0x6: {  	s30 =	simm.s32 $0xE400;
	[smem:$0x7FF] =	sst s8;
	s14 =	sshrl.u32 s0, $0x1  }
0x7: {  	s0 =	ssub.s32 s0, s14;
	s13 =	sand.u32 $0x380, s7;
	s7 =	smul.u32 $0xC8, s2  }
0x8: {  	s8 =	simm.s32 $0x2400;
	_ =	strace $0x80000047;
	s0 =	smax.u32 s0, $0x1  }
0x9: {  	s5 =	smul.u32 $0x6400, s2;
	[dreg:$0x14] =	wrdreg s0;
	s22 =	sadd.s32 $0x8, s7  }
0xa: {  	s6 =	sshll.u32 s2, $0xD;
	s23 =	sadd.s32 $0x9, s7;
	[dreg:$0xc] =	wrdreg s22  }
0xb: {  	s6 =	sand.u32 $0x6000, s6;
	s24 =	sadd.s32 $0xA, s7;
	[dreg:$0xd] =	wrdreg s23  }
0xc: {  	s14 =	simm.s32 $0x8400;
	s25 =	sadd.s32 $0xB, s7;
	[dreg:$0xe] =	wrdreg s24  }
0xd: {  	s5 =	sand.u32 $0xF8000, s5;
	s26 =	sadd.s32 $0xC, s7;
	[dreg:$0xf] =	wrdreg s25  }
0xe: {  	s5 =	sor.u32 s6, s5;
	s28 =	sadd.s32 $0xD, s7;
	[dreg:$0x10] =	wrdreg s26  }
0xf: {  	s5 =	sor.u32 s13, s5;
	s29 =	sadd.s32 $0xE, s7;
	[dreg:$0x11] =	wrdreg s28  }
0x10: {  	s31 =	sadd.s32 $0xF, s7;
	s6 =	sshrl.u32 s5, $0x3;
	[dreg:$0x12] =	wrdreg s29  }
0x11: {  	s0 =	simm.s32 $0x400;
	[dreg:$0x13] =	wrdreg s31;
	s6 =	sadd.s32 s1, s6  }
0x12: {  	s13 =	simm.s32 $0x9;
	s15 =	sadd.s32 $0x80, s6;
	[dreg:$0x4] =	wrdreg s6  }
0x13: {  	s5 =	sadd.s32 $0xF42800, s4;
	s16 =	sadd.s32 $0x100, s6;
	[dreg:$0x5] =	wrdreg s15  }
0x14: {  	s24 =	simm.s32 $0x80;
	s17 =	sadd.s32 $0x180, s6;
	[dreg:$0x6] =	wrdreg s16  }
0x15: {  	s23 =	simm.s32 $0x8000;
	s18 =	sadd.s32 $0x200, s6;
	[dreg:$0x7] =	wrdreg s17  }
.Ltmp0:
0x16: {  	s19 =	sadd.s32 $0x280, s6;
	[dreg:$0x8] =	wrdreg s18;
	(pc) =	sbr.rel .LBB2_1-.Ltmp0, $4  }
0x17: {  	v0 =	vlaneseq.u32;
	s25 =	simm.s32 $0xA400;
	s20 =	sadd.s32 $0x300, s6;
	[dreg:$0x9] =	wrdreg s19  }
0x18: {  	v1 =	vmul.u32 $0x80, v0;
	s26 =	simm.s32 $0xC400;
	s21 =	sadd.s32 $0x380, s6;
	[dreg:$0xa] =	wrdreg s20  }
0x19: {  	v2 =	vor.u32 $0x10, v0;
	v4 =	vor.u32 $0x20, v0;
	v6 =	vor.u32 $0x30, v0;
	s4 =	simm.s32 $0x0;
	[dreg:$0xb] =	wrdreg s21;
	s15 =	simm.s32 $0xD  }
0x1a: {  	v3 =	vor.u32 $0x800, v1;
	v5 =	vor.u32 $0x1000, v1;
	v7 =	vor.u32 $0x1800, v1;
	s16 =	simm.s32 $0xE;
	s17 =	simm.s32 $0xF;
	s18 =	simm.s32 $0x10  }
.LBB2_39:
0x1b: {  	_ =	swait.ge [sflag:s15], $0x2000  }
0x1c: {  	[sflag:s15] =	ssyncset.done $0x0  }
0x1d: {  	[sflag:s15] =	ssyncadd.s32 $0xFFFFE000  }
0x1e: {  	_ =	swait.ge [sflag:s16], $0x2000  }
0x1f: {  	[sflag:s16] =	ssyncset.done $0x0  }
0x20: {  	[sflag:s16] =	ssyncadd.s32 $0xFFFFE000  }
0x21: {  	_ =	swait.ge [sflag:s17], $0x2000  }
0x22: {  	[sflag:s17] =	ssyncset.done $0x0  }
0x23: {  	[sflag:s17] =	ssyncadd.s32 $0xFFFFE000  }
0x24: {  	_ =	swait.ge [sflag:s18], $0x2000  }
0x25: {  	s4 =	rddreg [dreg:$0x15]  }
0x26: {  	s2 =	rddreg [dreg:$0x14];
	s4 =	sadd.s32 $0x1, s4  }
0x27: {  	p0 =	sne.s32 s4, s2  }
.Ltmp1:
0x28: {  	_ = 	snop;
	(pc) =	sbr.rel @!p0 .LBB2_40-.Ltmp1, $3  }
0x29: {  	_ =	sdelay $0x1  }
0x2a: {  	[sflag:s18] =	ssyncset.done $0x0  }
0x2b: {  	[sflag:s18] =	ssyncadd.s32 $0xFFFFE000  }
.LBB2_1:
0x2c: {  	[dreg:$0x15] =	wrdreg s4  }
0x2d: {  	s2 =	simm.s32 $0x0;
	s19 =	rddreg [dreg:$0x4]  }
0x2e: {  	[tilespmem:s2], [sflag:$0x1] =	stream.linear.gather [hbm4b:s19+s2], $0x80, $0x38;
	[tilespmem:$0x10400] =	vst v63  }
0x2f: {  	s20 =	rddreg [dreg:$0x5]  }
0x30: {  	[tilespmem:s24], [sflag:$0x2] =	stream.linear.gather [hbm4b:s20+s2], $0x80, $0x38;
	[tilespmem:$0x10400] =	vst v63  }
0x31: {  	s21 =	rddreg [dreg:$0x6];
	s6 =	simm.s32 $0x100  }
0x32: {  	[tilespmem:s6], [sflag:$0x3] =	stream.linear.gather [hbm4b:s21+s2], $0x80, $0x38;
	[tilespmem:$0x10400] =	vst v63  }
0x33: {  	s22 =	rddreg [dreg:$0x7];
	s9 =	simm.s32 $0x180  }
0x34: {  	[tilespmem:s9], [sflag:$0x4] =	stream.linear.gather [hbm4b:s22+s2], $0x80, $0x38;
	[tilespmem:$0x10400] =	vst v63  }
0x35: {  	s28 =	rddreg [dreg:$0x8];
	s11 =	simm.s32 $0x200  }
0x36: {  	[tilespmem:s11], [sflag:$0x5] =	stream.linear.gather [hbm4b:s28+s2], $0x80, $0x38;
	[tilespmem:$0x10400] =	vst v63  }
0x37: {  	s29 =	rddreg [dreg:$0x9];
	s31 =	simm.s32 $0x280  }
0x38: {  	[tilespmem:s31], [sflag:$0x6] =	stream.linear.gather [hbm4b:s29+s2], $0x80, $0x38;
	[tilespmem:$0x10400] =	vst v63  }
0x39: {  	s19 =	simm.s32 $0x300;
	s11 =	rddreg [dreg:$0xa]  }
0x3a: {  	[tilespmem:s19], [sflag:$0x7] =	stream.linear.gather [hbm4b:s11+s2], $0x80, $0x38;
	[tilespmem:$0x10400] =	vst v63  }
0x3b: {  	s20 =	rddreg [dreg:$0xb];
	s21 =	simm.s32 $0x380;
	s22 =	simm.s32 $0x1  }
0x3c: {  	[tilespmem:s21], [sflag:$0x8] =	stream.linear.gather [hbm4b:s20+s2], $0x80, $0x38;
	[tilespmem:$0x10400] =	vst v63  }
0x3d: {  	_ =	swait.ge [sflag:s22], $0x80  }
0x3e: {  	[sflag:s22] =	ssyncset.done $0x0  }
0x3f: {  	s28 =	simm.s32 $0x2;
	[sflag:s22] =	ssyncadd.s32 $0xFFFFFF80  }
0x40: {  	[tilespmem:s0], [sflag:$0x9] =	stream.indirect.gather [hbm4b:s5+s24], $0x40, s2, s24, $0xb8;
	[tilespmem:$0x10400] =	vst v63  }
0x41: {  	_ =	swait.ge [sflag:s28], $0x80  }
0x42: {  	[sflag:s28] =	ssyncset.done $0x0  }
0x43: {  	s29 =	simm.s32 $0x3;
	[sflag:s28] =	ssyncadd.s32 $0xFFFFFF80  }
0x44: {  	[tilespmem:s8], [sflag:$0xA] =	stream.indirect.gather [hbm4b:s5+s24], $0x40, s24, s24, $0xb8;
	[tilespmem:$0x10400] =	vst v63  }
0x45: {  	_ =	swait.ge [sflag:s29], $0x80  }
0x46: {  	[sflag:s29] =	ssyncset.done $0x0  }
0x47: {  	s31 =	simm.s32 $0x4;
	[sflag:s29] =	ssyncadd.s32 $0xFFFFFF80  }
0x48: {  	[tilespmem:s10], [sflag:$0xB] =	stream.indirect.gather [hbm4b:s5+s24], $0x40, s6, s24, $0xb8;
	[tilespmem:$0x10400] =	vst v63  }
0x49: {  	_ =	swait.ge [sflag:s31], $0x80  }
0x4a: {  	[sflag:s31] =	ssyncset.done $0x0  }
0x4b: {  	s19 =	simm.s32 $0x0;
	[sflag:s31] =	ssyncadd.s32 $0xFFFFFF80  }
0x4c: {  	[tilespmem:s12], [sflag:$0xC] =	stream.indirect.gather [hbm4b:s5+s24], $0x40, s9, s24, $0xb8;
	[tilespmem:$0x10400] =	vst v63  }
.LBB2_2:
0x4d: {  	s20 =	sshll.u32 s19, $0x3;
	p0 =	seq.s32 s19, $0x18;
	s2 =	rddreg [dreg:$0xc]  }
0x4e: {  	s2 =	sadd.s32 @!p0 s20, s2;
	p1 =	seq.s32 @!p0 s19, $0x0  }
0x4f: {  	s4 =	sshll.u32 @!p0 s2, $0x7;
	s6 =	sshll.u32 @!p0 s2, $0xA;
	s2 =	sshll.u32 @!p0 s2, $0x2  }
0x50: {  	p1 =	por p0, !p1;
	s4 =	sand.u32 @!p0 $0x7FFF8000, s4;
	s6 =	sand.u32 @!p0 $0x6000, s6  }
.Ltmp2:
0x51: {  	s2 =	sand.u32 @!p0 $0x380, s2;
	s4 =	sor.u32 @!p0 s6, s4;
	(pc) =	sbr.rel @!p1 .LBB2_3-.Ltmp2, $4  }
0x52: {  	_ =	swait.ge [sflag:s13], $0x2000;
	s2 =	sor.u32 @!p0 s2, s4  }
0x53: {  	[sflag:s13] =	ssyncset.done $0x0;
	s2 =	sshrl.u32 @!p0 s2, $0x3  }
0x54: {  	[sflag:s13] =	ssyncadd.s32 $0xFFFFE000;
	s4 =	simm.s32 @!p0 $0x0;
	s2 =	sadd.s32 @!p0 s1, s2  }
0x55: {  	[tilespmem:s4], [sflag:$0x1] =	stream.linear.gather @!p0 [hbm4b:s2+s4], $0x80, $0x38;
	[tilespmem:$0x10400] =	vst v63  }
.Ltmp3:
0x56: {  	(pc) =	sbr.rel .LBB2_5-.Ltmp3, $4  }
0x57: {  	_ = 	snop  }
0x58: {  	_ =	swait.ge [sflag:s15], $0x2000  }
0x59: {  	[sflag:s15] =	ssyncset.done $0x0  }
0x5a: {  	p1 =	por $0x0, $0x0;
	[sflag:s15] =	ssyncadd.s32 $0xFFFFE000  }
.LBB2_3:
0x5b: {  	p1 =	por @!p0 $0x1, $0x1  }
.LBB2_5:
0x5c: {  	s6 =	simm.s32 $0x0;
	s2 =	simm.s32 $0x0  }
.LBB2_6:
0x5d: {  	s4 =	simm.s32 $0x1;
	s9 =	sshll.u32 s2, $0x4;
	s11 =	simm.s32 $0x2  }
0x5e: {  	s21 =	simm.s32 $0x3;
	s22 =	simm.s32 $0x6;
	s28 =	simm.s32 $0x5;
	v8 =	vadd.s32 s4, v0;
	v9 =	vmov s9;
	v10 =	vadd.s32 s11, v0  }
0x5f: {  	s29 =	simm.s32 $0x7;
	v13 =	vadd.s32 s21, v0;
	v37 =	vadd.s32 s22, v0;
	v38 =	vadd.s32 s28, v0  }
0x60: {  	v39 =	vadd.s32 s29, v0;
	v11 =	vand.u32 $0xF, v8;
	v12 =	vand.u32 $0xF, v10  }
0x61: {  	v10 =	vand.u32 $0x7, v10;
	v17 =	vand.u32 $0xF, v13;
	v8 =	vand.u32 $0x7, v8  }
0x62: {  	v40 =	vand.u32 $0xF, v37;
	v41 =	vand.u32 $0xF, v38;
	v11 =	vor.u32 v9, v11  }
0x63: {  	v37 =	vand.u32 $0x7, v37;
	v12 =	vor.u32 v9, v12;
	v14 =	vshll.u32 v11, $0x6  }
0x64: {  	v15 =	vshll.u32 v12, $0x6;
	v11 =	vand.u32 $0x78, v11;
	v16 =	vor.u32 v0, v14  }
0x65: {  	v18 =	vor.u32 v0, v15;
	v21 =	vor.u32 v8, v11;
	v11 =	vor.u32 v9, v17  }
0x66: {  	v40 =	vor.u32 v9, v40;
	v12 =	vand.u32 $0x78, v12;
	v22 =	vshll.u32 v11, $0x6  }
0x67: {  	v12 =	vor.u32 v10, v12;
	v10 =	vadd.s32 s6, v0;
	v20 =	vor.u32 v0, v22  }
0x68: {  	v55 =	vshll.u32 v40, $0x6;
	v8 =	vand.u32 $0x7, v13;
	v19 =	vand.u32 $0xF, v10  }
0x69: {  	v17 =	vor.u32 v2, v14;
	v23 =	vor.u32 v2, v15;
	v19 =	vor.u32 v9, v19;
	v16 =	vld.idx.msk [tilespmem:v16+s0+$0x0], $0xffff  }
0x6a: {  	v29 =	vor.u32 v6, v14;
	v34 =	vor.u32 v4, v15;
	v24 =	vshll.u32 v19, $0x6;
	v18 =	vld.idx.msk [tilespmem:v18+s0+$0x0], $0xffff  }
0x6b: {  	v14 =	vor.u32 v4, v14;
	v13 =	vor.u32 v1, v21;
	v26 =	vor.u32 v0, v24  }
0x6c: {  	v56 =	vor.u32 v0, v55;
	v11 =	vand.u32 $0x78, v11;
	v25 =	vor.u32 v1, v12;
	v20 =	vld.idx.msk [tilespmem:v20+s0+$0x0], $0xffff  }
0x6d: {  	v59 =	vor.u32 v2, v55;
	v10 =	vand.u32 $0x7, v10;
	v28 =	vor.u32 v8, v11  }
0x6e: {  	v31 =	vor.u32 v5, v21;
	v32 =	vor.u32 v1, v28;
	v16 =	vmul.f32 $8.000000000e+00, v16  }
0x6f: {  	v33 =	vor.u32 v3, v12;
	v8 =	vor.u32 v7, v12;
	v18 =	vmul.f32 $8.000000000e+00, v18  }
0x70: {  	v30 =	vor.u32 v4, v22;
	v12 =	vor.u32 v5, v12;
	v26 =	vld.idx.msk [tilespmem:v26+s0+$0x0], $0xffff;
	[tilespmem:v13+s14+$0x0] =	vst.idx.msk $0xffff, v16  }
0x71: {  	v19 =	vand.u32 $0x78, v19;
	v36 =	vor.u32 v3, v28;
	v20 =	vmul.f32 $8.000000000e+00, v20;
	[tilespmem:v25+s14+$0x0] =	vst.idx.msk $0xffff, v18;
	v17 =	vld.idx.msk [tilespmem:v17+s0+$0x0], $0xffff  }
0x72: {  	v27 =	vor.u32 v10, v19;
	v19 =	vor.u32 v3, v21;
	v13 =	vor.u32 v2, v22;
	v23 =	vld.idx.msk [tilespmem:v23+s0+$0x0], $0xffff  }
0x73: {  	v11 =	vor.u32 v6, v24;
	v10 =	vor.u32 v6, v15;
	[tilespmem:v32+s14+$0x0] =	vst.idx.msk $0xffff, v20;
	v32 =	vld.idx.msk [tilespmem:v56+s0+$0x0], $0xffff  }
0x74: {  	v15 =	vor.u32 v1, v27;
	v47 =	vor.u32 v5, v27;
	v35 =	vor.u32 v3, v27  }
0x75: {  	v16 =	vor.u32 v2, v24;
	v24 =	vor.u32 v4, v24;
	v20 =	vor.u32 v9, v41  }
0x76: {  	v25 =	vand.u32 $0xF, v39;
	v42 =	vshll.u32 v20, $0x6;
	v17 =	vmul.f32 $8.000000000e+00, v17  }
0x77: {  	v43 =	vor.u32 v2, v42;
	v18 =	vld.idx.msk [tilespmem:v13+s0+$0x0], $0xffff;
	v13 =	vand.u32 $0x78, v20;
	v23 =	vmul.f32 $8.000000000e+00, v23  }
0x78: {  	v20 =	vor.u32 v0, v42;
	v62 =	vmul.f32 $8.000000000e+00, v32;
	[tilespmem:v19+s14+$0x0] =	vst.idx.msk $0xffff, v17;
	v19 =	vmul.f32 $8.000000000e+00, v26  }
0x79: {  	v17 =	vand.u32 $0x7, v38;
	v26 =	vand.u32 $0x78, v40;
	[tilespmem:v33+s14+$0x0] =	vst.idx.msk $0xffff, v23;
	v33 =	vor.u32 v5, v28  }
0x7a: {  	s31 =	simm.s32 $0x4;
	v13 =	vor.u32 v17, v13;
	v17 =	vand.u32 $0x7, v39;
	v44 =	vor.u32 v37, v26;
	[tilespmem:v15+s14+$0x0] =	vst.idx.msk $0xffff, v19  }
0x7b: {  	v57 =	vor.u32 v1, v13;
	v19 =	vor.u32 v9, v25;
	v25 =	vadd.s32 s31, v0;
	v16 =	vld.idx.msk [tilespmem:v16+s0+$0x0], $0xffff  }
0x7c: {  	v14 =	vld.idx.msk [tilespmem:v14+s0+$0x0], $0xffff;
	v18 =	vmul.f32 $8.000000000e+00, v18;
	v23 =	vor.u32 v3, v44;
	v38 =	vor.u32 v5, v44  }
0x7d: {  	v15 =	vshll.u32 v19, $0x6;
	v26 =	vand.u32 $0xF, v25;
	v58 =	vand.u32 $0x78, v19  }
0x7e: {  	v25 =	vand.u32 $0x7, v25;
	v19 =	vor.u32 v9, v26;
	v26 =	vor.u32 v1, v44;
	[tilespmem:v36+s14+$0x0] =	vst.idx.msk $0xffff, v18  }
0x7f: {  	v60 =	vld.idx.msk [tilespmem:v20+s0+$0x0], $0xffff;
	v61 =	vor.u32 v0, v15;
	v18 =	vor.u32 v17, v58;
	v17 =	vor.u32 v6, v42  }
0x80: {  	v41 =	vor.u32 v2, v15;
	v42 =	vor.u32 v4, v42;
	v20 =	vmul.f32 $8.000000000e+00, v16  }
0x81: {  	v46 =	vshll.u32 v19, $0x6;
	v19 =	vand.u32 $0x78, v19;
	v30 =	vld.idx.msk [tilespmem:v30+s0+$0x0], $0xffff;
	v14 =	vmul.f32 $8.000000000e+00, v14  }
0x82: {  	v40 =	vor.u32 v1, v18;
	v16 =	vor.u32 v7, v28;
	v28 =	vld.idx.msk [tilespmem:v34+s0+$0x0], $0xffff;
	[tilespmem:v35+s14+$0x0] =	vst.idx.msk $0xffff, v20  }
0x83: {  	v45 =	vor.u32 v0, v46;
	v19 =	vor.u32 v25, v19;
	[tilespmem:v31+s14+$0x0] =	vst.idx.msk $0xffff, v14;
	v48 =	vld.idx.msk [tilespmem:v24+s0+$0x0], $0xffff  }
0x84: {  	v25 =	vor.u32 v3, v13;
	v32 =	vor.u32 v6, v46;
	v49 =	vmul.f32 $8.000000000e+00, v60;
	v63 =	vld.idx.msk [tilespmem:v29+s0+$0x0], $0xffff  }
0x85: {  	v36 =	vor.u32 v1, v19;
	v39 =	vor.u32 v5, v19;
	v14 =	vor.u32 v7, v44;
	v50 =	vld.idx.msk [tilespmem:v61+s0+$0x0], $0xffff  }
0x86: {  	v31 =	vor.u32 v6, v22;
	v22 =	vor.u32 v4, v55;
	v34 =	vor.u32 v2, v46  }
0x87: {  	v29 =	vor.u32 v6, v55;
	[tilespmem:v57+s14+$0x0] =	vst.idx.msk $0xffff, v49;
	v20 =	vor.u32 v7, v27  }
0x88: {  	v27 =	vor.u32 v7, v21;
	v21 =	vor.u32 v5, v13;
	v43 =	vld.idx.msk [tilespmem:v43+s0+$0x0], $0xffff;
	v48 =	vmul.f32 $8.000000000e+00, v48  }
0x89: {  	[tilespmem:v26+s14+$0x0] =	vst.idx.msk $0xffff, v62;
	v44 =	vmul.f32 $8.000000000e+00, v30;
	v30 =	vor.u32 v4, v46;
	v37 =	vld.idx.msk [tilespmem:v45+s0+$0x0], $0xffff;
	v45 =	vmul.f32 $8.000000000e+00, v28  }
0x8a: {  	s9 =	simm.s32 $0x8;
	v26 =	vld.idx.msk [tilespmem:v59+s0+$0x0], $0xffff;
	v24 =	vor.u32 v4, v15;
	v35 =	vmul.f32 $8.000000000e+00, v63;
	v46 =	vmul.f32 $8.000000000e+00, v50;
	[tilespmem:v47+s14+$0x0] =	vst.idx.msk $0xffff, v48  }
.LBB2_7:
0x8b: {  	s4 =	sadd.s32 $0x1, s9;
	s11 =	sadd.s32 $0x2, s9;
	s21 =	sadd.s32 $0x3, s9;
	v47 =	vor.u32 v3, v19;
	v48 =	vor.u32 v3, v18;
	v49 =	vld.idx.msk [tilespmem:v11+s0+$0x0], $0xffff;
	[tilespmem:v12+s14+$0x0] =	vst.idx.msk $0xffff, v45  }
0x8c: {  	p2 =	slt.u32 s9, $0xC;
	v11 =	vmovc v32;
	v28 =	vmovc v39;
	v45 =	vadd.s32 s4, v0;
	v51 =	vadd.s32 s11, v0;
	v50 =	vadd.s32 s21, v0;
	[tilespmem:v33+s14+$0x0] =	vst.idx.msk $0xffff, v44;
	s4 =	smov.u32 s9;
	s9 =	sadd.s32 $0x4, s9  }
0x8d: {  	v12 =	vmovc v38;
	v32 =	vand.u32 $0xF, v45;
	v33 =	vand.u32 $0xF, v51;
	v39 =	vand.u32 $0x7, v51;
	[tilespmem:v40+s14+$0x0] =	vst.idx.msk $0xffff, v46;
	v31 =	vld.idx.msk [tilespmem:v31+s0+$0x0], $0xffff  }
0x8e: {  	v38 =	vmul.f32 $8.000000000e+00, v43;
	v32 =	vor.u32 v9, v32;
	v33 =	vor.u32 v9, v33;
	v40 =	vld.idx.msk [tilespmem:v41+s0+$0x0], $0xffff  }
0x8f: {  	v43 =	vand.u32 $0xF, v50;
	v46 =	vshll.u32 v32, $0x6;
	v41 =	vshll.u32 v33, $0x6;
	[tilespmem:v27+s14+$0x0] =	vst.idx.msk $0xffff, v35;
	v27 =	vld.idx.msk [tilespmem:v10+s0+$0x0], $0xffff;
	v10 =	vmovc v29  }
0x90: {  	v33 =	vand.u32 $0x78, v33;
	v29 =	vor.u32 v0, v46;
	v35 =	vor.u32 v0, v41;
	[tilespmem:v25+s14+$0x0] =	vst.idx.msk $0xffff, v38  }
0x91: {  	v37 =	vmul.f32 $8.000000000e+00, v37;
	v25 =	vand.u32 $0x78, v32;
	v32 =	vand.u32 $0x7, v45;
	v38 =	vld.idx.msk [tilespmem:v42+s0+$0x0], $0xffff  }
0x92: {  	v32 =	vor.u32 v32, v25;
	v42 =	vand.u32 $0x7, v50;
	v25 =	vmul.f32 $8.000000000e+00, v49  }
0x93: {  	v45 =	vor.u32 v39, v33;
	v44 =	vor.u32 v1, v32;
	v31 =	vmul.f32 $8.000000000e+00, v31;
	[tilespmem:v36+s14+$0x0] =	vst.idx.msk $0xffff, v37  }
0x94: {  	v33 =	vor.u32 v9, v43;
	v49 =	vor.u32 v2, v46;
	v36 =	vmul.f32 $8.000000000e+00, v40;
	v34 =	vld.idx.msk [tilespmem:v34+s0+$0x0], $0xffff  }
0x95: {  	v39 =	vshll.u32 v33, $0x6;
	v33 =	vand.u32 $0x78, v33;
	v37 =	vadd.s32 s4, v0;
	v35 =	vld.idx.msk [tilespmem:v35+s0+$0x0], $0xffff;
	[tilespmem:v20+s14+$0x0] =	vst.idx.msk $0xffff, v25  }
0x96: {  	v40 =	vor.u32 v2, v41;
	v20 =	vand.u32 $0xF, v37;
	v25 =	vmul.f32 $8.000000000e+00, v27;
	[tilespmem:v48+s14+$0x0] =	vst.idx.msk $0xffff, v36  }
0x97: {  	v20 =	vor.u32 v9, v20;
	v36 =	vor.u32 v1, v45;
	v27 =	vmul.f32 $8.000000000e+00, v38;
	[tilespmem:v16+s14+$0x0] =	vst.idx.msk $0xffff, v31  }
0x98: {  	v48 =	vshll.u32 v20, $0x6;
	v16 =	vand.u32 $0x78, v20;
	v20 =	vand.u32 $0x7, v37;
	v29 =	vld.idx.msk [tilespmem:v29+s0+$0x0], $0xffff;
	[tilespmem:v8+s14+$0x0] =	vst.idx.msk $0xffff, v25;
	v8 =	vmovc v14  }
0x99: {  	v43 =	vor.u32 v0, v39;
	v37 =	vor.u32 v0, v48;
	v38 =	vor.u32 v20, v16  }
0x9a: {  	v42 =	vor.u32 v42, v33;
	v25 =	vor.u32 v3, v32;
	v20 =	vmul.f32 $8.000000000e+00, v34;
	v50 =	vld.idx.msk [tilespmem:v24+s0+$0x0], $0xffff  }
0x9b: {  	v16 =	vor.u32 v7, v18;
	v24 =	vmul.f32 $8.000000000e+00, v35;
	[tilespmem:v21+s14+$0x0] =	vst.idx.msk $0xffff, v27;
	v21 =	vmul.f32 $8.000000000e+00, v26  }
0x9c: {  	v14 =	vor.u32 v7, v45;
	[tilespmem:v47+s14+$0x0] =	vst.idx.msk $0xffff, v20;
	v20 =	vor.u32 v7, v19;
	v19 =	vld.idx.msk [tilespmem:v17+s0+$0x0], $0xffff  }
0x9d: {  	v27 =	vor.u32 v7, v13;
	v17 =	vor.u32 v6, v46;
	v30 =	vld.idx.msk [tilespmem:v30+s0+$0x0], $0xffff;
	[tilespmem:v23+s14+$0x0] =	vst.idx.msk $0xffff, v21  }
0x9e: {  	v33 =	vor.u32 v5, v18;
	v31 =	vor.u32 v6, v15;
	v13 =	vmovc v32;
	v23 =	vmul.f32 $8.000000000e+00, v29;
	v47 =	vld.idx.msk [tilespmem:v22+s0+$0x0], $0xffff  }
0x9f: {  	v32 =	vor.u32 v6, v48;
	[tilespmem:v36+s14+$0x0] =	vst.idx.msk $0xffff, v24;
	v51 =	vld.idx.msk [tilespmem:v43+s0+$0x0], $0xffff;
	v24 =	vor.u32 v4, v39  }
0xa0: {  	v21 =	vor.u32 v5, v13;
	v29 =	vor.u32 v6, v41;
	v26 =	vld.idx.msk [tilespmem:v40+s0+$0x0], $0xffff;
	v40 =	vor.u32 v1, v42  }
.Ltmp4:
0xa1: {  	v22 =	vor.u32 v4, v41;
	v37 =	vld.idx.msk [tilespmem:v37+s0+$0x0], $0xffff;
	[tilespmem:v44+s14+$0x0] =	vst.idx.msk $0xffff, v23;
	v23 =	vor.u32 v3, v45;
	(pc) =	sbr.rel @p2 .LBB2_7-.Ltmp4, $4  }
0xa2: {  	v15 =	vmovc v39;
	v34 =	vor.u32 v2, v48;
	v41 =	vor.u32 v2, v39;
	v36 =	vor.u32 v1, v38  }
0xa3: {  	v18 =	vmovc v42;
	v39 =	vor.u32 v5, v38;
	v35 =	vmul.f32 $8.000000000e+00, v19;
	v19 =	vmovc v38;
	v43 =	vld.idx.msk [tilespmem:v49+s0+$0x0], $0xffff;
	v49 =	vmul.f32 $8.000000000e+00, v30  }
0xa4: {  	v38 =	vor.u32 v5, v45;
	v44 =	vmul.f32 $8.000000000e+00, v50;
	v45 =	vmul.f32 $8.000000000e+00, v47  }
0xa5: {  	v42 =	vor.u32 v4, v46;
	v30 =	vor.u32 v4, v48;
	v46 =	vmul.f32 $8.000000000e+00, v51;
	[tilespmem:v28+s14+$0x0] =	vst.idx.msk $0xffff, v49  }
0xa6: {  	_ =	sdelay $0x1  }
0xa7: {  	v9 =	vmul.f32 $8.000000000e+00, v37;
	_ =	sdelay $0x1  }
0xa8: {  	[tilespmem:v36+s14+$0x0] =	vst.idx.msk $0xffff, v9  }
0xa9: {  	[tilespmem:v40+s14+$0x0] =	vst.idx.msk $0xffff, v46;
	v9 =	vld.idx.msk [tilespmem:v34+s0+$0x0], $0xffff  }
0xaa: {  	v28 =	vld.idx.msk [tilespmem:v41+s0+$0x0], $0xffff  }
0xab: {  	v50 =	vor.u32 v3, v19  }
0xac: {  	v51 =	vor.u32 v3, v18  }
0xad: {  	v52 =	vmul.f32 $8.000000000e+00, v43  }
0xae: {  	v9 =	vmul.f32 $8.000000000e+00, v9  }
0xaf: {  	[tilespmem:v25+s14+$0x0] =	vst.idx.msk $0xffff, v52;
	v53 =	vmul.f32 $8.000000000e+00, v28  }
0xb0: {  	v26 =	vmul.f32 $8.000000000e+00, v26;
	v54 =	vld.idx.msk [tilespmem:v42+s0+$0x0], $0xffff;
	[tilespmem:v50+s14+$0x0] =	vst.idx.msk $0xffff, v9  }
0xb1: {  	[tilespmem:v51+s14+$0x0] =	vst.idx.msk $0xffff, v53;
	v9 =	vld.idx.msk [tilespmem:v30+s0+$0x0], $0xffff  }
0xb2: {  	[tilespmem:v23+s14+$0x0] =	vst.idx.msk $0xffff, v26;
	v24 =	vld.idx.msk [tilespmem:v24+s0+$0x0], $0xffff  }
0xb3: {  	v22 =	vld.idx.msk [tilespmem:v22+s0+$0x0], $0xffff  }
0xb4: {  	v55 =	vor.u32 v5, v18  }
0xb5: {  	v11 =	vld.idx.msk [tilespmem:v11+s0+$0x0], $0xffff;
	[tilespmem:v33+s14+$0x0] =	vst.idx.msk $0xffff, v44;
	v15 =	vor.u32 v6, v15;
	v56 =	vmul.f32 $8.000000000e+00, v54  }
0xb6: {  	[tilespmem:v12+s14+$0x0] =	vst.idx.msk $0xffff, v45;
	v57 =	vld.idx.msk [tilespmem:v31+s0+$0x0], $0xffff;
	v9 =	vmul.f32 $8.000000000e+00, v9  }
0xb7: {  	v10 =	vld.idx.msk [tilespmem:v10+s0+$0x0], $0xffff;
	[tilespmem:v21+s14+$0x0] =	vst.idx.msk $0xffff, v56;
	v58 =	vmul.f32 $8.000000000e+00, v24  }
0xb8: {  	v22 =	vmul.f32 $8.000000000e+00, v22;
	v17 =	vld.idx.msk [tilespmem:v17+s0+$0x0], $0xffff;
	[tilespmem:v39+s14+$0x0] =	vst.idx.msk $0xffff, v9  }
0xb9: {  	[tilespmem:v55+s14+$0x0] =	vst.idx.msk $0xffff, v58;
	v9 =	vld.idx.msk [tilespmem:v32+s0+$0x0], $0xffff  }
0xba: {  	v13 =	vor.u32 v7, v13;
	v11 =	vmul.f32 $8.000000000e+00, v11;
	[tilespmem:v38+s14+$0x0] =	vst.idx.msk $0xffff, v22;
	v15 =	vld.idx.msk [tilespmem:v15+s0+$0x0], $0xffff  }
0xbb: {  	[tilespmem:v27+s14+$0x0] =	vst.idx.msk $0xffff, v35;
	v59 =	vor.u32 v7, v19;
	v12 =	vmul.f32 $8.000000000e+00, v57;
	v60 =	vld.idx.msk [tilespmem:v29+s0+$0x0], $0xffff  }
0xbc: {  	v61 =	vor.u32 v7, v18;
	s2 =	sadd.s32 $0x1, s2;
	v10 =	vmul.f32 $8.000000000e+00, v10;
	[tilespmem:v20+s14+$0x0] =	vst.idx.msk $0xffff, v11  }
0xbd: {  	p2 =	sne.s32 s2, $0x8;
	[tilespmem:v16+s14+$0x0] =	vst.idx.msk $0xffff, v12;
	v62 =	vmul.f32 $8.000000000e+00, v17  }
.Ltmp5:
0xbe: {  	[tilespmem:v8+s14+$0x0] =	vst.idx.msk $0xffff, v10;
	v8 =	vmul.f32 $8.000000000e+00, v9;
	(pc) =	sbr.rel @p2 .LBB2_6-.Ltmp5, $4  }
0xbf: {  	[tilespmem:v13+s14+$0x0] =	vst.idx.msk $0xffff, v62;
	v63 =	vmul.f32 $8.000000000e+00, v15  }
0xc0: {  	[tilespmem:v59+s14+$0x0] =	vst.idx.msk $0xffff, v8;
	v8 =	vmul.f32 $8.000000000e+00, v60  }
0xc1: {  	[tilespmem:v61+s14+$0x0] =	vst.idx.msk $0xffff, v63  }
0xc2: {  	[tilespmem:v14+s14+$0x0] =	vst.idx.msk $0xffff, v8  }
0xc3: {  	s2 =	sadd.s32 s7, s20  }
0xc4: {  	s4 =	sshll.u32 s2, $0x7  }
0xc5: {  	s2 =	sshll.u32 s2, $0xA;
	s4 =	sand.u32 $0xC00, s4  }
0xc6: {  	s2 =	sand.u32 $0xFFF8000, s2;
	s4 =	sadd.s32 s3, s4  }
0xc7: {  	s29 =	simm.s32 $0x5;
	s2 =	sadd.s32 s2, s4  }
0xc8: {  	[hbm4b:s2+s0] =	stream.strided.scatter [tilespmem:s14], [sflag:$0xD], $0x2000, s23, s0, $0x38;
	[tilespmem:$0x10400] =	vst v63  }
0xc9: {  	_ =	swait.ge [sflag:s29], $0x80  }
0xca: {  	[sflag:s29] =	ssyncset.done $0x0;
	s2 =	rddreg [dreg:$0xd]  }
0xcb: {  	s31 =	simm.s32 $0x200;
	[sflag:s29] =	ssyncadd.s32 $0xFFFFFF80;
	s2 =	sadd.s32 @!p0 s20, s2  }
0xcc: {  	[tilespmem:s0], [sflag:$0x9] =	stream.indirect.gather [hbm4b:s5+s24], $0x40, s31, s24, $0xb8;
	[tilespmem:$0x10400] =	vst v63  }
0xcd: {  	s4 =	sshll.u32 @!p0 s2, $0x7;
	s6 =	sshll.u32 @!p0 s2, $0xA  }
0xce: {  	s2 =	sshll.u32 @!p0 s2, $0x2;
	s4 =	sand.u32 @!p0 $0x7FFF8000, s4;
	s6 =	sand.u32 @!p0 $0x6400, s6  }
0xcf: {  	s9 =	simm.s32 $0xA;
	s2 =	sand.u32 @!p0 $0x380, s2;
	s4 =	sor.u32 @!p0 s6, s4  }
0xd0: {  	_ =	swait.ge [sflag:s9], $0x2000;
	s2 =	sor.u32 @!p0 s2, s4  }
0xd1: {  	[sflag:s9] =	ssyncset.done $0x0;
	s6 =	simm.s32 @!p0 $0x80;
	s2 =	sshrl.u32 @!p0 s2, $0x3  }
0xd2: {  	[sflag:s9] =	ssyncadd.s32 $0xFFFFE000;
	s4 =	simm.s32 @!p0 $0x0;
	s2 =	sadd.s32 @!p0 s1, s2  }
0xd3: {  	[tilespmem:s6], [sflag:$0x2] =	stream.linear.gather @!p0 [hbm4b:s2+s4], $0x80, $0x38;
	[tilespmem:$0x10400] =	vst v63  }
0xd4: {  	s2 =	simm.s32 @!p1 $0xE  }
0xd5: {  	_ =	swait.ge @!p1 [sflag:s2], $0x2000  }
0xd6: {  	s11 =	sor.u32 $0x1, s20;
	s21 =	simm.s32 $0x0;
	[sflag:s2] =	ssyncset.done @!p1 $0x0  }
0xd7: {  	s6 =	sor.u32 $0x4, s20;
	[sflag:s2] =	ssyncadd.s32 @!p1 $0xFFFFE000;
	s2 =	simm.s32 $0x0  }
.LBB2_10:
0xd8: {  	s4 =	simm.s32 $0x1;
	s9 =	sshll.u32 s2, $0x4;
	s22 =	simm.s32 $0x2  }
0xd9: {  	s28 =	simm.s32 $0x5;
	s29 =	simm.s32 $0x7;
	v8 =	vadd.s32 s4, v0;
	v9 =	vmov s9;
	v10 =	vadd.s32 s22, v0  }
0xda: {  	s9 =	simm.s32 $0x3;
	v38 =	vadd.s32 s28, v0;
	v39 =	vadd.s32 s29, v0;
	v11 =	vand.u32 $0xF, v8  }
0xdb: {  	s22 =	simm.s32 $0x6;
	v12 =	vand.u32 $0xF, v10;
	v13 =	vadd.s32 s9, v0;
	v10 =	vand.u32 $0x7, v10  }
0xdc: {  	v8 =	vand.u32 $0x7, v8;
	v37 =	vadd.s32 s22, v0;
	v41 =	vand.u32 $0xF, v38  }
0xdd: {  	v11 =	vor.u32 v9, v11;
	v12 =	vor.u32 v9, v12;
	v17 =	vand.u32 $0xF, v13  }
0xde: {  	v40 =	vand.u32 $0xF, v37;
	v37 =	vand.u32 $0x7, v37;
	v14 =	vshll.u32 v11, $0x6  }
0xdf: {  	v15 =	vshll.u32 v12, $0x6;
	v11 =	vand.u32 $0x78, v11;
	v16 =	vor.u32 v0, v14  }
0xe0: {  	v18 =	vor.u32 v0, v15;
	v21 =	vor.u32 v8, v11;
	v11 =	vor.u32 v9, v17  }
0xe1: {  	v12 =	vand.u32 $0x78, v12;
	v40 =	vor.u32 v9, v40;
	v22 =	vshll.u32 v11, $0x6  }
0xe2: {  	v12 =	vor.u32 v10, v12;
	v10 =	vadd.s32 s21, v0;
	v20 =	vor.u32 v0, v22  }
0xe3: {  	v8 =	vand.u32 $0x7, v13;
	v17 =	vor.u32 v2, v14;
	v19 =	vand.u32 $0xF, v10  }
0xe4: {  	v23 =	vor.u32 v2, v15;
	v29 =	vor.u32 v6, v14;
	v19 =	vor.u32 v9, v19;
	v16 =	vld.idx.msk [tilespmem:v16+s8+$0x0], $0xffff  }
0xe5: {  	v34 =	vor.u32 v4, v15;
	v14 =	vor.u32 v4, v14;
	v24 =	vshll.u32 v19, $0x6;
	v18 =	vld.idx.msk [tilespmem:v18+s8+$0x0], $0xffff  }
0xe6: {  	v55 =	vshll.u32 v40, $0x6;
	v13 =	vor.u32 v1, v21;
	v26 =	vor.u32 v0, v24  }
0xe7: {  	v11 =	vand.u32 $0x78, v11;
	v10 =	vand.u32 $0x7, v10;
	v25 =	vor.u32 v1, v12;
	v20 =	vld.idx.msk [tilespmem:v20+s8+$0x0], $0xffff  }
0xe8: {  	v31 =	vor.u32 v5, v21;
	v33 =	vor.u32 v3, v12;
	v28 =	vor.u32 v8, v11  }
0xe9: {  	v56 =	vor.u32 v0, v55;
	v32 =	vor.u32 v1, v28;
	v16 =	vmul.f32 $8.000000000e+00, v16  }
0xea: {  	v59 =	vor.u32 v2, v55;
	v8 =	vor.u32 v7, v12;
	v18 =	vmul.f32 $8.000000000e+00, v18  }
0xeb: {  	v30 =	vor.u32 v4, v22;
	v12 =	vor.u32 v5, v12;
	v26 =	vld.idx.msk [tilespmem:v26+s8+$0x0], $0xffff;
	[tilespmem:v13+s25+$0x0] =	vst.idx.msk $0xffff, v16  }
0xec: {  	v19 =	vand.u32 $0x78, v19;
	v36 =	vor.u32 v3, v28;
	v20 =	vmul.f32 $8.000000000e+00, v20;
	[tilespmem:v25+s25+$0x0] =	vst.idx.msk $0xffff, v18;
	v17 =	vld.idx.msk [tilespmem:v17+s8+$0x0], $0xffff  }
0xed: {  	v27 =	vor.u32 v10, v19;
	v19 =	vor.u32 v3, v21;
	v13 =	vor.u32 v2, v22;
	v23 =	vld.idx.msk [tilespmem:v23+s8+$0x0], $0xffff  }
0xee: {  	v11 =	vor.u32 v6, v24;
	v10 =	vor.u32 v6, v15;
	[tilespmem:v32+s25+$0x0] =	vst.idx.msk $0xffff, v20;
	v32 =	vld.idx.msk [tilespmem:v56+s8+$0x0], $0xffff  }
0xef: {  	v15 =	vor.u32 v1, v27;
	v47 =	vor.u32 v5, v27;
	v35 =	vor.u32 v3, v27  }
0xf0: {  	v16 =	vor.u32 v2, v24;
	v24 =	vor.u32 v4, v24;
	v20 =	vor.u32 v9, v41  }
0xf1: {  	v25 =	vand.u32 $0xF, v39;
	v42 =	vshll.u32 v20, $0x6;
	v17 =	vmul.f32 $8.000000000e+00, v17  }
0xf2: {  	v43 =	vor.u32 v2, v42;
	v18 =	vld.idx.msk [tilespmem:v13+s8+$0x0], $0xffff;
	v13 =	vand.u32 $0x78, v20;
	v23 =	vmul.f32 $8.000000000e+00, v23  }
0xf3: {  	v20 =	vor.u32 v0, v42;
	v62 =	vmul.f32 $8.000000000e+00, v32;
	[tilespmem:v19+s25+$0x0] =	vst.idx.msk $0xffff, v17;
	v19 =	vmul.f32 $8.000000000e+00, v26  }
0xf4: {  	v17 =	vand.u32 $0x7, v38;
	v26 =	vand.u32 $0x78, v40;
	[tilespmem:v33+s25+$0x0] =	vst.idx.msk $0xffff, v23;
	v33 =	vor.u32 v5, v28  }
0xf5: {  	s31 =	simm.s32 $0x4;
	v13 =	vor.u32 v17, v13;
	v17 =	vand.u32 $0x7, v39;
	v44 =	vor.u32 v37, v26;
	[tilespmem:v15+s25+$0x0] =	vst.idx.msk $0xffff, v19  }
0xf6: {  	v57 =	vor.u32 v1, v13;
	v19 =	vor.u32 v9, v25;
	v25 =	vadd.s32 s31, v0;
	v16 =	vld.idx.msk [tilespmem:v16+s8+$0x0], $0xffff  }
0xf7: {  	v14 =	vld.idx.msk [tilespmem:v14+s8+$0x0], $0xffff;
	v18 =	vmul.f32 $8.000000000e+00, v18;
	v23 =	vor.u32 v3, v44;
	v38 =	vor.u32 v5, v44  }
0xf8: {  	v15 =	vshll.u32 v19, $0x6;
	v26 =	vand.u32 $0xF, v25;
	v58 =	vand.u32 $0x78, v19  }
0xf9: {  	v25 =	vand.u32 $0x7, v25;
	v19 =	vor.u32 v9, v26;
	v26 =	vor.u32 v1, v44;
	[tilespmem:v36+s25+$0x0] =	vst.idx.msk $0xffff, v18  }
0xfa: {  	v60 =	vld.idx.msk [tilespmem:v20+s8+$0x0], $0xffff;
	v61 =	vor.u32 v0, v15;
	v18 =	vor.u32 v17, v58;
	v17 =	vor.u32 v6, v42  }
0xfb: {  	v41 =	vor.u32 v2, v15;
	v42 =	vor.u32 v4, v42;
	v20 =	vmul.f32 $8.000000000e+00, v16  }
0xfc: {  	v46 =	vshll.u32 v19, $0x6;
	v19 =	vand.u32 $0x78, v19;
	v30 =	vld.idx.msk [tilespmem:v30+s8+$0x0], $0xffff;
	v14 =	vmul.f32 $8.000000000e+00, v14  }
0xfd: {  	v40 =	vor.u32 v1, v18;
	v16 =	vor.u32 v7, v28;
	v28 =	vld.idx.msk [tilespmem:v34+s8+$0x0], $0xffff;
	[tilespmem:v35+s25+$0x0] =	vst.idx.msk $0xffff, v20  }
0xfe: {  	v45 =	vor.u32 v0, v46;
	v19 =	vor.u32 v25, v19;
	[tilespmem:v31+s25+$0x0] =	vst.idx.msk $0xffff, v14;
	v48 =	vld.idx.msk [tilespmem:v24+s8+$0x0], $0xffff  }
0xff: {  	v25 =	vor.u32 v3, v13;
	v32 =	vor.u32 v6, v46;
	v49 =	vmul.f32 $8.000000000e+00, v60;
	v63 =	vld.idx.msk [tilespmem:v29+s8+$0x0], $0xffff  }
0x100: {  	v36 =	vor.u32 v1, v19;
	v39 =	vor.u32 v5, v19;
	v14 =	vor.u32 v7, v44;
	v50 =	vld.idx.msk [tilespmem:v61+s8+$0x0], $0xffff  }
0x101: {  	v31 =	vor.u32 v6, v22;
	v22 =	vor.u32 v4, v55;
	v34 =	vor.u32 v2, v46  }
0x102: {  	v29 =	vor.u32 v6, v55;
	[tilespmem:v57+s25+$0x0] =	vst.idx.msk $0xffff, v49;
	v20 =	vor.u32 v7, v27  }
0x103: {  	v27 =	vor.u32 v7, v21;
	v21 =	vor.u32 v5, v13;
	v43 =	vld.idx.msk [tilespmem:v43+s8+$0x0], $0xffff;
	v48 =	vmul.f32 $8.000000000e+00, v48  }
0x104: {  	[tilespmem:v26+s25+$0x0] =	vst.idx.msk $0xffff, v62;
	v44 =	vmul.f32 $8.000000000e+00, v30;
	v30 =	vor.u32 v4, v46;
	v37 =	vld.idx.msk [tilespmem:v45+s8+$0x0], $0xffff;
	v45 =	vmul.f32 $8.000000000e+00, v28  }
0x105: {  	s9 =	simm.s32 $0x8;
	v26 =	vld.idx.msk [tilespmem:v59+s8+$0x0], $0xffff;
	v24 =	vor.u32 v4, v15;
	v35 =	vmul.f32 $8.000000000e+00, v63;
	v46 =	vmul.f32 $8.000000000e+00, v50;
	[tilespmem:v47+s25+$0x0] =	vst.idx.msk $0xffff, v48  }
.LBB2_11:
0x106: {  	s4 =	sadd.s32 $0x1, s9;
	s22 =	sadd.s32 $0x2, s9;
	s28 =	sadd.s32 $0x3, s9;
	v47 =	vor.u32 v3, v19;
	v48 =	vor.u32 v3, v18;
	v49 =	vld.idx.msk [tilespmem:v11+s8+$0x0], $0xffff;
	[tilespmem:v12+s25+$0x0] =	vst.idx.msk $0xffff, v45  }
0x107: {  	p2 =	slt.u32 s9, $0xC;
	v11 =	vmovc v32;
	v28 =	vmovc v39;
	v45 =	vadd.s32 s4, v0;
	v51 =	vadd.s32 s22, v0;
	v50 =	vadd.s32 s28, v0;
	[tilespmem:v33+s25+$0x0] =	vst.idx.msk $0xffff, v44;
	s4 =	smov.u32 s9;
	s9 =	sadd.s32 $0x4, s9  }
0x108: {  	v12 =	vmovc v38;
	v32 =	vand.u32 $0xF, v45;
	v33 =	vand.u32 $0xF, v51;
	v39 =	vand.u32 $0x7, v51;
	[tilespmem:v40+s25+$0x0] =	vst.idx.msk $0xffff, v46;
	v31 =	vld.idx.msk [tilespmem:v31+s8+$0x0], $0xffff  }
0x109: {  	v38 =	vmul.f32 $8.000000000e+00, v43;
	v32 =	vor.u32 v9, v32;
	v33 =	vor.u32 v9, v33;
	v40 =	vld.idx.msk [tilespmem:v41+s8+$0x0], $0xffff  }
0x10a: {  	v43 =	vand.u32 $0xF, v50;
	v46 =	vshll.u32 v32, $0x6;
	v41 =	vshll.u32 v33, $0x6;
	[tilespmem:v27+s25+$0x0] =	vst.idx.msk $0xffff, v35;
	v27 =	vld.idx.msk [tilespmem:v10+s8+$0x0], $0xffff;
	v10 =	vmovc v29  }
0x10b: {  	v33 =	vand.u32 $0x78, v33;
	v29 =	vor.u32 v0, v46;
	v35 =	vor.u32 v0, v41;
	[tilespmem:v25+s25+$0x0] =	vst.idx.msk $0xffff, v38  }
0x10c: {  	v37 =	vmul.f32 $8.000000000e+00, v37;
	v25 =	vand.u32 $0x78, v32;
	v32 =	vand.u32 $0x7, v45;
	v38 =	vld.idx.msk [tilespmem:v42+s8+$0x0], $0xffff  }
0x10d: {  	v32 =	vor.u32 v32, v25;
	v42 =	vand.u32 $0x7, v50;
	v25 =	vmul.f32 $8.000000000e+00, v49  }
0x10e: {  	v45 =	vor.u32 v39, v33;
	v44 =	vor.u32 v1, v32;
	v31 =	vmul.f32 $8.000000000e+00, v31;
	[tilespmem:v36+s25+$0x0] =	vst.idx.msk $0xffff, v37  }
0x10f: {  	v33 =	vor.u32 v9, v43;
	v49 =	vor.u32 v2, v46;
	v36 =	vmul.f32 $8.000000000e+00, v40;
	v34 =	vld.idx.msk [tilespmem:v34+s8+$0x0], $0xffff  }
0x110: {  	v39 =	vshll.u32 v33, $0x6;
	v33 =	vand.u32 $0x78, v33;
	v37 =	vadd.s32 s4, v0;
	v35 =	vld.idx.msk [tilespmem:v35+s8+$0x0], $0xffff;
	[tilespmem:v20+s25+$0x0] =	vst.idx.msk $0xffff, v25  }
0x111: {  	v40 =	vor.u32 v2, v41;
	v20 =	vand.u32 $0xF, v37;
	v25 =	vmul.f32 $8.000000000e+00, v27;
	[tilespmem:v48+s25+$0x0] =	vst.idx.msk $0xffff, v36  }
0x112: {  	v20 =	vor.u32 v9, v20;
	v36 =	vor.u32 v1, v45;
	v27 =	vmul.f32 $8.000000000e+00, v38;
	[tilespmem:v16+s25+$0x0] =	vst.idx.msk $0xffff, v31  }
0x113: {  	v48 =	vshll.u32 v20, $0x6;
	v16 =	vand.u32 $0x78, v20;
	v20 =	vand.u32 $0x7, v37;
	v29 =	vld.idx.msk [tilespmem:v29+s8+$0x0], $0xffff;
	[tilespmem:v8+s25+$0x0] =	vst.idx.msk $0xffff, v25;
	v8 =	vmovc v14  }
0x114: {  	v43 =	vor.u32 v0, v39;
	v37 =	vor.u32 v0, v48;
	v38 =	vor.u32 v20, v16  }
0x115: {  	v42 =	vor.u32 v42, v33;
	v25 =	vor.u32 v3, v32;
	v20 =	vmul.f32 $8.000000000e+00, v34;
	v50 =	vld.idx.msk [tilespmem:v24+s8+$0x0], $0xffff  }
0x116: {  	v16 =	vor.u32 v7, v18;
	v24 =	vmul.f32 $8.000000000e+00, v35;
	[tilespmem:v21+s25+$0x0] =	vst.idx.msk $0xffff, v27;
	v21 =	vmul.f32 $8.000000000e+00, v26  }
0x117: {  	v14 =	vor.u32 v7, v45;
	[tilespmem:v47+s25+$0x0] =	vst.idx.msk $0xffff, v20;
	v20 =	vor.u32 v7, v19;
	v19 =	vld.idx.msk [tilespmem:v17+s8+$0x0], $0xffff  }
0x118: {  	v27 =	vor.u32 v7, v13;
	v17 =	vor.u32 v6, v46;
	v30 =	vld.idx.msk [tilespmem:v30+s8+$0x0], $0xffff;
	[tilespmem:v23+s25+$0x0] =	vst.idx.msk $0xffff, v21  }
0x119: {  	v33 =	vor.u32 v5, v18;
	v31 =	vor.u32 v6, v15;
	v13 =	vmovc v32;
	v23 =	vmul.f32 $8.000000000e+00, v29;
	v47 =	vld.idx.msk [tilespmem:v22+s8+$0x0], $0xffff  }
0x11a: {  	v32 =	vor.u32 v6, v48;
	[tilespmem:v36+s25+$0x0] =	vst.idx.msk $0xffff, v24;
	v51 =	vld.idx.msk [tilespmem:v43+s8+$0x0], $0xffff;
	v24 =	vor.u32 v4, v39  }
0x11b: {  	v21 =	vor.u32 v5, v13;
	v29 =	vor.u32 v6, v41;
	v26 =	vld.idx.msk [tilespmem:v40+s8+$0x0], $0xffff;
	v40 =	vor.u32 v1, v42  }
.Ltmp6:
0x11c: {  	v22 =	vor.u32 v4, v41;
	v37 =	vld.idx.msk [tilespmem:v37+s8+$0x0], $0xffff;
	[tilespmem:v44+s25+$0x0] =	vst.idx.msk $0xffff, v23;
	v23 =	vor.u32 v3, v45;
	(pc) =	sbr.rel @p2 .LBB2_11-.Ltmp6, $4  }
0x11d: {  	v15 =	vmovc v39;
	v34 =	vor.u32 v2, v48;
	v41 =	vor.u32 v2, v39;
	v36 =	vor.u32 v1, v38  }
0x11e: {  	v18 =	vmovc v42;
	v39 =	vor.u32 v5, v38;
	v35 =	vmul.f32 $8.000000000e+00, v19;
	v19 =	vmovc v38;
	v43 =	vld.idx.msk [tilespmem:v49+s8+$0x0], $0xffff;
	v49 =	vmul.f32 $8.000000000e+00, v30  }
0x11f: {  	v38 =	vor.u32 v5, v45;
	v44 =	vmul.f32 $8.000000000e+00, v50;
	v45 =	vmul.f32 $8.000000000e+00, v47  }
0x120: {  	v42 =	vor.u32 v4, v46;
	v30 =	vor.u32 v4, v48;
	v46 =	vmul.f32 $8.000000000e+00, v51;
	[tilespmem:v28+s25+$0x0] =	vst.idx.msk $0xffff, v49  }
0x121: {  	_ =	sdelay $0x1  }
0x122: {  	v9 =	vmul.f32 $8.000000000e+00, v37;
	_ =	sdelay $0x1  }
0x123: {  	[tilespmem:v36+s25+$0x0] =	vst.idx.msk $0xffff, v9  }
0x124: {  	[tilespmem:v40+s25+$0x0] =	vst.idx.msk $0xffff, v46;
	v9 =	vld.idx.msk [tilespmem:v34+s8+$0x0], $0xffff  }
0x125: {  	v28 =	vld.idx.msk [tilespmem:v41+s8+$0x0], $0xffff  }
0x126: {  	v50 =	vor.u32 v3, v19  }
0x127: {  	v51 =	vor.u32 v3, v18  }
0x128: {  	v52 =	vmul.f32 $8.000000000e+00, v43  }
0x129: {  	v9 =	vmul.f32 $8.000000000e+00, v9  }
0x12a: {  	[tilespmem:v25+s25+$0x0] =	vst.idx.msk $0xffff, v52;
	v53 =	vmul.f32 $8.000000000e+00, v28  }
0x12b: {  	v26 =	vmul.f32 $8.000000000e+00, v26;
	v54 =	vld.idx.msk [tilespmem:v42+s8+$0x0], $0xffff;
	[tilespmem:v50+s25+$0x0] =	vst.idx.msk $0xffff, v9  }
0x12c: {  	[tilespmem:v51+s25+$0x0] =	vst.idx.msk $0xffff, v53;
	v9 =	vld.idx.msk [tilespmem:v30+s8+$0x0], $0xffff  }
0x12d: {  	[tilespmem:v23+s25+$0x0] =	vst.idx.msk $0xffff, v26;
	v24 =	vld.idx.msk [tilespmem:v24+s8+$0x0], $0xffff  }
0x12e: {  	v22 =	vld.idx.msk [tilespmem:v22+s8+$0x0], $0xffff  }
0x12f: {  	v55 =	vor.u32 v5, v18  }
0x130: {  	v11 =	vld.idx.msk [tilespmem:v11+s8+$0x0], $0xffff;
	[tilespmem:v33+s25+$0x0] =	vst.idx.msk $0xffff, v44;
	v15 =	vor.u32 v6, v15;
	v56 =	vmul.f32 $8.000000000e+00, v54  }
0x131: {  	[tilespmem:v12+s25+$0x0] =	vst.idx.msk $0xffff, v45;
	v57 =	vld.idx.msk [tilespmem:v31+s8+$0x0], $0xffff;
	v9 =	vmul.f32 $8.000000000e+00, v9  }
0x132: {  	v10 =	vld.idx.msk [tilespmem:v10+s8+$0x0], $0xffff;
	[tilespmem:v21+s25+$0x0] =	vst.idx.msk $0xffff, v56;
	v58 =	vmul.f32 $8.000000000e+00, v24  }
0x133: {  	v22 =	vmul.f32 $8.000000000e+00, v22;
	v17 =	vld.idx.msk [tilespmem:v17+s8+$0x0], $0xffff;
	[tilespmem:v39+s25+$0x0] =	vst.idx.msk $0xffff, v9  }
0x134: {  	[tilespmem:v55+s25+$0x0] =	vst.idx.msk $0xffff, v58;
	v9 =	vld.idx.msk [tilespmem:v32+s8+$0x0], $0xffff  }
0x135: {  	v13 =	vor.u32 v7, v13;
	v11 =	vmul.f32 $8.000000000e+00, v11;
	[tilespmem:v38+s25+$0x0] =	vst.idx.msk $0xffff, v22;
	v15 =	vld.idx.msk [tilespmem:v15+s8+$0x0], $0xffff  }
0x136: {  	[tilespmem:v27+s25+$0x0] =	vst.idx.msk $0xffff, v35;
	v59 =	vor.u32 v7, v19;
	v12 =	vmul.f32 $8.000000000e+00, v57;
	v60 =	vld.idx.msk [tilespmem:v29+s8+$0x0], $0xffff  }
0x137: {  	v61 =	vor.u32 v7, v18;
	s2 =	sadd.s32 $0x1, s2;
	v10 =	vmul.f32 $8.000000000e+00, v10;
	[tilespmem:v20+s25+$0x0] =	vst.idx.msk $0xffff, v11  }
0x138: {  	p2 =	sne.s32 s2, $0x8;
	[tilespmem:v16+s25+$0x0] =	vst.idx.msk $0xffff, v12;
	v62 =	vmul.f32 $8.000000000e+00, v17  }
.Ltmp7:
0x139: {  	[tilespmem:v8+s25+$0x0] =	vst.idx.msk $0xffff, v10;
	v8 =	vmul.f32 $8.000000000e+00, v9;
	(pc) =	sbr.rel @p2 .LBB2_10-.Ltmp7, $4  }
0x13a: {  	[tilespmem:v13+s25+$0x0] =	vst.idx.msk $0xffff, v62;
	v63 =	vmul.f32 $8.000000000e+00, v15  }
0x13b: {  	[tilespmem:v59+s25+$0x0] =	vst.idx.msk $0xffff, v8;
	v8 =	vmul.f32 $8.000000000e+00, v60  }
0x13c: {  	[tilespmem:v61+s25+$0x0] =	vst.idx.msk $0xffff, v63  }
0x13d: {  	[tilespmem:v14+s25+$0x0] =	vst.idx.msk $0xffff, v8  }
0x13e: {  	s2 =	sadd.s32 s7, s11  }
0x13f: {  	s4 =	sshll.u32 s2, $0x7  }
0x140: {  	s2 =	sshll.u32 s2, $0xA;
	s4 =	sand.u32 $0xC80, s4  }
0x141: {  	s2 =	sand.u32 $0xFFF8000, s2;
	s4 =	sadd.s32 s3, s4  }
0x142: {  	s28 =	simm.s32 $0x6;
	s2 =	sadd.s32 s2, s4  }
0x143: {  	[hbm4b:s2+s0] =	stream.strided.scatter [tilespmem:s25], [sflag:$0xE], $0x2000, s23, s0, $0x38;
	[tilespmem:$0x10400] =	vst v63  }
0x144: {  	_ =	swait.ge [sflag:s28], $0x80  }
0x145: {  	[sflag:s28] =	ssyncset.done $0x0;
	s2 =	rddreg [dreg:$0xe]  }
0x146: {  	s29 =	simm.s32 $0x280;
	[sflag:s28] =	ssyncadd.s32 $0xFFFFFF80;
	s2 =	sadd.s32 @!p0 s20, s2  }
0x147: {  	[tilespmem:s8], [sflag:$0xA] =	stream.indirect.gather [hbm4b:s5+s24], $0x40, s29, s24, $0xb8;
	[tilespmem:$0x10400] =	vst v63  }
0x148: {  	s4 =	sshll.u32 @!p0 s2, $0x7;
	s9 =	sshll.u32 @!p0 s2, $0xA  }
0x149: {  	s2 =	sshll.u32 @!p0 s2, $0x2;
	s4 =	sand.u32 @!p0 $0x7FFF8000, s4;
	s9 =	sand.u32 @!p0 $0x6800, s9  }
0x14a: {  	s31 =	simm.s32 $0xB;
	s2 =	sand.u32 @!p0 $0x380, s2;
	s4 =	sor.u32 @!p0 s9, s4  }
0x14b: {  	_ =	swait.ge [sflag:s31], $0x2000;
	s2 =	sor.u32 @!p0 s2, s4  }
0x14c: {  	[sflag:s31] =	ssyncset.done $0x0;
	s9 =	simm.s32 @!p0 $0x100;
	s2 =	sshrl.u32 @!p0 s2, $0x3  }
0x14d: {  	[sflag:s31] =	ssyncadd.s32 $0xFFFFE000;
	s4 =	simm.s32 @!p0 $0x0;
	s2 =	sadd.s32 @!p0 s1, s2  }
0x14e: {  	[tilespmem:s9], [sflag:$0x3] =	stream.linear.gather @!p0 [hbm4b:s2+s4], $0x80, $0x38;
	[tilespmem:$0x10400] =	vst v63  }
0x14f: {  	s2 =	simm.s32 @!p1 $0xF  }
0x150: {  	_ =	swait.ge @!p1 [sflag:s2], $0x2000  }
0x151: {  	s11 =	sor.u32 $0x5, s20;
	s21 =	sor.u32 $0x2, s20;
	[sflag:s2] =	ssyncset.done @!p1 $0x0  }
0x152: {  	s22 =	simm.s32 $0x0;
	[sflag:s2] =	ssyncadd.s32 @!p1 $0xFFFFE000;
	s2 =	simm.s32 $0x0  }
.LBB2_14:
0x153: {  	s4 =	simm.s32 $0x1;
	s9 =	sshll.u32 s2, $0x4;
	s28 =	simm.s32 $0x2  }
0x154: {  	s31 =	simm.s32 $0x3;
	s29 =	simm.s32 $0x7;
	v8 =	vadd.s32 s4, v0;
	v9 =	vmov s9;
	v10 =	vadd.s32 s28, v0  }
0x155: {  	v13 =	vadd.s32 s31, v0;
	v39 =	vadd.s32 s29, v0;
	v11 =	vand.u32 $0xF, v8  }
0x156: {  	s9 =	simm.s32 $0x6;
	s31 =	simm.s32 $0x5;
	v12 =	vand.u32 $0xF, v10;
	v10 =	vand.u32 $0x7, v10;
	v17 =	vand.u32 $0xF, v13  }
0x157: {  	v8 =	vand.u32 $0x7, v8;
	v37 =	vadd.s32 s9, v0;
	v38 =	vadd.s32 s31, v0  }
0x158: {  	v11 =	vor.u32 v9, v11;
	v12 =	vor.u32 v9, v12;
	v40 =	vand.u32 $0xF, v37  }
0x159: {  	v41 =	vand.u32 $0xF, v38;
	v37 =	vand.u32 $0x7, v37;
	v14 =	vshll.u32 v11, $0x6  }
0x15a: {  	v15 =	vshll.u32 v12, $0x6;
	v11 =	vand.u32 $0x78, v11;
	v16 =	vor.u32 v0, v14  }
0x15b: {  	v18 =	vor.u32 v0, v15;
	v21 =	vor.u32 v8, v11;
	v11 =	vor.u32 v9, v17  }
0x15c: {  	v12 =	vand.u32 $0x78, v12;
	v40 =	vor.u32 v9, v40;
	v22 =	vshll.u32 v11, $0x6  }
0x15d: {  	v12 =	vor.u32 v10, v12;
	v10 =	vadd.s32 s22, v0;
	v20 =	vor.u32 v0, v22  }
0x15e: {  	v8 =	vand.u32 $0x7, v13;
	v17 =	vor.u32 v2, v14;
	v19 =	vand.u32 $0xF, v10  }
0x15f: {  	v23 =	vor.u32 v2, v15;
	v29 =	vor.u32 v6, v14;
	v19 =	vor.u32 v9, v19;
	v16 =	vld.idx.msk [tilespmem:v16+s10+$0x0], $0xffff  }
0x160: {  	v34 =	vor.u32 v4, v15;
	v14 =	vor.u32 v4, v14;
	v24 =	vshll.u32 v19, $0x6;
	v18 =	vld.idx.msk [tilespmem:v18+s10+$0x0], $0xffff  }
0x161: {  	v55 =	vshll.u32 v40, $0x6;
	v13 =	vor.u32 v1, v21;
	v26 =	vor.u32 v0, v24  }
0x162: {  	v11 =	vand.u32 $0x78, v11;
	v10 =	vand.u32 $0x7, v10;
	v25 =	vor.u32 v1, v12;
	v20 =	vld.idx.msk [tilespmem:v20+s10+$0x0], $0xffff  }
0x163: {  	v31 =	vor.u32 v5, v21;
	v33 =	vor.u32 v3, v12;
	v28 =	vor.u32 v8, v11  }
0x164: {  	v56 =	vor.u32 v0, v55;
	v32 =	vor.u32 v1, v28;
	v16 =	vmul.f32 $8.000000000e+00, v16  }
0x165: {  	v59 =	vor.u32 v2, v55;
	v8 =	vor.u32 v7, v12;
	v18 =	vmul.f32 $8.000000000e+00, v18  }
0x166: {  	v30 =	vor.u32 v4, v22;
	v12 =	vor.u32 v5, v12;
	v26 =	vld.idx.msk [tilespmem:v26+s10+$0x0], $0xffff;
	[tilespmem:v13+s26+$0x0] =	vst.idx.msk $0xffff, v16  }
0x167: {  	v19 =	vand.u32 $0x78, v19;
	v36 =	vor.u32 v3, v28;
	v20 =	vmul.f32 $8.000000000e+00, v20;
	[tilespmem:v25+s26+$0x0] =	vst.idx.msk $0xffff, v18;
	v17 =	vld.idx.msk [tilespmem:v17+s10+$0x0], $0xffff  }
0x168: {  	v27 =	vor.u32 v10, v19;
	v19 =	vor.u32 v3, v21;
	v13 =	vor.u32 v2, v22;
	v23 =	vld.idx.msk [tilespmem:v23+s10+$0x0], $0xffff  }
0x169: {  	v11 =	vor.u32 v6, v24;
	v10 =	vor.u32 v6, v15;
	[tilespmem:v32+s26+$0x0] =	vst.idx.msk $0xffff, v20;
	v32 =	vld.idx.msk [tilespmem:v56+s10+$0x0], $0xffff  }
0x16a: {  	v15 =	vor.u32 v1, v27;
	v47 =	vor.u32 v5, v27;
	v35 =	vor.u32 v3, v27  }
0x16b: {  	v16 =	vor.u32 v2, v24;
	v24 =	vor.u32 v4, v24;
	v20 =	vor.u32 v9, v41  }
0x16c: {  	v25 =	vand.u32 $0xF, v39;
	v42 =	vshll.u32 v20, $0x6;
	v17 =	vmul.f32 $8.000000000e+00, v17  }
0x16d: {  	v43 =	vor.u32 v2, v42;
	v18 =	vld.idx.msk [tilespmem:v13+s10+$0x0], $0xffff;
	v13 =	vand.u32 $0x78, v20;
	v23 =	vmul.f32 $8.000000000e+00, v23  }
0x16e: {  	v20 =	vor.u32 v0, v42;
	v62 =	vmul.f32 $8.000000000e+00, v32;
	[tilespmem:v19+s26+$0x0] =	vst.idx.msk $0xffff, v17;
	v19 =	vmul.f32 $8.000000000e+00, v26  }
0x16f: {  	v17 =	vand.u32 $0x7, v38;
	v26 =	vand.u32 $0x78, v40;
	[tilespmem:v33+s26+$0x0] =	vst.idx.msk $0xffff, v23;
	v33 =	vor.u32 v5, v28  }
0x170: {  	s31 =	simm.s32 $0x4;
	v13 =	vor.u32 v17, v13;
	v17 =	vand.u32 $0x7, v39;
	v44 =	vor.u32 v37, v26;
	[tilespmem:v15+s26+$0x0] =	vst.idx.msk $0xffff, v19  }
0x171: {  	v57 =	vor.u32 v1, v13;
	v19 =	vor.u32 v9, v25;
	v25 =	vadd.s32 s31, v0;
	v16 =	vld.idx.msk [tilespmem:v16+s10+$0x0], $0xffff  }
0x172: {  	v14 =	vld.idx.msk [tilespmem:v14+s10+$0x0], $0xffff;
	v18 =	vmul.f32 $8.000000000e+00, v18;
	v23 =	vor.u32 v3, v44;
	v38 =	vor.u32 v5, v44  }
0x173: {  	v15 =	vshll.u32 v19, $0x6;
	v26 =	vand.u32 $0xF, v25;
	v58 =	vand.u32 $0x78, v19  }
0x174: {  	v25 =	vand.u32 $0x7, v25;
	v19 =	vor.u32 v9, v26;
	v26 =	vor.u32 v1, v44;
	[tilespmem:v36+s26+$0x0] =	vst.idx.msk $0xffff, v18  }
0x175: {  	v60 =	vld.idx.msk [tilespmem:v20+s10+$0x0], $0xffff;
	v61 =	vor.u32 v0, v15;
	v18 =	vor.u32 v17, v58;
	v17 =	vor.u32 v6, v42  }
0x176: {  	v41 =	vor.u32 v2, v15;
	v42 =	vor.u32 v4, v42;
	v20 =	vmul.f32 $8.000000000e+00, v16  }
0x177: {  	v46 =	vshll.u32 v19, $0x6;
	v19 =	vand.u32 $0x78, v19;
	v30 =	vld.idx.msk [tilespmem:v30+s10+$0x0], $0xffff;
	v14 =	vmul.f32 $8.000000000e+00, v14  }
0x178: {  	v40 =	vor.u32 v1, v18;
	v16 =	vor.u32 v7, v28;
	v28 =	vld.idx.msk [tilespmem:v34+s10+$0x0], $0xffff;
	[tilespmem:v35+s26+$0x0] =	vst.idx.msk $0xffff, v20  }
0x179: {  	v45 =	vor.u32 v0, v46;
	v19 =	vor.u32 v25, v19;
	[tilespmem:v31+s26+$0x0] =	vst.idx.msk $0xffff, v14;
	v48 =	vld.idx.msk [tilespmem:v24+s10+$0x0], $0xffff  }
0x17a: {  	v25 =	vor.u32 v3, v13;
	v32 =	vor.u32 v6, v46;
	v49 =	vmul.f32 $8.000000000e+00, v60;
	v63 =	vld.idx.msk [tilespmem:v29+s10+$0x0], $0xffff  }
0x17b: {  	v36 =	vor.u32 v1, v19;
	v39 =	vor.u32 v5, v19;
	v14 =	vor.u32 v7, v44;
	v50 =	vld.idx.msk [tilespmem:v61+s10+$0x0], $0xffff  }
0x17c: {  	v31 =	vor.u32 v6, v22;
	v22 =	vor.u32 v4, v55;
	v34 =	vor.u32 v2, v46  }
0x17d: {  	v29 =	vor.u32 v6, v55;
	[tilespmem:v57+s26+$0x0] =	vst.idx.msk $0xffff, v49;
	v20 =	vor.u32 v7, v27  }
0x17e: {  	v27 =	vor.u32 v7, v21;
	v21 =	vor.u32 v5, v13;
	v43 =	vld.idx.msk [tilespmem:v43+s10+$0x0], $0xffff;
	v48 =	vmul.f32 $8.000000000e+00, v48  }
0x17f: {  	[tilespmem:v26+s26+$0x0] =	vst.idx.msk $0xffff, v62;
	v44 =	vmul.f32 $8.000000000e+00, v30;
	v30 =	vor.u32 v4, v46;
	v37 =	vld.idx.msk [tilespmem:v45+s10+$0x0], $0xffff;
	v45 =	vmul.f32 $8.000000000e+00, v28  }
0x180: {  	s9 =	simm.s32 $0x8;
	v26 =	vld.idx.msk [tilespmem:v59+s10+$0x0], $0xffff;
	v24 =	vor.u32 v4, v15;
	v35 =	vmul.f32 $8.000000000e+00, v63;
	v46 =	vmul.f32 $8.000000000e+00, v50;
	[tilespmem:v47+s26+$0x0] =	vst.idx.msk $0xffff, v48  }
.LBB2_15:
0x181: {  	s4 =	sadd.s32 $0x1, s9;
	s28 =	sadd.s32 $0x2, s9;
	s29 =	sadd.s32 $0x3, s9;
	v47 =	vor.u32 v3, v19;
	v48 =	vor.u32 v3, v18;
	v49 =	vld.idx.msk [tilespmem:v11+s10+$0x0], $0xffff;
	[tilespmem:v12+s26+$0x0] =	vst.idx.msk $0xffff, v45  }
0x182: {  	p2 =	slt.u32 s9, $0xC;
	v11 =	vmovc v32;
	v28 =	vmovc v39;
	v45 =	vadd.s32 s4, v0;
	v51 =	vadd.s32 s28, v0;
	v50 =	vadd.s32 s29, v0;
	[tilespmem:v33+s26+$0x0] =	vst.idx.msk $0xffff, v44;
	s4 =	smov.u32 s9;
	s9 =	sadd.s32 $0x4, s9  }
0x183: {  	v12 =	vmovc v38;
	v32 =	vand.u32 $0xF, v45;
	v33 =	vand.u32 $0xF, v51;
	v39 =	vand.u32 $0x7, v51;
	[tilespmem:v40+s26+$0x0] =	vst.idx.msk $0xffff, v46;
	v31 =	vld.idx.msk [tilespmem:v31+s10+$0x0], $0xffff  }
0x184: {  	v38 =	vmul.f32 $8.000000000e+00, v43;
	v32 =	vor.u32 v9, v32;
	v33 =	vor.u32 v9, v33;
	v40 =	vld.idx.msk [tilespmem:v41+s10+$0x0], $0xffff  }
0x185: {  	v43 =	vand.u32 $0xF, v50;
	v46 =	vshll.u32 v32, $0x6;
	v41 =	vshll.u32 v33, $0x6;
	[tilespmem:v27+s26+$0x0] =	vst.idx.msk $0xffff, v35;
	v27 =	vld.idx.msk [tilespmem:v10+s10+$0x0], $0xffff;
	v10 =	vmovc v29  }
0x186: {  	v33 =	vand.u32 $0x78, v33;
	v29 =	vor.u32 v0, v46;
	v35 =	vor.u32 v0, v41;
	[tilespmem:v25+s26+$0x0] =	vst.idx.msk $0xffff, v38  }
0x187: {  	v37 =	vmul.f32 $8.000000000e+00, v37;
	v25 =	vand.u32 $0x78, v32;
	v32 =	vand.u32 $0x7, v45;
	v38 =	vld.idx.msk [tilespmem:v42+s10+$0x0], $0xffff  }
0x188: {  	v32 =	vor.u32 v32, v25;
	v42 =	vand.u32 $0x7, v50;
	v25 =	vmul.f32 $8.000000000e+00, v49  }
0x189: {  	v45 =	vor.u32 v39, v33;
	v44 =	vor.u32 v1, v32;
	v31 =	vmul.f32 $8.000000000e+00, v31;
	[tilespmem:v36+s26+$0x0] =	vst.idx.msk $0xffff, v37  }
0x18a: {  	v33 =	vor.u32 v9, v43;
	v49 =	vor.u32 v2, v46;
	v36 =	vmul.f32 $8.000000000e+00, v40;
	v34 =	vld.idx.msk [tilespmem:v34+s10+$0x0], $0xffff  }
0x18b: {  	v39 =	vshll.u32 v33, $0x6;
	v33 =	vand.u32 $0x78, v33;
	v37 =	vadd.s32 s4, v0;
	v35 =	vld.idx.msk [tilespmem:v35+s10+$0x0], $0xffff;
	[tilespmem:v20+s26+$0x0] =	vst.idx.msk $0xffff, v25  }
0x18c: {  	v40 =	vor.u32 v2, v41;
	v20 =	vand.u32 $0xF, v37;
	v25 =	vmul.f32 $8.000000000e+00, v27;
	[tilespmem:v48+s26+$0x0] =	vst.idx.msk $0xffff, v36  }
0x18d: {  	v20 =	vor.u32 v9, v20;
	v36 =	vor.u32 v1, v45;
	v27 =	vmul.f32 $8.000000000e+00, v38;
	[tilespmem:v16+s26+$0x0] =	vst.idx.msk $0xffff, v31  }
0x18e: {  	v48 =	vshll.u32 v20, $0x6;
	v16 =	vand.u32 $0x78, v20;
	v20 =	vand.u32 $0x7, v37;
	v29 =	vld.idx.msk [tilespmem:v29+s10+$0x0], $0xffff;
	[tilespmem:v8+s26+$0x0] =	vst.idx.msk $0xffff, v25;
	v8 =	vmovc v14  }
0x18f: {  	v43 =	vor.u32 v0, v39;
	v37 =	vor.u32 v0, v48;
	v38 =	vor.u32 v20, v16  }
0x190: {  	v42 =	vor.u32 v42, v33;
	v25 =	vor.u32 v3, v32;
	v20 =	vmul.f32 $8.000000000e+00, v34;
	v50 =	vld.idx.msk [tilespmem:v24+s10+$0x0], $0xffff  }
0x191: {  	v16 =	vor.u32 v7, v18;
	v24 =	vmul.f32 $8.000000000e+00, v35;
	[tilespmem:v21+s26+$0x0] =	vst.idx.msk $0xffff, v27;
	v21 =	vmul.f32 $8.000000000e+00, v26  }
0x192: {  	v14 =	vor.u32 v7, v45;
	[tilespmem:v47+s26+$0x0] =	vst.idx.msk $0xffff, v20;
	v20 =	vor.u32 v7, v19;
	v19 =	vld.idx.msk [tilespmem:v17+s10+$0x0], $0xffff  }
0x193: {  	v27 =	vor.u32 v7, v13;
	v17 =	vor.u32 v6, v46;
	v30 =	vld.idx.msk [tilespmem:v30+s10+$0x0], $0xffff;
	[tilespmem:v23+s26+$0x0] =	vst.idx.msk $0xffff, v21  }
0x194: {  	v33 =	vor.u32 v5, v18;
	v31 =	vor.u32 v6, v15;
	v13 =	vmovc v32;
	v23 =	vmul.f32 $8.000000000e+00, v29;
	v47 =	vld.idx.msk [tilespmem:v22+s10+$0x0], $0xffff  }
0x195: {  	v32 =	vor.u32 v6, v48;
	[tilespmem:v36+s26+$0x0] =	vst.idx.msk $0xffff, v24;
	v51 =	vld.idx.msk [tilespmem:v43+s10+$0x0], $0xffff;
	v24 =	vor.u32 v4, v39  }
0x196: {  	v21 =	vor.u32 v5, v13;
	v29 =	vor.u32 v6, v41;
	v26 =	vld.idx.msk [tilespmem:v40+s10+$0x0], $0xffff;
	v40 =	vor.u32 v1, v42  }
.Ltmp8:
0x197: {  	v22 =	vor.u32 v4, v41;
	v37 =	vld.idx.msk [tilespmem:v37+s10+$0x0], $0xffff;
	[tilespmem:v44+s26+$0x0] =	vst.idx.msk $0xffff, v23;
	v23 =	vor.u32 v3, v45;
	(pc) =	sbr.rel @p2 .LBB2_15-.Ltmp8, $4  }
0x198: {  	v15 =	vmovc v39;
	v34 =	vor.u32 v2, v48;
	v41 =	vor.u32 v2, v39;
	v36 =	vor.u32 v1, v38  }
0x199: {  	v18 =	vmovc v42;
	v39 =	vor.u32 v5, v38;
	v35 =	vmul.f32 $8.000000000e+00, v19;
	v19 =	vmovc v38;
	v43 =	vld.idx.msk [tilespmem:v49+s10+$0x0], $0xffff;
	v49 =	vmul.f32 $8.000000000e+00, v30  }
0x19a: {  	v38 =	vor.u32 v5, v45;
	v44 =	vmul.f32 $8.000000000e+00, v50;
	v45 =	vmul.f32 $8.000000000e+00, v47  }
0x19b: {  	v42 =	vor.u32 v4, v46;
	v30 =	vor.u32 v4, v48;
	v46 =	vmul.f32 $8.000000000e+00, v51;
	[tilespmem:v28+s26+$0x0] =	vst.idx.msk $0xffff, v49  }
0x19c: {  	_ =	sdelay $0x1  }
0x19d: {  	v9 =	vmul.f32 $8.000000000e+00, v37;
	_ =	sdelay $0x1  }
0x19e: {  	[tilespmem:v36+s26+$0x0] =	vst.idx.msk $0xffff, v9  }
0x19f: {  	[tilespmem:v40+s26+$0x0] =	vst.idx.msk $0xffff, v46;
	v9 =	vld.idx.msk [tilespmem:v34+s10+$0x0], $0xffff  }
0x1a0: {  	v28 =	vld.idx.msk [tilespmem:v41+s10+$0x0], $0xffff  }
0x1a1: {  	v50 =	vor.u32 v3, v19  }
0x1a2: {  	v51 =	vor.u32 v3, v18  }
0x1a3: {  	v52 =	vmul.f32 $8.000000000e+00, v43  }
0x1a4: {  	v9 =	vmul.f32 $8.000000000e+00, v9  }
0x1a5: {  	[tilespmem:v25+s26+$0x0] =	vst.idx.msk $0xffff, v52;
	v53 =	vmul.f32 $8.000000000e+00, v28  }
0x1a6: {  	v26 =	vmul.f32 $8.000000000e+00, v26;
	v54 =	vld.idx.msk [tilespmem:v42+s10+$0x0], $0xffff;
	[tilespmem:v50+s26+$0x0] =	vst.idx.msk $0xffff, v9  }
0x1a7: {  	[tilespmem:v51+s26+$0x0] =	vst.idx.msk $0xffff, v53;
	v9 =	vld.idx.msk [tilespmem:v30+s10+$0x0], $0xffff  }
0x1a8: {  	[tilespmem:v23+s26+$0x0] =	vst.idx.msk $0xffff, v26;
	v24 =	vld.idx.msk [tilespmem:v24+s10+$0x0], $0xffff  }
0x1a9: {  	v22 =	vld.idx.msk [tilespmem:v22+s10+$0x0], $0xffff  }
0x1aa: {  	v55 =	vor.u32 v5, v18  }
0x1ab: {  	v11 =	vld.idx.msk [tilespmem:v11+s10+$0x0], $0xffff;
	[tilespmem:v33+s26+$0x0] =	vst.idx.msk $0xffff, v44;
	v15 =	vor.u32 v6, v15;
	v56 =	vmul.f32 $8.000000000e+00, v54  }
0x1ac: {  	[tilespmem:v12+s26+$0x0] =	vst.idx.msk $0xffff, v45;
	v57 =	vld.idx.msk [tilespmem:v31+s10+$0x0], $0xffff;
	v9 =	vmul.f32 $8.000000000e+00, v9  }
0x1ad: {  	v10 =	vld.idx.msk [tilespmem:v10+s10+$0x0], $0xffff;
	[tilespmem:v21+s26+$0x0] =	vst.idx.msk $0xffff, v56;
	v58 =	vmul.f32 $8.000000000e+00, v24  }
0x1ae: {  	v22 =	vmul.f32 $8.000000000e+00, v22;
	v17 =	vld.idx.msk [tilespmem:v17+s10+$0x0], $0xffff;
	[tilespmem:v39+s26+$0x0] =	vst.idx.msk $0xffff, v9  }
0x1af: {  	[tilespmem:v55+s26+$0x0] =	vst.idx.msk $0xffff, v58;
	v9 =	vld.idx.msk [tilespmem:v32+s10+$0x0], $0xffff  }
0x1b0: {  	v13 =	vor.u32 v7, v13;
	v11 =	vmul.f32 $8.000000000e+00, v11;
	[tilespmem:v38+s26+$0x0] =	vst.idx.msk $0xffff, v22;
	v15 =	vld.idx.msk [tilespmem:v15+s10+$0x0], $0xffff  }
0x1b1: {  	[tilespmem:v27+s26+$0x0] =	vst.idx.msk $0xffff, v35;
	v59 =	vor.u32 v7, v19;
	v12 =	vmul.f32 $8.000000000e+00, v57;
	v60 =	vld.idx.msk [tilespmem:v29+s10+$0x0], $0xffff  }
0x1b2: {  	v61 =	vor.u32 v7, v18;
	s2 =	sadd.s32 $0x1, s2;
	v10 =	vmul.f32 $8.000000000e+00, v10;
	[tilespmem:v20+s26+$0x0] =	vst.idx.msk $0xffff, v11  }
0x1b3: {  	p2 =	sne.s32 s2, $0x8;
	[tilespmem:v16+s26+$0x0] =	vst.idx.msk $0xffff, v12;
	v62 =	vmul.f32 $8.000000000e+00, v17  }
.Ltmp9:
0x1b4: {  	[tilespmem:v8+s26+$0x0] =	vst.idx.msk $0xffff, v10;
	v8 =	vmul.f32 $8.000000000e+00, v9;
	(pc) =	sbr.rel @p2 .LBB2_14-.Ltmp9, $4  }
0x1b5: {  	[tilespmem:v13+s26+$0x0] =	vst.idx.msk $0xffff, v62;
	v63 =	vmul.f32 $8.000000000e+00, v15  }
0x1b6: {  	[tilespmem:v59+s26+$0x0] =	vst.idx.msk $0xffff, v8;
	v8 =	vmul.f32 $8.000000000e+00, v60  }
0x1b7: {  	[tilespmem:v61+s26+$0x0] =	vst.idx.msk $0xffff, v63  }
0x1b8: {  	[tilespmem:v14+s26+$0x0] =	vst.idx.msk $0xffff, v8  }
0x1b9: {  	s2 =	sadd.s32 s7, s21  }
0x1ba: {  	s4 =	sshll.u32 s2, $0x7  }
0x1bb: {  	s2 =	sshll.u32 s2, $0xA;
	s4 =	sand.u32 $0xD00, s4  }
0x1bc: {  	s2 =	sand.u32 $0xFFF8000, s2;
	s4 =	sadd.s32 s3, s4  }
0x1bd: {  	s28 =	simm.s32 $0x7;
	s2 =	sadd.s32 s2, s4  }
0x1be: {  	[hbm4b:s2+s0] =	stream.strided.scatter [tilespmem:s26], [sflag:$0xF], $0x2000, s23, s0, $0x38;
	[tilespmem:$0x10400] =	vst v63  }
0x1bf: {  	_ =	swait.ge [sflag:s28], $0x80  }
0x1c0: {  	[sflag:s28] =	ssyncset.done $0x0;
	s2 =	rddreg [dreg:$0xf]  }
0x1c1: {  	s29 =	simm.s32 $0x300;
	[sflag:s28] =	ssyncadd.s32 $0xFFFFFF80;
	s2 =	sadd.s32 @!p0 s20, s2  }
0x1c2: {  	[tilespmem:s10], [sflag:$0xB] =	stream.indirect.gather [hbm4b:s5+s24], $0x40, s29, s24, $0xb8;
	[tilespmem:$0x10400] =	vst v63  }
0x1c3: {  	s4 =	sshll.u32 @!p0 s2, $0x7;
	s9 =	sshll.u32 @!p0 s2, $0xA  }
0x1c4: {  	s2 =	sshll.u32 @!p0 s2, $0x2;
	s4 =	sand.u32 @!p0 $0x7FFF8000, s4;
	s9 =	sand.u32 @!p0 $0x6C00, s9  }
0x1c5: {  	s31 =	simm.s32 $0xC;
	s2 =	sand.u32 @!p0 $0x380, s2;
	s4 =	sor.u32 @!p0 s9, s4  }
0x1c6: {  	_ =	swait.ge [sflag:s31], $0x2000;
	s2 =	sor.u32 @!p0 s2, s4  }
0x1c7: {  	[sflag:s31] =	ssyncset.done $0x0;
	s9 =	simm.s32 @!p0 $0x180;
	s2 =	sshrl.u32 @!p0 s2, $0x3  }
0x1c8: {  	[sflag:s31] =	ssyncadd.s32 $0xFFFFE000;
	s4 =	simm.s32 @!p0 $0x0;
	s2 =	sadd.s32 @!p0 s1, s2  }
0x1c9: {  	[tilespmem:s9], [sflag:$0x4] =	stream.linear.gather @!p0 [hbm4b:s2+s4], $0x80, $0x38;
	[tilespmem:$0x10400] =	vst v63  }
0x1ca: {  	s2 =	simm.s32 @!p1 $0x10  }
0x1cb: {  	_ =	swait.ge @!p1 [sflag:s2], $0x2000  }
0x1cc: {  	s22 =	sor.u32 $0x6, s20;
	s21 =	sor.u32 $0x3, s20;
	[sflag:s2] =	ssyncset.done @!p1 $0x0  }
0x1cd: {  	s9 =	simm.s32 $0x0;
	[sflag:s2] =	ssyncadd.s32 @!p1 $0xFFFFE000;
	s2 =	simm.s32 $0x0  }
.LBB2_18:
0x1ce: {  	s4 =	simm.s32 $0x1;
	s28 =	sshll.u32 s9, $0x4;
	s29 =	simm.s32 $0x2  }
0x1cf: {  	s31 =	simm.s32 $0x7;
	v8 =	vadd.s32 s4, v0;
	v9 =	vmov s28;
	v10 =	vadd.s32 s29, v0  }
0x1d0: {  	s29 =	simm.s32 $0x3;
	v39 =	vadd.s32 s31, v0;
	v11 =	vand.u32 $0xF, v8;
	v12 =	vand.u32 $0xF, v10  }
0x1d1: {  	s4 =	simm.s32 $0x6;
	s28 =	simm.s32 $0x5;
	v13 =	vadd.s32 s29, v0;
	v10 =	vand.u32 $0x7, v10;
	v8 =	vand.u32 $0x7, v8  }
0x1d2: {  	v37 =	vadd.s32 s4, v0;
	v38 =	vadd.s32 s28, v0;
	v11 =	vor.u32 v9, v11  }
0x1d3: {  	v12 =	vor.u32 v9, v12;
	v17 =	vand.u32 $0xF, v13;
	v40 =	vand.u32 $0xF, v37  }
0x1d4: {  	v41 =	vand.u32 $0xF, v38;
	v37 =	vand.u32 $0x7, v37;
	v14 =	vshll.u32 v11, $0x6  }
0x1d5: {  	v15 =	vshll.u32 v12, $0x6;
	v11 =	vand.u32 $0x78, v11;
	v16 =	vor.u32 v0, v14  }
0x1d6: {  	v18 =	vor.u32 v0, v15;
	v21 =	vor.u32 v8, v11;
	v11 =	vor.u32 v9, v17  }
0x1d7: {  	v12 =	vand.u32 $0x78, v12;
	v40 =	vor.u32 v9, v40;
	v22 =	vshll.u32 v11, $0x6  }
0x1d8: {  	v12 =	vor.u32 v10, v12;
	v10 =	vadd.s32 s2, v0;
	v20 =	vor.u32 v0, v22  }
0x1d9: {  	v8 =	vand.u32 $0x7, v13;
	v17 =	vor.u32 v2, v14;
	v19 =	vand.u32 $0xF, v10  }
0x1da: {  	v23 =	vor.u32 v2, v15;
	v29 =	vor.u32 v6, v14;
	v19 =	vor.u32 v9, v19;
	v16 =	vld.idx.msk [tilespmem:v16+s12+$0x0], $0xffff  }
0x1db: {  	v34 =	vor.u32 v4, v15;
	v14 =	vor.u32 v4, v14;
	v24 =	vshll.u32 v19, $0x6;
	v18 =	vld.idx.msk [tilespmem:v18+s12+$0x0], $0xffff  }
0x1dc: {  	v55 =	vshll.u32 v40, $0x6;
	v13 =	vor.u32 v1, v21;
	v26 =	vor.u32 v0, v24  }
0x1dd: {  	v11 =	vand.u32 $0x78, v11;
	v10 =	vand.u32 $0x7, v10;
	v25 =	vor.u32 v1, v12;
	v20 =	vld.idx.msk [tilespmem:v20+s12+$0x0], $0xffff  }
0x1de: {  	v31 =	vor.u32 v5, v21;
	v33 =	vor.u32 v3, v12;
	v28 =	vor.u32 v8, v11  }
0x1df: {  	v56 =	vor.u32 v0, v55;
	v32 =	vor.u32 v1, v28;
	v16 =	vmul.f32 $8.000000000e+00, v16  }
0x1e0: {  	v59 =	vor.u32 v2, v55;
	v8 =	vor.u32 v7, v12;
	v18 =	vmul.f32 $8.000000000e+00, v18  }
0x1e1: {  	v30 =	vor.u32 v4, v22;
	v12 =	vor.u32 v5, v12;
	v26 =	vld.idx.msk [tilespmem:v26+s12+$0x0], $0xffff;
	[tilespmem:v13+s30+$0x0] =	vst.idx.msk $0xffff, v16  }
0x1e2: {  	v19 =	vand.u32 $0x78, v19;
	v36 =	vor.u32 v3, v28;
	v20 =	vmul.f32 $8.000000000e+00, v20;
	[tilespmem:v25+s30+$0x0] =	vst.idx.msk $0xffff, v18;
	v17 =	vld.idx.msk [tilespmem:v17+s12+$0x0], $0xffff  }
0x1e3: {  	v27 =	vor.u32 v10, v19;
	v19 =	vor.u32 v3, v21;
	v13 =	vor.u32 v2, v22;
	v23 =	vld.idx.msk [tilespmem:v23+s12+$0x0], $0xffff  }
0x1e4: {  	v11 =	vor.u32 v6, v24;
	v10 =	vor.u32 v6, v15;
	[tilespmem:v32+s30+$0x0] =	vst.idx.msk $0xffff, v20;
	v32 =	vld.idx.msk [tilespmem:v56+s12+$0x0], $0xffff  }
0x1e5: {  	v15 =	vor.u32 v1, v27;
	v47 =	vor.u32 v5, v27;
	v35 =	vor.u32 v3, v27  }
0x1e6: {  	v16 =	vor.u32 v2, v24;
	v24 =	vor.u32 v4, v24;
	v20 =	vor.u32 v9, v41  }
0x1e7: {  	v25 =	vand.u32 $0xF, v39;
	v42 =	vshll.u32 v20, $0x6;
	v17 =	vmul.f32 $8.000000000e+00, v17  }
0x1e8: {  	v43 =	vor.u32 v2, v42;
	v18 =	vld.idx.msk [tilespmem:v13+s12+$0x0], $0xffff;
	v13 =	vand.u32 $0x78, v20;
	v23 =	vmul.f32 $8.000000000e+00, v23  }
0x1e9: {  	v20 =	vor.u32 v0, v42;
	v62 =	vmul.f32 $8.000000000e+00, v32;
	[tilespmem:v19+s30+$0x0] =	vst.idx.msk $0xffff, v17;
	v19 =	vmul.f32 $8.000000000e+00, v26  }
0x1ea: {  	v17 =	vand.u32 $0x7, v38;
	v26 =	vand.u32 $0x78, v40;
	[tilespmem:v33+s30+$0x0] =	vst.idx.msk $0xffff, v23;
	v33 =	vor.u32 v5, v28  }
0x1eb: {  	s31 =	simm.s32 $0x4;
	v13 =	vor.u32 v17, v13;
	v17 =	vand.u32 $0x7, v39;
	v44 =	vor.u32 v37, v26;
	[tilespmem:v15+s30+$0x0] =	vst.idx.msk $0xffff, v19  }
0x1ec: {  	v57 =	vor.u32 v1, v13;
	v19 =	vor.u32 v9, v25;
	v25 =	vadd.s32 s31, v0;
	v16 =	vld.idx.msk [tilespmem:v16+s12+$0x0], $0xffff  }
0x1ed: {  	v14 =	vld.idx.msk [tilespmem:v14+s12+$0x0], $0xffff;
	v18 =	vmul.f32 $8.000000000e+00, v18;
	v23 =	vor.u32 v3, v44;
	v38 =	vor.u32 v5, v44  }
0x1ee: {  	v15 =	vshll.u32 v19, $0x6;
	v26 =	vand.u32 $0xF, v25;
	v58 =	vand.u32 $0x78, v19  }
0x1ef: {  	v25 =	vand.u32 $0x7, v25;
	v19 =	vor.u32 v9, v26;
	v26 =	vor.u32 v1, v44;
	[tilespmem:v36+s30+$0x0] =	vst.idx.msk $0xffff, v18  }
0x1f0: {  	v60 =	vld.idx.msk [tilespmem:v20+s12+$0x0], $0xffff;
	v61 =	vor.u32 v0, v15;
	v18 =	vor.u32 v17, v58;
	v17 =	vor.u32 v6, v42  }
0x1f1: {  	v41 =	vor.u32 v2, v15;
	v42 =	vor.u32 v4, v42;
	v20 =	vmul.f32 $8.000000000e+00, v16  }
0x1f2: {  	v46 =	vshll.u32 v19, $0x6;
	v19 =	vand.u32 $0x78, v19;
	v30 =	vld.idx.msk [tilespmem:v30+s12+$0x0], $0xffff;
	v14 =	vmul.f32 $8.000000000e+00, v14  }
0x1f3: {  	v40 =	vor.u32 v1, v18;
	v16 =	vor.u32 v7, v28;
	v28 =	vld.idx.msk [tilespmem:v34+s12+$0x0], $0xffff;
	[tilespmem:v35+s30+$0x0] =	vst.idx.msk $0xffff, v20  }
0x1f4: {  	v45 =	vor.u32 v0, v46;
	v19 =	vor.u32 v25, v19;
	[tilespmem:v31+s30+$0x0] =	vst.idx.msk $0xffff, v14;
	v48 =	vld.idx.msk [tilespmem:v24+s12+$0x0], $0xffff  }
0x1f5: {  	v25 =	vor.u32 v3, v13;
	v32 =	vor.u32 v6, v46;
	v49 =	vmul.f32 $8.000000000e+00, v60;
	v63 =	vld.idx.msk [tilespmem:v29+s12+$0x0], $0xffff  }
0x1f6: {  	v36 =	vor.u32 v1, v19;
	v39 =	vor.u32 v5, v19;
	v14 =	vor.u32 v7, v44;
	v50 =	vld.idx.msk [tilespmem:v61+s12+$0x0], $0xffff  }
0x1f7: {  	v31 =	vor.u32 v6, v22;
	v22 =	vor.u32 v4, v55;
	v34 =	vor.u32 v2, v46  }
0x1f8: {  	v29 =	vor.u32 v6, v55;
	[tilespmem:v57+s30+$0x0] =	vst.idx.msk $0xffff, v49;
	v20 =	vor.u32 v7, v27  }
0x1f9: {  	v27 =	vor.u32 v7, v21;
	v21 =	vor.u32 v5, v13;
	v43 =	vld.idx.msk [tilespmem:v43+s12+$0x0], $0xffff;
	v48 =	vmul.f32 $8.000000000e+00, v48  }
0x1fa: {  	[tilespmem:v26+s30+$0x0] =	vst.idx.msk $0xffff, v62;
	v44 =	vmul.f32 $8.000000000e+00, v30;
	v30 =	vor.u32 v4, v46;
	v37 =	vld.idx.msk [tilespmem:v45+s12+$0x0], $0xffff;
	v45 =	vmul.f32 $8.000000000e+00, v28  }
0x1fb: {  	s4 =	simm.s32 $0x8;
	v26 =	vld.idx.msk [tilespmem:v59+s12+$0x0], $0xffff;
	v24 =	vor.u32 v4, v15;
	v35 =	vmul.f32 $8.000000000e+00, v63;
	v46 =	vmul.f32 $8.000000000e+00, v50;
	[tilespmem:v47+s30+$0x0] =	vst.idx.msk $0xffff, v48  }
.LBB2_19:
0x1fc: {  	s28 =	sadd.s32 $0x1, s4;
	s29 =	sadd.s32 $0x2, s4;
	s31 =	sadd.s32 $0x3, s4;
	v47 =	vor.u32 v3, v19;
	v48 =	vor.u32 v3, v18;
	v49 =	vld.idx.msk [tilespmem:v11+s12+$0x0], $0xffff;
	[tilespmem:v12+s30+$0x0] =	vst.idx.msk $0xffff, v45  }
0x1fd: {  	p1 =	slt.u32 s4, $0xC;
	v11 =	vmovc v32;
	v28 =	vmovc v39;
	v45 =	vadd.s32 s28, v0;
	v51 =	vadd.s32 s29, v0;
	v50 =	vadd.s32 s31, v0;
	[tilespmem:v33+s30+$0x0] =	vst.idx.msk $0xffff, v44;
	s28 =	smov.u32 s4;
	s4 =	sadd.s32 $0x4, s4  }
0x1fe: {  	v12 =	vmovc v38;
	v32 =	vand.u32 $0xF, v45;
	v33 =	vand.u32 $0xF, v51;
	v39 =	vand.u32 $0x7, v51;
	[tilespmem:v40+s30+$0x0] =	vst.idx.msk $0xffff, v46;
	v31 =	vld.idx.msk [tilespmem:v31+s12+$0x0], $0xffff  }
0x1ff: {  	v38 =	vmul.f32 $8.000000000e+00, v43;
	v32 =	vor.u32 v9, v32;
	v33 =	vor.u32 v9, v33;
	v40 =	vld.idx.msk [tilespmem:v41+s12+$0x0], $0xffff  }
0x200: {  	v43 =	vand.u32 $0xF, v50;
	v46 =	vshll.u32 v32, $0x6;
	v41 =	vshll.u32 v33, $0x6;
	[tilespmem:v27+s30+$0x0] =	vst.idx.msk $0xffff, v35;
	v27 =	vld.idx.msk [tilespmem:v10+s12+$0x0], $0xffff;
	v10 =	vmovc v29  }
0x201: {  	v33 =	vand.u32 $0x78, v33;
	v29 =	vor.u32 v0, v46;
	v35 =	vor.u32 v0, v41;
	[tilespmem:v25+s30+$0x0] =	vst.idx.msk $0xffff, v38  }
0x202: {  	v37 =	vmul.f32 $8.000000000e+00, v37;
	v25 =	vand.u32 $0x78, v32;
	v32 =	vand.u32 $0x7, v45;
	v38 =	vld.idx.msk [tilespmem:v42+s12+$0x0], $0xffff  }
0x203: {  	v32 =	vor.u32 v32, v25;
	v42 =	vand.u32 $0x7, v50;
	v25 =	vmul.f32 $8.000000000e+00, v49  }
0x204: {  	v45 =	vor.u32 v39, v33;
	v44 =	vor.u32 v1, v32;
	v31 =	vmul.f32 $8.000000000e+00, v31;
	[tilespmem:v36+s30+$0x0] =	vst.idx.msk $0xffff, v37  }
0x205: {  	v33 =	vor.u32 v9, v43;
	v49 =	vor.u32 v2, v46;
	v36 =	vmul.f32 $8.000000000e+00, v40;
	v34 =	vld.idx.msk [tilespmem:v34+s12+$0x0], $0xffff  }
0x206: {  	v39 =	vshll.u32 v33, $0x6;
	v33 =	vand.u32 $0x78, v33;
	v37 =	vadd.s32 s28, v0;
	v35 =	vld.idx.msk [tilespmem:v35+s12+$0x0], $0xffff;
	[tilespmem:v20+s30+$0x0] =	vst.idx.msk $0xffff, v25  }
0x207: {  	v40 =	vor.u32 v2, v41;
	v20 =	vand.u32 $0xF, v37;
	v25 =	vmul.f32 $8.000000000e+00, v27;
	[tilespmem:v48+s30+$0x0] =	vst.idx.msk $0xffff, v36  }
0x208: {  	v20 =	vor.u32 v9, v20;
	v36 =	vor.u32 v1, v45;
	v27 =	vmul.f32 $8.000000000e+00, v38;
	[tilespmem:v16+s30+$0x0] =	vst.idx.msk $0xffff, v31  }
0x209: {  	v48 =	vshll.u32 v20, $0x6;
	v16 =	vand.u32 $0x78, v20;
	v20 =	vand.u32 $0x7, v37;
	v29 =	vld.idx.msk [tilespmem:v29+s12+$0x0], $0xffff;
	[tilespmem:v8+s30+$0x0] =	vst.idx.msk $0xffff, v25;
	v8 =	vmovc v14  }
0x20a: {  	v43 =	vor.u32 v0, v39;
	v37 =	vor.u32 v0, v48;
	v38 =	vor.u32 v20, v16  }
0x20b: {  	v42 =	vor.u32 v42, v33;
	v25 =	vor.u32 v3, v32;
	v20 =	vmul.f32 $8.000000000e+00, v34;
	v50 =	vld.idx.msk [tilespmem:v24+s12+$0x0], $0xffff  }
0x20c: {  	v16 =	vor.u32 v7, v18;
	v24 =	vmul.f32 $8.000000000e+00, v35;
	[tilespmem:v21+s30+$0x0] =	vst.idx.msk $0xffff, v27;
	v21 =	vmul.f32 $8.000000000e+00, v26  }
0x20d: {  	v14 =	vor.u32 v7, v45;
	[tilespmem:v47+s30+$0x0] =	vst.idx.msk $0xffff, v20;
	v20 =	vor.u32 v7, v19;
	v19 =	vld.idx.msk [tilespmem:v17+s12+$0x0], $0xffff  }
0x20e: {  	v27 =	vor.u32 v7, v13;
	v17 =	vor.u32 v6, v46;
	v30 =	vld.idx.msk [tilespmem:v30+s12+$0x0], $0xffff;
	[tilespmem:v23+s30+$0x0] =	vst.idx.msk $0xffff, v21  }
0x20f: {  	v33 =	vor.u32 v5, v18;
	v31 =	vor.u32 v6, v15;
	v13 =	vmovc v32;
	v23 =	vmul.f32 $8.000000000e+00, v29;
	v47 =	vld.idx.msk [tilespmem:v22+s12+$0x0], $0xffff  }
0x210: {  	v32 =	vor.u32 v6, v48;
	[tilespmem:v36+s30+$0x0] =	vst.idx.msk $0xffff, v24;
	v51 =	vld.idx.msk [tilespmem:v43+s12+$0x0], $0xffff;
	v24 =	vor.u32 v4, v39  }
0x211: {  	v21 =	vor.u32 v5, v13;
	v29 =	vor.u32 v6, v41;
	v26 =	vld.idx.msk [tilespmem:v40+s12+$0x0], $0xffff;
	v40 =	vor.u32 v1, v42  }
.Ltmp10:
0x212: {  	v22 =	vor.u32 v4, v41;
	v37 =	vld.idx.msk [tilespmem:v37+s12+$0x0], $0xffff;
	[tilespmem:v44+s30+$0x0] =	vst.idx.msk $0xffff, v23;
	v23 =	vor.u32 v3, v45;
	(pc) =	sbr.rel @p1 .LBB2_19-.Ltmp10, $4  }
0x213: {  	v15 =	vmovc v39;
	v34 =	vor.u32 v2, v48;
	v41 =	vor.u32 v2, v39;
	v36 =	vor.u32 v1, v38  }
0x214: {  	v18 =	vmovc v42;
	v39 =	vor.u32 v5, v38;
	v35 =	vmul.f32 $8.000000000e+00, v19;
	v19 =	vmovc v38;
	v43 =	vld.idx.msk [tilespmem:v49+s12+$0x0], $0xffff;
	v49 =	vmul.f32 $8.000000000e+00, v30  }
0x215: {  	v38 =	vor.u32 v5, v45;
	v44 =	vmul.f32 $8.000000000e+00, v50;
	v45 =	vmul.f32 $8.000000000e+00, v47  }
0x216: {  	v42 =	vor.u32 v4, v46;
	v30 =	vor.u32 v4, v48;
	v46 =	vmul.f32 $8.000000000e+00, v51;
	[tilespmem:v28+s30+$0x0] =	vst.idx.msk $0xffff, v49  }
0x217: {  	_ =	sdelay $0x1  }
0x218: {  	v9 =	vmul.f32 $8.000000000e+00, v37;
	_ =	sdelay $0x1  }
0x219: {  	[tilespmem:v36+s30+$0x0] =	vst.idx.msk $0xffff, v9  }
0x21a: {  	[tilespmem:v40+s30+$0x0] =	vst.idx.msk $0xffff, v46;
	v9 =	vld.idx.msk [tilespmem:v34+s12+$0x0], $0xffff  }
0x21b: {  	v28 =	vld.idx.msk [tilespmem:v41+s12+$0x0], $0xffff  }
0x21c: {  	v50 =	vor.u32 v3, v19  }
0x21d: {  	v51 =	vor.u32 v3, v18  }
0x21e: {  	v52 =	vmul.f32 $8.000000000e+00, v43  }
0x21f: {  	v9 =	vmul.f32 $8.000000000e+00, v9  }
0x220: {  	[tilespmem:v25+s30+$0x0] =	vst.idx.msk $0xffff, v52;
	v53 =	vmul.f32 $8.000000000e+00, v28  }
0x221: {  	v26 =	vmul.f32 $8.000000000e+00, v26;
	v54 =	vld.idx.msk [tilespmem:v42+s12+$0x0], $0xffff;
	[tilespmem:v50+s30+$0x0] =	vst.idx.msk $0xffff, v9  }
0x222: {  	[tilespmem:v51+s30+$0x0] =	vst.idx.msk $0xffff, v53;
	v9 =	vld.idx.msk [tilespmem:v30+s12+$0x0], $0xffff  }
0x223: {  	[tilespmem:v23+s30+$0x0] =	vst.idx.msk $0xffff, v26;
	v24 =	vld.idx.msk [tilespmem:v24+s12+$0x0], $0xffff  }
0x224: {  	v22 =	vld.idx.msk [tilespmem:v22+s12+$0x0], $0xffff  }
0x225: {  	v55 =	vor.u32 v5, v18  }
0x226: {  	v11 =	vld.idx.msk [tilespmem:v11+s12+$0x0], $0xffff;
	[tilespmem:v33+s30+$0x0] =	vst.idx.msk $0xffff, v44;
	v15 =	vor.u32 v6, v15;
	v56 =	vmul.f32 $8.000000000e+00, v54  }
0x227: {  	[tilespmem:v12+s30+$0x0] =	vst.idx.msk $0xffff, v45;
	v57 =	vld.idx.msk [tilespmem:v31+s12+$0x0], $0xffff;
	v9 =	vmul.f32 $8.000000000e+00, v9  }
0x228: {  	v10 =	vld.idx.msk [tilespmem:v10+s12+$0x0], $0xffff;
	[tilespmem:v21+s30+$0x0] =	vst.idx.msk $0xffff, v56;
	v58 =	vmul.f32 $8.000000000e+00, v24  }
0x229: {  	v22 =	vmul.f32 $8.000000000e+00, v22;
	v17 =	vld.idx.msk [tilespmem:v17+s12+$0x0], $0xffff;
	[tilespmem:v39+s30+$0x0] =	vst.idx.msk $0xffff, v9  }
0x22a: {  	[tilespmem:v55+s30+$0x0] =	vst.idx.msk $0xffff, v58;
	v9 =	vld.idx.msk [tilespmem:v32+s12+$0x0], $0xffff  }
0x22b: {  	v13 =	vor.u32 v7, v13;
	v11 =	vmul.f32 $8.000000000e+00, v11;
	[tilespmem:v38+s30+$0x0] =	vst.idx.msk $0xffff, v22;
	v15 =	vld.idx.msk [tilespmem:v15+s12+$0x0], $0xffff  }
0x22c: {  	[tilespmem:v27+s30+$0x0] =	vst.idx.msk $0xffff, v35;
	v59 =	vor.u32 v7, v19;
	v12 =	vmul.f32 $8.000000000e+00, v57;
	v60 =	vld.idx.msk [tilespmem:v29+s12+$0x0], $0xffff  }
0x22d: {  	v61 =	vor.u32 v7, v18;
	s9 =	sadd.s32 $0x1, s9;
	v10 =	vmul.f32 $8.000000000e+00, v10;
	[tilespmem:v20+s30+$0x0] =	vst.idx.msk $0xffff, v11  }
0x22e: {  	p1 =	sne.s32 s9, $0x8;
	[tilespmem:v16+s30+$0x0] =	vst.idx.msk $0xffff, v12;
	v62 =	vmul.f32 $8.000000000e+00, v17  }
.Ltmp11:
0x22f: {  	[tilespmem:v8+s30+$0x0] =	vst.idx.msk $0xffff, v10;
	v8 =	vmul.f32 $8.000000000e+00, v9;
	(pc) =	sbr.rel @p1 .LBB2_18-.Ltmp11, $4  }
0x230: {  	[tilespmem:v13+s30+$0x0] =	vst.idx.msk $0xffff, v62;
	v63 =	vmul.f32 $8.000000000e+00, v15  }
0x231: {  	[tilespmem:v59+s30+$0x0] =	vst.idx.msk $0xffff, v8;
	v8 =	vmul.f32 $8.000000000e+00, v60  }
0x232: {  	[tilespmem:v61+s30+$0x0] =	vst.idx.msk $0xffff, v63  }
0x233: {  	[tilespmem:v14+s30+$0x0] =	vst.idx.msk $0xffff, v8  }
0x234: {  	s2 =	sadd.s32 s7, s21  }
0x235: {  	s4 =	sshll.u32 s2, $0x7  }
0x236: {  	s2 =	sshll.u32 s2, $0xA;
	s4 =	sand.u32 $0xD80, s4  }
0x237: {  	s2 =	sand.u32 $0xFFF8000, s2;
	s4 =	sadd.s32 s3, s4  }
0x238: {  	s29 =	simm.s32 $0x8;
	s2 =	sadd.s32 s2, s4  }
0x239: {  	[hbm4b:s2+s0] =	stream.strided.scatter [tilespmem:s30], [sflag:$0x10], $0x2000, s23, s0, $0x38;
	[tilespmem:$0x10400] =	vst v63  }
0x23a: {  	_ =	swait.ge [sflag:s29], $0x80  }
0x23b: {  	[sflag:s29] =	ssyncset.done $0x0;
	s2 =	rddreg [dreg:$0x10]  }
0x23c: {  	s31 =	simm.s32 $0x380;
	[sflag:s29] =	ssyncadd.s32 $0xFFFFFF80;
	s2 =	sadd.s32 @!p0 s20, s2  }
0x23d: {  	[tilespmem:s12], [sflag:$0xC] =	stream.indirect.gather [hbm4b:s5+s24], $0x40, s31, s24, $0xb8;
	[tilespmem:$0x10400] =	vst v63  }
0x23e: {  	s4 =	sshll.u32 @!p0 s2, $0x7;
	s9 =	sshll.u32 @!p0 s2, $0xA  }
0x23f: {  	s2 =	sshll.u32 @!p0 s2, $0x2;
	s4 =	sand.u32 @!p0 $0x7FFF8000, s4;
	s9 =	sand.u32 @!p0 $0x7000, s9  }
0x240: {  	s2 =	sand.u32 @!p0 $0x380, s2;
	s4 =	sor.u32 @!p0 s9, s4  }
0x241: {  	_ =	swait.ge [sflag:s13], $0x2000;
	s2 =	sor.u32 @!p0 s2, s4  }
0x242: {  	[sflag:s13] =	ssyncset.done $0x0;
	s9 =	simm.s32 @!p0 $0x200;
	s2 =	sshrl.u32 @!p0 s2, $0x3  }
0x243: {  	[sflag:s13] =	ssyncadd.s32 $0xFFFFE000;
	s4 =	simm.s32 @!p0 $0x0;
	s2 =	sadd.s32 @!p0 s1, s2  }
0x244: {  	[tilespmem:s9], [sflag:$0x5] =	stream.linear.gather @!p0 [hbm4b:s2+s4], $0x80, $0x38;
	[tilespmem:$0x10400] =	vst v63  }
0x245: {  	_ =	swait.ge [sflag:s15], $0x2000  }
0x246: {  	s21 =	sor.u32 $0x7, s20;
	[sflag:s15] =	ssyncset.done $0x0  }
0x247: {  	s2 =	simm.s32 $0x0;
	s9 =	simm.s32 $0x0;
	[sflag:s15] =	ssyncadd.s32 $0xFFFFE000  }
.LBB2_22:
0x248: {  	s4 =	simm.s32 $0x1;
	s28 =	sshll.u32 s9, $0x4;
	s29 =	simm.s32 $0x2  }
0x249: {  	s31 =	simm.s32 $0x7;
	v8 =	vadd.s32 s4, v0;
	v9 =	vmov s28;
	v10 =	vadd.s32 s29, v0  }
0x24a: {  	s29 =	simm.s32 $0x3;
	v39 =	vadd.s32 s31, v0;
	v11 =	vand.u32 $0xF, v8;
	v12 =	vand.u32 $0xF, v10  }
0x24b: {  	s4 =	simm.s32 $0x6;
	s28 =	simm.s32 $0x5;
	v13 =	vadd.s32 s29, v0;
	v10 =	vand.u32 $0x7, v10;
	v8 =	vand.u32 $0x7, v8  }
0x24c: {  	v37 =	vadd.s32 s4, v0;
	v38 =	vadd.s32 s28, v0;
	v11 =	vor.u32 v9, v11  }
0x24d: {  	v12 =	vor.u32 v9, v12;
	v17 =	vand.u32 $0xF, v13;
	v40 =	vand.u32 $0xF, v37  }
0x24e: {  	v41 =	vand.u32 $0xF, v38;
	v37 =	vand.u32 $0x7, v37;
	v14 =	vshll.u32 v11, $0x6  }
0x24f: {  	v15 =	vshll.u32 v12, $0x6;
	v11 =	vand.u32 $0x78, v11;
	v16 =	vor.u32 v0, v14  }
0x250: {  	v18 =	vor.u32 v0, v15;
	v21 =	vor.u32 v8, v11;
	v11 =	vor.u32 v9, v17  }
0x251: {  	v12 =	vand.u32 $0x78, v12;
	v40 =	vor.u32 v9, v40;
	v22 =	vshll.u32 v11, $0x6  }
0x252: {  	v12 =	vor.u32 v10, v12;
	v10 =	vadd.s32 s2, v0;
	v20 =	vor.u32 v0, v22  }
0x253: {  	v8 =	vand.u32 $0x7, v13;
	v17 =	vor.u32 v2, v14;
	v19 =	vand.u32 $0xF, v10  }
0x254: {  	v23 =	vor.u32 v2, v15;
	v29 =	vor.u32 v6, v14;
	v19 =	vor.u32 v9, v19;
	v16 =	vld.idx.msk [tilespmem:v16+s0+$0x0], $0xffff  }
0x255: {  	v34 =	vor.u32 v4, v15;
	v14 =	vor.u32 v4, v14;
	v24 =	vshll.u32 v19, $0x6;
	v18 =	vld.idx.msk [tilespmem:v18+s0+$0x0], $0xffff  }
0x256: {  	v55 =	vshll.u32 v40, $0x6;
	v13 =	vor.u32 v1, v21;
	v26 =	vor.u32 v0, v24  }
0x257: {  	v11 =	vand.u32 $0x78, v11;
	v10 =	vand.u32 $0x7, v10;
	v25 =	vor.u32 v1, v12;
	v20 =	vld.idx.msk [tilespmem:v20+s0+$0x0], $0xffff  }
0x258: {  	v31 =	vor.u32 v5, v21;
	v33 =	vor.u32 v3, v12;
	v28 =	vor.u32 v8, v11  }
0x259: {  	v56 =	vor.u32 v0, v55;
	v32 =	vor.u32 v1, v28;
	v16 =	vmul.f32 $8.000000000e+00, v16  }
0x25a: {  	v59 =	vor.u32 v2, v55;
	v8 =	vor.u32 v7, v12;
	v18 =	vmul.f32 $8.000000000e+00, v18  }
0x25b: {  	v30 =	vor.u32 v4, v22;
	v12 =	vor.u32 v5, v12;
	v26 =	vld.idx.msk [tilespmem:v26+s0+$0x0], $0xffff;
	[tilespmem:v13+s14+$0x0] =	vst.idx.msk $0xffff, v16  }
0x25c: {  	v19 =	vand.u32 $0x78, v19;
	v36 =	vor.u32 v3, v28;
	v20 =	vmul.f32 $8.000000000e+00, v20;
	[tilespmem:v25+s14+$0x0] =	vst.idx.msk $0xffff, v18;
	v17 =	vld.idx.msk [tilespmem:v17+s0+$0x0], $0xffff  }
0x25d: {  	v27 =	vor.u32 v10, v19;
	v19 =	vor.u32 v3, v21;
	v13 =	vor.u32 v2, v22;
	v23 =	vld.idx.msk [tilespmem:v23+s0+$0x0], $0xffff  }
0x25e: {  	v11 =	vor.u32 v6, v24;
	v10 =	vor.u32 v6, v15;
	[tilespmem:v32+s14+$0x0] =	vst.idx.msk $0xffff, v20;
	v32 =	vld.idx.msk [tilespmem:v56+s0+$0x0], $0xffff  }
0x25f: {  	v15 =	vor.u32 v1, v27;
	v47 =	vor.u32 v5, v27;
	v35 =	vor.u32 v3, v27  }
0x260: {  	v16 =	vor.u32 v2, v24;
	v24 =	vor.u32 v4, v24;
	v20 =	vor.u32 v9, v41  }
0x261: {  	v25 =	vand.u32 $0xF, v39;
	v42 =	vshll.u32 v20, $0x6;
	v17 =	vmul.f32 $8.000000000e+00, v17  }
0x262: {  	v43 =	vor.u32 v2, v42;
	v18 =	vld.idx.msk [tilespmem:v13+s0+$0x0], $0xffff;
	v13 =	vand.u32 $0x78, v20;
	v23 =	vmul.f32 $8.000000000e+00, v23  }
0x263: {  	v20 =	vor.u32 v0, v42;
	v62 =	vmul.f32 $8.000000000e+00, v32;
	[tilespmem:v19+s14+$0x0] =	vst.idx.msk $0xffff, v17;
	v19 =	vmul.f32 $8.000000000e+00, v26  }
0x264: {  	v17 =	vand.u32 $0x7, v38;
	v26 =	vand.u32 $0x78, v40;
	[tilespmem:v33+s14+$0x0] =	vst.idx.msk $0xffff, v23;
	v33 =	vor.u32 v5, v28  }
0x265: {  	s31 =	simm.s32 $0x4;
	v13 =	vor.u32 v17, v13;
	v17 =	vand.u32 $0x7, v39;
	v44 =	vor.u32 v37, v26;
	[tilespmem:v15+s14+$0x0] =	vst.idx.msk $0xffff, v19  }
0x266: {  	v57 =	vor.u32 v1, v13;
	v19 =	vor.u32 v9, v25;
	v25 =	vadd.s32 s31, v0;
	v16 =	vld.idx.msk [tilespmem:v16+s0+$0x0], $0xffff  }
0x267: {  	v14 =	vld.idx.msk [tilespmem:v14+s0+$0x0], $0xffff;
	v18 =	vmul.f32 $8.000000000e+00, v18;
	v23 =	vor.u32 v3, v44;
	v38 =	vor.u32 v5, v44  }
0x268: {  	v15 =	vshll.u32 v19, $0x6;
	v26 =	vand.u32 $0xF, v25;
	v58 =	vand.u32 $0x78, v19  }
0x269: {  	v25 =	vand.u32 $0x7, v25;
	v19 =	vor.u32 v9, v26;
	v26 =	vor.u32 v1, v44;
	[tilespmem:v36+s14+$0x0] =	vst.idx.msk $0xffff, v18  }
0x26a: {  	v60 =	vld.idx.msk [tilespmem:v20+s0+$0x0], $0xffff;
	v61 =	vor.u32 v0, v15;
	v18 =	vor.u32 v17, v58;
	v17 =	vor.u32 v6, v42  }
0x26b: {  	v41 =	vor.u32 v2, v15;
	v42 =	vor.u32 v4, v42;
	v20 =	vmul.f32 $8.000000000e+00, v16  }
0x26c: {  	v46 =	vshll.u32 v19, $0x6;
	v19 =	vand.u32 $0x78, v19;
	v30 =	vld.idx.msk [tilespmem:v30+s0+$0x0], $0xffff;
	v14 =	vmul.f32 $8.000000000e+00, v14  }
0x26d: {  	v40 =	vor.u32 v1, v18;
	v16 =	vor.u32 v7, v28;
	v28 =	vld.idx.msk [tilespmem:v34+s0+$0x0], $0xffff;
	[tilespmem:v35+s14+$0x0] =	vst.idx.msk $0xffff, v20  }
0x26e: {  	v45 =	vor.u32 v0, v46;
	v19 =	vor.u32 v25, v19;
	[tilespmem:v31+s14+$0x0] =	vst.idx.msk $0xffff, v14;
	v48 =	vld.idx.msk [tilespmem:v24+s0+$0x0], $0xffff  }
0x26f: {  	v25 =	vor.u32 v3, v13;
	v32 =	vor.u32 v6, v46;
	v49 =	vmul.f32 $8.000000000e+00, v60;
	v63 =	vld.idx.msk [tilespmem:v29+s0+$0x0], $0xffff  }
0x270: {  	v36 =	vor.u32 v1, v19;
	v39 =	vor.u32 v5, v19;
	v14 =	vor.u32 v7, v44;
	v50 =	vld.idx.msk [tilespmem:v61+s0+$0x0], $0xffff  }
0x271: {  	v31 =	vor.u32 v6, v22;
	v22 =	vor.u32 v4, v55;
	v34 =	vor.u32 v2, v46  }
0x272: {  	v29 =	vor.u32 v6, v55;
	[tilespmem:v57+s14+$0x0] =	vst.idx.msk $0xffff, v49;
	v20 =	vor.u32 v7, v27  }
0x273: {  	v27 =	vor.u32 v7, v21;
	v21 =	vor.u32 v5, v13;
	v43 =	vld.idx.msk [tilespmem:v43+s0+$0x0], $0xffff;
	v48 =	vmul.f32 $8.000000000e+00, v48  }
0x274: {  	[tilespmem:v26+s14+$0x0] =	vst.idx.msk $0xffff, v62;
	v44 =	vmul.f32 $8.000000000e+00, v30;
	v30 =	vor.u32 v4, v46;
	v37 =	vld.idx.msk [tilespmem:v45+s0+$0x0], $0xffff;
	v45 =	vmul.f32 $8.000000000e+00, v28  }
0x275: {  	s4 =	simm.s32 $0x8;
	v26 =	vld.idx.msk [tilespmem:v59+s0+$0x0], $0xffff;
	v24 =	vor.u32 v4, v15;
	v35 =	vmul.f32 $8.000000000e+00, v63;
	v46 =	vmul.f32 $8.000000000e+00, v50;
	[tilespmem:v47+s14+$0x0] =	vst.idx.msk $0xffff, v48  }
.LBB2_23:
0x276: {  	s28 =	sadd.s32 $0x1, s4;
	s29 =	sadd.s32 $0x2, s4;
	s31 =	sadd.s32 $0x3, s4;
	v47 =	vor.u32 v3, v19;
	v48 =	vor.u32 v3, v18;
	v49 =	vld.idx.msk [tilespmem:v11+s0+$0x0], $0xffff;
	[tilespmem:v12+s14+$0x0] =	vst.idx.msk $0xffff, v45  }
0x277: {  	p1 =	slt.u32 s4, $0xC;
	v11 =	vmovc v32;
	v28 =	vmovc v39;
	v45 =	vadd.s32 s28, v0;
	v51 =	vadd.s32 s29, v0;
	v50 =	vadd.s32 s31, v0;
	[tilespmem:v33+s14+$0x0] =	vst.idx.msk $0xffff, v44;
	s28 =	smov.u32 s4;
	s4 =	sadd.s32 $0x4, s4  }
0x278: {  	v12 =	vmovc v38;
	v32 =	vand.u32 $0xF, v45;
	v33 =	vand.u32 $0xF, v51;
	v39 =	vand.u32 $0x7, v51;
	[tilespmem:v40+s14+$0x0] =	vst.idx.msk $0xffff, v46;
	v31 =	vld.idx.msk [tilespmem:v31+s0+$0x0], $0xffff  }
0x279: {  	v38 =	vmul.f32 $8.000000000e+00, v43;
	v32 =	vor.u32 v9, v32;
	v33 =	vor.u32 v9, v33;
	v40 =	vld.idx.msk [tilespmem:v41+s0+$0x0], $0xffff  }
0x27a: {  	v43 =	vand.u32 $0xF, v50;
	v46 =	vshll.u32 v32, $0x6;
	v41 =	vshll.u32 v33, $0x6;
	[tilespmem:v27+s14+$0x0] =	vst.idx.msk $0xffff, v35;
	v27 =	vld.idx.msk [tilespmem:v10+s0+$0x0], $0xffff;
	v10 =	vmovc v29  }
0x27b: {  	v33 =	vand.u32 $0x78, v33;
	v29 =	vor.u32 v0, v46;
	v35 =	vor.u32 v0, v41;
	[tilespmem:v25+s14+$0x0] =	vst.idx.msk $0xffff, v38  }
0x27c: {  	v37 =	vmul.f32 $8.000000000e+00, v37;
	v25 =	vand.u32 $0x78, v32;
	v32 =	vand.u32 $0x7, v45;
	v38 =	vld.idx.msk [tilespmem:v42+s0+$0x0], $0xffff  }
0x27d: {  	v32 =	vor.u32 v32, v25;
	v42 =	vand.u32 $0x7, v50;
	v25 =	vmul.f32 $8.000000000e+00, v49  }
0x27e: {  	v45 =	vor.u32 v39, v33;
	v44 =	vor.u32 v1, v32;
	v31 =	vmul.f32 $8.000000000e+00, v31;
	[tilespmem:v36+s14+$0x0] =	vst.idx.msk $0xffff, v37  }
0x27f: {  	v33 =	vor.u32 v9, v43;
	v49 =	vor.u32 v2, v46;
	v36 =	vmul.f32 $8.000000000e+00, v40;
	v34 =	vld.idx.msk [tilespmem:v34+s0+$0x0], $0xffff  }
0x280: {  	v39 =	vshll.u32 v33, $0x6;
	v33 =	vand.u32 $0x78, v33;
	v37 =	vadd.s32 s28, v0;
	v35 =	vld.idx.msk [tilespmem:v35+s0+$0x0], $0xffff;
	[tilespmem:v20+s14+$0x0] =	vst.idx.msk $0xffff, v25  }
0x281: {  	v40 =	vor.u32 v2, v41;
	v20 =	vand.u32 $0xF, v37;
	v25 =	vmul.f32 $8.000000000e+00, v27;
	[tilespmem:v48+s14+$0x0] =	vst.idx.msk $0xffff, v36  }
0x282: {  	v20 =	vor.u32 v9, v20;
	v36 =	vor.u32 v1, v45;
	v27 =	vmul.f32 $8.000000000e+00, v38;
	[tilespmem:v16+s14+$0x0] =	vst.idx.msk $0xffff, v31  }
0x283: {  	v48 =	vshll.u32 v20, $0x6;
	v16 =	vand.u32 $0x78, v20;
	v20 =	vand.u32 $0x7, v37;
	v29 =	vld.idx.msk [tilespmem:v29+s0+$0x0], $0xffff;
	[tilespmem:v8+s14+$0x0] =	vst.idx.msk $0xffff, v25;
	v8 =	vmovc v14  }
0x284: {  	v43 =	vor.u32 v0, v39;
	v37 =	vor.u32 v0, v48;
	v38 =	vor.u32 v20, v16  }
0x285: {  	v42 =	vor.u32 v42, v33;
	v25 =	vor.u32 v3, v32;
	v20 =	vmul.f32 $8.000000000e+00, v34;
	v50 =	vld.idx.msk [tilespmem:v24+s0+$0x0], $0xffff  }
0x286: {  	v16 =	vor.u32 v7, v18;
	v24 =	vmul.f32 $8.000000000e+00, v35;
	[tilespmem:v21+s14+$0x0] =	vst.idx.msk $0xffff, v27;
	v21 =	vmul.f32 $8.000000000e+00, v26  }
0x287: {  	v14 =	vor.u32 v7, v45;
	[tilespmem:v47+s14+$0x0] =	vst.idx.msk $0xffff, v20;
	v20 =	vor.u32 v7, v19;
	v19 =	vld.idx.msk [tilespmem:v17+s0+$0x0], $0xffff  }
0x288: {  	v27 =	vor.u32 v7, v13;
	v17 =	vor.u32 v6, v46;
	v30 =	vld.idx.msk [tilespmem:v30+s0+$0x0], $0xffff;
	[tilespmem:v23+s14+$0x0] =	vst.idx.msk $0xffff, v21  }
0x289: {  	v33 =	vor.u32 v5, v18;
	v31 =	vor.u32 v6, v15;
	v13 =	vmovc v32;
	v23 =	vmul.f32 $8.000000000e+00, v29;
	v47 =	vld.idx.msk [tilespmem:v22+s0+$0x0], $0xffff  }
0x28a: {  	v32 =	vor.u32 v6, v48;
	[tilespmem:v36+s14+$0x0] =	vst.idx.msk $0xffff, v24;
	v51 =	vld.idx.msk [tilespmem:v43+s0+$0x0], $0xffff;
	v24 =	vor.u32 v4, v39  }
0x28b: {  	v21 =	vor.u32 v5, v13;
	v29 =	vor.u32 v6, v41;
	v26 =	vld.idx.msk [tilespmem:v40+s0+$0x0], $0xffff;
	v40 =	vor.u32 v1, v42  }
.Ltmp12:
0x28c: {  	v22 =	vor.u32 v4, v41;
	v37 =	vld.idx.msk [tilespmem:v37+s0+$0x0], $0xffff;
	[tilespmem:v44+s14+$0x0] =	vst.idx.msk $0xffff, v23;
	v23 =	vor.u32 v3, v45;
	(pc) =	sbr.rel @p1 .LBB2_23-.Ltmp12, $4  }
0x28d: {  	v15 =	vmovc v39;
	v34 =	vor.u32 v2, v48;
	v41 =	vor.u32 v2, v39;
	v36 =	vor.u32 v1, v38  }
0x28e: {  	v18 =	vmovc v42;
	v39 =	vor.u32 v5, v38;
	v35 =	vmul.f32 $8.000000000e+00, v19;
	v19 =	vmovc v38;
	v43 =	vld.idx.msk [tilespmem:v49+s0+$0x0], $0xffff;
	v49 =	vmul.f32 $8.000000000e+00, v30  }
0x28f: {  	v38 =	vor.u32 v5, v45;
	v44 =	vmul.f32 $8.000000000e+00, v50;
	v45 =	vmul.f32 $8.000000000e+00, v47  }
0x290: {  	v42 =	vor.u32 v4, v46;
	v30 =	vor.u32 v4, v48;
	v46 =	vmul.f32 $8.000000000e+00, v51;
	[tilespmem:v28+s14+$0x0] =	vst.idx.msk $0xffff, v49  }
0x291: {  	_ =	sdelay $0x1  }
0x292: {  	v9 =	vmul.f32 $8.000000000e+00, v37;
	_ =	sdelay $0x1  }
0x293: {  	[tilespmem:v36+s14+$0x0] =	vst.idx.msk $0xffff, v9  }
0x294: {  	[tilespmem:v40+s14+$0x0] =	vst.idx.msk $0xffff, v46;
	v9 =	vld.idx.msk [tilespmem:v34+s0+$0x0], $0xffff  }
0x295: {  	v28 =	vld.idx.msk [tilespmem:v41+s0+$0x0], $0xffff  }
0x296: {  	v50 =	vor.u32 v3, v19  }
0x297: {  	v51 =	vor.u32 v3, v18  }
0x298: {  	v52 =	vmul.f32 $8.000000000e+00, v43  }
0x299: {  	v9 =	vmul.f32 $8.000000000e+00, v9  }
0x29a: {  	[tilespmem:v25+s14+$0x0] =	vst.idx.msk $0xffff, v52;
	v53 =	vmul.f32 $8.000000000e+00, v28  }
0x29b: {  	v26 =	vmul.f32 $8.000000000e+00, v26;
	v54 =	vld.idx.msk [tilespmem:v42+s0+$0x0], $0xffff;
	[tilespmem:v50+s14+$0x0] =	vst.idx.msk $0xffff, v9  }
0x29c: {  	[tilespmem:v51+s14+$0x0] =	vst.idx.msk $0xffff, v53;
	v9 =	vld.idx.msk [tilespmem:v30+s0+$0x0], $0xffff  }
0x29d: {  	[tilespmem:v23+s14+$0x0] =	vst.idx.msk $0xffff, v26;
	v24 =	vld.idx.msk [tilespmem:v24+s0+$0x0], $0xffff  }
0x29e: {  	v22 =	vld.idx.msk [tilespmem:v22+s0+$0x0], $0xffff  }
0x29f: {  	v55 =	vor.u32 v5, v18  }
0x2a0: {  	v11 =	vld.idx.msk [tilespmem:v11+s0+$0x0], $0xffff;
	[tilespmem:v33+s14+$0x0] =	vst.idx.msk $0xffff, v44;
	v15 =	vor.u32 v6, v15;
	v56 =	vmul.f32 $8.000000000e+00, v54  }
0x2a1: {  	[tilespmem:v12+s14+$0x0] =	vst.idx.msk $0xffff, v45;
	v57 =	vld.idx.msk [tilespmem:v31+s0+$0x0], $0xffff;
	v9 =	vmul.f32 $8.000000000e+00, v9  }
0x2a2: {  	v10 =	vld.idx.msk [tilespmem:v10+s0+$0x0], $0xffff;
	[tilespmem:v21+s14+$0x0] =	vst.idx.msk $0xffff, v56;
	v58 =	vmul.f32 $8.000000000e+00, v24  }
0x2a3: {  	v22 =	vmul.f32 $8.000000000e+00, v22;
	v17 =	vld.idx.msk [tilespmem:v17+s0+$0x0], $0xffff;
	[tilespmem:v39+s14+$0x0] =	vst.idx.msk $0xffff, v9  }
0x2a4: {  	[tilespmem:v55+s14+$0x0] =	vst.idx.msk $0xffff, v58;
	v9 =	vld.idx.msk [tilespmem:v32+s0+$0x0], $0xffff  }
0x2a5: {  	v13 =	vor.u32 v7, v13;
	v11 =	vmul.f32 $8.000000000e+00, v11;
	[tilespmem:v38+s14+$0x0] =	vst.idx.msk $0xffff, v22;
	v15 =	vld.idx.msk [tilespmem:v15+s0+$0x0], $0xffff  }
0x2a6: {  	[tilespmem:v27+s14+$0x0] =	vst.idx.msk $0xffff, v35;
	v59 =	vor.u32 v7, v19;
	v12 =	vmul.f32 $8.000000000e+00, v57;
	v60 =	vld.idx.msk [tilespmem:v29+s0+$0x0], $0xffff  }
0x2a7: {  	v61 =	vor.u32 v7, v18;
	s9 =	sadd.s32 $0x1, s9;
	v10 =	vmul.f32 $8.000000000e+00, v10;
	[tilespmem:v20+s14+$0x0] =	vst.idx.msk $0xffff, v11  }
0x2a8: {  	p1 =	sne.s32 s9, $0x8;
	[tilespmem:v16+s14+$0x0] =	vst.idx.msk $0xffff, v12;
	v62 =	vmul.f32 $8.000000000e+00, v17  }
.Ltmp13:
0x2a9: {  	[tilespmem:v8+s14+$0x0] =	vst.idx.msk $0xffff, v10;
	v8 =	vmul.f32 $8.000000000e+00, v9;
	(pc) =	sbr.rel @p1 .LBB2_22-.Ltmp13, $4  }
0x2aa: {  	[tilespmem:v13+s14+$0x0] =	vst.idx.msk $0xffff, v62;
	v63 =	vmul.f32 $8.000000000e+00, v15  }
0x2ab: {  	[tilespmem:v59+s14+$0x0] =	vst.idx.msk $0xffff, v8;
	v8 =	vmul.f32 $8.000000000e+00, v60  }
0x2ac: {  	[tilespmem:v61+s14+$0x0] =	vst.idx.msk $0xffff, v63  }
0x2ad: {  	[tilespmem:v14+s14+$0x0] =	vst.idx.msk $0xffff, v8  }
0x2ae: {  	s2 =	sadd.s32 s7, s6  }
0x2af: {  	s4 =	sshll.u32 s2, $0x7  }
0x2b0: {  	s2 =	sshll.u32 s2, $0xA;
	s4 =	sand.u32 $0xE00, s4  }
0x2b1: {  	s2 =	sand.u32 $0xFFF8000, s2;
	s4 =	sadd.s32 s3, s4  }
0x2b2: {  	p1 =	sne.s32 s19, $0x18;
	s2 =	sadd.s32 s2, s4  }
0x2b3: {  	[hbm4b:s2+s0] =	stream.strided.scatter [tilespmem:s14], [sflag:$0xD], $0x2000, s23, s0, $0x38;
	[tilespmem:$0x10400] =	vst v63  }
0x2b4: {  	s2 =	simm.s32 @p1 $0x1  }
0x2b5: {  	_ =	swait.ge @p1 [sflag:s2], $0x80  }
0x2b6: {  	s6 =	simm.s32 @p1 $0x400;
	[sflag:s2] =	ssyncset.done @p1 $0x0  }
0x2b7: {  	s4 =	simm.s32 @p1 $0x0;
	[sflag:s2] =	ssyncadd.s32 @p1 $0xFFFFFF80;
	s2 =	simm.s32 @p1 $0x80  }
0x2b8: {  	[tilespmem:s6], [sflag:$0x9] =	stream.indirect.gather @p1 [hbm4b:s5+s2], $0x40, s4, s2, $0xb8;
	[tilespmem:$0x10400] =	vst v63  }
0x2b9: {  	s2 =	rddreg [dreg:$0x11]  }
0x2ba: {  	s2 =	sadd.s32 @p1 s20, s2  }
0x2bb: {  	s6 =	sshll.u32 @p1 s2, $0x7;
	s9 =	sshll.u32 @p1 s2, $0xA  }
0x2bc: {  	s2 =	sshll.u32 @p1 s2, $0x2;
	s6 =	sand.u32 @p1 $0x7FFF8000, s6;
	s9 =	sand.u32 @p1 $0x7400, s9  }
0x2bd: {  	s2 =	sand.u32 @p1 $0x380, s2;
	s6 =	sor.u32 @p1 s9, s6;
	s9 =	simm.s32 @p1 $0xA  }
0x2be: {  	_ =	swait.ge @p1 [sflag:s9], $0x2000;
	s2 =	sor.u32 @p1 s2, s6  }
0x2bf: {  	[sflag:s9] =	ssyncset.done @p1 $0x0;
	s2 =	sshrl.u32 @p1 s2, $0x3  }
0x2c0: {  	s6 =	simm.s32 @p1 $0x280;
	[sflag:s9] =	ssyncadd.s32 @p1 $0xFFFFE000;
	s2 =	sadd.s32 @p1 s1, s2  }
0x2c1: {  	[tilespmem:s6], [sflag:$0x6] =	stream.linear.gather @p1 [hbm4b:s2+s4], $0x80, $0x38;
	[tilespmem:$0x10400] =	vst v63  }
0x2c2: {  	s2 =	simm.s32 @!p1 $0xA  }
0x2c3: {  	_ =	swait.ge @!p1 [sflag:s2], $0x2000  }
0x2c4: {  	[sflag:s2] =	ssyncset.done @!p1 $0x0  }
0x2c5: {  	[sflag:s2] =	ssyncadd.s32 @!p1 $0xFFFFE000  }
0x2c6: {  	_ =	swait.ge [sflag:s16], $0x2000  }
0x2c7: {  	[sflag:s16] =	ssyncset.done $0x0  }
0x2c8: {  	s6 =	simm.s32 $0x0;
	s2 =	simm.s32 $0x0;
	[sflag:s16] =	ssyncadd.s32 $0xFFFFE000  }
.LBB2_26:
0x2c9: {  	s4 =	simm.s32 $0x1;
	s9 =	sshll.u32 s6, $0x4;
	s28 =	simm.s32 $0x2  }
0x2ca: {  	s31 =	simm.s32 $0x3;
	s29 =	simm.s32 $0x7;
	v8 =	vadd.s32 s4, v0;
	v9 =	vmov s9;
	v10 =	vadd.s32 s28, v0  }
0x2cb: {  	v13 =	vadd.s32 s31, v0;
	v39 =	vadd.s32 s29, v0;
	v11 =	vand.u32 $0xF, v8  }
0x2cc: {  	s9 =	simm.s32 $0x6;
	s31 =	simm.s32 $0x5;
	v12 =	vand.u32 $0xF, v10;
	v10 =	vand.u32 $0x7, v10;
	v17 =	vand.u32 $0xF, v13  }
0x2cd: {  	v8 =	vand.u32 $0x7, v8;
	v37 =	vadd.s32 s9, v0;
	v38 =	vadd.s32 s31, v0  }
0x2ce: {  	v11 =	vor.u32 v9, v11;
	v12 =	vor.u32 v9, v12;
	v40 =	vand.u32 $0xF, v37  }
0x2cf: {  	v41 =	vand.u32 $0xF, v38;
	v37 =	vand.u32 $0x7, v37;
	v14 =	vshll.u32 v11, $0x6  }
0x2d0: {  	v15 =	vshll.u32 v12, $0x6;
	v11 =	vand.u32 $0x78, v11;
	v16 =	vor.u32 v0, v14  }
0x2d1: {  	v18 =	vor.u32 v0, v15;
	v21 =	vor.u32 v8, v11;
	v11 =	vor.u32 v9, v17  }
0x2d2: {  	v12 =	vand.u32 $0x78, v12;
	v40 =	vor.u32 v9, v40;
	v22 =	vshll.u32 v11, $0x6  }
0x2d3: {  	v12 =	vor.u32 v10, v12;
	v10 =	vadd.s32 s2, v0;
	v20 =	vor.u32 v0, v22  }
0x2d4: {  	v8 =	vand.u32 $0x7, v13;
	v17 =	vor.u32 v2, v14;
	v19 =	vand.u32 $0xF, v10  }
0x2d5: {  	v23 =	vor.u32 v2, v15;
	v29 =	vor.u32 v6, v14;
	v19 =	vor.u32 v9, v19;
	v16 =	vld.idx.msk [tilespmem:v16+s8+$0x0], $0xffff  }
0x2d6: {  	v34 =	vor.u32 v4, v15;
	v14 =	vor.u32 v4, v14;
	v24 =	vshll.u32 v19, $0x6;
	v18 =	vld.idx.msk [tilespmem:v18+s8+$0x0], $0xffff  }
0x2d7: {  	v55 =	vshll.u32 v40, $0x6;
	v13 =	vor.u32 v1, v21;
	v26 =	vor.u32 v0, v24  }
0x2d8: {  	v11 =	vand.u32 $0x78, v11;
	v10 =	vand.u32 $0x7, v10;
	v25 =	vor.u32 v1, v12;
	v20 =	vld.idx.msk [tilespmem:v20+s8+$0x0], $0xffff  }
0x2d9: {  	v31 =	vor.u32 v5, v21;
	v33 =	vor.u32 v3, v12;
	v28 =	vor.u32 v8, v11  }
0x2da: {  	v56 =	vor.u32 v0, v55;
	v32 =	vor.u32 v1, v28;
	v16 =	vmul.f32 $8.000000000e+00, v16  }
0x2db: {  	v59 =	vor.u32 v2, v55;
	v8 =	vor.u32 v7, v12;
	v18 =	vmul.f32 $8.000000000e+00, v18  }
0x2dc: {  	v30 =	vor.u32 v4, v22;
	v12 =	vor.u32 v5, v12;
	v26 =	vld.idx.msk [tilespmem:v26+s8+$0x0], $0xffff;
	[tilespmem:v13+s25+$0x0] =	vst.idx.msk $0xffff, v16  }
0x2dd: {  	v19 =	vand.u32 $0x78, v19;
	v36 =	vor.u32 v3, v28;
	v20 =	vmul.f32 $8.000000000e+00, v20;
	[tilespmem:v25+s25+$0x0] =	vst.idx.msk $0xffff, v18;
	v17 =	vld.idx.msk [tilespmem:v17+s8+$0x0], $0xffff  }
0x2de: {  	v27 =	vor.u32 v10, v19;
	v19 =	vor.u32 v3, v21;
	v13 =	vor.u32 v2, v22;
	v23 =	vld.idx.msk [tilespmem:v23+s8+$0x0], $0xffff  }
0x2df: {  	v11 =	vor.u32 v6, v24;
	v10 =	vor.u32 v6, v15;
	[tilespmem:v32+s25+$0x0] =	vst.idx.msk $0xffff, v20;
	v32 =	vld.idx.msk [tilespmem:v56+s8+$0x0], $0xffff  }
0x2e0: {  	v15 =	vor.u32 v1, v27;
	v47 =	vor.u32 v5, v27;
	v35 =	vor.u32 v3, v27  }
0x2e1: {  	v16 =	vor.u32 v2, v24;
	v24 =	vor.u32 v4, v24;
	v20 =	vor.u32 v9, v41  }
0x2e2: {  	v25 =	vand.u32 $0xF, v39;
	v42 =	vshll.u32 v20, $0x6;
	v17 =	vmul.f32 $8.000000000e+00, v17  }
0x2e3: {  	v43 =	vor.u32 v2, v42;
	v18 =	vld.idx.msk [tilespmem:v13+s8+$0x0], $0xffff;
	v13 =	vand.u32 $0x78, v20;
	v23 =	vmul.f32 $8.000000000e+00, v23  }
0x2e4: {  	v20 =	vor.u32 v0, v42;
	v62 =	vmul.f32 $8.000000000e+00, v32;
	[tilespmem:v19+s25+$0x0] =	vst.idx.msk $0xffff, v17;
	v19 =	vmul.f32 $8.000000000e+00, v26  }
0x2e5: {  	v17 =	vand.u32 $0x7, v38;
	v26 =	vand.u32 $0x78, v40;
	[tilespmem:v33+s25+$0x0] =	vst.idx.msk $0xffff, v23;
	v33 =	vor.u32 v5, v28  }
0x2e6: {  	s31 =	simm.s32 $0x4;
	v13 =	vor.u32 v17, v13;
	v17 =	vand.u32 $0x7, v39;
	v44 =	vor.u32 v37, v26;
	[tilespmem:v15+s25+$0x0] =	vst.idx.msk $0xffff, v19  }
0x2e7: {  	v57 =	vor.u32 v1, v13;
	v19 =	vor.u32 v9, v25;
	v25 =	vadd.s32 s31, v0;
	v16 =	vld.idx.msk [tilespmem:v16+s8+$0x0], $0xffff  }
0x2e8: {  	v14 =	vld.idx.msk [tilespmem:v14+s8+$0x0], $0xffff;
	v18 =	vmul.f32 $8.000000000e+00, v18;
	v23 =	vor.u32 v3, v44;
	v38 =	vor.u32 v5, v44  }
0x2e9: {  	v15 =	vshll.u32 v19, $0x6;
	v26 =	vand.u32 $0xF, v25;
	v58 =	vand.u32 $0x78, v19  }
0x2ea: {  	v25 =	vand.u32 $0x7, v25;
	v19 =	vor.u32 v9, v26;
	v26 =	vor.u32 v1, v44;
	[tilespmem:v36+s25+$0x0] =	vst.idx.msk $0xffff, v18  }
0x2eb: {  	v60 =	vld.idx.msk [tilespmem:v20+s8+$0x0], $0xffff;
	v61 =	vor.u32 v0, v15;
	v18 =	vor.u32 v17, v58;
	v17 =	vor.u32 v6, v42  }
0x2ec: {  	v41 =	vor.u32 v2, v15;
	v42 =	vor.u32 v4, v42;
	v20 =	vmul.f32 $8.000000000e+00, v16  }
0x2ed: {  	v46 =	vshll.u32 v19, $0x6;
	v19 =	vand.u32 $0x78, v19;
	v30 =	vld.idx.msk [tilespmem:v30+s8+$0x0], $0xffff;
	v14 =	vmul.f32 $8.000000000e+00, v14  }
0x2ee: {  	v40 =	vor.u32 v1, v18;
	v16 =	vor.u32 v7, v28;
	v28 =	vld.idx.msk [tilespmem:v34+s8+$0x0], $0xffff;
	[tilespmem:v35+s25+$0x0] =	vst.idx.msk $0xffff, v20  }
0x2ef: {  	v45 =	vor.u32 v0, v46;
	v19 =	vor.u32 v25, v19;
	[tilespmem:v31+s25+$0x0] =	vst.idx.msk $0xffff, v14;
	v48 =	vld.idx.msk [tilespmem:v24+s8+$0x0], $0xffff  }
0x2f0: {  	v25 =	vor.u32 v3, v13;
	v32 =	vor.u32 v6, v46;
	v49 =	vmul.f32 $8.000000000e+00, v60;
	v63 =	vld.idx.msk [tilespmem:v29+s8+$0x0], $0xffff  }
0x2f1: {  	v36 =	vor.u32 v1, v19;
	v39 =	vor.u32 v5, v19;
	v14 =	vor.u32 v7, v44;
	v50 =	vld.idx.msk [tilespmem:v61+s8+$0x0], $0xffff  }
0x2f2: {  	v31 =	vor.u32 v6, v22;
	v22 =	vor.u32 v4, v55;
	v34 =	vor.u32 v2, v46  }
0x2f3: {  	v29 =	vor.u32 v6, v55;
	[tilespmem:v57+s25+$0x0] =	vst.idx.msk $0xffff, v49;
	v20 =	vor.u32 v7, v27  }
0x2f4: {  	v27 =	vor.u32 v7, v21;
	v21 =	vor.u32 v5, v13;
	v43 =	vld.idx.msk [tilespmem:v43+s8+$0x0], $0xffff;
	v48 =	vmul.f32 $8.000000000e+00, v48  }
0x2f5: {  	[tilespmem:v26+s25+$0x0] =	vst.idx.msk $0xffff, v62;
	v44 =	vmul.f32 $8.000000000e+00, v30;
	v30 =	vor.u32 v4, v46;
	v37 =	vld.idx.msk [tilespmem:v45+s8+$0x0], $0xffff;
	v45 =	vmul.f32 $8.000000000e+00, v28  }
0x2f6: {  	s4 =	simm.s32 $0x8;
	v26 =	vld.idx.msk [tilespmem:v59+s8+$0x0], $0xffff;
	v24 =	vor.u32 v4, v15;
	v35 =	vmul.f32 $8.000000000e+00, v63;
	v46 =	vmul.f32 $8.000000000e+00, v50;
	[tilespmem:v47+s25+$0x0] =	vst.idx.msk $0xffff, v48  }
.LBB2_27:
0x2f7: {  	s9 =	sadd.s32 $0x1, s4;
	s28 =	sadd.s32 $0x2, s4;
	s29 =	sadd.s32 $0x3, s4;
	v47 =	vor.u32 v3, v19;
	v48 =	vor.u32 v3, v18;
	v49 =	vld.idx.msk [tilespmem:v11+s8+$0x0], $0xffff;
	[tilespmem:v12+s25+$0x0] =	vst.idx.msk $0xffff, v45  }
0x2f8: {  	p2 =	slt.u32 s4, $0xC;
	v11 =	vmovc v32;
	v28 =	vmovc v39;
	v45 =	vadd.s32 s9, v0;
	v51 =	vadd.s32 s28, v0;
	v50 =	vadd.s32 s29, v0;
	[tilespmem:v33+s25+$0x0] =	vst.idx.msk $0xffff, v44;
	s9 =	smov.u32 s4;
	s4 =	sadd.s32 $0x4, s4  }
0x2f9: {  	v12 =	vmovc v38;
	v32 =	vand.u32 $0xF, v45;
	v33 =	vand.u32 $0xF, v51;
	v39 =	vand.u32 $0x7, v51;
	[tilespmem:v40+s25+$0x0] =	vst.idx.msk $0xffff, v46;
	v31 =	vld.idx.msk [tilespmem:v31+s8+$0x0], $0xffff  }
0x2fa: {  	v38 =	vmul.f32 $8.000000000e+00, v43;
	v32 =	vor.u32 v9, v32;
	v33 =	vor.u32 v9, v33;
	v40 =	vld.idx.msk [tilespmem:v41+s8+$0x0], $0xffff  }
0x2fb: {  	v43 =	vand.u32 $0xF, v50;
	v46 =	vshll.u32 v32, $0x6;
	v41 =	vshll.u32 v33, $0x6;
	[tilespmem:v27+s25+$0x0] =	vst.idx.msk $0xffff, v35;
	v27 =	vld.idx.msk [tilespmem:v10+s8+$0x0], $0xffff;
	v10 =	vmovc v29  }
0x2fc: {  	v33 =	vand.u32 $0x78, v33;
	v29 =	vor.u32 v0, v46;
	v35 =	vor.u32 v0, v41;
	[tilespmem:v25+s25+$0x0] =	vst.idx.msk $0xffff, v38  }
0x2fd: {  	v37 =	vmul.f32 $8.000000000e+00, v37;
	v25 =	vand.u32 $0x78, v32;
	v32 =	vand.u32 $0x7, v45;
	v38 =	vld.idx.msk [tilespmem:v42+s8+$0x0], $0xffff  }
0x2fe: {  	v32 =	vor.u32 v32, v25;
	v42 =	vand.u32 $0x7, v50;
	v25 =	vmul.f32 $8.000000000e+00, v49  }
0x2ff: {  	v45 =	vor.u32 v39, v33;
	v44 =	vor.u32 v1, v32;
	v31 =	vmul.f32 $8.000000000e+00, v31;
	[tilespmem:v36+s25+$0x0] =	vst.idx.msk $0xffff, v37  }
0x300: {  	v33 =	vor.u32 v9, v43;
	v49 =	vor.u32 v2, v46;
	v36 =	vmul.f32 $8.000000000e+00, v40;
	v34 =	vld.idx.msk [tilespmem:v34+s8+$0x0], $0xffff  }
0x301: {  	v39 =	vshll.u32 v33, $0x6;
	v33 =	vand.u32 $0x78, v33;
	v37 =	vadd.s32 s9, v0;
	v35 =	vld.idx.msk [tilespmem:v35+s8+$0x0], $0xffff;
	[tilespmem:v20+s25+$0x0] =	vst.idx.msk $0xffff, v25  }
0x302: {  	v40 =	vor.u32 v2, v41;
	v20 =	vand.u32 $0xF, v37;
	v25 =	vmul.f32 $8.000000000e+00, v27;
	[tilespmem:v48+s25+$0x0] =	vst.idx.msk $0xffff, v36  }
0x303: {  	v20 =	vor.u32 v9, v20;
	v36 =	vor.u32 v1, v45;
	v27 =	vmul.f32 $8.000000000e+00, v38;
	[tilespmem:v16+s25+$0x0] =	vst.idx.msk $0xffff, v31  }
0x304: {  	v48 =	vshll.u32 v20, $0x6;
	v16 =	vand.u32 $0x78, v20;
	v20 =	vand.u32 $0x7, v37;
	v29 =	vld.idx.msk [tilespmem:v29+s8+$0x0], $0xffff;
	[tilespmem:v8+s25+$0x0] =	vst.idx.msk $0xffff, v25;
	v8 =	vmovc v14  }
0x305: {  	v43 =	vor.u32 v0, v39;
	v37 =	vor.u32 v0, v48;
	v38 =	vor.u32 v20, v16  }
0x306: {  	v42 =	vor.u32 v42, v33;
	v25 =	vor.u32 v3, v32;
	v20 =	vmul.f32 $8.000000000e+00, v34;
	v50 =	vld.idx.msk [tilespmem:v24+s8+$0x0], $0xffff  }
0x307: {  	v16 =	vor.u32 v7, v18;
	v24 =	vmul.f32 $8.000000000e+00, v35;
	[tilespmem:v21+s25+$0x0] =	vst.idx.msk $0xffff, v27;
	v21 =	vmul.f32 $8.000000000e+00, v26  }
0x308: {  	v14 =	vor.u32 v7, v45;
	[tilespmem:v47+s25+$0x0] =	vst.idx.msk $0xffff, v20;
	v20 =	vor.u32 v7, v19;
	v19 =	vld.idx.msk [tilespmem:v17+s8+$0x0], $0xffff  }
0x309: {  	v27 =	vor.u32 v7, v13;
	v17 =	vor.u32 v6, v46;
	v30 =	vld.idx.msk [tilespmem:v30+s8+$0x0], $0xffff;
	[tilespmem:v23+s25+$0x0] =	vst.idx.msk $0xffff, v21  }
0x30a: {  	v33 =	vor.u32 v5, v18;
	v31 =	vor.u32 v6, v15;
	v13 =	vmovc v32;
	v23 =	vmul.f32 $8.000000000e+00, v29;
	v47 =	vld.idx.msk [tilespmem:v22+s8+$0x0], $0xffff  }
0x30b: {  	v32 =	vor.u32 v6, v48;
	[tilespmem:v36+s25+$0x0] =	vst.idx.msk $0xffff, v24;
	v51 =	vld.idx.msk [tilespmem:v43+s8+$0x0], $0xffff;
	v24 =	vor.u32 v4, v39  }
0x30c: {  	v21 =	vor.u32 v5, v13;
	v29 =	vor.u32 v6, v41;
	v26 =	vld.idx.msk [tilespmem:v40+s8+$0x0], $0xffff;
	v40 =	vor.u32 v1, v42  }
.Ltmp14:
0x30d: {  	v22 =	vor.u32 v4, v41;
	v37 =	vld.idx.msk [tilespmem:v37+s8+$0x0], $0xffff;
	[tilespmem:v44+s25+$0x0] =	vst.idx.msk $0xffff, v23;
	v23 =	vor.u32 v3, v45;
	(pc) =	sbr.rel @p2 .LBB2_27-.Ltmp14, $4  }
0x30e: {  	v15 =	vmovc v39;
	v34 =	vor.u32 v2, v48;
	v41 =	vor.u32 v2, v39;
	v36 =	vor.u32 v1, v38  }
0x30f: {  	v18 =	vmovc v42;
	v39 =	vor.u32 v5, v38;
	v35 =	vmul.f32 $8.000000000e+00, v19;
	v19 =	vmovc v38;
	v43 =	vld.idx.msk [tilespmem:v49+s8+$0x0], $0xffff;
	v49 =	vmul.f32 $8.000000000e+00, v30  }
0x310: {  	v38 =	vor.u32 v5, v45;
	v44 =	vmul.f32 $8.000000000e+00, v50;
	v45 =	vmul.f32 $8.000000000e+00, v47  }
0x311: {  	v42 =	vor.u32 v4, v46;
	v30 =	vor.u32 v4, v48;
	v46 =	vmul.f32 $8.000000000e+00, v51;
	[tilespmem:v28+s25+$0x0] =	vst.idx.msk $0xffff, v49  }
0x312: {  	_ =	sdelay $0x1  }
0x313: {  	v9 =	vmul.f32 $8.000000000e+00, v37;
	_ =	sdelay $0x1  }
0x314: {  	[tilespmem:v36+s25+$0x0] =	vst.idx.msk $0xffff, v9  }
0x315: {  	[tilespmem:v40+s25+$0x0] =	vst.idx.msk $0xffff, v46;
	v9 =	vld.idx.msk [tilespmem:v34+s8+$0x0], $0xffff  }
0x316: {  	v28 =	vld.idx.msk [tilespmem:v41+s8+$0x0], $0xffff  }
0x317: {  	v50 =	vor.u32 v3, v19  }
0x318: {  	v51 =	vor.u32 v3, v18  }
0x319: {  	v52 =	vmul.f32 $8.000000000e+00, v43  }
0x31a: {  	v9 =	vmul.f32 $8.000000000e+00, v9  }
0x31b: {  	[tilespmem:v25+s25+$0x0] =	vst.idx.msk $0xffff, v52;
	v53 =	vmul.f32 $8.000000000e+00, v28  }
0x31c: {  	v26 =	vmul.f32 $8.000000000e+00, v26;
	v54 =	vld.idx.msk [tilespmem:v42+s8+$0x0], $0xffff;
	[tilespmem:v50+s25+$0x0] =	vst.idx.msk $0xffff, v9  }
0x31d: {  	[tilespmem:v51+s25+$0x0] =	vst.idx.msk $0xffff, v53;
	v9 =	vld.idx.msk [tilespmem:v30+s8+$0x0], $0xffff  }
0x31e: {  	[tilespmem:v23+s25+$0x0] =	vst.idx.msk $0xffff, v26;
	v24 =	vld.idx.msk [tilespmem:v24+s8+$0x0], $0xffff  }
0x31f: {  	v22 =	vld.idx.msk [tilespmem:v22+s8+$0x0], $0xffff  }
0x320: {  	v55 =	vor.u32 v5, v18  }
0x321: {  	v11 =	vld.idx.msk [tilespmem:v11+s8+$0x0], $0xffff;
	[tilespmem:v33+s25+$0x0] =	vst.idx.msk $0xffff, v44;
	v15 =	vor.u32 v6, v15;
	v56 =	vmul.f32 $8.000000000e+00, v54  }
0x322: {  	[tilespmem:v12+s25+$0x0] =	vst.idx.msk $0xffff, v45;
	v57 =	vld.idx.msk [tilespmem:v31+s8+$0x0], $0xffff;
	v9 =	vmul.f32 $8.000000000e+00, v9  }
0x323: {  	v10 =	vld.idx.msk [tilespmem:v10+s8+$0x0], $0xffff;
	[tilespmem:v21+s25+$0x0] =	vst.idx.msk $0xffff, v56;
	v58 =	vmul.f32 $8.000000000e+00, v24  }
0x324: {  	v22 =	vmul.f32 $8.000000000e+00, v22;
	v17 =	vld.idx.msk [tilespmem:v17+s8+$0x0], $0xffff;
	[tilespmem:v39+s25+$0x0] =	vst.idx.msk $0xffff, v9  }
0x325: {  	[tilespmem:v55+s25+$0x0] =	vst.idx.msk $0xffff, v58;
	v9 =	vld.idx.msk [tilespmem:v32+s8+$0x0], $0xffff  }
0x326: {  	v13 =	vor.u32 v7, v13;
	v11 =	vmul.f32 $8.000000000e+00, v11;
	[tilespmem:v38+s25+$0x0] =	vst.idx.msk $0xffff, v22;
	v15 =	vld.idx.msk [tilespmem:v15+s8+$0x0], $0xffff  }
0x327: {  	[tilespmem:v27+s25+$0x0] =	vst.idx.msk $0xffff, v35;
	v59 =	vor.u32 v7, v19;
	v12 =	vmul.f32 $8.000000000e+00, v57;
	v60 =	vld.idx.msk [tilespmem:v29+s8+$0x0], $0xffff  }
0x328: {  	v61 =	vor.u32 v7, v18;
	s6 =	sadd.s32 $0x1, s6;
	v10 =	vmul.f32 $8.000000000e+00, v10;
	[tilespmem:v20+s25+$0x0] =	vst.idx.msk $0xffff, v11  }
0x329: {  	p2 =	sne.s32 s6, $0x8;
	[tilespmem:v16+s25+$0x0] =	vst.idx.msk $0xffff, v12;
	v62 =	vmul.f32 $8.000000000e+00, v17  }
.Ltmp15:
0x32a: {  	[tilespmem:v8+s25+$0x0] =	vst.idx.msk $0xffff, v10;
	v8 =	vmul.f32 $8.000000000e+00, v9;
	(pc) =	sbr.rel @p2 .LBB2_26-.Ltmp15, $4  }
0x32b: {  	[tilespmem:v13+s25+$0x0] =	vst.idx.msk $0xffff, v62;
	v63 =	vmul.f32 $8.000000000e+00, v15  }
0x32c: {  	[tilespmem:v59+s25+$0x0] =	vst.idx.msk $0xffff, v8;
	v8 =	vmul.f32 $8.000000000e+00, v60  }
0x32d: {  	[tilespmem:v61+s25+$0x0] =	vst.idx.msk $0xffff, v63  }
0x32e: {  	[tilespmem:v14+s25+$0x0] =	vst.idx.msk $0xffff, v8  }
0x32f: {  	s2 =	sadd.s32 s7, s11  }
0x330: {  	s4 =	sshll.u32 s2, $0x7  }
0x331: {  	s2 =	sshll.u32 s2, $0xA;
	s4 =	sand.u32 $0xE80, s4  }
0x332: {  	s2 =	sand.u32 $0xFFF8000, s2;
	s4 =	sadd.s32 s3, s4  }
0x333: {  	s2 =	sadd.s32 s2, s4  }
0x334: {  	[hbm4b:s2+s0] =	stream.strided.scatter [tilespmem:s25], [sflag:$0xE], $0x2000, s23, s0, $0x38;
	[tilespmem:$0x10400] =	vst v63  }
0x335: {  	s2 =	simm.s32 @p1 $0x2  }
0x336: {  	_ =	swait.ge @p1 [sflag:s2], $0x80  }
0x337: {  	[sflag:s2] =	ssyncset.done @p1 $0x0  }
0x338: {  	s4 =	simm.s32 @p1 $0x2400;
	[sflag:s2] =	ssyncadd.s32 @p1 $0xFFFFFF80;
	s2 =	simm.s32 @p1 $0x80  }
0x339: {  	[tilespmem:s4], [sflag:$0xA] =	stream.indirect.gather @p1 [hbm4b:s5+s2], $0x40, s2, s2, $0xb8;
	[tilespmem:$0x10400] =	vst v63  }
0x33a: {  	s2 =	rddreg [dreg:$0x12]  }
0x33b: {  	s2 =	sadd.s32 @p1 s20, s2  }
0x33c: {  	s4 =	simm.s32 @p1 $0xB;
	s6 =	sshll.u32 @p1 s2, $0x7;
	s9 =	sshll.u32 @p1 s2, $0xA  }
0x33d: {  	s2 =	sshll.u32 @p1 s2, $0x2;
	s6 =	sand.u32 @p1 $0x7FFF8000, s6;
	s9 =	sand.u32 @p1 $0x7800, s9  }
0x33e: {  	_ =	swait.ge @p1 [sflag:s4], $0x2000;
	s2 =	sand.u32 @p1 $0x380, s2;
	s6 =	sor.u32 @p1 s9, s6  }
0x33f: {  	[sflag:s4] =	ssyncset.done @p1 $0x0;
	s2 =	sor.u32 @p1 s2, s6  }
0x340: {  	[sflag:s4] =	ssyncadd.s32 @p1 $0xFFFFE000;
	s2 =	sshrl.u32 @p1 s2, $0x3  }
0x341: {  	s4 =	simm.s32 @p1 $0x0;
	s6 =	simm.s32 @p1 $0x300;
	s2 =	sadd.s32 @p1 s1, s2  }
0x342: {  	[tilespmem:s6], [sflag:$0x7] =	stream.linear.gather @p1 [hbm4b:s2+s4], $0x80, $0x38;
	[tilespmem:$0x10400] =	vst v63  }
0x343: {  	s2 =	simm.s32 @!p1 $0xB  }
0x344: {  	_ =	swait.ge @!p1 [sflag:s2], $0x2000  }
0x345: {  	[sflag:s2] =	ssyncset.done @!p1 $0x0  }
0x346: {  	[sflag:s2] =	ssyncadd.s32 @!p1 $0xFFFFE000  }
0x347: {  	_ =	swait.ge [sflag:s17], $0x2000  }
0x348: {  	[sflag:s17] =	ssyncset.done $0x0  }
0x349: {  	s6 =	simm.s32 $0x0;
	s2 =	simm.s32 $0x0;
	[sflag:s17] =	ssyncadd.s32 $0xFFFFE000  }
.LBB2_30:
0x34a: {  	s4 =	simm.s32 $0x1;
	s9 =	sshll.u32 s6, $0x4;
	s11 =	simm.s32 $0x2  }
0x34b: {  	s28 =	simm.s32 $0x5;
	s29 =	simm.s32 $0x7;
	v8 =	vadd.s32 s4, v0;
	v9 =	vmov s9;
	v10 =	vadd.s32 s11, v0  }
0x34c: {  	s9 =	simm.s32 $0x3;
	v38 =	vadd.s32 s28, v0;
	v39 =	vadd.s32 s29, v0;
	v11 =	vand.u32 $0xF, v8  }
0x34d: {  	s11 =	simm.s32 $0x6;
	v12 =	vand.u32 $0xF, v10;
	v13 =	vadd.s32 s9, v0;
	v10 =	vand.u32 $0x7, v10  }
0x34e: {  	v8 =	vand.u32 $0x7, v8;
	v37 =	vadd.s32 s11, v0;
	v41 =	vand.u32 $0xF, v38  }
0x34f: {  	v11 =	vor.u32 v9, v11;
	v12 =	vor.u32 v9, v12;
	v17 =	vand.u32 $0xF, v13  }
0x350: {  	v40 =	vand.u32 $0xF, v37;
	v37 =	vand.u32 $0x7, v37;
	v14 =	vshll.u32 v11, $0x6  }
0x351: {  	v15 =	vshll.u32 v12, $0x6;
	v11 =	vand.u32 $0x78, v11;
	v16 =	vor.u32 v0, v14  }
0x352: {  	v18 =	vor.u32 v0, v15;
	v21 =	vor.u32 v8, v11;
	v11 =	vor.u32 v9, v17  }
0x353: {  	v12 =	vand.u32 $0x78, v12;
	v40 =	vor.u32 v9, v40;
	v22 =	vshll.u32 v11, $0x6  }
0x354: {  	v12 =	vor.u32 v10, v12;
	v10 =	vadd.s32 s2, v0;
	v20 =	vor.u32 v0, v22  }
0x355: {  	v8 =	vand.u32 $0x7, v13;
	v17 =	vor.u32 v2, v14;
	v19 =	vand.u32 $0xF, v10  }
0x356: {  	v23 =	vor.u32 v2, v15;
	v29 =	vor.u32 v6, v14;
	v19 =	vor.u32 v9, v19;
	v16 =	vld.idx.msk [tilespmem:v16+s10+$0x0], $0xffff  }
0x357: {  	v34 =	vor.u32 v4, v15;
	v14 =	vor.u32 v4, v14;
	v24 =	vshll.u32 v19, $0x6;
	v18 =	vld.idx.msk [tilespmem:v18+s10+$0x0], $0xffff  }
0x358: {  	v55 =	vshll.u32 v40, $0x6;
	v13 =	vor.u32 v1, v21;
	v26 =	vor.u32 v0, v24  }
0x359: {  	v11 =	vand.u32 $0x78, v11;
	v10 =	vand.u32 $0x7, v10;
	v25 =	vor.u32 v1, v12;
	v20 =	vld.idx.msk [tilespmem:v20+s10+$0x0], $0xffff  }
0x35a: {  	v31 =	vor.u32 v5, v21;
	v33 =	vor.u32 v3, v12;
	v28 =	vor.u32 v8, v11  }
0x35b: {  	v56 =	vor.u32 v0, v55;
	v32 =	vor.u32 v1, v28;
	v16 =	vmul.f32 $8.000000000e+00, v16  }
0x35c: {  	v59 =	vor.u32 v2, v55;
	v8 =	vor.u32 v7, v12;
	v18 =	vmul.f32 $8.000000000e+00, v18  }
0x35d: {  	v30 =	vor.u32 v4, v22;
	v12 =	vor.u32 v5, v12;
	v26 =	vld.idx.msk [tilespmem:v26+s10+$0x0], $0xffff;
	[tilespmem:v13+s26+$0x0] =	vst.idx.msk $0xffff, v16  }
0x35e: {  	v19 =	vand.u32 $0x78, v19;
	v36 =	vor.u32 v3, v28;
	v20 =	vmul.f32 $8.000000000e+00, v20;
	[tilespmem:v25+s26+$0x0] =	vst.idx.msk $0xffff, v18;
	v17 =	vld.idx.msk [tilespmem:v17+s10+$0x0], $0xffff  }
0x35f: {  	v27 =	vor.u32 v10, v19;
	v19 =	vor.u32 v3, v21;
	v13 =	vor.u32 v2, v22;
	v23 =	vld.idx.msk [tilespmem:v23+s10+$0x0], $0xffff  }
0x360: {  	v11 =	vor.u32 v6, v24;
	v10 =	vor.u32 v6, v15;
	[tilespmem:v32+s26+$0x0] =	vst.idx.msk $0xffff, v20;
	v32 =	vld.idx.msk [tilespmem:v56+s10+$0x0], $0xffff  }
0x361: {  	v15 =	vor.u32 v1, v27;
	v47 =	vor.u32 v5, v27;
	v35 =	vor.u32 v3, v27  }
0x362: {  	v16 =	vor.u32 v2, v24;
	v24 =	vor.u32 v4, v24;
	v20 =	vor.u32 v9, v41  }
0x363: {  	v25 =	vand.u32 $0xF, v39;
	v42 =	vshll.u32 v20, $0x6;
	v17 =	vmul.f32 $8.000000000e+00, v17  }
0x364: {  	v43 =	vor.u32 v2, v42;
	v18 =	vld.idx.msk [tilespmem:v13+s10+$0x0], $0xffff;
	v13 =	vand.u32 $0x78, v20;
	v23 =	vmul.f32 $8.000000000e+00, v23  }
0x365: {  	v20 =	vor.u32 v0, v42;
	v62 =	vmul.f32 $8.000000000e+00, v32;
	[tilespmem:v19+s26+$0x0] =	vst.idx.msk $0xffff, v17;
	v19 =	vmul.f32 $8.000000000e+00, v26  }
0x366: {  	v17 =	vand.u32 $0x7, v38;
	v26 =	vand.u32 $0x78, v40;
	[tilespmem:v33+s26+$0x0] =	vst.idx.msk $0xffff, v23;
	v33 =	vor.u32 v5, v28  }
0x367: {  	s31 =	simm.s32 $0x4;
	v13 =	vor.u32 v17, v13;
	v17 =	vand.u32 $0x7, v39;
	v44 =	vor.u32 v37, v26;
	[tilespmem:v15+s26+$0x0] =	vst.idx.msk $0xffff, v19  }
0x368: {  	v57 =	vor.u32 v1, v13;
	v19 =	vor.u32 v9, v25;
	v25 =	vadd.s32 s31, v0;
	v16 =	vld.idx.msk [tilespmem:v16+s10+$0x0], $0xffff  }
0x369: {  	v14 =	vld.idx.msk [tilespmem:v14+s10+$0x0], $0xffff;
	v18 =	vmul.f32 $8.000000000e+00, v18;
	v23 =	vor.u32 v3, v44;
	v38 =	vor.u32 v5, v44  }
0x36a: {  	v15 =	vshll.u32 v19, $0x6;
	v26 =	vand.u32 $0xF, v25;
	v58 =	vand.u32 $0x78, v19  }
0x36b: {  	v25 =	vand.u32 $0x7, v25;
	v19 =	vor.u32 v9, v26;
	v26 =	vor.u32 v1, v44;
	[tilespmem:v36+s26+$0x0] =	vst.idx.msk $0xffff, v18  }
0x36c: {  	v60 =	vld.idx.msk [tilespmem:v20+s10+$0x0], $0xffff;
	v61 =	vor.u32 v0, v15;
	v18 =	vor.u32 v17, v58;
	v17 =	vor.u32 v6, v42  }
0x36d: {  	v41 =	vor.u32 v2, v15;
	v42 =	vor.u32 v4, v42;
	v20 =	vmul.f32 $8.000000000e+00, v16  }
0x36e: {  	v46 =	vshll.u32 v19, $0x6;
	v19 =	vand.u32 $0x78, v19;
	v30 =	vld.idx.msk [tilespmem:v30+s10+$0x0], $0xffff;
	v14 =	vmul.f32 $8.000000000e+00, v14  }
0x36f: {  	v40 =	vor.u32 v1, v18;
	v16 =	vor.u32 v7, v28;
	v28 =	vld.idx.msk [tilespmem:v34+s10+$0x0], $0xffff;
	[tilespmem:v35+s26+$0x0] =	vst.idx.msk $0xffff, v20  }
0x370: {  	v45 =	vor.u32 v0, v46;
	v19 =	vor.u32 v25, v19;
	[tilespmem:v31+s26+$0x0] =	vst.idx.msk $0xffff, v14;
	v48 =	vld.idx.msk [tilespmem:v24+s10+$0x0], $0xffff  }
0x371: {  	v25 =	vor.u32 v3, v13;
	v32 =	vor.u32 v6, v46;
	v49 =	vmul.f32 $8.000000000e+00, v60;
	v63 =	vld.idx.msk [tilespmem:v29+s10+$0x0], $0xffff  }
0x372: {  	v36 =	vor.u32 v1, v19;
	v39 =	vor.u32 v5, v19;
	v14 =	vor.u32 v7, v44;
	v50 =	vld.idx.msk [tilespmem:v61+s10+$0x0], $0xffff  }
0x373: {  	v31 =	vor.u32 v6, v22;
	v22 =	vor.u32 v4, v55;
	v34 =	vor.u32 v2, v46  }
0x374: {  	v29 =	vor.u32 v6, v55;
	[tilespmem:v57+s26+$0x0] =	vst.idx.msk $0xffff, v49;
	v20 =	vor.u32 v7, v27  }
0x375: {  	v27 =	vor.u32 v7, v21;
	v21 =	vor.u32 v5, v13;
	v43 =	vld.idx.msk [tilespmem:v43+s10+$0x0], $0xffff;
	v48 =	vmul.f32 $8.000000000e+00, v48  }
0x376: {  	[tilespmem:v26+s26+$0x0] =	vst.idx.msk $0xffff, v62;
	v44 =	vmul.f32 $8.000000000e+00, v30;
	v30 =	vor.u32 v4, v46;
	v37 =	vld.idx.msk [tilespmem:v45+s10+$0x0], $0xffff;
	v45 =	vmul.f32 $8.000000000e+00, v28  }
0x377: {  	s4 =	simm.s32 $0x8;
	v26 =	vld.idx.msk [tilespmem:v59+s10+$0x0], $0xffff;
	v24 =	vor.u32 v4, v15;
	v35 =	vmul.f32 $8.000000000e+00, v63;
	v46 =	vmul.f32 $8.000000000e+00, v50;
	[tilespmem:v47+s26+$0x0] =	vst.idx.msk $0xffff, v48  }
.LBB2_31:
0x378: {  	s9 =	sadd.s32 $0x1, s4;
	s11 =	sadd.s32 $0x2, s4;
	s28 =	sadd.s32 $0x3, s4;
	v47 =	vor.u32 v3, v19;
	v48 =	vor.u32 v3, v18;
	v49 =	vld.idx.msk [tilespmem:v11+s10+$0x0], $0xffff;
	[tilespmem:v12+s26+$0x0] =	vst.idx.msk $0xffff, v45  }
0x379: {  	p2 =	slt.u32 s4, $0xC;
	v11 =	vmovc v32;
	v28 =	vmovc v39;
	v45 =	vadd.s32 s9, v0;
	v51 =	vadd.s32 s11, v0;
	v50 =	vadd.s32 s28, v0;
	[tilespmem:v33+s26+$0x0] =	vst.idx.msk $0xffff, v44;
	s9 =	smov.u32 s4;
	s4 =	sadd.s32 $0x4, s4  }
0x37a: {  	v12 =	vmovc v38;
	v32 =	vand.u32 $0xF, v45;
	v33 =	vand.u32 $0xF, v51;
	v39 =	vand.u32 $0x7, v51;
	[tilespmem:v40+s26+$0x0] =	vst.idx.msk $0xffff, v46;
	v31 =	vld.idx.msk [tilespmem:v31+s10+$0x0], $0xffff  }
0x37b: {  	v38 =	vmul.f32 $8.000000000e+00, v43;
	v32 =	vor.u32 v9, v32;
	v33 =	vor.u32 v9, v33;
	v40 =	vld.idx.msk [tilespmem:v41+s10+$0x0], $0xffff  }
0x37c: {  	v43 =	vand.u32 $0xF, v50;
	v46 =	vshll.u32 v32, $0x6;
	v41 =	vshll.u32 v33, $0x6;
	[tilespmem:v27+s26+$0x0] =	vst.idx.msk $0xffff, v35;
	v27 =	vld.idx.msk [tilespmem:v10+s10+$0x0], $0xffff;
	v10 =	vmovc v29  }
0x37d: {  	v33 =	vand.u32 $0x78, v33;
	v29 =	vor.u32 v0, v46;
	v35 =	vor.u32 v0, v41;
	[tilespmem:v25+s26+$0x0] =	vst.idx.msk $0xffff, v38  }
0x37e: {  	v37 =	vmul.f32 $8.000000000e+00, v37;
	v25 =	vand.u32 $0x78, v32;
	v32 =	vand.u32 $0x7, v45;
	v38 =	vld.idx.msk [tilespmem:v42+s10+$0x0], $0xffff  }
0x37f: {  	v32 =	vor.u32 v32, v25;
	v42 =	vand.u32 $0x7, v50;
	v25 =	vmul.f32 $8.000000000e+00, v49  }
0x380: {  	v45 =	vor.u32 v39, v33;
	v44 =	vor.u32 v1, v32;
	v31 =	vmul.f32 $8.000000000e+00, v31;
	[tilespmem:v36+s26+$0x0] =	vst.idx.msk $0xffff, v37  }
0x381: {  	v33 =	vor.u32 v9, v43;
	v49 =	vor.u32 v2, v46;
	v36 =	vmul.f32 $8.000000000e+00, v40;
	v34 =	vld.idx.msk [tilespmem:v34+s10+$0x0], $0xffff  }
0x382: {  	v39 =	vshll.u32 v33, $0x6;
	v33 =	vand.u32 $0x78, v33;
	v37 =	vadd.s32 s9, v0;
	v35 =	vld.idx.msk [tilespmem:v35+s10+$0x0], $0xffff;
	[tilespmem:v20+s26+$0x0] =	vst.idx.msk $0xffff, v25  }
0x383: {  	v40 =	vor.u32 v2, v41;
	v20 =	vand.u32 $0xF, v37;
	v25 =	vmul.f32 $8.000000000e+00, v27;
	[tilespmem:v48+s26+$0x0] =	vst.idx.msk $0xffff, v36  }
0x384: {  	v20 =	vor.u32 v9, v20;
	v36 =	vor.u32 v1, v45;
	v27 =	vmul.f32 $8.000000000e+00, v38;
	[tilespmem:v16+s26+$0x0] =	vst.idx.msk $0xffff, v31  }
0x385: {  	v48 =	vshll.u32 v20, $0x6;
	v16 =	vand.u32 $0x78, v20;
	v20 =	vand.u32 $0x7, v37;
	v29 =	vld.idx.msk [tilespmem:v29+s10+$0x0], $0xffff;
	[tilespmem:v8+s26+$0x0] =	vst.idx.msk $0xffff, v25;
	v8 =	vmovc v14  }
0x386: {  	v43 =	vor.u32 v0, v39;
	v37 =	vor.u32 v0, v48;
	v38 =	vor.u32 v20, v16  }
0x387: {  	v42 =	vor.u32 v42, v33;
	v25 =	vor.u32 v3, v32;
	v20 =	vmul.f32 $8.000000000e+00, v34;
	v50 =	vld.idx.msk [tilespmem:v24+s10+$0x0], $0xffff  }
0x388: {  	v16 =	vor.u32 v7, v18;
	v24 =	vmul.f32 $8.000000000e+00, v35;
	[tilespmem:v21+s26+$0x0] =	vst.idx.msk $0xffff, v27;
	v21 =	vmul.f32 $8.000000000e+00, v26  }
0x389: {  	v14 =	vor.u32 v7, v45;
	[tilespmem:v47+s26+$0x0] =	vst.idx.msk $0xffff, v20;
	v20 =	vor.u32 v7, v19;
	v19 =	vld.idx.msk [tilespmem:v17+s10+$0x0], $0xffff  }
0x38a: {  	v27 =	vor.u32 v7, v13;
	v17 =	vor.u32 v6, v46;
	v30 =	vld.idx.msk [tilespmem:v30+s10+$0x0], $0xffff;
	[tilespmem:v23+s26+$0x0] =	vst.idx.msk $0xffff, v21  }
0x38b: {  	v33 =	vor.u32 v5, v18;
	v31 =	vor.u32 v6, v15;
	v13 =	vmovc v32;
	v23 =	vmul.f32 $8.000000000e+00, v29;
	v47 =	vld.idx.msk [tilespmem:v22+s10+$0x0], $0xffff  }
0x38c: {  	v32 =	vor.u32 v6, v48;
	[tilespmem:v36+s26+$0x0] =	vst.idx.msk $0xffff, v24;
	v51 =	vld.idx.msk [tilespmem:v43+s10+$0x0], $0xffff;
	v24 =	vor.u32 v4, v39  }
0x38d: {  	v21 =	vor.u32 v5, v13;
	v29 =	vor.u32 v6, v41;
	v26 =	vld.idx.msk [tilespmem:v40+s10+$0x0], $0xffff;
	v40 =	vor.u32 v1, v42  }
.Ltmp16:
0x38e: {  	v22 =	vor.u32 v4, v41;
	v37 =	vld.idx.msk [tilespmem:v37+s10+$0x0], $0xffff;
	[tilespmem:v44+s26+$0x0] =	vst.idx.msk $0xffff, v23;
	v23 =	vor.u32 v3, v45;
	(pc) =	sbr.rel @p2 .LBB2_31-.Ltmp16, $4  }
0x38f: {  	v15 =	vmovc v39;
	v34 =	vor.u32 v2, v48;
	v41 =	vor.u32 v2, v39;
	v36 =	vor.u32 v1, v38  }
0x390: {  	v18 =	vmovc v42;
	v39 =	vor.u32 v5, v38;
	v35 =	vmul.f32 $8.000000000e+00, v19;
	v19 =	vmovc v38;
	v43 =	vld.idx.msk [tilespmem:v49+s10+$0x0], $0xffff;
	v49 =	vmul.f32 $8.000000000e+00, v30  }
0x391: {  	v38 =	vor.u32 v5, v45;
	v44 =	vmul.f32 $8.000000000e+00, v50;
	v45 =	vmul.f32 $8.000000000e+00, v47  }
0x392: {  	v42 =	vor.u32 v4, v46;
	v30 =	vor.u32 v4, v48;
	v46 =	vmul.f32 $8.000000000e+00, v51;
	[tilespmem:v28+s26+$0x0] =	vst.idx.msk $0xffff, v49  }
0x393: {  	_ =	sdelay $0x1  }
0x394: {  	v9 =	vmul.f32 $8.000000000e+00, v37;
	_ =	sdelay $0x1  }
0x395: {  	[tilespmem:v36+s26+$0x0] =	vst.idx.msk $0xffff, v9  }
0x396: {  	[tilespmem:v40+s26+$0x0] =	vst.idx.msk $0xffff, v46;
	v9 =	vld.idx.msk [tilespmem:v34+s10+$0x0], $0xffff  }
0x397: {  	v28 =	vld.idx.msk [tilespmem:v41+s10+$0x0], $0xffff  }
0x398: {  	v50 =	vor.u32 v3, v19  }
0x399: {  	v51 =	vor.u32 v3, v18  }
0x39a: {  	v52 =	vmul.f32 $8.000000000e+00, v43  }
0x39b: {  	v9 =	vmul.f32 $8.000000000e+00, v9  }
0x39c: {  	[tilespmem:v25+s26+$0x0] =	vst.idx.msk $0xffff, v52;
	v53 =	vmul.f32 $8.000000000e+00, v28  }
0x39d: {  	v26 =	vmul.f32 $8.000000000e+00, v26;
	v54 =	vld.idx.msk [tilespmem:v42+s10+$0x0], $0xffff;
	[tilespmem:v50+s26+$0x0] =	vst.idx.msk $0xffff, v9  }
0x39e: {  	[tilespmem:v51+s26+$0x0] =	vst.idx.msk $0xffff, v53;
	v9 =	vld.idx.msk [tilespmem:v30+s10+$0x0], $0xffff  }
0x39f: {  	[tilespmem:v23+s26+$0x0] =	vst.idx.msk $0xffff, v26;
	v24 =	vld.idx.msk [tilespmem:v24+s10+$0x0], $0xffff  }
0x3a0: {  	v22 =	vld.idx.msk [tilespmem:v22+s10+$0x0], $0xffff  }
0x3a1: {  	v55 =	vor.u32 v5, v18  }
0x3a2: {  	v11 =	vld.idx.msk [tilespmem:v11+s10+$0x0], $0xffff;
	[tilespmem:v33+s26+$0x0] =	vst.idx.msk $0xffff, v44;
	v15 =	vor.u32 v6, v15;
	v56 =	vmul.f32 $8.000000000e+00, v54  }
0x3a3: {  	[tilespmem:v12+s26+$0x0] =	vst.idx.msk $0xffff, v45;
	v57 =	vld.idx.msk [tilespmem:v31+s10+$0x0], $0xffff;
	v9 =	vmul.f32 $8.000000000e+00, v9  }
0x3a4: {  	v10 =	vld.idx.msk [tilespmem:v10+s10+$0x0], $0xffff;
	[tilespmem:v21+s26+$0x0] =	vst.idx.msk $0xffff, v56;
	v58 =	vmul.f32 $8.000000000e+00, v24  }
0x3a5: {  	v22 =	vmul.f32 $8.000000000e+00, v22;
	v17 =	vld.idx.msk [tilespmem:v17+s10+$0x0], $0xffff;
	[tilespmem:v39+s26+$0x0] =	vst.idx.msk $0xffff, v9  }
0x3a6: {  	[tilespmem:v55+s26+$0x0] =	vst.idx.msk $0xffff, v58;
	v9 =	vld.idx.msk [tilespmem:v32+s10+$0x0], $0xffff  }
0x3a7: {  	v13 =	vor.u32 v7, v13;
	v11 =	vmul.f32 $8.000000000e+00, v11;
	[tilespmem:v38+s26+$0x0] =	vst.idx.msk $0xffff, v22;
	v15 =	vld.idx.msk [tilespmem:v15+s10+$0x0], $0xffff  }
0x3a8: {  	[tilespmem:v27+s26+$0x0] =	vst.idx.msk $0xffff, v35;
	v59 =	vor.u32 v7, v19;
	v12 =	vmul.f32 $8.000000000e+00, v57;
	v60 =	vld.idx.msk [tilespmem:v29+s10+$0x0], $0xffff  }
0x3a9: {  	v61 =	vor.u32 v7, v18;
	s6 =	sadd.s32 $0x1, s6;
	v10 =	vmul.f32 $8.000000000e+00, v10;
	[tilespmem:v20+s26+$0x0] =	vst.idx.msk $0xffff, v11  }
0x3aa: {  	p2 =	sne.s32 s6, $0x8;
	[tilespmem:v16+s26+$0x0] =	vst.idx.msk $0xffff, v12;
	v62 =	vmul.f32 $8.000000000e+00, v17  }
.Ltmp17:
0x3ab: {  	[tilespmem:v8+s26+$0x0] =	vst.idx.msk $0xffff, v10;
	v8 =	vmul.f32 $8.000000000e+00, v9;
	(pc) =	sbr.rel @p2 .LBB2_30-.Ltmp17, $4  }
0x3ac: {  	[tilespmem:v13+s26+$0x0] =	vst.idx.msk $0xffff, v62;
	v63 =	vmul.f32 $8.000000000e+00, v15  }
0x3ad: {  	[tilespmem:v59+s26+$0x0] =	vst.idx.msk $0xffff, v8;
	v8 =	vmul.f32 $8.000000000e+00, v60  }
0x3ae: {  	[tilespmem:v61+s26+$0x0] =	vst.idx.msk $0xffff, v63  }
0x3af: {  	[tilespmem:v14+s26+$0x0] =	vst.idx.msk $0xffff, v8  }
0x3b0: {  	s2 =	sadd.s32 s7, s22  }
0x3b1: {  	s4 =	sshll.u32 s2, $0x7  }
0x3b2: {  	s2 =	sshll.u32 s2, $0xA;
	s4 =	sand.u32 $0xF00, s4  }
0x3b3: {  	s2 =	sand.u32 $0xFFF8000, s2;
	s4 =	sadd.s32 s3, s4  }
0x3b4: {  	s2 =	sadd.s32 s2, s4  }
0x3b5: {  	[hbm4b:s2+s0] =	stream.strided.scatter [tilespmem:s26], [sflag:$0xF], $0x2000, s23, s0, $0x38;
	[tilespmem:$0x10400] =	vst v63  }
0x3b6: {  	s2 =	simm.s32 @p1 $0x3  }
0x3b7: {  	_ =	swait.ge @p1 [sflag:s2], $0x80  }
0x3b8: {  	s6 =	simm.s32 @p1 $0x4400;
	[sflag:s2] =	ssyncset.done @p1 $0x0  }
0x3b9: {  	s4 =	simm.s32 @p1 $0x100;
	[sflag:s2] =	ssyncadd.s32 @p1 $0xFFFFFF80;
	s2 =	simm.s32 @p1 $0x80  }
0x3ba: {  	[tilespmem:s6], [sflag:$0xB] =	stream.indirect.gather @p1 [hbm4b:s5+s2], $0x40, s4, s2, $0xb8;
	[tilespmem:$0x10400] =	vst v63  }
0x3bb: {  	s2 =	rddreg [dreg:$0x13]  }
0x3bc: {  	s2 =	sadd.s32 @p1 s20, s2  }
0x3bd: {  	s4 =	simm.s32 @p1 $0xC;
	s6 =	sshll.u32 @p1 s2, $0x7;
	s9 =	sshll.u32 @p1 s2, $0xA  }
0x3be: {  	s2 =	sshll.u32 @p1 s2, $0x2;
	s6 =	sand.u32 @p1 $0x7FFF8000, s6;
	s9 =	sand.u32 @p1 $0x7C00, s9  }
0x3bf: {  	_ =	swait.ge @p1 [sflag:s4], $0x2000;
	s2 =	sand.u32 @p1 $0x380, s2;
	s6 =	sor.u32 @p1 s9, s6  }
0x3c0: {  	[sflag:s4] =	ssyncset.done @p1 $0x0;
	s2 =	sor.u32 @p1 s2, s6  }
0x3c1: {  	[sflag:s4] =	ssyncadd.s32 @p1 $0xFFFFE000;
	s2 =	sshrl.u32 @p1 s2, $0x3  }
0x3c2: {  	s4 =	simm.s32 @p1 $0x0;
	s6 =	simm.s32 @p1 $0x380;
	s2 =	sadd.s32 @p1 s1, s2  }
0x3c3: {  	[tilespmem:s6], [sflag:$0x8] =	stream.linear.gather @p1 [hbm4b:s2+s4], $0x80, $0x38;
	[tilespmem:$0x10400] =	vst v63  }
0x3c4: {  	s2 =	simm.s32 @!p1 $0xC  }
0x3c5: {  	_ =	swait.ge @!p1 [sflag:s2], $0x2000  }
0x3c6: {  	[sflag:s2] =	ssyncset.done @!p1 $0x0  }
0x3c7: {  	[sflag:s2] =	ssyncadd.s32 @!p1 $0xFFFFE000  }
0x3c8: {  	_ =	swait.ge [sflag:s18], $0x2000  }
0x3c9: {  	[sflag:s18] =	ssyncset.done $0x0  }
0x3ca: {  	s6 =	simm.s32 $0x0;
	s2 =	simm.s32 $0x0;
	[sflag:s18] =	ssyncadd.s32 $0xFFFFE000  }
.LBB2_34:
0x3cb: {  	s4 =	simm.s32 $0x1;
	s9 =	sshll.u32 s6, $0x4;
	s11 =	simm.s32 $0x2  }
0x3cc: {  	s20 =	simm.s32 $0x3;
	s22 =	simm.s32 $0x6;
	s28 =	simm.s32 $0x5;
	v8 =	vadd.s32 s4, v0;
	v9 =	vmov s9;
	v10 =	vadd.s32 s11, v0  }
0x3cd: {  	s29 =	simm.s32 $0x7;
	v13 =	vadd.s32 s20, v0;
	v37 =	vadd.s32 s22, v0;
	v38 =	vadd.s32 s28, v0  }
0x3ce: {  	v39 =	vadd.s32 s29, v0;
	v11 =	vand.u32 $0xF, v8;
	v12 =	vand.u32 $0xF, v10  }
0x3cf: {  	v10 =	vand.u32 $0x7, v10;
	v17 =	vand.u32 $0xF, v13;
	v8 =	vand.u32 $0x7, v8  }
0x3d0: {  	v40 =	vand.u32 $0xF, v37;
	v41 =	vand.u32 $0xF, v38;
	v11 =	vor.u32 v9, v11  }
0x3d1: {  	v37 =	vand.u32 $0x7, v37;
	v12 =	vor.u32 v9, v12;
	v14 =	vshll.u32 v11, $0x6  }
0x3d2: {  	v15 =	vshll.u32 v12, $0x6;
	v11 =	vand.u32 $0x78, v11;
	v16 =	vor.u32 v0, v14  }
0x3d3: {  	v18 =	vor.u32 v0, v15;
	v21 =	vor.u32 v8, v11;
	v11 =	vor.u32 v9, v17  }
0x3d4: {  	v40 =	vor.u32 v9, v40;
	v12 =	vand.u32 $0x78, v12;
	v22 =	vshll.u32 v11, $0x6  }
0x3d5: {  	v12 =	vor.u32 v10, v12;
	v10 =	vadd.s32 s2, v0;
	v20 =	vor.u32 v0, v22  }
0x3d6: {  	v55 =	vshll.u32 v40, $0x6;
	v8 =	vand.u32 $0x7, v13;
	v19 =	vand.u32 $0xF, v10  }
0x3d7: {  	v17 =	vor.u32 v2, v14;
	v23 =	vor.u32 v2, v15;
	v19 =	vor.u32 v9, v19;
	v16 =	vld.idx.msk [tilespmem:v16+s12+$0x0], $0xffff  }
0x3d8: {  	v29 =	vor.u32 v6, v14;
	v34 =	vor.u32 v4, v15;
	v24 =	vshll.u32 v19, $0x6;
	v18 =	vld.idx.msk [tilespmem:v18+s12+$0x0], $0xffff  }
0x3d9: {  	v14 =	vor.u32 v4, v14;
	v13 =	vor.u32 v1, v21;
	v26 =	vor.u32 v0, v24  }
0x3da: {  	v56 =	vor.u32 v0, v55;
	v11 =	vand.u32 $0x78, v11;
	v25 =	vor.u32 v1, v12;
	v20 =	vld.idx.msk [tilespmem:v20+s12+$0x0], $0xffff  }
0x3db: {  	v59 =	vor.u32 v2, v55;
	v10 =	vand.u32 $0x7, v10;
	v28 =	vor.u32 v8, v11  }
0x3dc: {  	v31 =	vor.u32 v5, v21;
	v32 =	vor.u32 v1, v28;
	v16 =	vmul.f32 $8.000000000e+00, v16  }
0x3dd: {  	v33 =	vor.u32 v3, v12;
	v8 =	vor.u32 v7, v12;
	v18 =	vmul.f32 $8.000000000e+00, v18  }
0x3de: {  	v30 =	vor.u32 v4, v22;
	v12 =	vor.u32 v5, v12;
	v26 =	vld.idx.msk [tilespmem:v26+s12+$0x0], $0xffff;
	[tilespmem:v13+s30+$0x0] =	vst.idx.msk $0xffff, v16  }
0x3df: {  	v19 =	vand.u32 $0x78, v19;
	v36 =	vor.u32 v3, v28;
	v20 =	vmul.f32 $8.000000000e+00, v20;
	[tilespmem:v25+s30+$0x0] =	vst.idx.msk $0xffff, v18;
	v17 =	vld.idx.msk [tilespmem:v17+s12+$0x0], $0xffff  }
0x3e0: {  	v27 =	vor.u32 v10, v19;
	v19 =	vor.u32 v3, v21;
	v13 =	vor.u32 v2, v22;
	v23 =	vld.idx.msk [tilespmem:v23+s12+$0x0], $0xffff  }
0x3e1: {  	v11 =	vor.u32 v6, v24;
	v10 =	vor.u32 v6, v15;
	[tilespmem:v32+s30+$0x0] =	vst.idx.msk $0xffff, v20;
	v32 =	vld.idx.msk [tilespmem:v56+s12+$0x0], $0xffff  }
0x3e2: {  	v15 =	vor.u32 v1, v27;
	v47 =	vor.u32 v5, v27;
	v35 =	vor.u32 v3, v27  }
0x3e3: {  	v16 =	vor.u32 v2, v24;
	v24 =	vor.u32 v4, v24;
	v20 =	vor.u32 v9, v41  }
0x3e4: {  	v25 =	vand.u32 $0xF, v39;
	v42 =	vshll.u32 v20, $0x6;
	v17 =	vmul.f32 $8.000000000e+00, v17  }
0x3e5: {  	v43 =	vor.u32 v2, v42;
	v18 =	vld.idx.msk [tilespmem:v13+s12+$0x0], $0xffff;
	v13 =	vand.u32 $0x78, v20;
	v23 =	vmul.f32 $8.000000000e+00, v23  }
0x3e6: {  	v20 =	vor.u32 v0, v42;
	v62 =	vmul.f32 $8.000000000e+00, v32;
	[tilespmem:v19+s30+$0x0] =	vst.idx.msk $0xffff, v17;
	v19 =	vmul.f32 $8.000000000e+00, v26  }
0x3e7: {  	v17 =	vand.u32 $0x7, v38;
	v26 =	vand.u32 $0x78, v40;
	[tilespmem:v33+s30+$0x0] =	vst.idx.msk $0xffff, v23;
	v33 =	vor.u32 v5, v28  }
0x3e8: {  	s31 =	simm.s32 $0x4;
	v13 =	vor.u32 v17, v13;
	v17 =	vand.u32 $0x7, v39;
	v44 =	vor.u32 v37, v26;
	[tilespmem:v15+s30+$0x0] =	vst.idx.msk $0xffff, v19  }
0x3e9: {  	v57 =	vor.u32 v1, v13;
	v19 =	vor.u32 v9, v25;
	v25 =	vadd.s32 s31, v0;
	v16 =	vld.idx.msk [tilespmem:v16+s12+$0x0], $0xffff  }
0x3ea: {  	v14 =	vld.idx.msk [tilespmem:v14+s12+$0x0], $0xffff;
	v18 =	vmul.f32 $8.000000000e+00, v18;
	v23 =	vor.u32 v3, v44;
	v38 =	vor.u32 v5, v44  }
0x3eb: {  	v15 =	vshll.u32 v19, $0x6;
	v26 =	vand.u32 $0xF, v25;
	v58 =	vand.u32 $0x78, v19  }
0x3ec: {  	v25 =	vand.u32 $0x7, v25;
	v19 =	vor.u32 v9, v26;
	v26 =	vor.u32 v1, v44;
	[tilespmem:v36+s30+$0x0] =	vst.idx.msk $0xffff, v18  }
0x3ed: {  	v60 =	vld.idx.msk [tilespmem:v20+s12+$0x0], $0xffff;
	v61 =	vor.u32 v0, v15;
	v18 =	vor.u32 v17, v58;
	v17 =	vor.u32 v6, v42  }
0x3ee: {  	v41 =	vor.u32 v2, v15;
	v42 =	vor.u32 v4, v42;
	v20 =	vmul.f32 $8.000000000e+00, v16  }
0x3ef: {  	v46 =	vshll.u32 v19, $0x6;
	v19 =	vand.u32 $0x78, v19;
	v30 =	vld.idx.msk [tilespmem:v30+s12+$0x0], $0xffff;
	v14 =	vmul.f32 $8.000000000e+00, v14  }
0x3f0: {  	v40 =	vor.u32 v1, v18;
	v16 =	vor.u32 v7, v28;
	v28 =	vld.idx.msk [tilespmem:v34+s12+$0x0], $0xffff;
	[tilespmem:v35+s30+$0x0] =	vst.idx.msk $0xffff, v20  }
0x3f1: {  	v45 =	vor.u32 v0, v46;
	v19 =	vor.u32 v25, v19;
	[tilespmem:v31+s30+$0x0] =	vst.idx.msk $0xffff, v14;
	v48 =	vld.idx.msk [tilespmem:v24+s12+$0x0], $0xffff  }
0x3f2: {  	v25 =	vor.u32 v3, v13;
	v32 =	vor.u32 v6, v46;
	v49 =	vmul.f32 $8.000000000e+00, v60;
	v63 =	vld.idx.msk [tilespmem:v29+s12+$0x0], $0xffff  }
0x3f3: {  	v36 =	vor.u32 v1, v19;
	v39 =	vor.u32 v5, v19;
	v14 =	vor.u32 v7, v44;
	v50 =	vld.idx.msk [tilespmem:v61+s12+$0x0], $0xffff  }
0x3f4: {  	v31 =	vor.u32 v6, v22;
	v22 =	vor.u32 v4, v55;
	v34 =	vor.u32 v2, v46  }
0x3f5: {  	v29 =	vor.u32 v6, v55;
	[tilespmem:v57+s30+$0x0] =	vst.idx.msk $0xffff, v49;
	v20 =	vor.u32 v7, v27  }
0x3f6: {  	v27 =	vor.u32 v7, v21;
	v21 =	vor.u32 v5, v13;
	v43 =	vld.idx.msk [tilespmem:v43+s12+$0x0], $0xffff;
	v48 =	vmul.f32 $8.000000000e+00, v48  }
0x3f7: {  	[tilespmem:v26+s30+$0x0] =	vst.idx.msk $0xffff, v62;
	v44 =	vmul.f32 $8.000000000e+00, v30;
	v30 =	vor.u32 v4, v46;
	v37 =	vld.idx.msk [tilespmem:v45+s12+$0x0], $0xffff;
	v45 =	vmul.f32 $8.000000000e+00, v28  }
0x3f8: {  	s4 =	simm.s32 $0x8;
	v26 =	vld.idx.msk [tilespmem:v59+s12+$0x0], $0xffff;
	v24 =	vor.u32 v4, v15;
	v35 =	vmul.f32 $8.000000000e+00, v63;
	v46 =	vmul.f32 $8.000000000e+00, v50;
	[tilespmem:v47+s30+$0x0] =	vst.idx.msk $0xffff, v48  }
.LBB2_35:
0x3f9: {  	s9 =	sadd.s32 $0x1, s4;
	s11 =	sadd.s32 $0x2, s4;
	s20 =	sadd.s32 $0x3, s4;
	v47 =	vor.u32 v3, v19;
	v48 =	vor.u32 v3, v18;
	v49 =	vld.idx.msk [tilespmem:v11+s12+$0x0], $0xffff;
	[tilespmem:v12+s30+$0x0] =	vst.idx.msk $0xffff, v45  }
0x3fa: {  	p1 =	slt.u32 s4, $0xC;
	v11 =	vmovc v32;
	v28 =	vmovc v39;
	v45 =	vadd.s32 s9, v0;
	v51 =	vadd.s32 s11, v0;
	v50 =	vadd.s32 s20, v0;
	[tilespmem:v33+s30+$0x0] =	vst.idx.msk $0xffff, v44;
	s9 =	smov.u32 s4;
	s4 =	sadd.s32 $0x4, s4  }
0x3fb: {  	v12 =	vmovc v38;
	v32 =	vand.u32 $0xF, v45;
	v33 =	vand.u32 $0xF, v51;
	v39 =	vand.u32 $0x7, v51;
	[tilespmem:v40+s30+$0x0] =	vst.idx.msk $0xffff, v46;
	v31 =	vld.idx.msk [tilespmem:v31+s12+$0x0], $0xffff  }
0x3fc: {  	v38 =	vmul.f32 $8.000000000e+00, v43;
	v32 =	vor.u32 v9, v32;
	v33 =	vor.u32 v9, v33;
	v40 =	vld.idx.msk [tilespmem:v41+s12+$0x0], $0xffff  }
0x3fd: {  	v43 =	vand.u32 $0xF, v50;
	v46 =	vshll.u32 v32, $0x6;
	v41 =	vshll.u32 v33, $0x6;
	[tilespmem:v27+s30+$0x0] =	vst.idx.msk $0xffff, v35;
	v27 =	vld.idx.msk [tilespmem:v10+s12+$0x0], $0xffff;
	v10 =	vmovc v29  }
0x3fe: {  	v33 =	vand.u32 $0x78, v33;
	v29 =	vor.u32 v0, v46;
	v35 =	vor.u32 v0, v41;
	[tilespmem:v25+s30+$0x0] =	vst.idx.msk $0xffff, v38  }
0x3ff: {  	v37 =	vmul.f32 $8.000000000e+00, v37;
	v25 =	vand.u32 $0x78, v32;
	v32 =	vand.u32 $0x7, v45;
	v38 =	vld.idx.msk [tilespmem:v42+s12+$0x0], $0xffff  }
0x400: {  	v32 =	vor.u32 v32, v25;
	v42 =	vand.u32 $0x7, v50;
	v25 =	vmul.f32 $8.000000000e+00, v49  }
0x401: {  	v45 =	vor.u32 v39, v33;
	v44 =	vor.u32 v1, v32;
	v31 =	vmul.f32 $8.000000000e+00, v31;
	[tilespmem:v36+s30+$0x0] =	vst.idx.msk $0xffff, v37  }
0x402: {  	v33 =	vor.u32 v9, v43;
	v49 =	vor.u32 v2, v46;
	v36 =	vmul.f32 $8.000000000e+00, v40;
	v34 =	vld.idx.msk [tilespmem:v34+s12+$0x0], $0xffff  }
0x403: {  	v39 =	vshll.u32 v33, $0x6;
	v33 =	vand.u32 $0x78, v33;
	v37 =	vadd.s32 s9, v0;
	v35 =	vld.idx.msk [tilespmem:v35+s12+$0x0], $0xffff;
	[tilespmem:v20+s30+$0x0] =	vst.idx.msk $0xffff, v25  }
0x404: {  	v40 =	vor.u32 v2, v41;
	v20 =	vand.u32 $0xF, v37;
	v25 =	vmul.f32 $8.000000000e+00, v27;
	[tilespmem:v48+s30+$0x0] =	vst.idx.msk $0xffff, v36  }
0x405: {  	v20 =	vor.u32 v9, v20;
	v36 =	vor.u32 v1, v45;
	v27 =	vmul.f32 $8.000000000e+00, v38;
	[tilespmem:v16+s30+$0x0] =	vst.idx.msk $0xffff, v31  }
0x406: {  	v48 =	vshll.u32 v20, $0x6;
	v16 =	vand.u32 $0x78, v20;
	v20 =	vand.u32 $0x7, v37;
	v29 =	vld.idx.msk [tilespmem:v29+s12+$0x0], $0xffff;
	[tilespmem:v8+s30+$0x0] =	vst.idx.msk $0xffff, v25;
	v8 =	vmovc v14  }
0x407: {  	v43 =	vor.u32 v0, v39;
	v37 =	vor.u32 v0, v48;
	v38 =	vor.u32 v20, v16  }
0x408: {  	v42 =	vor.u32 v42, v33;
	v25 =	vor.u32 v3, v32;
	v20 =	vmul.f32 $8.000000000e+00, v34;
	v50 =	vld.idx.msk [tilespmem:v24+s12+$0x0], $0xffff  }
0x409: {  	v16 =	vor.u32 v7, v18;
	v24 =	vmul.f32 $8.000000000e+00, v35;
	[tilespmem:v21+s30+$0x0] =	vst.idx.msk $0xffff, v27;
	v21 =	vmul.f32 $8.000000000e+00, v26  }
0x40a: {  	v14 =	vor.u32 v7, v45;
	[tilespmem:v47+s30+$0x0] =	vst.idx.msk $0xffff, v20;
	v20 =	vor.u32 v7, v19;
	v19 =	vld.idx.msk [tilespmem:v17+s12+$0x0], $0xffff  }
0x40b: {  	v27 =	vor.u32 v7, v13;
	v17 =	vor.u32 v6, v46;
	v30 =	vld.idx.msk [tilespmem:v30+s12+$0x0], $0xffff;
	[tilespmem:v23+s30+$0x0] =	vst.idx.msk $0xffff, v21  }
0x40c: {  	v33 =	vor.u32 v5, v18;
	v31 =	vor.u32 v6, v15;
	v13 =	vmovc v32;
	v23 =	vmul.f32 $8.000000000e+00, v29;
	v47 =	vld.idx.msk [tilespmem:v22+s12+$0x0], $0xffff  }
0x40d: {  	v32 =	vor.u32 v6, v48;
	[tilespmem:v36+s30+$0x0] =	vst.idx.msk $0xffff, v24;
	v51 =	vld.idx.msk [tilespmem:v43+s12+$0x0], $0xffff;
	v24 =	vor.u32 v4, v39  }
0x40e: {  	v21 =	vor.u32 v5, v13;
	v29 =	vor.u32 v6, v41;
	v26 =	vld.idx.msk [tilespmem:v40+s12+$0x0], $0xffff;
	v40 =	vor.u32 v1, v42  }
.Ltmp18:
0x40f: {  	v22 =	vor.u32 v4, v41;
	v37 =	vld.idx.msk [tilespmem:v37+s12+$0x0], $0xffff;
	[tilespmem:v44+s30+$0x0] =	vst.idx.msk $0xffff, v23;
	v23 =	vor.u32 v3, v45;
	(pc) =	sbr.rel @p1 .LBB2_35-.Ltmp18, $4  }
0x410: {  	v15 =	vmovc v39;
	v34 =	vor.u32 v2, v48;
	v41 =	vor.u32 v2, v39;
	v36 =	vor.u32 v1, v38  }
0x411: {  	v18 =	vmovc v42;
	v39 =	vor.u32 v5, v38;
	v35 =	vmul.f32 $8.000000000e+00, v19;
	v19 =	vmovc v38;
	v43 =	vld.idx.msk [tilespmem:v49+s12+$0x0], $0xffff;
	v49 =	vmul.f32 $8.000000000e+00, v30  }
0x412: {  	v38 =	vor.u32 v5, v45;
	v44 =	vmul.f32 $8.000000000e+00, v50;
	v45 =	vmul.f32 $8.000000000e+00, v47  }
0x413: {  	v42 =	vor.u32 v4, v46;
	v30 =	vor.u32 v4, v48;
	v46 =	vmul.f32 $8.000000000e+00, v51;
	[tilespmem:v28+s30+$0x0] =	vst.idx.msk $0xffff, v49  }
0x414: {  	_ =	sdelay $0x1  }
0x415: {  	v9 =	vmul.f32 $8.000000000e+00, v37;
	_ =	sdelay $0x1  }
0x416: {  	[tilespmem:v36+s30+$0x0] =	vst.idx.msk $0xffff, v9  }
0x417: {  	[tilespmem:v40+s30+$0x0] =	vst.idx.msk $0xffff, v46;
	v9 =	vld.idx.msk [tilespmem:v34+s12+$0x0], $0xffff  }
0x418: {  	v28 =	vld.idx.msk [tilespmem:v41+s12+$0x0], $0xffff  }
0x419: {  	v50 =	vor.u32 v3, v19  }
0x41a: {  	v51 =	vor.u32 v3, v18  }
0x41b: {  	v52 =	vmul.f32 $8.000000000e+00, v43  }
0x41c: {  	v9 =	vmul.f32 $8.000000000e+00, v9  }
0x41d: {  	[tilespmem:v25+s30+$0x0] =	vst.idx.msk $0xffff, v52;
	v53 =	vmul.f32 $8.000000000e+00, v28  }
0x41e: {  	v26 =	vmul.f32 $8.000000000e+00, v26;
	v54 =	vld.idx.msk [tilespmem:v42+s12+$0x0], $0xffff;
	[tilespmem:v50+s30+$0x0] =	vst.idx.msk $0xffff, v9  }
0x41f: {  	[tilespmem:v51+s30+$0x0] =	vst.idx.msk $0xffff, v53;
	v9 =	vld.idx.msk [tilespmem:v30+s12+$0x0], $0xffff  }
0x420: {  	[tilespmem:v23+s30+$0x0] =	vst.idx.msk $0xffff, v26;
	v24 =	vld.idx.msk [tilespmem:v24+s12+$0x0], $0xffff  }
0x421: {  	v22 =	vld.idx.msk [tilespmem:v22+s12+$0x0], $0xffff  }
0x422: {  	v55 =	vor.u32 v5, v18  }
0x423: {  	v11 =	vld.idx.msk [tilespmem:v11+s12+$0x0], $0xffff;
	[tilespmem:v33+s30+$0x0] =	vst.idx.msk $0xffff, v44;
	v15 =	vor.u32 v6, v15;
	v56 =	vmul.f32 $8.000000000e+00, v54  }
0x424: {  	[tilespmem:v12+s30+$0x0] =	vst.idx.msk $0xffff, v45;
	v57 =	vld.idx.msk [tilespmem:v31+s12+$0x0], $0xffff;
	v9 =	vmul.f32 $8.000000000e+00, v9  }
0x425: {  	v10 =	vld.idx.msk [tilespmem:v10+s12+$0x0], $0xffff;
	[tilespmem:v21+s30+$0x0] =	vst.idx.msk $0xffff, v56;
	v58 =	vmul.f32 $8.000000000e+00, v24  }
0x426: {  	v22 =	vmul.f32 $8.000000000e+00, v22;
	v17 =	vld.idx.msk [tilespmem:v17+s12+$0x0], $0xffff;
	[tilespmem:v39+s30+$0x0] =	vst.idx.msk $0xffff, v9  }
0x427: {  	[tilespmem:v55+s30+$0x0] =	vst.idx.msk $0xffff, v58;
	v9 =	vld.idx.msk [tilespmem:v32+s12+$0x0], $0xffff  }
0x428: {  	v13 =	vor.u32 v7, v13;
	v11 =	vmul.f32 $8.000000000e+00, v11;
	[tilespmem:v38+s30+$0x0] =	vst.idx.msk $0xffff, v22;
	v15 =	vld.idx.msk [tilespmem:v15+s12+$0x0], $0xffff  }
0x429: {  	[tilespmem:v27+s30+$0x0] =	vst.idx.msk $0xffff, v35;
	v59 =	vor.u32 v7, v19;
	v12 =	vmul.f32 $8.000000000e+00, v57;
	v60 =	vld.idx.msk [tilespmem:v29+s12+$0x0], $0xffff  }
0x42a: {  	v61 =	vor.u32 v7, v18;
	s6 =	sadd.s32 $0x1, s6;
	v10 =	vmul.f32 $8.000000000e+00, v10;
	[tilespmem:v20+s30+$0x0] =	vst.idx.msk $0xffff, v11  }
0x42b: {  	p1 =	sne.s32 s6, $0x8;
	[tilespmem:v16+s30+$0x0] =	vst.idx.msk $0xffff, v12;
	v62 =	vmul.f32 $8.000000000e+00, v17  }
.Ltmp19:
0x42c: {  	[tilespmem:v8+s30+$0x0] =	vst.idx.msk $0xffff, v10;
	v8 =	vmul.f32 $8.000000000e+00, v9;
	(pc) =	sbr.rel @p1 .LBB2_34-.Ltmp19, $4  }
0x42d: {  	[tilespmem:v13+s30+$0x0] =	vst.idx.msk $0xffff, v62;
	v63 =	vmul.f32 $8.000000000e+00, v15  }
0x42e: {  	[tilespmem:v59+s30+$0x0] =	vst.idx.msk $0xffff, v8;
	v8 =	vmul.f32 $8.000000000e+00, v60  }
0x42f: {  	[tilespmem:v61+s30+$0x0] =	vst.idx.msk $0xffff, v63  }
0x430: {  	[tilespmem:v14+s30+$0x0] =	vst.idx.msk $0xffff, v8  }
0x431: {  	s2 =	sadd.s32 s7, s21  }
.Ltmp20:
0x432: {  	s4 =	sshll.u32 s2, $0x7;
	(pc) =	sbr.rel @p0 .LBB2_39-.Ltmp20, $4  }
0x433: {  	s2 =	sshll.u32 s2, $0xA;
	s4 =	sand.u32 $0xF80, s4  }
0x434: {  	s2 =	sand.u32 $0xFFF8000, s2;
	s4 =	sadd.s32 s3, s4  }
0x435: {  	s2 =	sadd.s32 s2, s4  }
0x436: {  	[hbm4b:s2+s0] =	stream.strided.scatter [tilespmem:s30], [sflag:$0x10], $0x2000, s23, s0, $0x38;
	[tilespmem:$0x10400] =	vst v63  }
.Ltmp21:
0x437: {  	s2 =	simm.s32 $0x4;
	(pc) =	sbr.rel .LBB2_2-.Ltmp21, $4  }
0x438: {  	_ =	swait.ge [sflag:s2], $0x80  }
0x439: {  	[sflag:s2] =	ssyncset.done $0x0  }
0x43a: {  	s31 =	simm.s32 $0x180;
	s19 =	sadd.s32 $0x1, s19;
	[sflag:s2] =	ssyncadd.s32 $0xFFFFFF80  }
0x43b: {  	[tilespmem:s12], [sflag:$0xC] =	stream.indirect.gather [hbm4b:s5+s24], $0x40, s31, s24, $0xb8;
	[tilespmem:$0x10400] =	vst v63  }
.LBB2_40:
0x43c: {  	_ =	sfence.sel $0x180000  }
0x43d: {  	[bflag:$0x0] =	sbarrier.arrive $0xFFFF  }
0x43e: {  	_ =	strace $0x90000047  }
0x43f: {  	s0 =	stileid.u32;
	[bflag:$0x2] =	sbarrier.arrive $0xFFFF  }
0x440: {  	p0 =	sne.s32 s0, $0x0;
	s0 =	rddreg [dreg:$0x3]  }
0x441: {  	s0 =	sadd.s32 @!p0 $0x100000, s0  }
0x442: {  	[sflag:s0] =	ssyncadd.tile.s32 @!p0 $0x1;
	_ =	shalt  }
.Lfunc_end2:
_tile_overlayer_lowered:
.L_overlay_start_2:
0x443: {  	(tag) =	ssettag $0x2  }
0x444: {  	s0 =	rddreg [dreg:$0x0];
	s2 =	stileid.u32  }
0x445: {  	s1 =	rddreg [dreg:$0x1];
	p0 =	sne.s32 s2, $0x0  }
0x446: {  	s3 =	rddreg [dreg:$0x2];
	[bflag:$0x3] =	sbarrier.arrive $0xFFFF;
	s2 =	simm.s32 @!p0 $0x1C11  }
0x447: {  	[timem:s3], [sflag:s2] =	dma.local @!p0 [hbm:s0], s1  }
0x448: {  	s0 =	simm.s32 @!p0 $0x11  }
0x449: {  	_ =	swait.ge @!p0 [sflag:s0], s1  }
0x44a: {  	s1 =	ssub.s32 @!p0 $0x0, s1;
	[sflag:s0] =	ssyncset.done @!p0 $0x0  }
0x44b: {  	[sflag:s0] =	ssyncadd.s32 @!p0 s1  }
0x44c: {  	[bflag:$0x3] =	sbarrier.arrive $0xFFFF  }
0x44d: {  	_ =	shalt  }

</sc_bundles>
